<compile_context>
chip_gen: v7x
topology: tpu7x:2x2x1
jax: 0.10.2.dev20260603
libtpu: 0.0.44.dev20260713+nightly
codegen_flags: <defaults>
</compile_context>

<pallas_src>
import functools

import jax
import jax.numpy as jnp
import numpy as np
from jax import lax
from jax.experimental import pallas as pl
from jax.experimental.pallas import tpu as pltpu
from jax.experimental.pallas import tpu_sc as plsc

N_NODES = 10000
N_EDGES = 640000
_hist = np.array([0, 50, 150, 400, 800, 1500, 2200, 2000, 1500, 900, 400, 100], dtype=np.float32)
AVG_LOG_DEG = float((_hist * np.log(np.arange(_hist.shape[0]) + 1.0)).sum() / _hist.sum())

_NC = 2
_NS = 16
_NW = _NC * _NS
_NPT = 313
_PAD = _NPT
_ACCR = _NPT + 1

_C = 2000
_FL = 4096
_S = 8192
_CAP = 160 * 4096
_K = 128

_mesh = plsc.VectorSubcoreMesh(core_axis_name="c", subcore_axis_name="s")


def _bucket_body(src_hbm, dst_hbm, bsrc_hbm, bldst_hbm, cnt_hbm, deg_hbm,
                 srcc, dstc, stsrc, stldst, dega, cntv, sem):
    wid = lax.axis_index("s") * _NC + lax.axis_index("c")
    lo = wid * _NPT
    zeros16 = jnp.zeros((16,), jnp.float32)

    def _initdeg(r, carry):
        dega[r, pl.ds(0, 16)] = zeros16
        return carry
    lax.fori_loop(0, _ACCR, _initdeg, 0)

    def _chunk(c, carry):
        w, goff = carry
        pltpu.sync_copy(src_hbm.at[pl.ds(pl.multiple_of(c * _C, 8), _C)], srcc)
        pltpu.sync_copy(dst_hbm.at[pl.ds(pl.multiple_of(c * _C, 8), _C)], dstc)

        def _vec(v, w):
            dv = dstc[pl.ds(v * 16, 16)]
            sv = srcc[pl.ds(v * 16, 16)]
            ldv = dv - lo
            m = (ldv >= 0) & (ldv < _NPT)
            plsc.store_compressed(stldst.at[pl.ds(w, 16)], ldv, mask=m)
            plsc.store_compressed(stsrc.at[pl.ds(w, 16)], sv, mask=m)
            return w + jnp.sum(m.astype(jnp.int32))
        w = lax.fori_loop(0, _C // 16, _vec, w)

        def _flush(args):
            w, goff = args
            pltpu.sync_copy(stsrc.at[pl.ds(0, _FL)], bsrc_hbm.at[wid, pl.ds(pl.multiple_of(goff, 8), _FL)])
            pltpu.sync_copy(stldst.at[pl.ds(0, _FL)], bldst_hbm.at[wid, pl.ds(pl.multiple_of(goff, 8), _FL)])

            def _mv(i, carry):
                stsrc[pl.ds(i * 16, 16)] = stsrc[pl.ds(_FL + i * 16, 16)]
                stldst[pl.ds(i * 16, 16)] = stldst[pl.ds(_FL + i * 16, 16)]
                return carry
            lax.fori_loop(0, (_C + 16) // 16 + 1, _mv, 0)
            return w - _FL, goff + _FL

        w, goff = lax.cond(w >= _FL, _flush, lambda a: a, (w, goff))
        return w, goff

    w, goff = lax.fori_loop(0, N_EDGES // _C, _chunk, (0, 0))

    iota16 = lax.iota(jnp.int32, 16)
    padl16 = jnp.full((16,), _PAD, jnp.int32)
    zi16 = jnp.zeros((16,), jnp.int32)

    def _pad(i, w):
        base = w + i * 16
        plsc.store_scatter(stldst, [base + iota16], padl16)
        plsc.store_scatter(stsrc, [base + iota16], zi16)
        return w
    lax.fori_loop(0, 10, _pad, w)

    pltpu.sync_copy(stsrc.at[pl.ds(0, _FL)], bsrc_hbm.at[wid, pl.ds(pl.multiple_of(goff, 8), _FL)])
    pltpu.sync_copy(stldst.at[pl.ds(0, _FL)], bldst_hbm.at[wid, pl.ds(pl.multiple_of(goff, 8), _FL)])
    pltpu.sync_copy(stsrc.at[pl.ds(_FL, _FL)], bsrc_hbm.at[wid, pl.ds(pl.multiple_of(goff + _FL, 8), _FL)])
    pltpu.sync_copy(stldst.at[pl.ds(_FL, _FL)], bldst_hbm.at[wid, pl.ds(pl.multiple_of(goff + _FL, 8), _FL)])

    total = goff + w
    cntv[...] = jnp.full((16,), total, jnp.int32)
    pltpu.sync_copy(cntv.at[pl.ds(0, 8)], cnt_hbm.at[wid])

    iota16i = lax.iota(jnp.int32, 16)
    e0 = (iota16i == 0).astype(jnp.float32)
    nchunks = (total + _K - 1) // _K

    def _dchunk(ci, carry):
        off = ci * _K
        pltpu.sync_copy(bldst_hbm.at[wid, pl.ds(pl.multiple_of(off, 8), _K)],
                        srcc.at[pl.ds(0, _K)])

        def _dedge(e, carry):
            d = srcc[pl.ds(e, 16)][0]
            dega[d, pl.ds(0, 16)] = dega[d, pl.ds(0, 16)] + e0
            return carry
        lax.fori_loop(0, _K, _dedge, 0)
        return carry
    lax.fori_loop(0, nchunks, _dchunk, 0)
    pltpu.sync_copy(dega, deg_hbm.at[wid])


_bucket = functools.partial(
    pl.kernel,
    out_type=[
        jax.ShapeDtypeStruct((_NW, _CAP), jnp.int32),
        jax.ShapeDtypeStruct((_NW, _CAP), jnp.int32),
        jax.ShapeDtypeStruct((_NW, 8), jnp.int32),
        jax.ShapeDtypeStruct((_NW, _ACCR, 16), jnp.float32),
    ],
    mesh=_mesh,
    compiler_params=pltpu.CompilerParams(use_tc_tiling_on_sc=False, needs_layout_passes=False),
    scratch_types=[
        pltpu.VMEM((_C,), jnp.int32),
        pltpu.VMEM((_C,), jnp.int32),
        pltpu.VMEM((_S,), jnp.int32),
        pltpu.VMEM((_S,), jnp.int32),
        pltpu.VMEM((_ACCR, 16), jnp.float32),
        pltpu.VMEM((16,), jnp.int32),
        pltpu.SemaphoreType.DMA,
    ],
)(_bucket_body)


def _seg_body(h_hbm, bsrc_hbm, bldst_hbm, cnt_hbm, out_hbm,
              acc_s, acc_q, acc_mn, acc_mx, msgs, sidx, lidx, cntv, sem):
    wid = lax.axis_index("s") * _NC + lax.axis_index("c")
    zeros16 = jnp.zeros((16,), jnp.float32)
    big16 = jnp.full((16,), 3.0e38, jnp.float32)

    pltpu.sync_copy(cnt_hbm.at[wid], cntv.at[pl.ds(0, 8)])
    total = cntv[pl.ds(0, 16)][0]
    nchunks = (total + _K - 1) // _K

    def _init(r, carry):
        for f in range(5):
            sl = pl.ds(f * 16, 16)
            acc_s[r, sl] = zeros16
            acc_q[r, sl] = zeros16
            acc_mn[r, sl] = big16
            acc_mx[r, sl] = -big16
        return carry
    lax.fori_loop(0, _ACCR, _init, 0)

    def _chunk(ci, carry):
        off = ci * _K
        pltpu.sync_copy(bsrc_hbm.at[wid, pl.ds(pl.multiple_of(off, 8), _K)], sidx)
        pltpu.sync_copy(bldst_hbm.at[wid, pl.ds(pl.multiple_of(off, 8), _K)], lidx.at[pl.ds(0, _K)])
        pltpu.async_copy(h_hbm.at[sidx], msgs, sem).wait()

        def _edge(e, carry):
            d = lidx[pl.ds(e, 16)][0]
            for f in range(5):
                sl = pl.ds(f * 16, 16)
                m = msgs[e, sl]
                acc_s[d, sl] = acc_s[d, sl] + m
                acc_q[d, sl] = acc_q[d, sl] + m * m
                acc_mn[d, sl] = jnp.minimum(acc_mn[d, sl], m)
                acc_mx[d, sl] = jnp.maximum(acc_mx[d, sl], m)
            return carry
        lax.fori_loop(0, _K, _edge, 0)
        return carry

    lax.fori_loop(0, nchunks, _chunk, 0)

    pltpu.sync_copy(acc_s, out_hbm.at[0, wid])
    pltpu.sync_copy(acc_q, out_hbm.at[1, wid])
    pltpu.sync_copy(acc_mn, out_hbm.at[2, wid])
    pltpu.sync_copy(acc_mx, out_hbm.at[3, wid])


_seg = functools.partial(
    pl.kernel,
    out_type=jax.ShapeDtypeStruct((4, _NW, _ACCR, 80), jnp.float32),
    mesh=_mesh,
    compiler_params=pltpu.CompilerParams(use_tc_tiling_on_sc=False, needs_layout_passes=False),
    scratch_types=[
        pltpu.VMEM((_ACCR, 80), jnp.float32),
        pltpu.VMEM((_ACCR, 80), jnp.float32),
        pltpu.VMEM((_ACCR, 80), jnp.float32),
        pltpu.VMEM((_ACCR, 80), jnp.float32),
        pltpu.VMEM((_K, 80), jnp.float32),
        pltpu.VMEM((_K,), jnp.int32),
        pltpu.VMEM((_K + 16,), jnp.int32),
        pltpu.VMEM((16,), jnp.int32),
        pltpu.SemaphoreType.DMA,
    ],
)(_seg_body)


_BM = 512
_BN = 1280


def _pairwise_body(y_row, y_col, sq_row, sq_col, out_ref):
    a, b = 0.583, 1.334
    dot = lax.dot_general(
        y_row[...], y_col[...], (((1,), (1,)), ((), ())),
        preferred_element_type=jnp.float32)
    d2 = jnp.maximum(sq_row[...] + sq_col[...].reshape(1, -1) - 2.0 * dot, 0.0)
    p = jnp.where(d2 > 0.0, jnp.exp(b * jnp.log(jnp.maximum(d2, 1e-30))), 0.0)
    out_ref[...] = 1.0 / (1.0 + a * p)


def _pairwise(y):
    n = y.shape[0]
    sq = jnp.sum(y * y, axis=1, keepdims=True)
    grid = (pl.cdiv(n, _BM), pl.cdiv(n, _BN))
    return pl.pallas_call(
        _pairwise_body,
        grid=grid,
        in_specs=[
            pl.BlockSpec((_BM, y.shape[1]), lambda i, j: (i, 0)),
            pl.BlockSpec((_BN, y.shape[1]), lambda i, j: (j, 0)),
            pl.BlockSpec((_BM, 1), lambda i, j: (i, 0)),
            pl.BlockSpec((_BN, 1), lambda i, j: (j, 0)),
        ],
        out_specs=pl.BlockSpec((_BM, _BN), lambda i, j: (i, j)),
        out_shape=jax.ShapeDtypeStruct((n, n), jnp.float32),
    )(y, y, sq, sq)


def kernel(x, edge_index, edge_attr, batch, params):
    N = x.shape[0]
    src = edge_index[0]
    dst = edge_index[1]
    h = x @ params['W_node'] + params['b_node']

    bsrc, bldst, cnts, deg_slab = _bucket(src, dst)
    deg = deg_slab[:, :_NPT, 0].reshape(-1)[:N]
    deg_c = jnp.maximum(deg, 1.0)[:, None]
    has_edge = (deg > 0.0)[:, None]
    logdeg = jnp.log(deg + 1.0)
    amp = (logdeg / AVG_LOG_DEG)[:, None]
    att = (AVG_LOG_DEG / jnp.where(logdeg > 0.0, logdeg, 1.0))[:, None]

    for i in range(4):
        stats = _seg(h, bsrc, bldst, cnts)
        st = stats[:, :, :_NPT, :].reshape(4, _NW * _NPT, 80)[:, :N, :]
        s1, s2, mn, mx = st[0], st[1], st[2], st[3]
        mean = s1 / deg_c
        mean2 = s2 / deg_c
        std = jnp.sqrt(jnp.maximum(mean2 - mean * mean, 0.0) + 1e-5)
        mn = jnp.where(has_edge, mn, 0.0)
        mx = jnp.where(has_edge, mx, 0.0)
        agg = jnp.concatenate([mean, mn, mx, std], axis=-1)
        out = jnp.concatenate([agg, agg * amp, agg * att], axis=-1)
        out = out @ params['W_post'][i] + params['b_post'][i]
        mu = out.mean(axis=0)
        var = out.var(axis=0)
        out = (out - mu) / jnp.sqrt(var + 1e-5) * params['gamma'][i] + params['beta'][i]
        h = jax.nn.relu(out) + h
    y = jax.nn.relu(h @ params['W1'] + params['b1'])
    y = jax.nn.relu(y @ params['W2'] + params['b2'])
    y = y @ params['W3'] + params['b3']
    return _pairwise(y)

# --- scband reference (transcript-rebuilt; emitter-appended) ---
"""Pipeline reference for scband-net-41807211660013 (READ-ONLY COPY).

The authoritative reference and input builder live on the scoring server;
editing this copy changes nothing except your own understanding.
"""

import jax, jax.numpy as jnp
import numpy as np

N_NODES = 10000
N_EDGES = 640000
_hist = np.array([0, 50, 150, 400, 800, 1500, 2200, 2000, 1500, 900, 400, 100], dtype=np.float32)
AVG_LOG_DEG = float((_hist * np.log(np.arange(_hist.shape[0]) + 1.0)).sum() / _hist.sum())


def setup_inputs(seed: int = 0):
    key = jax.random.key(seed)
    ks = jax.random.split(key, 16)
    x = jax.random.normal(ks[0], (N_NODES, 39), dtype=jnp.float32)
    edge_index = jax.random.randint(ks[1], (2, N_EDGES), 0, N_NODES, dtype=jnp.int32)
    edge_attr = jax.random.normal(ks[2], (N_EDGES, 16), dtype=jnp.float32)
    batch = jnp.zeros((N_NODES,), dtype=jnp.int32)

    def lin(k, fi, fo):
        return jax.random.normal(k, (fi, fo), dtype=jnp.float32) / np.sqrt(fi)

    params = {
        'W_node': lin(ks[3], 39, 80), 'b_node': jnp.zeros((80,), jnp.float32),
        'W_post': jnp.stack([lin(ks[4 + i], 960, 80) for i in range(4)]),
        'b_post': jnp.zeros((4, 80), jnp.float32),
        'gamma': jnp.ones((4, 80), jnp.float32),
        'beta': jnp.zeros((4, 80), jnp.float32),
        'W1': lin(ks[8], 80, 40), 'b1': jnp.zeros((40,), jnp.float32),
        'W2': lin(ks[9], 40, 20), 'b2': jnp.zeros((20,), jnp.float32),
        'W3': lin(ks[10], 20, 32), 'b3': jnp.zeros((32,), jnp.float32),
    }
    return {'x': x, 'edge_index': edge_index, 'edge_attr': edge_attr, 'batch': batch, 'params': params}


def _forward(params, x, edge_index):
    N = x.shape[0]
    src = edge_index[0]
    dst = edge_index[1]
    h = x @ params['W_node'] + params['b_node']
    deg = jnp.zeros((N,), jnp.float32).at[dst].add(1.0)
    deg_c = jnp.maximum(deg, 1.0)[:, None]
    logdeg = jnp.log(deg + 1.0)
    amp = (logdeg / AVG_LOG_DEG)[:, None]
    att = (AVG_LOG_DEG / jnp.where(logdeg > 0.0, logdeg, 1.0))[:, None]
    for i in range(4):
        msgs = h[src]
        s1 = jax.ops.segment_sum(msgs, dst, num_segments=N)
        mean = s1 / deg_c
        s2 = jax.ops.segment_sum(msgs * msgs, dst, num_segments=N)
        mean2 = s2 / deg_c
        std = jnp.sqrt(jnp.maximum(mean2 - mean * mean, 0.0) + 1e-5)
        mn = jax.ops.segment_min(msgs, dst, num_segments=N)
        mx = jax.ops.segment_max(msgs, dst, num_segments=N)
        mn = jnp.where(jnp.isfinite(mn), mn, 0.0)
        mx = jnp.where(jnp.isfinite(mx), mx, 0.0)
        agg = jnp.concatenate([mean, mn, mx, std], axis=-1)
        out = jnp.concatenate([agg, agg * amp, agg * att], axis=-1)
        out = out @ params['W_post'][i] + params['b_post'][i]
        mu = out.mean(axis=0)
        var = out.var(axis=0)
        out = (out - mu) / jnp.sqrt(var + 1e-5) * params['gamma'][i] + params['beta'][i]
        h = jax.nn.relu(out) + h
        # dropout(0.3) treated as identity (eval mode)
    y = jax.nn.relu(h @ params['W1'] + params['b1'])
    y = jax.nn.relu(y @ params['W2'] + params['b2'])
    y = y @ params['W3'] + params['b3']
    a, b = 0.583, 1.334
    sq = (y * y).sum(-1)
    d2 = jnp.maximum(sq[:, None] + sq[None, :] - 2.0 * (y @ y.T), 0.0)
    phat = 1.0 / (1.0 + a * jnp.power(d2, b))
    return phat


def reference(x, edge_index, edge_attr, batch, params):
    # edge_attr and batch are accepted by Net.forward but unused:
    # PNAConvSimple's message is x_j (edge_attr threaded through propagate only),
    # and batch is never referenced in forward.
    return _forward(params, x, edge_index)

if __name__ == "__main__":
    import jax
    _d = setup_inputs()
    print(jax.jit(kernel)(*tuple(_d.values())))

</pallas_src>

<mosaic_0001>
#map = affine_map<(d0, d1) -> (0, 0)>
#map1 = affine_map<(d0, d1) -> (0, 0, 0, 0)>
module attributes {stable_mosaic.version = 14 : i64} {
  func.func @_seg_body(%arg0: i32, %arg1: i32, %arg2: memref<10000x80xf32, #tpu.memory_space<hbm>>, %arg3: memref<32x655360xi32, #tpu.memory_space<hbm>>, %arg4: memref<32x655360xi32, #tpu.memory_space<hbm>>, %arg5: memref<32x8xi32, #tpu.memory_space<hbm>>, %arg6: memref<4x32x314x80xf32, #tpu.memory_space<hbm>>, %arg7: memref<314x80xf32, #tpu.memory_space<vmem>>, %arg8: memref<314x80xf32, #tpu.memory_space<vmem>>, %arg9: memref<314x80xf32, #tpu.memory_space<vmem>>, %arg10: memref<314x80xf32, #tpu.memory_space<vmem>>, %arg11: memref<128x80xf32, #tpu.memory_space<vmem>>, %arg12: memref<128xi32, #tpu.memory_space<vmem>>, %arg13: memref<144xi32, #tpu.memory_space<vmem>>, %arg14: memref<16xi32, #tpu.memory_space<vmem>>, %arg15: memref<!tpu.dma_semaphore, #tpu.memory_space<semaphore_mem>>) attributes {dimension_semantics = [#tpu.dimension_semantics<core_parallel>, #tpu.dimension_semantics<subcore_parallel>], iteration_bounds = array<i64: 2, 16>, scalar_prefetch = 0 : i64, scratch_operands = 9 : i64, tpu.core_type = #tpu.core_type<sc_vector_subcore>, window_params = [{transform_indices = #map}, {transform_indices = #map}, {transform_indices = #map}, {transform_indices = #map}, {transform_indices = #map1}]} {
    %mul3A = arith.constant 2 : i32
    %mul3A_0 = arith.muli %arg1, %mul3A : i32
    %add3A = arith.addi %mul3A_0, %arg0 : i32
    %broadcast_in_dim3A = arith.constant 0.000000e+00 : f32
    %broadcast_in_dim3A_1 = vector.broadcast %broadcast_in_dim3A : f32 to vector<16xf32>
    %broadcast_in_dim3A_2 = arith.constant 3.000000e+38 : f32
    %broadcast_in_dim3A_3 = vector.broadcast %broadcast_in_dim3A_2 : f32 to vector<16xf32>
    "tpu.region"() ({
      %run_scoped3A_42 = tpu.sem_alloc : memref<!tpu.dma_semaphore, #tpu.memory_space<semaphore_mem>>
      %dma_start3A = arith.constant 0 : i32
      %dma_start3A_43 = tpu.memref_slice %arg14[%dma_start3A] : memref<16xi32, #tpu.memory_space<vmem>> -> memref<8xi32, #tpu.memory_space<vmem>>
      %dma_start3A_44 = arith.constant 0 : i32
      %dma_start3A_45 = tpu.memref_slice %arg5[%add3A, %dma_start3A_44] : memref<32x8xi32, #tpu.memory_space<hbm>> -> memref<1x8xi32, #tpu.memory_space<hbm>>
      %dma_start3A_46 = tpu.memref_squeeze %dma_start3A_45 : memref<1x8xi32, #tpu.memory_space<hbm>> -> memref<8xi32, #tpu.memory_space<hbm>>
      %dma_start3A_47 = arith.constant 0 : i32
      %dma_start3A_48 = tpu.memref_slice %arg14[%dma_start3A_47] : memref<16xi32, #tpu.memory_space<vmem>> -> memref<8xi32, #tpu.memory_space<vmem>>
      %dma_start3A_49 = arith.constant 0 : i32
      %dma_start3A_50 = tpu.memref_slice %arg5[%add3A, %dma_start3A_49] : memref<32x8xi32, #tpu.memory_space<hbm>> -> memref<1x8xi32, #tpu.memory_space<hbm>>
      %dma_start3A_51 = tpu.memref_squeeze %dma_start3A_50 : memref<1x8xi32, #tpu.memory_space<hbm>> -> memref<8xi32, #tpu.memory_space<hbm>>
      tpu.enqueue_dma source(%dma_start3A_51 : memref<8xi32, #tpu.memory_space<hbm>>) target(%dma_start3A_48 : memref<8xi32, #tpu.memory_space<vmem>>) target_semaphore(%run_scoped3A_42 : memref<!tpu.dma_semaphore, #tpu.memory_space<semaphore_mem>>)
      %dma_wait3A = arith.constant 0 : i32
      %dma_wait3A_52 = tpu.memref_slice %arg14[%dma_wait3A] : memref<16xi32, #tpu.memory_space<vmem>> -> memref<8xi32, #tpu.memory_space<vmem>>
      %dma_wait3A_53 = arith.constant 0 : i32
      %dma_wait3A_54 = tpu.memref_slice %arg5[%add3A, %dma_wait3A_53] : memref<32x8xi32, #tpu.memory_space<hbm>> -> memref<1x8xi32, #tpu.memory_space<hbm>>
      %dma_wait3A_55 = tpu.memref_squeeze %dma_wait3A_54 : memref<1x8xi32, #tpu.memory_space<hbm>> -> memref<8xi32, #tpu.memory_space<hbm>>
      %dma_wait3A_56 = arith.constant 0 : i32
      %dma_wait3A_57 = tpu.memref_slice %arg14[%dma_wait3A_56] : memref<16xi32, #tpu.memory_space<vmem>> -> memref<8xi32, #tpu.memory_space<vmem>>
      %dma_wait3A_58 = arith.constant 0 : i32
      %dma_wait3A_59 = tpu.memref_slice %arg5[%add3A, %dma_wait3A_58] : memref<32x8xi32, #tpu.memory_space<hbm>> -> memref<1x8xi32, #tpu.memory_space<hbm>>
      %dma_wait3A_60 = tpu.memref_squeeze %dma_wait3A_59 : memref<1x8xi32, #tpu.memory_space<hbm>> -> memref<8xi32, #tpu.memory_space<hbm>>
      tpu.wait_dma2 semaphore(%run_scoped3A_42 : memref<!tpu.dma_semaphore, #tpu.memory_space<semaphore_mem>>) src(%dma_wait3A_60 : memref<8xi32, #tpu.memory_space<hbm>>) dst(%dma_wait3A_57 : memref<8xi32, #tpu.memory_space<vmem>>)
      tpu.yield
    }) : () -> ()
    %get3A = arith.constant 0 : index
    %get3A_4 = tpu.vector_load %arg14[%get3A] {strides = array<i32>} : memref<16xi32, #tpu.memory_space<vmem>>, vector<16xi32>,
    %slice3A = vector.extract_strided_slice %get3A_4 {offsets = [0], sizes = [1], strides = [1]} : vector<16xi32> to vector<1xi32>
    %squeeze3A = vector.extract %slice3A[0] : i32 from vector<1xi32>
    %add3A_5 = arith.constant 128 : i32
    %add3A_6 = arith.addi %squeeze3A, %add3A_5 : i32
    %sub3A = arith.constant 1 : i32
    %sub3A_7 = arith.subi %add3A_6, %sub3A : i32
    %jit3A = arith.constant 128 : i32
    %div3A = arith.divsi %sub3A_7, %jit3A : i32
    %sign3A = arith.constant 0 : i32
    %sign3A_8 = arith.cmpi sgt, %sub3A_7, %sign3A : i32
    %sign3A_9 = arith.extui %sign3A_8 : i1 to i32
    %sign3A_10 = arith.constant 0 : i32
    %sign3A_11 = arith.cmpi slt, %sub3A_7, %sign3A_10 : i32
    %sign3A_12 = arith.extui %sign3A_11 : i1 to i32
    %sign3A_13 = arith.subi %sign3A_9, %sign3A_12 : i32
    %sign3A_14 = arith.constant 0 : i32
    %sign3A_15 = arith.cmpi sgt, %jit3A, %sign3A_14 : i32
    %sign3A_16 = arith.extui %sign3A_15 : i1 to i32
    %sign3A_17 = arith.constant 0 : i32
    %sign3A_18 = arith.cmpi slt, %jit3A, %sign3A_17 : i32
    %sign3A_19 = arith.extui %sign3A_18 : i1 to i32
    %sign3A_20 = arith.subi %sign3A_16, %sign3A_19 : i32
    %ne3A = arith.cmpi ne, %sign3A_13, %sign3A_20 : i32
    %rem3A = arith.remsi %sub3A_7, %jit3A : i32
    %ne3A_21 = arith.constant 0 : i32
    %ne3A_22 = arith.cmpi ne, %rem3A, %ne3A_21 : i32
    %and3A = arith.andi %ne3A, %ne3A_22 : i1
    %sub3A_23 = arith.constant 1 : i32
    %sub3A_24 = arith.subi %div3A, %sub3A_23 : i32
    %select_n3A = arith.select %and3A, %sub3A_24, %div3A : i32
    %scan3A = arith.constant 0 : i32
    %scan3A_25 = arith.constant 0 : i32
    %scan3A_26 = arith.constant 314 : i32
    %scan3A_27 = arith.addi %scan3A_25, %scan3A_26 : i32
    %scan3A_28 = arith.constant 1 : i32
    scf.for %scan3A_42 = %scan3A_25 to %scan3A_27 step %scan3A_28  : i32 {
      %swap3A = arith.index_cast %scan3A_42 : i32 to index
      %swap3A_43 = arith.constant 0 : index
      %swap3A_44 = tpu.vector_load %arg7[%swap3A, %swap3A_43] {strides = array<i32>} : memref<314x80xf32, #tpu.memory_space<vmem>>, vector<16xf32>,
      tpu.vector_store %arg7[%swap3A, %swap3A_43], %broadcast_in_dim3A_1 {strides = array<i32>} : memref<314x80xf32, #tpu.memory_space<vmem>>, vector<16xf32>,
      %swap3A_45 = arith.index_cast %scan3A_42 : i32 to index
      %swap3A_46 = arith.constant 0 : index
      %swap3A_47 = tpu.vector_load %arg8[%swap3A_45, %swap3A_46] {strides = array<i32>} : memref<314x80xf32, #tpu.memory_space<vmem>>, vector<16xf32>,
      tpu.vector_store %arg8[%swap3A_45, %swap3A_46], %broadcast_in_dim3A_1 {strides = array<i32>} : memref<314x80xf32, #tpu.memory_space<vmem>>, vector<16xf32>,
      %swap3A_48 = arith.index_cast %scan3A_42 : i32 to index
      %swap3A_49 = arith.constant 0 : index
      %swap3A_50 = tpu.vector_load %arg9[%swap3A_48, %swap3A_49] {strides = array<i32>} : memref<314x80xf32, #tpu.memory_space<vmem>>, vector<16xf32>,
      tpu.vector_store %arg9[%swap3A_48, %swap3A_49], %broadcast_in_dim3A_3 {strides = array<i32>} : memref<314x80xf32, #tpu.memory_space<vmem>>, vector<16xf32>,
      %neg3A = arith.constant 0.000000e+00 : f32
      %neg3A_51 = vector.broadcast %neg3A : f32 to vector<16xf32>
      %neg3A_52 = arith.subf %neg3A_51, %broadcast_in_dim3A_3 : vector<16xf32>
      %swap3A_53 = arith.index_cast %scan3A_42 : i32 to index
      %swap3A_54 = arith.constant 0 : index
      %swap3A_55 = tpu.vector_load %arg10[%swap3A_53, %swap3A_54] {strides = array<i32>} : memref<314x80xf32, #tpu.memory_space<vmem>>, vector<16xf32>,
      tpu.vector_store %arg10[%swap3A_53, %swap3A_54], %neg3A_52 {strides = array<i32>} : memref<314x80xf32, #tpu.memory_space<vmem>>, vector<16xf32>,
      %swap3A_56 = arith.index_cast %scan3A_42 : i32 to index
      %swap3A_57 = arith.constant 16 : index
      %swap3A_58 = tpu.vector_load %arg7[%swap3A_56, %swap3A_57] {strides = array<i32>} : memref<314x80xf32, #tpu.memory_space<vmem>>, vector<16xf32>,
      tpu.vector_store %arg7[%swap3A_56, %swap3A_57], %broadcast_in_dim3A_1 {strides = array<i32>} : memref<314x80xf32, #tpu.memory_space<vmem>>, vector<16xf32>,
      %swap3A_59 = arith.index_cast %scan3A_42 : i32 to index
      %swap3A_60 = arith.constant 16 : index
      %swap3A_61 = tpu.vector_load %arg8[%swap3A_59, %swap3A_60] {strides = array<i32>} : memref<314x80xf32, #tpu.memory_space<vmem>>, vector<16xf32>,
      tpu.vector_store %arg8[%swap3A_59, %swap3A_60], %broadcast_in_dim3A_1 {strides = array<i32>} : memref<314x80xf32, #tpu.memory_space<vmem>>, vector<16xf32>,
      %swap3A_62 = arith.index_cast %scan3A_42 : i32 to index
      %swap3A_63 = arith.constant 16 : index
      %swap3A_64 = tpu.vector_load %arg9[%swap3A_62, %swap3A_63] {strides = array<i32>} : memref<314x80xf32, #tpu.memory_space<vmem>>, vector<16xf32>,
      tpu.vector_store %arg9[%swap3A_62, %swap3A_63], %broadcast_in_dim3A_3 {strides = array<i32>} : memref<314x80xf32, #tpu.memory_space<vmem>>, vector<16xf32>,
      %neg3A_65 = arith.constant 0.000000e+00 : f32
      %neg3A_66 = vector.broadcast %neg3A_65 : f32 to vector<16xf32>
      %neg3A_67 = arith.subf %neg3A_66, %broadcast_in_dim3A_3 : vector<16xf32>
      %swap3A_68 = arith.index_cast %scan3A_42 : i32 to index
      %swap3A_69 = arith.constant 16 : index
      %swap3A_70 = tpu.vector_load %arg10[%swap3A_68, %swap3A_69] {strides = array<i32>} : memref<314x80xf32, #tpu.memory_space<vmem>>, vector<16xf32>,
      tpu.vector_store %arg10[%swap3A_68, %swap3A_69], %neg3A_67 {strides = array<i32>} : memref<314x80xf32, #tpu.memory_space<vmem>>, vector<16xf32>,
      %swap3A_71 = arith.index_cast %scan3A_42 : i32 to index
      %swap3A_72 = arith.constant 32 : index
      %swap3A_73 = tpu.vector_load %arg7[%swap3A_71, %swap3A_72] {strides = array<i32>} : memref<314x80xf32, #tpu.memory_space<vmem>>, vector<16xf32>,
      tpu.vector_store %arg7[%swap3A_71, %swap3A_72], %broadcast_in_dim3A_1 {strides = array<i32>} : memref<314x80xf32, #tpu.memory_space<vmem>>, vector<16xf32>,
      %swap3A_74 = arith.index_cast %scan3A_42 : i32 to index
      %swap3A_75 = arith.constant 32 : index
      %swap3A_76 = tpu.vector_load %arg8[%swap3A_74, %swap3A_75] {strides = array<i32>} : memref<314x80xf32, #tpu.memory_space<vmem>>, vector<16xf32>,
      tpu.vector_store %arg8[%swap3A_74, %swap3A_75], %broadcast_in_dim3A_1 {strides = array<i32>} : memref<314x80xf32, #tpu.memory_space<vmem>>, vector<16xf32>,
      %swap3A_77 = arith.index_cast %scan3A_42 : i32 to index
      %swap3A_78 = arith.constant 32 : index
      %swap3A_79 = tpu.vector_load %arg9[%swap3A_77, %swap3A_78] {strides = array<i32>} : memref<314x80xf32, #tpu.memory_space<vmem>>, vector<16xf32>,
      tpu.vector_store %arg9[%swap3A_77, %swap3A_78], %broadcast_in_dim3A_3 {strides = array<i32>} : memref<314x80xf32, #tpu.memory_space<vmem>>, vector<16xf32>,
      %neg3A_80 = arith.constant 0.000000e+00 : f32
      %neg3A_81 = vector.broadcast %neg3A_80 : f32 to vector<16xf32>
      %neg3A_82 = arith.subf %neg3A_81, %broadcast_in_dim3A_3 : vector<16xf32>
      %swap3A_83 = arith.index_cast %scan3A_42 : i32 to index
      %swap3A_84 = arith.constant 32 : index
      %swap3A_85 = tpu.vector_load %arg10[%swap3A_83, %swap3A_84] {strides = array<i32>} : memref<314x80xf32, #tpu.memory_space<vmem>>, vector<16xf32>,
      tpu.vector_store %arg10[%swap3A_83, %swap3A_84], %neg3A_82 {strides = array<i32>} : memref<314x80xf32, #tpu.memory_space<vmem>>, vector<16xf32>,
      %swap3A_86 = arith.index_cast %scan3A_42 : i32 to index
      %swap3A_87 = arith.constant 48 : index
      %swap3A_88 = tpu.vector_load %arg7[%swap3A_86, %swap3A_87] {strides = array<i32>} : memref<314x80xf32, #tpu.memory_space<vmem>>, vector<16xf32>,
      tpu.vector_store %arg7[%swap3A_86, %swap3A_87], %broadcast_in_dim3A_1 {strides = array<i32>} : memref<314x80xf32, #tpu.memory_space<vmem>>, vector<16xf32>,
      %swap3A_89 = arith.index_cast %scan3A_42 : i32 to index
      %swap3A_90 = arith.constant 48 : index
      %swap3A_91 = tpu.vector_load %arg8[%swap3A_89, %swap3A_90] {strides = array<i32>} : memref<314x80xf32, #tpu.memory_space<vmem>>, vector<16xf32>,
      tpu.vector_store %arg8[%swap3A_89, %swap3A_90], %broadcast_in_dim3A_1 {strides = array<i32>} : memref<314x80xf32, #tpu.memory_space<vmem>>, vector<16xf32>,
      %swap3A_92 = arith.index_cast %scan3A_42 : i32 to index
      %swap3A_93 = arith.constant 48 : index
      %swap3A_94 = tpu.vector_load %arg9[%swap3A_92, %swap3A_93] {strides = array<i32>} : memref<314x80xf32, #tpu.memory_space<vmem>>, vector<16xf32>,
      tpu.vector_store %arg9[%swap3A_92, %swap3A_93], %broadcast_in_dim3A_3 {strides = array<i32>} : memref<314x80xf32, #tpu.memory_space<vmem>>, vector<16xf32>,
      %neg3A_95 = arith.constant 0.000000e+00 : f32
      %neg3A_96 = vector.broadcast %neg3A_95 : f32 to vector<16xf32>
      %neg3A_97 = arith.subf %neg3A_96, %broadcast_in_dim3A_3 : vector<16xf32>
      %swap3A_98 = arith.index_cast %scan3A_42 : i32 to index
      %swap3A_99 = arith.constant 48 : index
      %swap3A_100 = tpu.vector_load %arg10[%swap3A_98, %swap3A_99] {strides = array<i32>} : memref<314x80xf32, #tpu.memory_space<vmem>>, vector<16xf32>,
      tpu.vector_store %arg10[%swap3A_98, %swap3A_99], %neg3A_97 {strides = array<i32>} : memref<314x80xf32, #tpu.memory_space<vmem>>, vector<16xf32>,
      %swap3A_101 = arith.index_cast %scan3A_42 : i32 to index
      %swap3A_102 = arith.constant 64 : index
      %swap3A_103 = tpu.vector_load %arg7[%swap3A_101, %swap3A_102] {strides = array<i32>} : memref<314x80xf32, #tpu.memory_space<vmem>>, vector<16xf32>,
      tpu.vector_store %arg7[%swap3A_101, %swap3A_102], %broadcast_in_dim3A_1 {strides = array<i32>} : memref<314x80xf32, #tpu.memory_space<vmem>>, vector<16xf32>,
      %swap3A_104 = arith.index_cast %scan3A_42 : i32 to index
      %swap3A_105 = arith.constant 64 : index
      %swap3A_106 = tpu.vector_load %arg8[%swap3A_104, %swap3A_105] {strides = array<i32>} : memref<314x80xf32, #tpu.memory_space<vmem>>, vector<16xf32>,
      tpu.vector_store %arg8[%swap3A_104, %swap3A_105], %broadcast_in_dim3A_1 {strides = array<i32>} : memref<314x80xf32, #tpu.memory_space<vmem>>, vector<16xf32>,
      %swap3A_107 = arith.index_cast %scan3A_42 : i32 to index
      %swap3A_108 = arith.constant 64 : index
      %swap3A_109 = tpu.vector_load %arg9[%swap3A_107, %swap3A_108] {strides = array<i32>} : memref<314x80xf32, #tpu.memory_space<vmem>>, vector<16xf32>,
      tpu.vector_store %arg9[%swap3A_107, %swap3A_108], %broadcast_in_dim3A_3 {strides = array<i32>} : memref<314x80xf32, #tpu.memory_space<vmem>>, vector<16xf32>,
      %neg3A_110 = arith.constant 0.000000e+00 : f32
      %neg3A_111 = vector.broadcast %neg3A_110 : f32 to vector<16xf32>
      %neg3A_112 = arith.subf %neg3A_111, %broadcast_in_dim3A_3 : vector<16xf32>
      %swap3A_113 = arith.index_cast %scan3A_42 : i32 to index
      %swap3A_114 = arith.constant 64 : index
      %swap3A_115 = tpu.vector_load %arg10[%swap3A_113, %swap3A_114] {strides = array<i32>} : memref<314x80xf32, #tpu.memory_space<vmem>>, vector<16xf32>,
      tpu.vector_store %arg10[%swap3A_113, %swap3A_114], %neg3A_112 {strides = array<i32>} : memref<314x80xf32, #tpu.memory_space<vmem>>, vector<16xf32>,
    }
    %scan3A_29 = arith.constant 314 : i32
    %while3A = arith.constant 0 : i32
    %while3A_30 = arith.constant 0 : i32
    %while3A_31 = arith.subi %select_n3A, %while3A_30 : i32
    %while3A_32 = arith.addi %while3A_30, %while3A_31 : i32
    %while3A_33 = arith.constant 1 : i32
    %while3A_34 = arith.divsi %while3A_31, %while3A_33 : i32
    %while3A_35 = arith.muli %while3A_34, %while3A_33 : i32
    %while3A_36 = arith.addi %while3A_30, %while3A_35 : i32
    %while3A_37 = arith.constant 1 : i32
    scf.for %while3A_42 = %while3A_30 to %while3A_36 step %while3A_37  : i32 {
      %mul3A_43 = arith.constant 128 : i32
      %mul3A_44 = arith.muli %while3A_42, %mul3A_43 : i32
      %multiple_of3A = tpu.assume_multiple %mul3A_44, 8 : i32
      "tpu.region"() ({
        %run_scoped3A_56 = tpu.sem_alloc : memref<!tpu.dma_semaphore, #tpu.memory_space<semaphore_mem>>
        %dma_start3A_57 = tpu.memref_slice %arg3[%add3A, %multiple_of3A] : memref<32x655360xi32, #tpu.memory_space<hbm>> -> memref<1x128xi32, #tpu.memory_space<hbm>>
        %dma_start3A_58 = tpu.memref_squeeze %dma_start3A_57 : memref<1x128xi32, #tpu.memory_space<hbm>> -> memref<128xi32, #tpu.memory_space<hbm>>
        %dma_start3A_59 = tpu.memref_slice %arg3[%add3A, %multiple_of3A] : memref<32x655360xi32, #tpu.memory_space<hbm>> -> memref<1x128xi32, #tpu.memory_space<hbm>>
        %dma_start3A_60 = tpu.memref_squeeze %dma_start3A_59 : memref<1x128xi32, #tpu.memory_space<hbm>> -> memref<128xi32, #tpu.memory_space<hbm>>
        tpu.enqueue_dma source(%dma_start3A_60 : memref<128xi32, #tpu.memory_space<hbm>>) target(%arg12 : memref<128xi32, #tpu.memory_space<vmem>>) target_semaphore(%run_scoped3A_56 : memref<!tpu.dma_semaphore, #tpu.memory_space<semaphore_mem>>)
        %dma_wait3A_61 = tpu.memref_slice %arg3[%add3A, %multiple_of3A] : memref<32x655360xi32, #tpu.memory_space<hbm>> -> memref<1x128xi32, #tpu.memory_space<hbm>>
        %dma_wait3A_62 = tpu.memref_squeeze %dma_wait3A_61 : memref<1x128xi32, #tpu.memory_space<hbm>> -> memref<128xi32, #tpu.memory_space<hbm>>
        %dma_wait3A_63 = tpu.memref_slice %arg3[%add3A, %multiple_of3A] : memref<32x655360xi32, #tpu.memory_space<hbm>> -> memref<1x128xi32, #tpu.memory_space<hbm>>
        %dma_wait3A_64 = tpu.memref_squeeze %dma_wait3A_63 : memref<1x128xi32, #tpu.memory_space<hbm>> -> memref<128xi32, #tpu.memory_space<hbm>>
        tpu.wait_dma2 semaphore(%run_scoped3A_56 : memref<!tpu.dma_semaphore, #tpu.memory_space<semaphore_mem>>) src(%dma_wait3A_64 : memref<128xi32, #tpu.memory_space<hbm>>) dst(%arg12 : memref<128xi32, #tpu.memory_space<vmem>>)
        tpu.yield
      }) : () -> ()
      %multiple_of3A_45 = tpu.assume_multiple %mul3A_44, 8 : i32
      "tpu.region"() ({
        %run_scoped3A_56 = tpu.sem_alloc : memref<!tpu.dma_semaphore, #tpu.memory_space<semaphore_mem>>
        %dma_start3A_57 = arith.constant 0 : i32
        %dma_start3A_58 = tpu.memref_slice %arg13[%dma_start3A_57] : memref<144xi32, #tpu.memory_space<vmem>> -> memref<128xi32, #tpu.memory_space<vmem>>
        %dma_start3A_59 = tpu.memref_slice %arg4[%add3A, %multiple_of3A_45] : memref<32x655360xi32, #tpu.memory_space<hbm>> -> memref<1x128xi32, #tpu.memory_space<hbm>>
        %dma_start3A_60 = tpu.memref_squeeze %dma_start3A_59 : memref<1x128xi32, #tpu.memory_space<hbm>> -> memref<128xi32, #tpu.memory_space<hbm>>
        %dma_start3A_61 = arith.constant 0 : i32
        %dma_start3A_62 = tpu.memref_slice %arg13[%dma_start3A_61] : memref<144xi32, #tpu.memory_space<vmem>> -> memref<128xi32, #tpu.memory_space<vmem>>
        %dma_start3A_63 = tpu.memref_slice %arg4[%add3A, %multiple_of3A_45] : memref<32x655360xi32, #tpu.memory_space<hbm>> -> memref<1x128xi32, #tpu.memory_space<hbm>>
        %dma_start3A_64 = tpu.memref_squeeze %dma_start3A_63 : memref<1x128xi32, #tpu.memory_space<hbm>> -> memref<128xi32, #tpu.memory_space<hbm>>
        tpu.enqueue_dma source(%dma_start3A_64 : memref<128xi32, #tpu.memory_space<hbm>>) target(%dma_start3A_62 : memref<128xi32, #tpu.memory_space<vmem>>) target_semaphore(%run_scoped3A_56 : memref<!tpu.dma_semaphore, #tpu.memory_space<semaphore_mem>>)
        %dma_wait3A_65 = arith.constant 0 : i32
        %dma_wait3A_66 = tpu.memref_slice %arg13[%dma_wait3A_65] : memref<144xi32, #tpu.memory_space<vmem>> -> memref<128xi32, #tpu.memory_space<vmem>>
        %dma_wait3A_67 = tpu.memref_slice %arg4[%add3A, %multiple_of3A_45] : memref<32x655360xi32, #tpu.memory_space<hbm>> -> memref<1x128xi32, #tpu.memory_space<hbm>>
        %dma_wait3A_68 = tpu.memref_squeeze %dma_wait3A_67 : memref<1x128xi32, #tpu.memory_space<hbm>> -> memref<128xi32, #tpu.memory_space<hbm>>
        %dma_wait3A_69 = arith.constant 0 : i32
        %dma_wait3A_70 = tpu.memref_slice %arg13[%dma_wait3A_69] : memref<144xi32, #tpu.memory_space<vmem>> -> memref<128xi32, #tpu.memory_space<vmem>>
        %dma_wait3A_71 = tpu.memref_slice %arg4[%add3A, %multiple_of3A_45] : memref<32x655360xi32, #tpu.memory_space<hbm>> -> memref<1x128xi32, #tpu.memory_space<hbm>>
        %dma_wait3A_72 = tpu.memref_squeeze %dma_wait3A_71 : memref<1x128xi32, #tpu.memory_space<hbm>> -> memref<128xi32, #tpu.memory_space<hbm>>
        tpu.wait_dma2 semaphore(%run_scoped3A_56 : memref<!tpu.dma_semaphore, #tpu.memory_space<semaphore_mem>>) src(%dma_wait3A_72 : memref<128xi32, #tpu.memory_space<hbm>>) dst(%dma_wait3A_70 : memref<128xi32, #tpu.memory_space<vmem>>)
        tpu.yield
      }) : () -> ()
      %dma_start3A = arith.constant 0 : i32
      %dma_start3A_46 = arith.constant 0 : i32
      %dma_start3A_47 = tpu.memref_slice %arg2[%dma_start3A, %dma_start3A_46] : memref<10000x80xf32, #tpu.memory_space<hbm>> -> memref<10000x80xf32, #tpu.memory_space<hbm>>
      tpu.enqueue_indirect_dma source(%dma_start3A_47 : memref<10000x80xf32, #tpu.memory_space<hbm>>) target(%arg11 : memref<128x80xf32, #tpu.memory_space<vmem>>) offsets(%arg12 : memref<128xi32, #tpu.memory_space<vmem>>) semaphore(%arg15 : memref<!tpu.dma_semaphore, #tpu.memory_space<semaphore_mem>>)
      %dma_wait3A = arith.constant 0 : i32
      %dma_wait3A_48 = arith.constant 0 : i32
      %dma_wait3A_49 = tpu.memref_slice %arg2[%dma_wait3A, %dma_wait3A_48] : memref<10000x80xf32, #tpu.memory_space<hbm>> -> memref<10000x80xf32, #tpu.memory_space<hbm>>
      tpu.wait_indirect_dma semaphore(%arg15 : memref<!tpu.dma_semaphore, #tpu.memory_space<semaphore_mem>>) src(%dma_wait3A_49 : memref<10000x80xf32, #tpu.memory_space<hbm>>) dst(%arg11 : memref<128x80xf32, #tpu.memory_space<vmem>>)
      %scan3A_50 = arith.constant 0 : i32
      %scan3A_51 = arith.constant 0 : i32
      %scan3A_52 = arith.constant 128 : i32
      %scan3A_53 = arith.addi %scan3A_51, %scan3A_52 : i32
      %scan3A_54 = arith.constant 1 : i32
      scf.for %scan3A_56 = %scan3A_51 to %scan3A_53 step %scan3A_54  : i32 {
        %get3A_57 = arith.index_cast %scan3A_56 : i32 to index
        %get3A_58 = tpu.vector_load %arg13[%get3A_57] {strides = array<i32>} : memref<144xi32, #tpu.memory_space<vmem>>, vector<16xi32>,
        %slice3A_59 = vector.extract_strided_slice %get3A_58 {offsets = [0], sizes = [1], strides = [1]} : vector<16xi32> to vector<1xi32>
        %squeeze3A_60 = vector.extract %slice3A_59[0] : i32 from vector<1xi32>
        %get3A_61 = arith.index_cast %scan3A_56 : i32 to index
        %get3A_62 = arith.constant 0 : index
        %get3A_63 = tpu.vector_load %arg11[%get3A_61, %get3A_62] {strides = array<i32>} : memref<128x80xf32, #tpu.memory_space<vmem>>, vector<16xf32>,
        %get3A_64 = arith.index_cast %squeeze3A_60 : i32 to index
        %get3A_65 = arith.constant 0 : index
        %get3A_66 = tpu.vector_load %arg7[%get3A_64, %get3A_65] {strides = array<i32>} : memref<314x80xf32, #tpu.memory_space<vmem>>, vector<16xf32>,
        %add3A_67 = arith.addf %get3A_66, %get3A_63 : vector<16xf32>
        %swap3A = arith.index_cast %squeeze3A_60 : i32 to index
        %swap3A_68 = arith.constant 0 : index
        %swap3A_69 = tpu.vector_load %arg7[%swap3A, %swap3A_68] {strides = array<i32>} : memref<314x80xf32, #tpu.memory_space<vmem>>, vector<16xf32>,
        tpu.vector_store %arg7[%swap3A, %swap3A_68], %add3A_67 {strides = array<i32>} : memref<314x80xf32, #tpu.memory_space<vmem>>, vector<16xf32>,
        %get3A_70 = arith.index_cast %squeeze3A_60 : i32 to index
        %get3A_71 = arith.constant 0 : index
        %get3A_72 = tpu.vector_load %arg8[%get3A_70, %get3A_71] {strides = array<i32>} : memref<314x80xf32, #tpu.memory_space<vmem>>, vector<16xf32>,
        %mul3A_73 = arith.mulf %get3A_63, %get3A_63 : vector<16xf32>
        %add3A_74 = arith.addf %get3A_72, %mul3A_73 : vector<16xf32>
        %swap3A_75 = arith.index_cast %squeeze3A_60 : i32 to index
        %swap3A_76 = arith.constant 0 : index
        %swap3A_77 = tpu.vector_load %arg8[%swap3A_75, %swap3A_76] {strides = array<i32>} : memref<314x80xf32, #tpu.memory_space<vmem>>, vector<16xf32>,
        tpu.vector_store %arg8[%swap3A_75, %swap3A_76], %add3A_74 {strides = array<i32>} : memref<314x80xf32, #tpu.memory_space<vmem>>, vector<16xf32>,
        %get3A_78 = arith.index_cast %squeeze3A_60 : i32 to index
        %get3A_79 = arith.constant 0 : index
        %get3A_80 = tpu.vector_load %arg9[%get3A_78, %get3A_79] {strides = array<i32>} : memref<314x80xf32, #tpu.memory_space<vmem>>, vector<16xf32>,
        %min3A = arith.minimumf %get3A_80, %get3A_63 : vector<16xf32>
        %swap3A_81 = arith.index_cast %squeeze3A_60 : i32 to index
        %swap3A_82 = arith.constant 0 : index
        %swap3A_83 = tpu.vector_load %arg9[%swap3A_81, %swap3A_82] {strides = array<i32>} : memref<314x80xf32, #tpu.memory_space<vmem>>, vector<16xf32>,
        tpu.vector_store %arg9[%swap3A_81, %swap3A_82], %min3A {strides = array<i32>} : memref<314x80xf32, #tpu.memory_space<vmem>>, vector<16xf32>,
        %get3A_84 = arith.index_cast %squeeze3A_60 : i32 to index
        %get3A_85 = arith.constant 0 : index
        %get3A_86 = tpu.vector_load %arg10[%get3A_84, %get3A_85] {strides = array<i32>} : memref<314x80xf32, #tpu.memory_space<vmem>>, vector<16xf32>,
        %max3A = arith.maximumf %get3A_86, %get3A_63 : vector<16xf32>
        %swap3A_87 = arith.index_cast %squeeze3A_60 : i32 to index
        %swap3A_88 = arith.constant 0 : index
        %swap3A_89 = tpu.vector_load %arg10[%swap3A_87, %swap3A_88] {strides = array<i32>} : memref<314x80xf32, #tpu.memory_space<vmem>>, vector<16xf32>,
        tpu.vector_store %arg10[%swap3A_87, %swap3A_88], %max3A {strides = array<i32>} : memref<314x80xf32, #tpu.memory_space<vmem>>, vector<16xf32>,
        %get3A_90 = arith.index_cast %scan3A_56 : i32 to index
        %get3A_91 = arith.constant 16 : index
        %get3A_92 = tpu.vector_load %arg11[%get3A_90, %get3A_91] {strides = array<i32>} : memref<128x80xf32, #tpu.memory_space<vmem>>, vector<16xf32>,
        %get3A_93 = arith.index_cast %squeeze3A_60 : i32 to index
        %get3A_94 = arith.constant 16 : index
        %get3A_95 = tpu.vector_load %arg7[%get3A_93, %get3A_94] {strides = array<i32>} : memref<314x80xf32, #tpu.memory_space<vmem>>, vector<16xf32>,
        %add3A_96 = arith.addf %get3A_95, %get3A_92 : vector<16xf32>
        %swap3A_97 = arith.index_cast %squeeze3A_60 : i32 to index
        %swap3A_98 = arith.constant 16 : index
        %swap3A_99 = tpu.vector_load %arg7[%swap3A_97, %swap3A_98] {strides = array<i32>} : memref<314x80xf32, #tpu.memory_space<vmem>>, vector<16xf32>,
        tpu.vector_store %arg7[%swap3A_97, %swap3A_98], %add3A_96 {strides = array<i32>} : memref<314x80xf32, #tpu.memory_space<vmem>>, vector<16xf32>,
        %get3A_100 = arith.index_cast %squeeze3A_60 : i32 to index
        %get3A_101 = arith.constant 16 : index
        %get3A_102 = tpu.vector_load %arg8[%get3A_100, %get3A_101] {strides = array<i32>} : memref<314x80xf32, #tpu.memory_space<vmem>>, vector<16xf32>,
        %mul3A_103 = arith.mulf %get3A_92, %get3A_92 : vector<16xf32>
        %add3A_104 = arith.addf %get3A_102, %mul3A_103 : vector<16xf32>
        %swap3A_105 = arith.index_cast %squeeze3A_60 : i32 to index
        %swap3A_106 = arith.constant 16 : index
        %swap3A_107 = tpu.vector_load %arg8[%swap3A_105, %swap3A_106] {strides = array<i32>} : memref<314x80xf32, #tpu.memory_space<vmem>>, vector<16xf32>,
        tpu.vector_store %arg8[%swap3A_105, %swap3A_106], %add3A_104 {strides = array<i32>} : memref<314x80xf32, #tpu.memory_space<vmem>>, vector<16xf32>,
        %get3A_108 = arith.index_cast %squeeze3A_60 : i32 to index
        %get3A_109 = arith.constant 16 : index
        %get3A_110 = tpu.vector_load %arg9[%get3A_108, %get3A_109] {strides = array<i32>} : memref<314x80xf32, #tpu.memory_space<vmem>>, vector<16xf32>,
        %min3A_111 = arith.minimumf %get3A_110, %get3A_92 : vector<16xf32>
        %swap3A_112 = arith.index_cast %squeeze3A_60 : i32 to index
        %swap3A_113 = arith.constant 16 : index
        %swap3A_114 = tpu.vector_load %arg9[%swap3A_112, %swap3A_113] {strides = array<i32>} : memref<314x80xf32, #tpu.memory_space<vmem>>, vector<16xf32>,
        tpu.vector_store %arg9[%swap3A_112, %swap3A_113], %min3A_111 {strides = array<i32>} : memref<314x80xf32, #tpu.memory_space<vmem>>, vector<16xf32>,
        %get3A_115 = arith.index_cast %squeeze3A_60 : i32 to index
        %get3A_116 = arith.constant 16 : index
        %get3A_117 = tpu.vector_load %arg10[%get3A_115, %get3A_116] {strides = array<i32>} : memref<314x80xf32, #tpu.memory_space<vmem>>, vector<16xf32>,
        %max3A_118 = arith.maximumf %get3A_117, %get3A_92 : vector<16xf32>
        %swap3A_119 = arith.index_cast %squeeze3A_60 : i32 to index
        %swap3A_120 = arith.constant 16 : index
        %swap3A_121 = tpu.vector_load %arg10[%swap3A_119, %swap3A_120] {strides = array<i32>} : memref<314x80xf32, #tpu.memory_space<vmem>>, vector<16xf32>,
        tpu.vector_store %arg10[%swap3A_119, %swap3A_120], %max3A_118 {strides = array<i32>} : memref<314x80xf32, #tpu.memory_space<vmem>>, vector<16xf32>,
        %get3A_122 = arith.index_cast %scan3A_56 : i32 to index
        %get3A_123 = arith.constant 32 : index
        %get3A_124 = tpu.vector_load %arg11[%get3A_122, %get3A_123] {strides = array<i32>} : memref<128x80xf32, #tpu.memory_space<vmem>>, vector<16xf32>,
        %get3A_125 = arith.index_cast %squeeze3A_60 : i32 to index
        %get3A_126 = arith.constant 32 : index
        %get3A_127 = tpu.vector_load %arg7[%get3A_125, %get3A_126] {strides = array<i32>} : memref<314x80xf32, #tpu.memory_space<vmem>>, vector<16xf32>,
        %add3A_128 = arith.addf %get3A_127, %get3A_124 : vector<16xf32>
        %swap3A_129 = arith.index_cast %squeeze3A_60 : i32 to index
        %swap3A_130 = arith.constant 32 : index
        %swap3A_131 = tpu.vector_load %arg7[%swap3A_129, %swap3A_130] {strides = array<i32>} : memref<314x80xf32, #tpu.memory_space<vmem>>, vector<16xf32>,
        tpu.vector_store %arg7[%swap3A_129, %swap3A_130], %add3A_128 {strides = array<i32>} : memref<314x80xf32, #tpu.memory_space<vmem>>, vector<16xf32>,
        %get3A_132 = arith.index_cast %squeeze3A_60 : i32 to index
        %get3A_133 = arith.constant 32 : index
        %get3A_134 = tpu.vector_load %arg8[%get3A_132, %get3A_133] {strides = array<i32>} : memref<314x80xf32, #tpu.memory_space<vmem>>, vector<16xf32>,
        %mul3A_135 = arith.mulf %get3A_124, %get3A_124 : vector<16xf32>
        %add3A_136 = arith.addf %get3A_134, %mul3A_135 : vector<16xf32>
        %swap3A_137 = arith.index_cast %squeeze3A_60 : i32 to index
        %swap3A_138 = arith.constant 32 : index
        %swap3A_139 = tpu.vector_load %arg8[%swap3A_137, %swap3A_138] {strides = array<i32>} : memref<314x80xf32, #tpu.memory_space<vmem>>, vector<16xf32>,
        tpu.vector_store %arg8[%swap3A_137, %swap3A_138], %add3A_136 {strides = array<i32>} : memref<314x80xf32, #tpu.memory_space<vmem>>, vector<16xf32>,
        %get3A_140 = arith.index_cast %squeeze3A_60 : i32 to index
        %get3A_141 = arith.constant 32 : index
        %get3A_142 = tpu.vector_load %arg9[%get3A_140, %get3A_141] {strides = array<i32>} : memref<314x80xf32, #tpu.memory_space<vmem>>, vector<16xf32>,
        %min3A_143 = arith.minimumf %get3A_142, %get3A_124 : vector<16xf32>
        %swap3A_144 = arith.index_cast %squeeze3A_60 : i32 to index
        %swap3A_145 = arith.constant 32 : index
        %swap3A_146 = tpu.vector_load %arg9[%swap3A_144, %swap3A_145] {strides = array<i32>} : memref<314x80xf32, #tpu.memory_space<vmem>>, vector<16xf32>,
        tpu.vector_store %arg9[%swap3A_144, %swap3A_145], %min3A_143 {strides = array<i32>} : memref<314x80xf32, #tpu.memory_space<vmem>>, vector<16xf32>,
        %get3A_147 = arith.index_cast %squeeze3A_60 : i32 to index
        %get3A_148 = arith.constant 32 : index
        %get3A_149 = tpu.vector_load %arg10[%get3A_147, %get3A_148] {strides = array<i32>} : memref<314x80xf32, #tpu.memory_space<vmem>>, vector<16xf32>,
        %max3A_150 = arith.maximumf %get3A_149, %get3A_124 : vector<16xf32>
        %swap3A_151 = arith.index_cast %squeeze3A_60 : i32 to index
        %swap3A_152 = arith.constant 32 : index
        %swap3A_153 = tpu.vector_load %arg10[%swap3A_151, %swap3A_152] {strides = array<i32>} : memref<314x80xf32, #tpu.memory_space<vmem>>, vector<16xf32>,
        tpu.vector_store %arg10[%swap3A_151, %swap3A_152], %max3A_150 {strides = array<i32>} : memref<314x80xf32, #tpu.memory_space<vmem>>, vector<16xf32>,
        %get3A_154 = arith.index_cast %scan3A_56 : i32 to index
        %get3A_155 = arith.constant 48 : index
        %get3A_156 = tpu.vector_load %arg11[%get3A_154, %get3A_155] {strides = array<i32>} : memref<128x80xf32, #tpu.memory_space<vmem>>, vector<16xf32>,
        %get3A_157 = arith.index_cast %squeeze3A_60 : i32 to index
        %get3A_158 = arith.constant 48 : index
        %get3A_159 = tpu.vector_load %arg7[%get3A_157, %get3A_158] {strides = array<i32>} : memref<314x80xf32, #tpu.memory_space<vmem>>, vector<16xf32>,
        %add3A_160 = arith.addf %get3A_159, %get3A_156 : vector<16xf32>
        %swap3A_161 = arith.index_cast %squeeze3A_60 : i32 to index
        %swap3A_162 = arith.constant 48 : index
        %swap3A_163 = tpu.vector_load %arg7[%swap3A_161, %swap3A_162] {strides = array<i32>} : memref<314x80xf32, #tpu.memory_space<vmem>>, vector<16xf32>,
        tpu.vector_store %arg7[%swap3A_161, %swap3A_162], %add3A_160 {strides = array<i32>} : memref<314x80xf32, #tpu.memory_space<vmem>>, vector<16xf32>,
        %get3A_164 = arith.index_cast %squeeze3A_60 : i32 to index
        %get3A_165 = arith.constant 48 : index
        %get3A_166 = tpu.vector_load %arg8[%get3A_164, %get3A_165] {strides = array<i32>} : memref<314x80xf32, #tpu.memory_space<vmem>>, vector<16xf32>,
        %mul3A_167 = arith.mulf %get3A_156, %get3A_156 : vector<16xf32>
        %add3A_168 = arith.addf %get3A_166, %mul3A_167 : vector<16xf32>
        %swap3A_169 = arith.index_cast %squeeze3A_60 : i32 to index
        %swap3A_170 = arith.constant 48 : index
        %swap3A_171 = tpu.vector_load %arg8[%swap3A_169, %swap3A_170] {strides = array<i32>} : memref<314x80xf32, #tpu.memory_space<vmem>>, vector<16xf32>,
        tpu.vector_store %arg8[%swap3A_169, %swap3A_170], %add3A_168 {strides = array<i32>} : memref<314x80xf32, #tpu.memory_space<vmem>>, vector<16xf32>,
        %get3A_172 = arith.index_cast %squeeze3A_60 : i32 to index
        %get3A_173 = arith.constant 48 : index
        %get3A_174 = tpu.vector_load %arg9[%get3A_172, %get3A_173] {strides = array<i32>} : memref<314x80xf32, #tpu.memory_space<vmem>>, vector<16xf32>,
        %min3A_175 = arith.minimumf %get3A_174, %get3A_156 : vector<16xf32>
        %swap3A_176 = arith.index_cast %squeeze3A_60 : i32 to index
        %swap3A_177 = arith.constant 48 : index
        %swap3A_178 = tpu.vector_load %arg9[%swap3A_176, %swap3A_177] {strides = array<i32>} : memref<314x80xf32, #tpu.memory_space<vmem>>, vector<16xf32>,
        tpu.vector_store %arg9[%swap3A_176, %swap3A_177], %min3A_175 {strides = array<i32>} : memref<314x80xf32, #tpu.memory_space<vmem>>, vector<16xf32>,
        %get3A_179 = arith.index_cast %squeeze3A_60 : i32 to index
        %get3A_180 = arith.constant 48 : index
        %get3A_181 = tpu.vector_load %arg10[%get3A_179, %get3A_180] {strides = array<i32>} : memref<314x80xf32, #tpu.memory_space<vmem>>, vector<16xf32>,
        %max3A_182 = arith.maximumf %get3A_181, %get3A_156 : vector<16xf32>
        %swap3A_183 = arith.index_cast %squeeze3A_60 : i32 to index
        %swap3A_184 = arith.constant 48 : index
        %swap3A_185 = tpu.vector_load %arg10[%swap3A_183, %swap3A_184] {strides = array<i32>} : memref<314x80xf32, #tpu.memory_space<vmem>>, vector<16xf32>,
        tpu.vector_store %arg10[%swap3A_183, %swap3A_184], %max3A_182 {strides = array<i32>} : memref<314x80xf32, #tpu.memory_space<vmem>>, vector<16xf32>,
        %get3A_186 = arith.index_cast %scan3A_56 : i32 to index
        %get3A_187 = arith.constant 64 : index
        %get3A_188 = tpu.vector_load %arg11[%get3A_186, %get3A_187] {strides = array<i32>} : memref<128x80xf32, #tpu.memory_space<vmem>>, vector<16xf32>,
        %get3A_189 = arith.index_cast %squeeze3A_60 : i32 to index
        %get3A_190 = arith.constant 64 : index
        %get3A_191 = tpu.vector_load %arg7[%get3A_189, %get3A_190] {strides = array<i32>} : memref<314x80xf32, #tpu.memory_space<vmem>>, vector<16xf32>,
        %add3A_192 = arith.addf %get3A_191, %get3A_188 : vector<16xf32>
        %swap3A_193 = arith.index_cast %squeeze3A_60 : i32 to index
        %swap3A_194 = arith.constant 64 : index
        %swap3A_195 = tpu.vector_load %arg7[%swap3A_193, %swap3A_194] {strides = array<i32>} : memref<314x80xf32, #tpu.memory_space<vmem>>, vector<16xf32>,
        tpu.vector_store %arg7[%swap3A_193, %swap3A_194], %add3A_192 {strides = array<i32>} : memref<314x80xf32, #tpu.memory_space<vmem>>, vector<16xf32>,
        %get3A_196 = arith.index_cast %squeeze3A_60 : i32 to index
        %get3A_197 = arith.constant 64 : index
        %get3A_198 = tpu.vector_load %arg8[%get3A_196, %get3A_197] {strides = array<i32>} : memref<314x80xf32, #tpu.memory_space<vmem>>, vector<16xf32>,
        %mul3A_199 = arith.mulf %get3A_188, %get3A_188 : vector<16xf32>
        %add3A_200 = arith.addf %get3A_198, %mul3A_199 : vector<16xf32>
        %swap3A_201 = arith.index_cast %squeeze3A_60 : i32 to index
        %swap3A_202 = arith.constant 64 : index
        %swap3A_203 = tpu.vector_load %arg8[%swap3A_201, %swap3A_202] {strides = array<i32>} : memref<314x80xf32, #tpu.memory_space<vmem>>, vector<16xf32>,
        tpu.vector_store %arg8[%swap3A_201, %swap3A_202], %add3A_200 {strides = array<i32>} : memref<314x80xf32, #tpu.memory_space<vmem>>, vector<16xf32>,
        %get3A_204 = arith.index_cast %squeeze3A_60 : i32 to index
        %get3A_205 = arith.constant 64 : index
        %get3A_206 = tpu.vector_load %arg9[%get3A_204, %get3A_205] {strides = array<i32>} : memref<314x80xf32, #tpu.memory_space<vmem>>, vector<16xf32>,
        %min3A_207 = arith.minimumf %get3A_206, %get3A_188 : vector<16xf32>
        %swap3A_208 = arith.index_cast %squeeze3A_60 : i32 to index
        %swap3A_209 = arith.constant 64 : index
        %swap3A_210 = tpu.vector_load %arg9[%swap3A_208, %swap3A_209] {strides = array<i32>} : memref<314x80xf32, #tpu.memory_space<vmem>>, vector<16xf32>,
        tpu.vector_store %arg9[%swap3A_208, %swap3A_209], %min3A_207 {strides = array<i32>} : memref<314x80xf32, #tpu.memory_space<vmem>>, vector<16xf32>,
        %get3A_211 = arith.index_cast %squeeze3A_60 : i32 to index
        %get3A_212 = arith.constant 64 : index
        %get3A_213 = tpu.vector_load %arg10[%get3A_211, %get3A_212] {strides = array<i32>} : memref<314x80xf32, #tpu.memory_space<vmem>>, vector<16xf32>,
        %max3A_214 = arith.maximumf %get3A_213, %get3A_188 : vector<16xf32>
        %swap3A_215 = arith.index_cast %squeeze3A_60 : i32 to index
        %swap3A_216 = arith.constant 64 : index
        %swap3A_217 = tpu.vector_load %arg10[%swap3A_215, %swap3A_216] {strides = array<i32>} : memref<314x80xf32, #tpu.memory_space<vmem>>, vector<16xf32>,
        tpu.vector_store %arg10[%swap3A_215, %swap3A_216], %max3A_214 {strides = array<i32>} : memref<314x80xf32, #tpu.memory_space<vmem>>, vector<16xf32>,
      }
      %scan3A_55 = arith.constant 128 : i32
    }
    %while3A_38 = arith.constant 1 : i32
    scf.for %while3A_42 = %while3A_36 to %while3A_32 step %while3A_38  : i32 {
      %mul3A_43 = arith.constant 128 : i32
      %mul3A_44 = arith.muli %while3A_42, %mul3A_43 : i32
      %multiple_of3A = tpu.assume_multiple %mul3A_44, 8 : i32
      "tpu.region"() ({
        %run_scoped3A_56 = tpu.sem_alloc : memref<!tpu.dma_semaphore, #tpu.memory_space<semaphore_mem>>
        %dma_start3A_57 = tpu.memref_slice %arg3[%add3A, %multiple_of3A] : memref<32x655360xi32, #tpu.memory_space<hbm>> -> memref<1x128xi32, #tpu.memory_space<hbm>>
        %dma_start3A_58 = tpu.memref_squeeze %dma_start3A_57 : memref<1x128xi32, #tpu.memory_space<hbm>> -> memref<128xi32, #tpu.memory_space<hbm>>
        %dma_start3A_59 = tpu.memref_slice %arg3[%add3A, %multiple_of3A] : memref<32x655360xi32, #tpu.memory_space<hbm>> -> memref<1x128xi32, #tpu.memory_space<hbm>>
        %dma_start3A_60 = tpu.memref_squeeze %dma_start3A_59 : memref<1x128xi32, #tpu.memory_space<hbm>> -> memref<128xi32, #tpu.memory_space<hbm>>
        tpu.enqueue_dma source(%dma_start3A_60 : memref<128xi32, #tpu.memory_space<hbm>>) target(%arg12 : memref<128xi32, #tpu.memory_space<vmem>>) target_semaphore(%run_scoped3A_56 : memref<!tpu.dma_semaphore, #tpu.memory_space<semaphore_mem>>)
        %dma_wait3A_61 = tpu.memref_slice %arg3[%add3A, %multiple_of3A] : memref<32x655360xi32, #tpu.memory_space<hbm>> -> memref<1x128xi32, #tpu.memory_space<hbm>>
        %dma_wait3A_62 = tpu.memref_squeeze %dma_wait3A_61 : memref<1x128xi32, #tpu.memory_space<hbm>> -> memref<128xi32, #tpu.memory_space<hbm>>
        %dma_wait3A_63 = tpu.memref_slice %arg3[%add3A, %multiple_of3A] : memref<32x655360xi32, #tpu.memory_space<hbm>> -> memref<1x128xi32, #tpu.memory_space<hbm>>
        %dma_wait3A_64 = tpu.memref_squeeze %dma_wait3A_63 : memref<1x128xi32, #tpu.memory_space<hbm>> -> memref<128xi32, #tpu.memory_space<hbm>>
        tpu.wait_dma2 semaphore(%run_scoped3A_56 : memref<!tpu.dma_semaphore, #tpu.memory_space<semaphore_mem>>) src(%dma_wait3A_64 : memref<128xi32, #tpu.memory_space<hbm>>) dst(%arg12 : memref<128xi32, #tpu.memory_space<vmem>>)
        tpu.yield
      }) : () -> ()
      %multiple_of3A_45 = tpu.assume_multiple %mul3A_44, 8 : i32
      "tpu.region"() ({
        %run_scoped3A_56 = tpu.sem_alloc : memref<!tpu.dma_semaphore, #tpu.memory_space<semaphore_mem>>
        %dma_start3A_57 = arith.constant 0 : i32
        %dma_start3A_58 = tpu.memref_slice %arg13[%dma_start3A_57] : memref<144xi32, #tpu.memory_space<vmem>> -> memref<128xi32, #tpu.memory_space<vmem>>
        %dma_start3A_59 = tpu.memref_slice %arg4[%add3A, %multiple_of3A_45] : memref<32x655360xi32, #tpu.memory_space<hbm>> -> memref<1x128xi32, #tpu.memory_space<hbm>>
        %dma_start3A_60 = tpu.memref_squeeze %dma_start3A_59 : memref<1x128xi32, #tpu.memory_space<hbm>> -> memref<128xi32, #tpu.memory_space<hbm>>
        %dma_start3A_61 = arith.constant 0 : i32
        %dma_start3A_62 = tpu.memref_slice %arg13[%dma_start3A_61] : memref<144xi32, #tpu.memory_space<vmem>> -> memref<128xi32, #tpu.memory_space<vmem>>
        %dma_start3A_63 = tpu.memref_slice %arg4[%add3A, %multiple_of3A_45] : memref<32x655360xi32, #tpu.memory_space<hbm>> -> memref<1x128xi32, #tpu.memory_space<hbm>>
        %dma_start3A_64 = tpu.memref_squeeze %dma_start3A_63 : memref<1x128xi32, #tpu.memory_space<hbm>> -> memref<128xi32, #tpu.memory_space<hbm>>
        tpu.enqueue_dma source(%dma_start3A_64 : memref<128xi32, #tpu.memory_space<hbm>>) target(%dma_start3A_62 : memref<128xi32, #tpu.memory_space<vmem>>) target_semaphore(%run_scoped3A_56 : memref<!tpu.dma_semaphore, #tpu.memory_space<semaphore_mem>>)
        %dma_wait3A_65 = arith.constant 0 : i32
        %dma_wait3A_66 = tpu.memref_slice %arg13[%dma_wait3A_65] : memref<144xi32, #tpu.memory_space<vmem>> -> memref<128xi32, #tpu.memory_space<vmem>>
        %dma_wait3A_67 = tpu.memref_slice %arg4[%add3A, %multiple_of3A_45] : memref<32x655360xi32, #tpu.memory_space<hbm>> -> memref<1x128xi32, #tpu.memory_space<hbm>>
        %dma_wait3A_68 = tpu.memref_squeeze %dma_wait3A_67 : memref<1x128xi32, #tpu.memory_space<hbm>> -> memref<128xi32, #tpu.memory_space<hbm>>
        %dma_wait3A_69 = arith.constant 0 : i32
        %dma_wait3A_70 = tpu.memref_slice %arg13[%dma_wait3A_69] : memref<144xi32, #tpu.memory_space<vmem>> -> memref<128xi32, #tpu.memory_space<vmem>>
        %dma_wait3A_71 = tpu.memref_slice %arg4[%add3A, %multiple_of3A_45] : memref<32x655360xi32, #tpu.memory_space<hbm>> -> memref<1x128xi32, #tpu.memory_space<hbm>>
        %dma_wait3A_72 = tpu.memref_squeeze %dma_wait3A_71 : memref<1x128xi32, #tpu.memory_space<hbm>> -> memref<128xi32, #tpu.memory_space<hbm>>
        tpu.wait_dma2 semaphore(%run_scoped3A_56 : memref<!tpu.dma_semaphore, #tpu.memory_space<semaphore_mem>>) src(%dma_wait3A_72 : memref<128xi32, #tpu.memory_space<hbm>>) dst(%dma_wait3A_70 : memref<128xi32, #tpu.memory_space<vmem>>)
        tpu.yield
      }) : () -> ()
      %dma_start3A = arith.constant 0 : i32
      %dma_start3A_46 = arith.constant 0 : i32
      %dma_start3A_47 = tpu.memref_slice %arg2[%dma_start3A, %dma_start3A_46] : memref<10000x80xf32, #tpu.memory_space<hbm>> -> memref<10000x80xf32, #tpu.memory_space<hbm>>
      tpu.enqueue_indirect_dma source(%dma_start3A_47 : memref<10000x80xf32, #tpu.memory_space<hbm>>) target(%arg11 : memref<128x80xf32, #tpu.memory_space<vmem>>) offsets(%arg12 : memref<128xi32, #tpu.memory_space<vmem>>) semaphore(%arg15 : memref<!tpu.dma_semaphore, #tpu.memory_space<semaphore_mem>>)
      %dma_wait3A = arith.constant 0 : i32
      %dma_wait3A_48 = arith.constant 0 : i32
      %dma_wait3A_49 = tpu.memref_slice %arg2[%dma_wait3A, %dma_wait3A_48] : memref<10000x80xf32, #tpu.memory_space<hbm>> -> memref<10000x80xf32, #tpu.memory_space<hbm>>
      tpu.wait_indirect_dma semaphore(%arg15 : memref<!tpu.dma_semaphore, #tpu.memory_space<semaphore_mem>>) src(%dma_wait3A_49 : memref<10000x80xf32, #tpu.memory_space<hbm>>) dst(%arg11 : memref<128x80xf32, #tpu.memory_space<vmem>>)
      %scan3A_50 = arith.constant 0 : i32
      %scan3A_51 = arith.constant 0 : i32
      %scan3A_52 = arith.constant 128 : i32
      %scan3A_53 = arith.addi %scan3A_51, %scan3A_52 : i32
      %scan3A_54 = arith.constant 1 : i32
      scf.for %scan3A_56 = %scan3A_51 to %scan3A_53 step %scan3A_54  : i32 {
        %get3A_57 = arith.index_cast %scan3A_56 : i32 to index
        %get3A_58 = tpu.vector_load %arg13[%get3A_57] {strides = array<i32>} : memref<144xi32, #tpu.memory_space<vmem>>, vector<16xi32>,
        %slice3A_59 = vector.extract_strided_slice %get3A_58 {offsets = [0], sizes = [1], strides = [1]} : vector<16xi32> to vector<1xi32>
        %squeeze3A_60 = vector.extract %slice3A_59[0] : i32 from vector<1xi32>
        %get3A_61 = arith.index_cast %scan3A_56 : i32 to index
        %get3A_62 = arith.constant 0 : index
        %get3A_63 = tpu.vector_load %arg11[%get3A_61, %get3A_62] {strides = array<i32>} : memref<128x80xf32, #tpu.memory_space<vmem>>, vector<16xf32>,
        %get3A_64 = arith.index_cast %squeeze3A_60 : i32 to index
        %get3A_65 = arith.constant 0 : index
        %get3A_66 = tpu.vector_load %arg7[%get3A_64, %get3A_65] {strides = array<i32>} : memref<314x80xf32, #tpu.memory_space<vmem>>, vector<16xf32>,
        %add3A_67 = arith.addf %get3A_66, %get3A_63 : vector<16xf32>
        %swap3A = arith.index_cast %squeeze3A_60 : i32 to index
        %swap3A_68 = arith.constant 0 : index
        %swap3A_69 = tpu.vector_load %arg7[%swap3A, %swap3A_68] {strides = array<i32>} : memref<314x80xf32, #tpu.memory_space<vmem>>, vector<16xf32>,
        tpu.vector_store %arg7[%swap3A, %swap3A_68], %add3A_67 {strides = array<i32>} : memref<314x80xf32, #tpu.memory_space<vmem>>, vector<16xf32>,
        %get3A_70 = arith.index_cast %squeeze3A_60 : i32 to index
        %get3A_71 = arith.constant 0 : index
        %get3A_72 = tpu.vector_load %arg8[%get3A_70, %get3A_71] {strides = array<i32>} : memref<314x80xf32, #tpu.memory_space<vmem>>, vector<16xf32>,
        %mul3A_73 = arith.mulf %get3A_63, %get3A_63 : vector<16xf32>
        %add3A_74 = arith.addf %get3A_72, %mul3A_73 : vector<16xf32>
        %swap3A_75 = arith.index_cast %squeeze3A_60 : i32 to index
        %swap3A_76 = arith.constant 0 : index
        %swap3A_77 = tpu.vector_load %arg8[%swap3A_75, %swap3A_76] {strides = array<i32>} : memref<314x80xf32, #tpu.memory_space<vmem>>, vector<16xf32>,
        tpu.vector_store %arg8[%swap3A_75, %swap3A_76], %add3A_74 {strides = array<i32>} : memref<314x80xf32, #tpu.memory_space<vmem>>, vector<16xf32>,
        %get3A_78 = arith.index_cast %squeeze3A_60 : i32 to index
        %get3A_79 = arith.constant 0 : index
        %get3A_80 = tpu.vector_load %arg9[%get3A_78, %get3A_79] {strides = array<i32>} : memref<314x80xf32, #tpu.memory_space<vmem>>, vector<16xf32>,
        %min3A = arith.minimumf %get3A_80, %get3A_63 : vector<16xf32>
        %swap3A_81 = arith.index_cast %squeeze3A_60 : i32 to index
        %swap3A_82 = arith.constant 0 : index
        %swap3A_83 = tpu.vector_load %arg9[%swap3A_81, %swap3A_82] {strides = array<i32>} : memref<314x80xf32, #tpu.memory_space<vmem>>, vector<16xf32>,
        tpu.vector_store %arg9[%swap3A_81, %swap3A_82], %min3A {strides = array<i32>} : memref<314x80xf32, #tpu.memory_space<vmem>>, vector<16xf32>,
        %get3A_84 = arith.index_cast %squeeze3A_60 : i32 to index
        %get3A_85 = arith.constant 0 : index
        %get3A_86 = tpu.vector_load %arg10[%get3A_84, %get3A_85] {strides = array<i32>} : memref<314x80xf32, #tpu.memory_space<vmem>>, vector<16xf32>,
        %max3A = arith.maximumf %get3A_86, %get3A_63 : vector<16xf32>
        %swap3A_87 = arith.index_cast %squeeze3A_60 : i32 to index
        %swap3A_88 = arith.constant 0 : index
        %swap3A_89 = tpu.vector_load %arg10[%swap3A_87, %swap3A_88] {strides = array<i32>} : memref<314x80xf32, #tpu.memory_space<vmem>>, vector<16xf32>,
        tpu.vector_store %arg10[%swap3A_87, %swap3A_88], %max3A {strides = array<i32>} : memref<314x80xf32, #tpu.memory_space<vmem>>, vector<16xf32>,
        %get3A_90 = arith.index_cast %scan3A_56 : i32 to index
        %get3A_91 = arith.constant 16 : index
        %get3A_92 = tpu.vector_load %arg11[%get3A_90, %get3A_91] {strides = array<i32>} : memref<128x80xf32, #tpu.memory_space<vmem>>, vector<16xf32>,
        %get3A_93 = arith.index_cast %squeeze3A_60 : i32 to index
        %get3A_94 = arith.constant 16 : index
        %get3A_95 = tpu.vector_load %arg7[%get3A_93, %get3A_94] {strides = array<i32>} : memref<314x80xf32, #tpu.memory_space<vmem>>, vector<16xf32>,
        %add3A_96 = arith.addf %get3A_95, %get3A_92 : vector<16xf32>
        %swap3A_97 = arith.index_cast %squeeze3A_60 : i32 to index
        %swap3A_98 = arith.constant 16 : index
        %swap3A_99 = tpu.vector_load %arg7[%swap3A_97, %swap3A_98] {strides = array<i32>} : memref<314x80xf32, #tpu.memory_space<vmem>>, vector<16xf32>,
        tpu.vector_store %arg7[%swap3A_97, %swap3A_98], %add3A_96 {strides = array<i32>} : memref<314x80xf32, #tpu.memory_space<vmem>>, vector<16xf32>,
        %get3A_100 = arith.index_cast %squeeze3A_60 : i32 to index
        %get3A_101 = arith.constant 16 : index
        %get3A_102 = tpu.vector_load %arg8[%get3A_100, %get3A_101] {strides = array<i32>} : memref<314x80xf32, #tpu.memory_space<vmem>>, vector<16xf32>,
        %mul3A_103 = arith.mulf %get3A_92, %get3A_92 : vector<16xf32>
        %add3A_104 = arith.addf %get3A_102, %mul3A_103 : vector<16xf32>
        %swap3A_105 = arith.index_cast %squeeze3A_60 : i32 to index
        %swap3A_106 = arith.constant 16 : index
        %swap3A_107 = tpu.vector_load %arg8[%swap3A_105, %swap3A_106] {strides = array<i32>} : memref<314x80xf32, #tpu.memory_space<vmem>>, vector<16xf32>,
        tpu.vector_store %arg8[%swap3A_105, %swap3A_106], %add3A_104 {strides = array<i32>} : memref<314x80xf32, #tpu.memory_space<vmem>>, vector<16xf32>,
        %get3A_108 = arith.index_cast %squeeze3A_60 : i32 to index
        %get3A_109 = arith.constant 16 : index
        %get3A_110 = tpu.vector_load %arg9[%get3A_108, %get3A_109] {strides = array<i32>} : memref<314x80xf32, #tpu.memory_space<vmem>>, vector<16xf32>,
        %min3A_111 = arith.minimumf %get3A_110, %get3A_92 : vector<16xf32>
        %swap3A_112 = arith.index_cast %squeeze3A_60 : i32 to index
        %swap3A_113 = arith.constant 16 : index
        %swap3A_114 = tpu.vector_load %arg9[%swap3A_112, %swap3A_113] {strides = array<i32>} : memref<314x80xf32, #tpu.memory_space<vmem>>, vector<16xf32>,
        tpu.vector_store %arg9[%swap3A_112, %swap3A_113], %min3A_111 {strides = array<i32>} : memref<314x80xf32, #tpu.memory_space<vmem>>, vector<16xf32>,
        %get3A_115 = arith.index_cast %squeeze3A_60 : i32 to index
        %get3A_116 = arith.constant 16 : index
        %get3A_117 = tpu.vector_load %arg10[%get3A_115, %get3A_116] {strides = array<i32>} : memref<314x80xf32, #tpu.memory_space<vmem>>, vector<16xf32>,
        %max3A_118 = arith.maximumf %get3A_117, %get3A_92 : vector<16xf32>
        %swap3A_119 = arith.index_cast %squeeze3A_60 : i32 to index
        %swap3A_120 = arith.constant 16 : index
        %swap3A_121 = tpu.vector_load %arg10[%swap3A_119, %swap3A_120] {strides = array<i32>} : memref<314x80xf32, #tpu.memory_space<vmem>>, vector<16xf32>,
        tpu.vector_store %arg10[%swap3A_119, %swap3A_120], %max3A_118 {strides = array<i32>} : memref<314x80xf32, #tpu.memory_space<vmem>>, vector<16xf32>,
        %get3A_122 = arith.index_cast %scan3A_56 : i32 to index
        %get3A_123 = arith.constant 32 : index
        %get3A_124 = tpu.vector_load %arg11[%get3A_122, %get3A_123] {strides = array<i32>} : memref<128x80xf32, #tpu.memory_space<vmem>>, vector<16xf32>,
        %get3A_125 = arith.index_cast %squeeze3A_60 : i32 to index
        %get3A_126 = arith.constant 32 : index
        %get3A_127 = tpu.vector_load %arg7[%get3A_125, %get3A_126] {strides = array<i32>} : memref<314x80xf32, #tpu.memory_space<vmem>>, vector<16xf32>,
        %add3A_128 = arith.addf %get3A_127, %get3A_124 : vector<16xf32>
        %swap3A_129 = arith.index_cast %squeeze3A_60 : i32 to index
        %swap3A_130 = arith.constant 32 : index
        %swap3A_131 = tpu.vector_load %arg7[%swap3A_129, %swap3A_130] {strides = array<i32>} : memref<314x80xf32, #tpu.memory_space<vmem>>, vector<16xf32>,
        tpu.vector_store %arg7[%swap3A_129, %swap3A_130], %add3A_128 {strides = array<i32>} : memref<314x80xf32, #tpu.memory_space<vmem>>, vector<16xf32>,
        %get3A_132 = arith.index_cast %squeeze3A_60 : i32 to index
        %get3A_133 = arith.constant 32 : index
        %get3A_134 = tpu.vector_load %arg8[%get3A_132, %get3A_133] {strides = array<i32>} : memref<314x80xf32, #tpu.memory_space<vmem>>, vector<16xf32>,
        %mul3A_135 = arith.mulf %get3A_124, %get3A_124 : vector<16xf32>
        %add3A_136 = arith.addf %get3A_134, %mul3A_135 : vector<16xf32>
        %swap3A_137 = arith.index_cast %squeeze3A_60 : i32 to index
        %swap3A_138 = arith.constant 32 : index
        %swap3A_139 = tpu.vector_load %arg8[%swap3A_137, %swap3A_138] {strides = array<i32>} : memref<314x80xf32, #tpu.memory_space<vmem>>, vector<16xf32>,
        tpu.vector_store %arg8[%swap3A_137, %swap3A_138], %add3A_136 {strides = array<i32>} : memref<314x80xf32, #tpu.memory_space<vmem>>, vector<16xf32>,
        %get3A_140 = arith.index_cast %squeeze3A_60 : i32 to index
        %get3A_141 = arith.constant 32 : index
        %get3A_142 = tpu.vector_load %arg9[%get3A_140, %get3A_141] {strides = array<i32>} : memref<314x80xf32, #tpu.memory_space<vmem>>, vector<16xf32>,
        %min3A_143 = arith.minimumf %get3A_142, %get3A_124 : vector<16xf32>
        %swap3A_144 = arith.index_cast %squeeze3A_60 : i32 to index
        %swap3A_145 = arith.constant 32 : index
        %swap3A_146 = tpu.vector_load %arg9[%swap3A_144, %swap3A_145] {strides = array<i32>} : memref<314x80xf32, #tpu.memory_space<vmem>>, vector<16xf32>,
        tpu.vector_store %arg9[%swap3A_144, %swap3A_145], %min3A_143 {strides = array<i32>} : memref<314x80xf32, #tpu.memory_space<vmem>>, vector<16xf32>,
        %get3A_147 = arith.index_cast %squeeze3A_60 : i32 to index
        %get3A_148 = arith.constant 32 : index
        %get3A_149 = tpu.vector_load %arg10[%get3A_147, %get3A_148] {strides = array<i32>} : memref<314x80xf32, #tpu.memory_space<vmem>>, vector<16xf32>,
        %max3A_150 = arith.maximumf %get3A_149, %get3A_124 : vector<16xf32>
        %swap3A_151 = arith.index_cast %squeeze3A_60 : i32 to index
        %swap3A_152 = arith.constant 32 : index
        %swap3A_153 = tpu.vector_load %arg10[%swap3A_151, %swap3A_152] {strides = array<i32>} : memref<314x80xf32, #tpu.memory_space<vmem>>, vector<16xf32>,
        tpu.vector_store %arg10[%swap3A_151, %swap3A_152], %max3A_150 {strides = array<i32>} : memref<314x80xf32, #tpu.memory_space<vmem>>, vector<16xf32>,
        %get3A_154 = arith.index_cast %scan3A_56 : i32 to index
        %get3A_155 = arith.constant 48 : index
        %get3A_156 = tpu.vector_load %arg11[%get3A_154, %get3A_155] {strides = array<i32>} : memref<128x80xf32, #tpu.memory_space<vmem>>, vector<16xf32>,
        %get3A_157 = arith.index_cast %squeeze3A_60 : i32 to index
        %get3A_158 = arith.constant 48 : index
        %get3A_159 = tpu.vector_load %arg7[%get3A_157, %get3A_158] {strides = array<i32>} : memref<314x80xf32, #tpu.memory_space<vmem>>, vector<16xf32>,
        %add3A_160 = arith.addf %get3A_159, %get3A_156 : vector<16xf32>
        %swap3A_161 = arith.index_cast %squeeze3A_60 : i32 to index
        %swap3A_162 = arith.constant 48 : index
        %swap3A_163 = tpu.vector_load %arg7[%swap3A_161, %swap3A_162] {strides = array<i32>} : memref<314x80xf32, #tpu.memory_space<vmem>>, vector<16xf32>,
        tpu.vector_store %arg7[%swap3A_161, %swap3A_162], %add3A_160 {strides = array<i32>} : memref<314x80xf32, #tpu.memory_space<vmem>>, vector<16xf32>,
        %get3A_164 = arith.index_cast %squeeze3A_60 : i32 to index
        %get3A_165 = arith.constant 48 : index
        %get3A_166 = tpu.vector_load %arg8[%get3A_164, %get3A_165] {strides = array<i32>} : memref<314x80xf32, #tpu.memory_space<vmem>>, vector<16xf32>,
        %mul3A_167 = arith.mulf %get3A_156, %get3A_156 : vector<16xf32>
        %add3A_168 = arith.addf %get3A_166, %mul3A_167 : vector<16xf32>
        %swap3A_169 = arith.index_cast %squeeze3A_60 : i32 to index
        %swap3A_170 = arith.constant 48 : index
        %swap3A_171 = tpu.vector_load %arg8[%swap3A_169, %swap3A_170] {strides = array<i32>} : memref<314x80xf32, #tpu.memory_space<vmem>>, vector<16xf32>,
        tpu.vector_store %arg8[%swap3A_169, %swap3A_170], %add3A_168 {strides = array<i32>} : memref<314x80xf32, #tpu.memory_space<vmem>>, vector<16xf32>,
        %get3A_172 = arith.index_cast %squeeze3A_60 : i32 to index
        %get3A_173 = arith.constant 48 : index
        %get3A_174 = tpu.vector_load %arg9[%get3A_172, %get3A_173] {strides = array<i32>} : memref<314x80xf32, #tpu.memory_space<vmem>>, vector<16xf32>,
        %min3A_175 = arith.minimumf %get3A_174, %get3A_156 : vector<16xf32>
        %swap3A_176 = arith.index_cast %squeeze3A_60 : i32 to index
        %swap3A_177 = arith.constant 48 : index
        %swap3A_178 = tpu.vector_load %arg9[%swap3A_176, %swap3A_177] {strides = array<i32>} : memref<314x80xf32, #tpu.memory_space<vmem>>, vector<16xf32>,
        tpu.vector_store %arg9[%swap3A_176, %swap3A_177], %min3A_175 {strides = array<i32>} : memref<314x80xf32, #tpu.memory_space<vmem>>, vector<16xf32>,
        %get3A_179 = arith.index_cast %squeeze3A_60 : i32 to index
        %get3A_180 = arith.constant 48 : index
        %get3A_181 = tpu.vector_load %arg10[%get3A_179, %get3A_180] {strides = array<i32>} : memref<314x80xf32, #tpu.memory_space<vmem>>, vector<16xf32>,
        %max3A_182 = arith.maximumf %get3A_181, %get3A_156 : vector<16xf32>
        %swap3A_183 = arith.index_cast %squeeze3A_60 : i32 to index
        %swap3A_184 = arith.constant 48 : index
        %swap3A_185 = tpu.vector_load %arg10[%swap3A_183, %swap3A_184] {strides = array<i32>} : memref<314x80xf32, #tpu.memory_space<vmem>>, vector<16xf32>,
        tpu.vector_store %arg10[%swap3A_183, %swap3A_184], %max3A_182 {strides = array<i32>} : memref<314x80xf32, #tpu.memory_space<vmem>>, vector<16xf32>,
        %get3A_186 = arith.index_cast %scan3A_56 : i32 to index
        %get3A_187 = arith.constant 64 : index
        %get3A_188 = tpu.vector_load %arg11[%get3A_186, %get3A_187] {strides = array<i32>} : memref<128x80xf32, #tpu.memory_space<vmem>>, vector<16xf32>,
        %get3A_189 = arith.index_cast %squeeze3A_60 : i32 to index
        %get3A_190 = arith.constant 64 : index
        %get3A_191 = tpu.vector_load %arg7[%get3A_189, %get3A_190] {strides = array<i32>} : memref<314x80xf32, #tpu.memory_space<vmem>>, vector<16xf32>,
        %add3A_192 = arith.addf %get3A_191, %get3A_188 : vector<16xf32>
        %swap3A_193 = arith.index_cast %squeeze3A_60 : i32 to index
        %swap3A_194 = arith.constant 64 : index
        %swap3A_195 = tpu.vector_load %arg7[%swap3A_193, %swap3A_194] {strides = array<i32>} : memref<314x80xf32, #tpu.memory_space<vmem>>, vector<16xf32>,
        tpu.vector_store %arg7[%swap3A_193, %swap3A_194], %add3A_192 {strides = array<i32>} : memref<314x80xf32, #tpu.memory_space<vmem>>, vector<16xf32>,
        %get3A_196 = arith.index_cast %squeeze3A_60 : i32 to index
        %get3A_197 = arith.constant 64 : index
        %get3A_198 = tpu.vector_load %arg8[%get3A_196, %get3A_197] {strides = array<i32>} : memref<314x80xf32, #tpu.memory_space<vmem>>, vector<16xf32>,
        %mul3A_199 = arith.mulf %get3A_188, %get3A_188 : vector<16xf32>
        %add3A_200 = arith.addf %get3A_198, %mul3A_199 : vector<16xf32>
        %swap3A_201 = arith.index_cast %squeeze3A_60 : i32 to index
        %swap3A_202 = arith.constant 64 : index
        %swap3A_203 = tpu.vector_load %arg8[%swap3A_201, %swap3A_202] {strides = array<i32>} : memref<314x80xf32, #tpu.memory_space<vmem>>, vector<16xf32>,
        tpu.vector_store %arg8[%swap3A_201, %swap3A_202], %add3A_200 {strides = array<i32>} : memref<314x80xf32, #tpu.memory_space<vmem>>, vector<16xf32>,
        %get3A_204 = arith.index_cast %squeeze3A_60 : i32 to index
        %get3A_205 = arith.constant 64 : index
        %get3A_206 = tpu.vector_load %arg9[%get3A_204, %get3A_205] {strides = array<i32>} : memref<314x80xf32, #tpu.memory_space<vmem>>, vector<16xf32>,
        %min3A_207 = arith.minimumf %get3A_206, %get3A_188 : vector<16xf32>
        %swap3A_208 = arith.index_cast %squeeze3A_60 : i32 to index
        %swap3A_209 = arith.constant 64 : index
        %swap3A_210 = tpu.vector_load %arg9[%swap3A_208, %swap3A_209] {strides = array<i32>} : memref<314x80xf32, #tpu.memory_space<vmem>>, vector<16xf32>,
        tpu.vector_store %arg9[%swap3A_208, %swap3A_209], %min3A_207 {strides = array<i32>} : memref<314x80xf32, #tpu.memory_space<vmem>>, vector<16xf32>,
        %get3A_211 = arith.index_cast %squeeze3A_60 : i32 to index
        %get3A_212 = arith.constant 64 : index
        %get3A_213 = tpu.vector_load %arg10[%get3A_211, %get3A_212] {strides = array<i32>} : memref<314x80xf32, #tpu.memory_space<vmem>>, vector<16xf32>,
        %max3A_214 = arith.maximumf %get3A_213, %get3A_188 : vector<16xf32>
        %swap3A_215 = arith.index_cast %squeeze3A_60 : i32 to index
        %swap3A_216 = arith.constant 64 : index
        %swap3A_217 = tpu.vector_load %arg10[%swap3A_215, %swap3A_216] {strides = array<i32>} : memref<314x80xf32, #tpu.memory_space<vmem>>, vector<16xf32>,
        tpu.vector_store %arg10[%swap3A_215, %swap3A_216], %max3A_214 {strides = array<i32>} : memref<314x80xf32, #tpu.memory_space<vmem>>, vector<16xf32>,
      }
      %scan3A_55 = arith.constant 128 : i32
    }
    %run_scoped3A = arith.constant 0 : i32
    "tpu.region"() ({
      %run_scoped3A_42 = tpu.sem_alloc : memref<!tpu.dma_semaphore, #tpu.memory_space<semaphore_mem>>
      %dma_start3A = arith.constant 0 : i32
      %dma_start3A_43 = arith.constant 0 : i32
      %dma_start3A_44 = tpu.memref_slice %arg6[%run_scoped3A, %add3A, %dma_start3A, %dma_start3A_43] : memref<4x32x314x80xf32, #tpu.memory_space<hbm>> -> memref<1x1x314x80xf32, #tpu.memory_space<hbm>>
      %dma_start3A_45 = tpu.memref_squeeze %dma_start3A_44 : memref<1x1x314x80xf32, #tpu.memory_space<hbm>> -> memref<314x80xf32, #tpu.memory_space<hbm>>
      %dma_start3A_46 = arith.constant 0 : i32
      %dma_start3A_47 = arith.constant 0 : i32
      %dma_start3A_48 = tpu.memref_slice %arg6[%run_scoped3A, %add3A, %dma_start3A_46, %dma_start3A_47] : memref<4x32x314x80xf32, #tpu.memory_space<hbm>> -> memref<1x1x314x80xf32, #tpu.memory_space<hbm>>
      %dma_start3A_49 = tpu.memref_squeeze %dma_start3A_48 : memref<1x1x314x80xf32, #tpu.memory_space<hbm>> -> memref<314x80xf32, #tpu.memory_space<hbm>>
      tpu.enqueue_dma source(%arg7 : memref<314x80xf32, #tpu.memory_space<vmem>>) target(%dma_start3A_49 : memref<314x80xf32, #tpu.memory_space<hbm>>) target_semaphore(%run_scoped3A_42 : memref<!tpu.dma_semaphore, #tpu.memory_space<semaphore_mem>>)
      %dma_wait3A = arith.constant 0 : i32
      %dma_wait3A_50 = arith.constant 0 : i32
      %dma_wait3A_51 = tpu.memref_slice %arg6[%run_scoped3A, %add3A, %dma_wait3A, %dma_wait3A_50] : memref<4x32x314x80xf32, #tpu.memory_space<hbm>> -> memref<1x1x314x80xf32, #tpu.memory_space<hbm>>
      %dma_wait3A_52 = tpu.memref_squeeze %dma_wait3A_51 : memref<1x1x314x80xf32, #tpu.memory_space<hbm>> -> memref<314x80xf32, #tpu.memory_space<hbm>>
      %dma_wait3A_53 = arith.constant 0 : i32
      %dma_wait3A_54 = arith.constant 0 : i32
      %dma_wait3A_55 = tpu.memref_slice %arg6[%run_scoped3A, %add3A, %dma_wait3A_53, %dma_wait3A_54] : memref<4x32x314x80xf32, #tpu.memory_space<hbm>> -> memref<1x1x314x80xf32, #tpu.memory_space<hbm>>
      %dma_wait3A_56 = tpu.memref_squeeze %dma_wait3A_55 : memref<1x1x314x80xf32, #tpu.memory_space<hbm>> -> memref<314x80xf32, #tpu.memory_space<hbm>>
      tpu.wait_dma2 semaphore(%run_scoped3A_42 : memref<!tpu.dma_semaphore, #tpu.memory_space<semaphore_mem>>) src(%arg7 : memref<314x80xf32, #tpu.memory_space<vmem>>) dst(%dma_wait3A_56 : memref<314x80xf32, #tpu.memory_space<hbm>>)
      tpu.yield
    }) : () -> ()
    %run_scoped3A_39 = arith.constant 1 : i32
    "tpu.region"() ({
      %run_scoped3A_42 = tpu.sem_alloc : memref<!tpu.dma_semaphore, #tpu.memory_space<semaphore_mem>>
      %dma_start3A = arith.constant 0 : i32
      %dma_start3A_43 = arith.constant 0 : i32
      %dma_start3A_44 = tpu.memref_slice %arg6[%run_scoped3A_39, %add3A, %dma_start3A, %dma_start3A_43] : memref<4x32x314x80xf32, #tpu.memory_space<hbm>> -> memref<1x1x314x80xf32, #tpu.memory_space<hbm>>
      %dma_start3A_45 = tpu.memref_squeeze %dma_start3A_44 : memref<1x1x314x80xf32, #tpu.memory_space<hbm>> -> memref<314x80xf32, #tpu.memory_space<hbm>>
      %dma_start3A_46 = arith.constant 0 : i32
      %dma_start3A_47 = arith.constant 0 : i32
      %dma_start3A_48 = tpu.memref_slice %arg6[%run_scoped3A_39, %add3A, %dma_start3A_46, %dma_start3A_47] : memref<4x32x314x80xf32, #tpu.memory_space<hbm>> -> memref<1x1x314x80xf32, #tpu.memory_space<hbm>>
      %dma_start3A_49 = tpu.memref_squeeze %dma_start3A_48 : memref<1x1x314x80xf32, #tpu.memory_space<hbm>> -> memref<314x80xf32, #tpu.memory_space<hbm>>
      tpu.enqueue_dma source(%arg8 : memref<314x80xf32, #tpu.memory_space<vmem>>) target(%dma_start3A_49 : memref<314x80xf32, #tpu.memory_space<hbm>>) target_semaphore(%run_scoped3A_42 : memref<!tpu.dma_semaphore, #tpu.memory_space<semaphore_mem>>)
      %dma_wait3A = arith.constant 0 : i32
      %dma_wait3A_50 = arith.constant 0 : i32
      %dma_wait3A_51 = tpu.memref_slice %arg6[%run_scoped3A_39, %add3A, %dma_wait3A, %dma_wait3A_50] : memref<4x32x314x80xf32, #tpu.memory_space<hbm>> -> memref<1x1x314x80xf32, #tpu.memory_space<hbm>>
      %dma_wait3A_52 = tpu.memref_squeeze %dma_wait3A_51 : memref<1x1x314x80xf32, #tpu.memory_space<hbm>> -> memref<314x80xf32, #tpu.memory_space<hbm>>
      %dma_wait3A_53 = arith.constant 0 : i32
      %dma_wait3A_54 = arith.constant 0 : i32
      %dma_wait3A_55 = tpu.memref_slice %arg6[%run_scoped3A_39, %add3A, %dma_wait3A_53, %dma_wait3A_54] : memref<4x32x314x80xf32, #tpu.memory_space<hbm>> -> memref<1x1x314x80xf32, #tpu.memory_space<hbm>>
      %dma_wait3A_56 = tpu.memref_squeeze %dma_wait3A_55 : memref<1x1x314x80xf32, #tpu.memory_space<hbm>> -> memref<314x80xf32, #tpu.memory_space<hbm>>
      tpu.wait_dma2 semaphore(%run_scoped3A_42 : memref<!tpu.dma_semaphore, #tpu.memory_space<semaphore_mem>>) src(%arg8 : memref<314x80xf32, #tpu.memory_space<vmem>>) dst(%dma_wait3A_56 : memref<314x80xf32, #tpu.memory_space<hbm>>)
      tpu.yield
    }) : () -> ()
    %run_scoped3A_40 = arith.constant 2 : i32
    "tpu.region"() ({
      %run_scoped3A_42 = tpu.sem_alloc : memref<!tpu.dma_semaphore, #tpu.memory_space<semaphore_mem>>
      %dma_start3A = arith.constant 0 : i32
      %dma_start3A_43 = arith.constant 0 : i32
      %dma_start3A_44 = tpu.memref_slice %arg6[%run_scoped3A_40, %add3A, %dma_start3A, %dma_start3A_43] : memref<4x32x314x80xf32, #tpu.memory_space<hbm>> -> memref<1x1x314x80xf32, #tpu.memory_space<hbm>>
      %dma_start3A_45 = tpu.memref_squeeze %dma_start3A_44 : memref<1x1x314x80xf32, #tpu.memory_space<hbm>> -> memref<314x80xf32, #tpu.memory_space<hbm>>
      %dma_start3A_46 = arith.constant 0 : i32
      %dma_start3A_47 = arith.constant 0 : i32
      %dma_start3A_48 = tpu.memref_slice %arg6[%run_scoped3A_40, %add3A, %dma_start3A_46, %dma_start3A_47] : memref<4x32x314x80xf32, #tpu.memory_space<hbm>> -> memref<1x1x314x80xf32, #tpu.memory_space<hbm>>
      %dma_start3A_49 = tpu.memref_squeeze %dma_start3A_48 : memref<1x1x314x80xf32, #tpu.memory_space<hbm>> -> memref<314x80xf32, #tpu.memory_space<hbm>>
      tpu.enqueue_dma source(%arg9 : memref<314x80xf32, #tpu.memory_space<vmem>>) target(%dma_start3A_49 : memref<314x80xf32, #tpu.memory_space<hbm>>) target_semaphore(%run_scoped3A_42 : memref<!tpu.dma_semaphore, #tpu.memory_space<semaphore_mem>>)
      %dma_wait3A = arith.constant 0 : i32
      %dma_wait3A_50 = arith.constant 0 : i32
      %dma_wait3A_51 = tpu.memref_slice %arg6[%run_scoped3A_40, %add3A, %dma_wait3A, %dma_wait3A_50] : memref<4x32x314x80xf32, #tpu.memory_space<hbm>> -> memref<1x1x314x80xf32, #tpu.memory_space<hbm>>
      %dma_wait3A_52 = tpu.memref_squeeze %dma_wait3A_51 : memref<1x1x314x80xf32, #tpu.memory_space<hbm>> -> memref<314x80xf32, #tpu.memory_space<hbm>>
      %dma_wait3A_53 = arith.constant 0 : i32
      %dma_wait3A_54 = arith.constant 0 : i32
      %dma_wait3A_55 = tpu.memref_slice %arg6[%run_scoped3A_40, %add3A, %dma_wait3A_53, %dma_wait3A_54] : memref<4x32x314x80xf32, #tpu.memory_space<hbm>> -> memref<1x1x314x80xf32, #tpu.memory_space<hbm>>
      %dma_wait3A_56 = tpu.memref_squeeze %dma_wait3A_55 : memref<1x1x314x80xf32, #tpu.memory_space<hbm>> -> memref<314x80xf32, #tpu.memory_space<hbm>>
      tpu.wait_dma2 semaphore(%run_scoped3A_42 : memref<!tpu.dma_semaphore, #tpu.memory_space<semaphore_mem>>) src(%arg9 : memref<314x80xf32, #tpu.memory_space<vmem>>) dst(%dma_wait3A_56 : memref<314x80xf32, #tpu.memory_space<hbm>>)
      tpu.yield
    }) : () -> ()
    %run_scoped3A_41 = arith.constant 3 : i32
    "tpu.region"() ({
      %run_scoped3A_42 = tpu.sem_alloc : memref<!tpu.dma_semaphore, #tpu.memory_space<semaphore_mem>>
      %dma_start3A = arith.constant 0 : i32
      %dma_start3A_43 = arith.constant 0 : i32
      %dma_start3A_44 = tpu.memref_slice %arg6[%run_scoped3A_41, %add3A, %dma_start3A, %dma_start3A_43] : memref<4x32x314x80xf32, #tpu.memory_space<hbm>> -> memref<1x1x314x80xf32, #tpu.memory_space<hbm>>
      %dma_start3A_45 = tpu.memref_squeeze %dma_start3A_44 : memref<1x1x314x80xf32, #tpu.memory_space<hbm>> -> memref<314x80xf32, #tpu.memory_space<hbm>>
      %dma_start3A_46 = arith.constant 0 : i32
      %dma_start3A_47 = arith.constant 0 : i32
      %dma_start3A_48 = tpu.memref_slice %arg6[%run_scoped3A_41, %add3A, %dma_start3A_46, %dma_start3A_47] : memref<4x32x314x80xf32, #tpu.memory_space<hbm>> -> memref<1x1x314x80xf32, #tpu.memory_space<hbm>>
      %dma_start3A_49 = tpu.memref_squeeze %dma_start3A_48 : memref<1x1x314x80xf32, #tpu.memory_space<hbm>> -> memref<314x80xf32, #tpu.memory_space<hbm>>
      tpu.enqueue_dma source(%arg10 : memref<314x80xf32, #tpu.memory_space<vmem>>) target(%dma_start3A_49 : memref<314x80xf32, #tpu.memory_space<hbm>>) target_semaphore(%run_scoped3A_42 : memref<!tpu.dma_semaphore, #tpu.memory_space<semaphore_mem>>)
      %dma_wait3A = arith.constant 0 : i32
      %dma_wait3A_50 = arith.constant 0 : i32
      %dma_wait3A_51 = tpu.memref_slice %arg6[%run_scoped3A_41, %add3A, %dma_wait3A, %dma_wait3A_50] : memref<4x32x314x80xf32, #tpu.memory_space<hbm>> -> memref<1x1x314x80xf32, #tpu.memory_space<hbm>>
      %dma_wait3A_52 = tpu.memref_squeeze %dma_wait3A_51 : memref<1x1x314x80xf32, #tpu.memory_space<hbm>> -> memref<314x80xf32, #tpu.memory_space<hbm>>
      %dma_wait3A_53 = arith.constant 0 : i32
      %dma_wait3A_54 = arith.constant 0 : i32
      %dma_wait3A_55 = tpu.memref_slice %arg6[%run_scoped3A_41, %add3A, %dma_wait3A_53, %dma_wait3A_54] : memref<4x32x314x80xf32, #tpu.memory_space<hbm>> -> memref<1x1x314x80xf32, #tpu.memory_space<hbm>>
      %dma_wait3A_56 = tpu.memref_squeeze %dma_wait3A_55 : memref<1x1x314x80xf32, #tpu.memory_space<hbm>> -> memref<314x80xf32, #tpu.memory_space<hbm>>
      tpu.wait_dma2 semaphore(%run_scoped3A_42 : memref<!tpu.dma_semaphore, #tpu.memory_space<semaphore_mem>>) src(%arg10 : memref<314x80xf32, #tpu.memory_space<vmem>>) dst(%dma_wait3A_56 : memref<314x80xf32, #tpu.memory_space<hbm>>)
      tpu.yield
    }) : () -> ()
    return
  }
}

#map = affine_map<(d0, d1) -> (0, 0)>
#map1 = affine_map<(d0, d1) -> (0, 0, 0, 0)>
module attributes {stable_mosaic.version = 14 : i64} {
  func.func @_seg_body(%arg0: i32, %arg1: i32, %arg2: memref<10000x80xf32, #tpu.memory_space<hbm>>, %arg3: memref<32x655360xi32, #tpu.memory_space<hbm>>, %arg4: memref<32x655360xi32, #tpu.memory_space<hbm>>, %arg5: memref<32x8xi32, #tpu.memory_space<hbm>>, %arg6: memref<4x32x314x80xf32, #tpu.memory_space<hbm>>, %arg7: memref<314x80xf32, #tpu.memory_space<vmem>>, %arg8: memref<314x80xf32, #tpu.memory_space<vmem>>, %arg9: memref<314x80xf32, #tpu.memory_space<vmem>>, %arg10: memref<314x80xf32, #tpu.memory_space<vmem>>, %arg11: memref<128x80xf32, #tpu.memory_space<vmem>>, %arg12: memref<128xi32, #tpu.memory_space<vmem>>, %arg13: memref<144xi32, #tpu.memory_space<vmem>>, %arg14: memref<16xi32, #tpu.memory_space<vmem>>, %arg15: memref<!tpu.dma_semaphore, #tpu.memory_space<semaphore_mem>>) attributes {dimension_semantics = [#tpu.dimension_semantics<core_parallel>, #tpu.dimension_semantics<subcore_parallel>], iteration_bounds = array<i64: 2, 16>, scalar_prefetch = 0 : i64, scratch_operands = 9 : i64, tpu.core_type = #tpu.core_type<sc_vector_subcore>, window_params = [{transform_indices = #map}, {transform_indices = #map}, {transform_indices = #map}, {transform_indices = #map}, {transform_indices = #map1}]} {
    %mul3A = arith.constant 2 : i32
    %mul3A_0 = arith.muli %arg1, %mul3A : i32
    %add3A = arith.addi %mul3A_0, %arg0 : i32
    %broadcast_in_dim3A = arith.constant 0.000000e+00 : f32
    %broadcast_in_dim3A_1 = vector.broadcast %broadcast_in_dim3A : f32 to vector<16xf32>
    %broadcast_in_dim3A_2 = arith.constant 3.000000e+38 : f32
    %broadcast_in_dim3A_3 = vector.broadcast %broadcast_in_dim3A_2 : f32 to vector<16xf32>
    "tpu.region"() ({
      %run_scoped3A_42 = tpu.sem_alloc : memref<!tpu.dma_semaphore, #tpu.memory_space<semaphore_mem>>
      %dma_start3A = arith.constant 0 : i32
      %dma_start3A_43 = tpu.memref_slice %arg14[%dma_start3A] : memref<16xi32, #tpu.memory_space<vmem>> -> memref<8xi32, #tpu.memory_space<vmem>>
      %dma_start3A_44 = arith.constant 0 : i32
      %dma_start3A_45 = tpu.memref_slice %arg5[%add3A, %dma_start3A_44] : memref<32x8xi32, #tpu.memory_space<hbm>> -> memref<1x8xi32, #tpu.memory_space<hbm>>
      %dma_start3A_46 = tpu.memref_squeeze %dma_start3A_45 : memref<1x8xi32, #tpu.memory_space<hbm>> -> memref<8xi32, #tpu.memory_space<hbm>>
      %dma_start3A_47 = arith.constant 0 : i32
      %dma_start3A_48 = tpu.memref_slice %arg14[%dma_start3A_47] : memref<16xi32, #tpu.memory_space<vmem>> -> memref<8xi32, #tpu.memory_space<vmem>>
      %dma_start3A_49 = arith.constant 0 : i32
      %dma_start3A_50 = tpu.memref_slice %arg5[%add3A, %dma_start3A_49] : memref<32x8xi32, #tpu.memory_space<hbm>> -> memref<1x8xi32, #tpu.memory_space<hbm>>
      %dma_start3A_51 = tpu.memref_squeeze %dma_start3A_50 : memref<1x8xi32, #tpu.memory_space<hbm>> -> memref<8xi32, #tpu.memory_space<hbm>>
      tpu.enqueue_dma source(%dma_start3A_51 : memref<8xi32, #tpu.memory_space<hbm>>) target(%dma_start3A_48 : memref<8xi32, #tpu.memory_space<vmem>>) target_semaphore(%run_scoped3A_42 : memref<!tpu.dma_semaphore, #tpu.memory_space<semaphore_mem>>)
      %dma_wait3A = arith.constant 0 : i32
      %dma_wait3A_52 = tpu.memref_slice %arg14[%dma_wait3A] : memref<16xi32, #tpu.memory_space<vmem>> -> memref<8xi32, #tpu.memory_space<vmem>>
      %dma_wait3A_53 = arith.constant 0 : i32
      %dma_wait3A_54 = tpu.memref_slice %arg5[%add3A, %dma_wait3A_53] : memref<32x8xi32, #tpu.memory_space<hbm>> -> memref<1x8xi32, #tpu.memory_space<hbm>>
      %dma_wait3A_55 = tpu.memref_squeeze %dma_wait3A_54 : memref<1x8xi32, #tpu.memory_space<hbm>> -> memref<8xi32, #tpu.memory_space<hbm>>
      %dma_wait3A_56 = arith.constant 0 : i32
      %dma_wait3A_57 = tpu.memref_slice %arg14[%dma_wait3A_56] : memref<16xi32, #tpu.memory_space<vmem>> -> memref<8xi32, #tpu.memory_space<vmem>>
      %dma_wait3A_58 = arith.constant 0 : i32
      %dma_wait3A_59 = tpu.memref_slice %arg5[%add3A, %dma_wait3A_58] : memref<32x8xi32, #tpu.memory_space<hbm>> -> memref<1x8xi32, #tpu.memory_space<hbm>>
      %dma_wait3A_60 = tpu.memref_squeeze %dma_wait3A_59 : memref<1x8xi32, #tpu.memory_space<hbm>> -> memref<8xi32, #tpu.memory_space<hbm>>
      tpu.wait_dma2 semaphore(%run_scoped3A_42 : memref<!tpu.dma_semaphore, #tpu.memory_space<semaphore_mem>>) src(%dma_wait3A_60 : memref<8xi32, #tpu.memory_space<hbm>>) dst(%dma_wait3A_57 : memref<8xi32, #tpu.memory_space<vmem>>)
      tpu.yield
    }) : () -> ()
    %get3A = arith.constant 0 : index
    %get3A_4 = tpu.vector_load %arg14[%get3A] {strides = array<i32>} : memref<16xi32, #tpu.memory_space<vmem>>, vector<16xi32>,
    %slice3A = vector.extract_strided_slice %get3A_4 {offsets = [0], sizes = [1], strides = [1]} : vector<16xi32> to vector<1xi32>
    %squeeze3A = vector.extract %slice3A[0] : i32 from vector<1xi32>
    %add3A_5 = arith.constant 128 : i32
    %add3A_6 = arith.addi %squeeze3A, %add3A_5 : i32
    %sub3A = arith.constant 1 : i32
    %sub3A_7 = arith.subi %add3A_6, %sub3A : i32
    %jit3A = arith.constant 128 : i32
    %div3A = arith.divsi %sub3A_7, %jit3A : i32
    %sign3A = arith.constant 0 : i32
    %sign3A_8 = arith.cmpi sgt, %sub3A_7, %sign3A : i32
    %sign3A_9 = arith.extui %sign3A_8 : i1 to i32
    %sign3A_10 = arith.constant 0 : i32
    %sign3A_11 = arith.cmpi slt, %sub3A_7, %sign3A_10 : i32
    %sign3A_12 = arith.extui %sign3A_11 : i1 to i32
    %sign3A_13 = arith.subi %sign3A_9, %sign3A_12 : i32
    %sign3A_14 = arith.constant 0 : i32
    %sign3A_15 = arith.cmpi sgt, %jit3A, %sign3A_14 : i32
    %sign3A_16 = arith.extui %sign3A_15 : i1 to i32
    %sign3A_17 = arith.constant 0 : i32
    %sign3A_18 = arith.cmpi slt, %jit3A, %sign3A_17 : i32
    %sign3A_19 = arith.extui %sign3A_18 : i1 to i32
    %sign3A_20 = arith.subi %sign3A_16, %sign3A_19 : i32
    %ne3A = arith.cmpi ne, %sign3A_13, %sign3A_20 : i32
    %rem3A = arith.remsi %sub3A_7, %jit3A : i32
    %ne3A_21 = arith.constant 0 : i32
    %ne3A_22 = arith.cmpi ne, %rem3A, %ne3A_21 : i32
    %and3A = arith.andi %ne3A, %ne3A_22 : i1
    %sub3A_23 = arith.constant 1 : i32
    %sub3A_24 = arith.subi %div3A, %sub3A_23 : i32
    %select_n3A = arith.select %and3A, %sub3A_24, %div3A : i32
    %scan3A = arith.constant 0 : i32
    %scan3A_25 = arith.constant 0 : i32
    %scan3A_26 = arith.constant 314 : i32
    %scan3A_27 = arith.addi %scan3A_25, %scan3A_26 : i32
    %scan3A_28 = arith.constant 1 : i32
    scf.for %scan3A_42 = %scan3A_25 to %scan3A_27 step %scan3A_28  : i32 {
      %swap3A = arith.index_cast %scan3A_42 : i32 to index
      %swap3A_43 = arith.constant 0 : index
      %swap3A_44 = tpu.vector_load %arg7[%swap3A, %swap3A_43] {strides = array<i32>} : memref<314x80xf32, #tpu.memory_space<vmem>>, vector<16xf32>,
      tpu.vector_store %arg7[%swap3A, %swap3A_43], %broadcast_in_dim3A_1 {strides = array<i32>} : memref<314x80xf32, #tpu.memory_space<vmem>>, vector<16xf32>,
      %swap3A_45 = arith.index_cast %scan3A_42 : i32 to index
      %swap3A_46 = arith.constant 0 : index
      %swap3A_47 = tpu.vector_load %arg8[%swap3A_45, %swap3A_46] {strides = array<i32>} : memref<314x80xf32, #tpu.memory_space<vmem>>, vector<16xf32>,
      tpu.vector_store %arg8[%swap3A_45, %swap3A_46], %broadcast_in_dim3A_1 {strides = array<i32>} : memref<314x80xf32, #tpu.memory_space<vmem>>, vector<16xf32>,
      %swap3A_48 = arith.index_cast %scan3A_42 : i32 to index
      %swap3A_49 = arith.constant 0 : index
      %swap3A_50 = tpu.vector_load %arg9[%swap3A_48, %swap3A_49] {strides = array<i32>} : memref<314x80xf32, #tpu.memory_space<vmem>>, vector<16xf32>,
      tpu.vector_store %arg9[%swap3A_48, %swap3A_49], %broadcast_in_dim3A_3 {strides = array<i32>} : memref<314x80xf32, #tpu.memory_space<vmem>>, vector<16xf32>,
      %neg3A = arith.constant 0.000000e+00 : f32
      %neg3A_51 = vector.broadcast %neg3A : f32 to vector<16xf32>
      %neg3A_52 = arith.subf %neg3A_51, %broadcast_in_dim3A_3 : vector<16xf32>
      %swap3A_53 = arith.index_cast %scan3A_42 : i32 to index
      %swap3A_54 = arith.constant 0 : index
      %swap3A_55 = tpu.vector_load %arg10[%swap3A_53, %swap3A_54] {strides = array<i32>} : memref<314x80xf32, #tpu.memory_space<vmem>>, vector<16xf32>,
      tpu.vector_store %arg10[%swap3A_53, %swap3A_54], %neg3A_52 {strides = array<i32>} : memref<314x80xf32, #tpu.memory_space<vmem>>, vector<16xf32>,
      %swap3A_56 = arith.index_cast %scan3A_42 : i32 to index
      %swap3A_57 = arith.constant 16 : index
      %swap3A_58 = tpu.vector_load %arg7[%swap3A_56, %swap3A_57] {strides = array<i32>} : memref<314x80xf32, #tpu.memory_space<vmem>>, vector<16xf32>,
      tpu.vector_store %arg7[%swap3A_56, %swap3A_57], %broadcast_in_dim3A_1 {strides = array<i32>} : memref<314x80xf32, #tpu.memory_space<vmem>>, vector<16xf32>,
      %swap3A_59 = arith.index_cast %scan3A_42 : i32 to index
      %swap3A_60 = arith.constant 16 : index
      %swap3A_61 = tpu.vector_load %arg8[%swap3A_59, %swap3A_60] {strides = array<i32>} : memref<314x80xf32, #tpu.memory_space<vmem>>, vector<16xf32>,
      tpu.vector_store %arg8[%swap3A_59, %swap3A_60], %broadcast_in_dim3A_1 {strides = array<i32>} : memref<314x80xf32, #tpu.memory_space<vmem>>, vector<16xf32>,
      %swap3A_62 = arith.index_cast %scan3A_42 : i32 to index
      %swap3A_63 = arith.constant 16 : index
      %swap3A_64 = tpu.vector_load %arg9[%swap3A_62, %swap3A_63] {strides = array<i32>} : memref<314x80xf32, #tpu.memory_space<vmem>>, vector<16xf32>,
      tpu.vector_store %arg9[%swap3A_62, %swap3A_63], %broadcast_in_dim3A_3 {strides = array<i32>} : memref<314x80xf32, #tpu.memory_space<vmem>>, vector<16xf32>,
      %neg3A_65 = arith.constant 0.000000e+00 : f32
      %neg3A_66 = vector.broadcast %neg3A_65 : f32 to vector<16xf32>
      %neg3A_67 = arith.subf %neg3A_66, %broadcast_in_dim3A_3 : vector<16xf32>
      %swap3A_68 = arith.index_cast %scan3A_42 : i32 to index
      %swap3A_69 = arith.constant 16 : index
      %swap3A_70 = tpu.vector_load %arg10[%swap3A_68, %swap3A_69] {strides = array<i32>} : memref<314x80xf32, #tpu.memory_space<vmem>>, vector<16xf32>,
      tpu.vector_store %arg10[%swap3A_68, %swap3A_69], %neg3A_67 {strides = array<i32>} : memref<314x80xf32, #tpu.memory_space<vmem>>, vector<16xf32>,
      %swap3A_71 = arith.index_cast %scan3A_42 : i32 to index
      %swap3A_72 = arith.constant 32 : index
      %swap3A_73 = tpu.vector_load %arg7[%swap3A_71, %swap3A_72] {strides = array<i32>} : memref<314x80xf32, #tpu.memory_space<vmem>>, vector<16xf32>,
      tpu.vector_store %arg7[%swap3A_71, %swap3A_72], %broadcast_in_dim3A_1 {strides = array<i32>} : memref<314x80xf32, #tpu.memory_space<vmem>>, vector<16xf32>,
      %swap3A_74 = arith.index_cast %scan3A_42 : i32 to index
      %swap3A_75 = arith.constant 32 : index
      %swap3A_76 = tpu.vector_load %arg8[%swap3A_74, %swap3A_75] {strides = array<i32>} : memref<314x80xf32, #tpu.memory_space<vmem>>, vector<16xf32>,
      tpu.vector_store %arg8[%swap3A_74, %swap3A_75], %broadcast_in_dim3A_1 {strides = array<i32>} : memref<314x80xf32, #tpu.memory_space<vmem>>, vector<16xf32>,
      %swap3A_77 = arith.index_cast %scan3A_42 : i32 to index
      %swap3A_78 = arith.constant 32 : index
      %swap3A_79 = tpu.vector_load %arg9[%swap3A_77, %swap3A_78] {strides = array<i32>} : memref<314x80xf32, #tpu.memory_space<vmem>>, vector<16xf32>,
      tpu.vector_store %arg9[%swap3A_77, %swap3A_78], %broadcast_in_dim3A_3 {strides = array<i32>} : memref<314x80xf32, #tpu.memory_space<vmem>>, vector<16xf32>,
      %neg3A_80 = arith.constant 0.000000e+00 : f32
      %neg3A_81 = vector.broadcast %neg3A_80 : f32 to vector<16xf32>
      %neg3A_82 = arith.subf %neg3A_81, %broadcast_in_dim3A_3 : vector<16xf32>
      %swap3A_83 = arith.index_cast %scan3A_42 : i32 to index
      %swap3A_84 = arith.constant 32 : index
      %swap3A_85 = tpu.vector_load %arg10[%swap3A_83, %swap3A_84] {strides = array<i32>} : memref<314x80xf32, #tpu.memory_space<vmem>>, vector<16xf32>,
      tpu.vector_store %arg10[%swap3A_83, %swap3A_84], %neg3A_82 {strides = array<i32>} : memref<314x80xf32, #tpu.memory_space<vmem>>, vector<16xf32>,
      %swap3A_86 = arith.index_cast %scan3A_42 : i32 to index
      %swap3A_87 = arith.constant 48 : index
      %swap3A_88 = tpu.vector_load %arg7[%swap3A_86, %swap3A_87] {strides = array<i32>} : memref<314x80xf32, #tpu.memory_space<vmem>>, vector<16xf32>,
      tpu.vector_store %arg7[%swap3A_86, %swap3A_87], %broadcast_in_dim3A_1 {strides = array<i32>} : memref<314x80xf32, #tpu.memory_space<vmem>>, vector<16xf32>,
      %swap3A_89 = arith.index_cast %scan3A_42 : i32 to index
      %swap3A_90 = arith.constant 48 : index
      %swap3A_91 = tpu.vector_load %arg8[%swap3A_89, %swap3A_90] {strides = array<i32>} : memref<314x80xf32, #tpu.memory_space<vmem>>, vector<16xf32>,
      tpu.vector_store %arg8[%swap3A_89, %swap3A_90], %broadcast_in_dim3A_1 {strides = array<i32>} : memref<314x80xf32, #tpu.memory_space<vmem>>, vector<16xf32>,
      %swap3A_92 = arith.index_cast %scan3A_42 : i32 to index
      %swap3A_93 = arith.constant 48 : index
      %swap3A_94 = tpu.vector_load %arg9[%swap3A_92, %swap3A_93] {strides = array<i32>} : memref<314x80xf32, #tpu.memory_space<vmem>>, vector<16xf32>,
      tpu.vector_store %arg9[%swap3A_92, %swap3A_93], %broadcast_in_dim3A_3 {strides = array<i32>} : memref<314x80xf32, #tpu.memory_space<vmem>>, vector<16xf32>,
      %neg3A_95 = arith.constant 0.000000e+00 : f32
      %neg3A_96 = vector.broadcast %neg3A_95 : f32 to vector<16xf32>
      %neg3A_97 = arith.subf %neg3A_96, %broadcast_in_dim3A_3 : vector<16xf32>
      %swap3A_98 = arith.index_cast %scan3A_42 : i32 to index
      %swap3A_99 = arith.constant 48 : index
      %swap3A_100 = tpu.vector_load %arg10[%swap3A_98, %swap3A_99] {strides = array<i32>} : memref<314x80xf32, #tpu.memory_space<vmem>>, vector<16xf32>,
      tpu.vector_store %arg10[%swap3A_98, %swap3A_99], %neg3A_97 {strides = array<i32>} : memref<314x80xf32, #tpu.memory_space<vmem>>, vector<16xf32>,
      %swap3A_101 = arith.index_cast %scan3A_42 : i32 to index
      %swap3A_102 = arith.constant 64 : index
      %swap3A_103 = tpu.vector_load %arg7[%swap3A_101, %swap3A_102] {strides = array<i32>} : memref<314x80xf32, #tpu.memory_space<vmem>>, vector<16xf32>,
      tpu.vector_store %arg7[%swap3A_101, %swap3A_102], %broadcast_in_dim3A_1 {strides = array<i32>} : memref<314x80xf32, #tpu.memory_space<vmem>>, vector<16xf32>,
      %swap3A_104 = arith.index_cast %scan3A_42 : i32 to index
      %swap3A_105 = arith.constant 64 : index
      %swap3A_106 = tpu.vector_load %arg8[%swap3A_104, %swap3A_105] {strides = array<i32>} : memref<314x80xf32, #tpu.memory_space<vmem>>, vector<16xf32>,
      tpu.vector_store %arg8[%swap3A_104, %swap3A_105], %broadcast_in_dim3A_1 {strides = array<i32>} : memref<314x80xf32, #tpu.memory_space<vmem>>, vector<16xf32>,
      %swap3A_107 = arith.index_cast %scan3A_42 : i32 to index
      %swap3A_108 = arith.constant 64 : index
      %swap3A_109 = tpu.vector_load %arg9[%swap3A_107, %swap3A_108] {strides = array<i32>} : memref<314x80xf32, #tpu.memory_space<vmem>>, vector<16xf32>,
      tpu.vector_store %arg9[%swap3A_107, %swap3A_108], %broadcast_in_dim3A_3 {strides = array<i32>} : memref<314x80xf32, #tpu.memory_space<vmem>>, vector<16xf32>,
      %neg3A_110 = arith.constant 0.000000e+00 : f32
      %neg3A_111 = vector.broadcast %neg3A_110 : f32 to vector<16xf32>
      %neg3A_112 = arith.subf %neg3A_111, %broadcast_in_dim3A_3 : vector<16xf32>
      %swap3A_113 = arith.index_cast %scan3A_42 : i32 to index
      %swap3A_114 = arith.constant 64 : index
      %swap3A_115 = tpu.vector_load %arg10[%swap3A_113, %swap3A_114] {strides = array<i32>} : memref<314x80xf32, #tpu.memory_space<vmem>>, vector<16xf32>,
      tpu.vector_store %arg10[%swap3A_113, %swap3A_114], %neg3A_112 {strides = array<i32>} : memref<314x80xf32, #tpu.memory_space<vmem>>, vector<16xf32>,
    }
    %scan3A_29 = arith.constant 314 : i32
    %while3A = arith.constant 0 : i32
    %while3A_30 = arith.constant 0 : i32
    %while3A_31 = arith.subi %select_n3A, %while3A_30 : i32
    %while3A_32 = arith.addi %while3A_30, %while3A_31 : i32
    %while3A_33 = arith.constant 1 : i32
    %while3A_34 = arith.divsi %while3A_31, %while3A_33 : i32
    %while3A_35 = arith.muli %while3A_34, %while3A_33 : i32
    %while3A_36 = arith.addi %while3A_30, %while3A_35 : i32
    %while3A_37 = arith.constant 1 : i32
    scf.for %while3A_42 = %while3A_30 to %while3A_36 step %while3A_37  : i32 {
      %mul3A_43 = arith.constant 128 : i32
      %mul3A_44 = arith.muli %while3A_42, %mul3A_43 : i32
      %multiple_of3A = tpu.assume_multiple %mul3A_44, 8 : i32
      "tpu.region"() ({
        %run_scoped3A_56 = tpu.sem_alloc : memref<!tpu.dma_semaphore, #tpu.memory_space<semaphore_mem>>
        %dma_start3A_57 = tpu.memref_slice %arg3[%add3A, %multiple_of3A] : memref<32x655360xi32, #tpu.memory_space<hbm>> -> memref<1x128xi32, #tpu.memory_space<hbm>>
        %dma_start3A_58 = tpu.memref_squeeze %dma_start3A_57 : memref<1x128xi32, #tpu.memory_space<hbm>> -> memref<128xi32, #tpu.memory_space<hbm>>
        %dma_start3A_59 = tpu.memref_slice %arg3[%add3A, %multiple_of3A] : memref<32x655360xi32, #tpu.memory_space<hbm>> -> memref<1x128xi32, #tpu.memory_space<hbm>>
        %dma_start3A_60 = tpu.memref_squeeze %dma_start3A_59 : memref<1x128xi32, #tpu.memory_space<hbm>> -> memref<128xi32, #tpu.memory_space<hbm>>
        tpu.enqueue_dma source(%dma_start3A_60 : memref<128xi32, #tpu.memory_space<hbm>>) target(%arg12 : memref<128xi32, #tpu.memory_space<vmem>>) target_semaphore(%run_scoped3A_56 : memref<!tpu.dma_semaphore, #tpu.memory_space<semaphore_mem>>)
        %dma_wait3A_61 = tpu.memref_slice %arg3[%add3A, %multiple_of3A] : memref<32x655360xi32, #tpu.memory_space<hbm>> -> memref<1x128xi32, #tpu.memory_space<hbm>>
        %dma_wait3A_62 = tpu.memref_squeeze %dma_wait3A_61 : memref<1x128xi32, #tpu.memory_space<hbm>> -> memref<128xi32, #tpu.memory_space<hbm>>
        %dma_wait3A_63 = tpu.memref_slice %arg3[%add3A, %multiple_of3A] : memref<32x655360xi32, #tpu.memory_space<hbm>> -> memref<1x128xi32, #tpu.memory_space<hbm>>
        %dma_wait3A_64 = tpu.memref_squeeze %dma_wait3A_63 : memref<1x128xi32, #tpu.memory_space<hbm>> -> memref<128xi32, #tpu.memory_space<hbm>>
        tpu.wait_dma2 semaphore(%run_scoped3A_56 : memref<!tpu.dma_semaphore, #tpu.memory_space<semaphore_mem>>) src(%dma_wait3A_64 : memref<128xi32, #tpu.memory_space<hbm>>) dst(%arg12 : memref<128xi32, #tpu.memory_space<vmem>>)
        tpu.yield
      }) : () -> ()
      %multiple_of3A_45 = tpu.assume_multiple %mul3A_44, 8 : i32
      "tpu.region"() ({
        %run_scoped3A_56 = tpu.sem_alloc : memref<!tpu.dma_semaphore, #tpu.memory_space<semaphore_mem>>
        %dma_start3A_57 = arith.constant 0 : i32
        %dma_start3A_58 = tpu.memref_slice %arg13[%dma_start3A_57] : memref<144xi32, #tpu.memory_space<vmem>> -> memref<128xi32, #tpu.memory_space<vmem>>
        %dma_start3A_59 = tpu.memref_slice %arg4[%add3A, %multiple_of3A_45] : memref<32x655360xi32, #tpu.memory_space<hbm>> -> memref<1x128xi32, #tpu.memory_space<hbm>>
        %dma_start3A_60 = tpu.memref_squeeze %dma_start3A_59 : memref<1x128xi32, #tpu.memory_space<hbm>> -> memref<128xi32, #tpu.memory_space<hbm>>
        %dma_start3A_61 = arith.constant 0 : i32
        %dma_start3A_62 = tpu.memref_slice %arg13[%dma_start3A_61] : memref<144xi32, #tpu.memory_space<vmem>> -> memref<128xi32, #tpu.memory_space<vmem>>
        %dma_start3A_63 = tpu.memref_slice %arg4[%add3A, %multiple_of3A_45] : memref<32x655360xi32, #tpu.memory_space<hbm>> -> memref<1x128xi32, #tpu.memory_space<hbm>>
        %dma_start3A_64 = tpu.memref_squeeze %dma_start3A_63 : memref<1x128xi32, #tpu.memory_space<hbm>> -> memref<128xi32, #tpu.memory_space<hbm>>
        tpu.enqueue_dma source(%dma_start3A_64 : memref<128xi32, #tpu.memory_space<hbm>>) target(%dma_start3A_62 : memref<128xi32, #tpu.memory_space<vmem>>) target_semaphore(%run_scoped3A_56 : memref<!tpu.dma_semaphore, #tpu.memory_space<semaphore_mem>>)
        %dma_wait3A_65 = arith.constant 0 : i32
        %dma_wait3A_66 = tpu.memref_slice %arg13[%dma_wait3A_65] : memref<144xi32, #tpu.memory_space<vmem>> -> memref<128xi32, #tpu.memory_space<vmem>>
        %dma_wait3A_67 = tpu.memref_slice %arg4[%add3A, %multiple_of3A_45] : memref<32x655360xi32, #tpu.memory_space<hbm>> -> memref<1x128xi32, #tpu.memory_space<hbm>>
        %dma_wait3A_68 = tpu.memref_squeeze %dma_wait3A_67 : memref<1x128xi32, #tpu.memory_space<hbm>> -> memref<128xi32, #tpu.memory_space<hbm>>
        %dma_wait3A_69 = arith.constant 0 : i32
        %dma_wait3A_70 = tpu.memref_slice %arg13[%dma_wait3A_69] : memref<144xi32, #tpu.memory_space<vmem>> -> memref<128xi32, #tpu.memory_space<vmem>>
        %dma_wait3A_71 = tpu.memref_slice %arg4[%add3A, %multiple_of3A_45] : memref<32x655360xi32, #tpu.memory_space<hbm>> -> memref<1x128xi32, #tpu.memory_space<hbm>>
        %dma_wait3A_72 = tpu.memref_squeeze %dma_wait3A_71 : memref<1x128xi32, #tpu.memory_space<hbm>> -> memref<128xi32, #tpu.memory_space<hbm>>
        tpu.wait_dma2 semaphore(%run_scoped3A_56 : memref<!tpu.dma_semaphore, #tpu.memory_space<semaphore_mem>>) src(%dma_wait3A_72 : memref<128xi32, #tpu.memory_space<hbm>>) dst(%dma_wait3A_70 : memref<128xi32, #tpu.memory_space<vmem>>)
        tpu.yield
      }) : () -> ()
      %dma_start3A = arith.constant 0 : i32
      %dma_start3A_46 = arith.constant 0 : i32
      %dma_start3A_47 = tpu.memref_slice %arg2[%dma_start3A, %dma_start3A_46] : memref<10000x80xf32, #tpu.memory_space<hbm>> -> memref<10000x80xf32, #tpu.memory_space<hbm>>
      tpu.enqueue_indirect_dma source(%dma_start3A_47 : memref<10000x80xf32, #tpu.memory_space<hbm>>) target(%arg11 : memref<128x80xf32, #tpu.memory_space<vmem>>) offsets(%arg12 : memref<128xi32, #tpu.memory_space<vmem>>) semaphore(%arg15 : memref<!tpu.dma_semaphore, #tpu.memory_space<semaphore_mem>>)
      %dma_wait3A = arith.constant 0 : i32
      %dma_wait3A_48 = arith.constant 0 : i32
      %dma_wait3A_49 = tpu.memref_slice %arg2[%dma_wait3A, %dma_wait3A_48] : memref<10000x80xf32, #tpu.memory_space<hbm>> -> memref<10000x80xf32, #tpu.memory_space<hbm>>
      tpu.wait_indirect_dma semaphore(%arg15 : memref<!tpu.dma_semaphore, #tpu.memory_space<semaphore_mem>>) src(%dma_wait3A_49 : memref<10000x80xf32, #tpu.memory_space<hbm>>) dst(%arg11 : memref<128x80xf32, #tpu.memory_space<vmem>>)
      %scan3A_50 = arith.constant 0 : i32
      %scan3A_51 = arith.constant 0 : i32
      %scan3A_52 = arith.constant 128 : i32
      %scan3A_53 = arith.addi %scan3A_51, %scan3A_52 : i32
      %scan3A_54 = arith.constant 1 : i32
      scf.for %scan3A_56 = %scan3A_51 to %scan3A_53 step %scan3A_54  : i32 {
        %get3A_57 = arith.index_cast %scan3A_56 : i32 to index
        %get3A_58 = tpu.vector_load %arg13[%get3A_57] {strides = array<i32>} : memref<144xi32, #tpu.memory_space<vmem>>, vector<16xi32>,
        %slice3A_59 = vector.extract_strided_slice %get3A_58 {offsets = [0], sizes = [1], strides = [1]} : vector<16xi32> to vector<1xi32>
        %squeeze3A_60 = vector.extract %slice3A_59[0] : i32 from vector<1xi32>
        %get3A_61 = arith.index_cast %scan3A_56 : i32 to index
        %get3A_62 = arith.constant 0 : index
        %get3A_63 = tpu.vector_load %arg11[%get3A_61, %get3A_62] {strides = array<i32>} : memref<128x80xf32, #tpu.memory_space<vmem>>, vector<16xf32>,
        %get3A_64 = arith.index_cast %squeeze3A_60 : i32 to index
        %get3A_65 = arith.constant 0 : index
        %get3A_66 = tpu.vector_load %arg7[%get3A_64, %get3A_65] {strides = array<i32>} : memref<314x80xf32, #tpu.memory_space<vmem>>, vector<16xf32>,
        %add3A_67 = arith.addf %get3A_66, %get3A_63 : vector<16xf32>
        %swap3A = arith.index_cast %squeeze3A_60 : i32 to index
        %swap3A_68 = arith.constant 0 : index
        %swap3A_69 = tpu.vector_load %arg7[%swap3A, %swap3A_68] {strides = array<i32>} : memref<314x80xf32, #tpu.memory_space<vmem>>, vector<16xf32>,
        tpu.vector_store %arg7[%swap3A, %swap3A_68], %add3A_67 {strides = array<i32>} : memref<314x80xf32, #tpu.memory_space<vmem>>, vector<16xf32>,
        %get3A_70 = arith.index_cast %squeeze3A_60 : i32 to index
        %get3A_71 = arith.constant 0 : index
        %get3A_72 = tpu.vector_load %arg8[%get3A_70, %get3A_71] {strides = array<i32>} : memref<314x80xf32, #tpu.memory_space<vmem>>, vector<16xf32>,
        %mul3A_73 = arith.mulf %get3A_63, %get3A_63 : vector<16xf32>
        %add3A_74 = arith.addf %get3A_72, %mul3A_73 : vector<16xf32>
        %swap3A_75 = arith.index_cast %squeeze3A_60 : i32 to index
        %swap3A_76 = arith.constant 0 : index
        %swap3A_77 = tpu.vector_load %arg8[%swap3A_75, %swap3A_76] {strides = array<i32>} : memref<314x80xf32, #tpu.memory_space<vmem>>, vector<16xf32>,
        tpu.vector_store %arg8[%swap3A_75, %swap3A_76], %add3A_74 {strides = array<i32>} : memref<314x80xf32, #tpu.memory_space<vmem>>, vector<16xf32>,
        %get3A_78 = arith.index_cast %squeeze3A_60 : i32 to index
        %get3A_79 = arith.constant 0 : index
        %get3A_80 = tpu.vector_load %arg9[%get3A_78, %get3A_79] {strides = array<i32>} : memref<314x80xf32, #tpu.memory_space<vmem>>, vector<16xf32>,
        %min3A = arith.minimumf %get3A_80, %get3A_63 : vector<16xf32>
        %swap3A_81 = arith.index_cast %squeeze3A_60 : i32 to index
        %swap3A_82 = arith.constant 0 : index
        %swap3A_83 = tpu.vector_load %arg9[%swap3A_81, %swap3A_82] {strides = array<i32>} : memref<314x80xf32, #tpu.memory_space<vmem>>, vector<16xf32>,
        tpu.vector_store %arg9[%swap3A_81, %swap3A_82], %min3A {strides = array<i32>} : memref<314x80xf32, #tpu.memory_space<vmem>>, vector<16xf32>,
        %get3A_84 = arith.index_cast %squeeze3A_60 : i32 to index
        %get3A_85 = arith.constant 0 : index
        %get3A_86 = tpu.vector_load %arg10[%get3A_84, %get3A_85] {strides = array<i32>} : memref<314x80xf32, #tpu.memory_space<vmem>>, vector<16xf32>,
        %max3A = arith.maximumf %get3A_86, %get3A_63 : vector<16xf32>
        %swap3A_87 = arith.index_cast %squeeze3A_60 : i32 to index
        %swap3A_88 = arith.constant 0 : index
        %swap3A_89 = tpu.vector_load %arg10[%swap3A_87, %swap3A_88] {strides = array<i32>} : memref<314x80xf32, #tpu.memory_space<vmem>>, vector<16xf32>,
        tpu.vector_store %arg10[%swap3A_87, %swap3A_88], %max3A {strides = array<i32>} : memref<314x80xf32, #tpu.memory_space<vmem>>, vector<16xf32>,
        %get3A_90 = arith.index_cast %scan3A_56 : i32 to index
        %get3A_91 = arith.constant 16 : index
        %get3A_92 = tpu.vector_load %arg11[%get3A_90, %get3A_91] {strides = array<i32>} : memref<128x80xf32, #tpu.memory_space<vmem>>, vector<16xf32>,
        %get3A_93 = arith.index_cast %squeeze3A_60 : i32 to index
        %get3A_94 = arith.constant 16 : index
        %get3A_95 = tpu.vector_load %arg7[%get3A_93, %get3A_94] {strides = array<i32>} : memref<314x80xf32, #tpu.memory_space<vmem>>, vector<16xf32>,
        %add3A_96 = arith.addf %get3A_95, %get3A_92 : vector<16xf32>
        %swap3A_97 = arith.index_cast %squeeze3A_60 : i32 to index
        %swap3A_98 = arith.constant 16 : index
        %swap3A_99 = tpu.vector_load %arg7[%swap3A_97, %swap3A_98] {strides = array<i32>} : memref<314x80xf32, #tpu.memory_space<vmem>>, vector<16xf32>,
        tpu.vector_store %arg7[%swap3A_97, %swap3A_98], %add3A_96 {strides = array<i32>} : memref<314x80xf32, #tpu.memory_space<vmem>>, vector<16xf32>,
        %get3A_100 = arith.index_cast %squeeze3A_60 : i32 to index
        %get3A_101 = arith.constant 16 : index
        %get3A_102 = tpu.vector_load %arg8[%get3A_100, %get3A_101] {strides = array<i32>} : memref<314x80xf32, #tpu.memory_space<vmem>>, vector<16xf32>,
        %mul3A_103 = arith.mulf %get3A_92, %get3A_92 : vector<16xf32>
        %add3A_104 = arith.addf %get3A_102, %mul3A_103 : vector<16xf32>
        %swap3A_105 = arith.index_cast %squeeze3A_60 : i32 to index
        %swap3A_106 = arith.constant 16 : index
        %swap3A_107 = tpu.vector_load %arg8[%swap3A_105, %swap3A_106] {strides = array<i32>} : memref<314x80xf32, #tpu.memory_space<vmem>>, vector<16xf32>,
        tpu.vector_store %arg8[%swap3A_105, %swap3A_106], %add3A_104 {strides = array<i32>} : memref<314x80xf32, #tpu.memory_space<vmem>>, vector<16xf32>,
        %get3A_108 = arith.index_cast %squeeze3A_60 : i32 to index
        %get3A_109 = arith.constant 16 : index
        %get3A_110 = tpu.vector_load %arg9[%get3A_108, %get3A_109] {strides = array<i32>} : memref<314x80xf32, #tpu.memory_space<vmem>>, vector<16xf32>,
        %min3A_111 = arith.minimumf %get3A_110, %get3A_92 : vector<16xf32>
        %swap3A_112 = arith.index_cast %squeeze3A_60 : i32 to index
        %swap3A_113 = arith.constant 16 : index
        %swap3A_114 = tpu.vector_load %arg9[%swap3A_112, %swap3A_113] {strides = array<i32>} : memref<314x80xf32, #tpu.memory_space<vmem>>, vector<16xf32>,
        tpu.vector_store %arg9[%swap3A_112, %swap3A_113], %min3A_111 {strides = array<i32>} : memref<314x80xf32, #tpu.memory_space<vmem>>, vector<16xf32>,
        %get3A_115 = arith.index_cast %squeeze3A_60 : i32 to index
        %get3A_116 = arith.constant 16 : index
        %get3A_117 = tpu.vector_load %arg10[%get3A_115, %get3A_116] {strides = array<i32>} : memref<314x80xf32, #tpu.memory_space<vmem>>, vector<16xf32>,
        %max3A_118 = arith.maximumf %get3A_117, %get3A_92 : vector<16xf32>
        %swap3A_119 = arith.index_cast %squeeze3A_60 : i32 to index
        %swap3A_120 = arith.constant 16 : index
        %swap3A_121 = tpu.vector_load %arg10[%swap3A_119, %swap3A_120] {strides = array<i32>} : memref<314x80xf32, #tpu.memory_space<vmem>>, vector<16xf32>,
        tpu.vector_store %arg10[%swap3A_119, %swap3A_120], %max3A_118 {strides = array<i32>} : memref<314x80xf32, #tpu.memory_space<vmem>>, vector<16xf32>,
        %get3A_122 = arith.index_cast %scan3A_56 : i32 to index
        %get3A_123 = arith.constant 32 : index
        %get3A_124 = tpu.vector_load %arg11[%get3A_122, %get3A_123] {strides = array<i32>} : memref<128x80xf32, #tpu.memory_space<vmem>>, vector<16xf32>,
        %get3A_125 = arith.index_cast %squeeze3A_60 : i32 to index
        %get3A_126 = arith.constant 32 : index
        %get3A_127 = tpu.vector_load %arg7[%get3A_125, %get3A_126] {strides = array<i32>} : memref<314x80xf32, #tpu.memory_space<vmem>>, vector<16xf32>,
        %add3A_128 = arith.addf %get3A_127, %get3A_124 : vector<16xf32>
        %swap3A_129 = arith.index_cast %squeeze3A_60 : i32 to index
        %swap3A_130 = arith.constant 32 : index
        %swap3A_131 = tpu.vector_load %arg7[%swap3A_129, %swap3A_130] {strides = array<i32>} : memref<314x80xf32, #tpu.memory_space<vmem>>, vector<16xf32>,
        tpu.vector_store %arg7[%swap3A_129, %swap3A_130], %add3A_128 {strides = array<i32>} : memref<314x80xf32, #tpu.memory_space<vmem>>, vector<16xf32>,
        %get3A_132 = arith.index_cast %squeeze3A_60 : i32 to index
        %get3A_133 = arith.constant 32 : index
        %get3A_134 = tpu.vector_load %arg8[%get3A_132, %get3A_133] {strides = array<i32>} : memref<314x80xf32, #tpu.memory_space<vmem>>, vector<16xf32>,
        %mul3A_135 = arith.mulf %get3A_124, %get3A_124 : vector<16xf32>
        %add3A_136 = arith.addf %get3A_134, %mul3A_135 : vector<16xf32>
        %swap3A_137 = arith.index_cast %squeeze3A_60 : i32 to index
        %swap3A_138 = arith.constant 32 : index
        %swap3A_139 = tpu.vector_load %arg8[%swap3A_137, %swap3A_138] {strides = array<i32>} : memref<314x80xf32, #tpu.memory_space<vmem>>, vector<16xf32>,
        tpu.vector_store %arg8[%swap3A_137, %swap3A_138], %add3A_136 {strides = array<i32>} : memref<314x80xf32, #tpu.memory_space<vmem>>, vector<16xf32>,
        %get3A_140 = arith.index_cast %squeeze3A_60 : i32 to index
        %get3A_141 = arith.constant 32 : index
        %get3A_142 = tpu.vector_load %arg9[%get3A_140, %get3A_141] {strides = array<i32>} : memref<314x80xf32, #tpu.memory_space<vmem>>, vector<16xf32>,
        %min3A_143 = arith.minimumf %get3A_142, %get3A_124 : vector<16xf32>
        %swap3A_144 = arith.index_cast %squeeze3A_60 : i32 to index
        %swap3A_145 = arith.constant 32 : index
        %swap3A_146 = tpu.vector_load %arg9[%swap3A_144, %swap3A_145] {strides = array<i32>} : memref<314x80xf32, #tpu.memory_space<vmem>>, vector<16xf32>,
        tpu.vector_store %arg9[%swap3A_144, %swap3A_145], %min3A_143 {strides = array<i32>} : memref<314x80xf32, #tpu.memory_space<vmem>>, vector<16xf32>,
        %get3A_147 = arith.index_cast %squeeze3A_60 : i32 to index
        %get3A_148 = arith.constant 32 : index
        %get3A_149 = tpu.vector_load %arg10[%get3A_147, %get3A_148] {strides = array<i32>} : memref<314x80xf32, #tpu.memory_space<vmem>>, vector<16xf32>,
        %max3A_150 = arith.maximumf %get3A_149, %get3A_124 : vector<16xf32>
        %swap3A_151 = arith.index_cast %squeeze3A_60 : i32 to index
        %swap3A_152 = arith.constant 32 : index
        %swap3A_153 = tpu.vector_load %arg10[%swap3A_151, %swap3A_152] {strides = array<i32>} : memref<314x80xf32, #tpu.memory_space<vmem>>, vector<16xf32>,
        tpu.vector_store %arg10[%swap3A_151, %swap3A_152], %max3A_150 {strides = array<i32>} : memref<314x80xf32, #tpu.memory_space<vmem>>, vector<16xf32>,
        %get3A_154 = arith.index_cast %scan3A_56 : i32 to index
        %get3A_155 = arith.constant 48 : index
        %get3A_156 = tpu.vector_load %arg11[%get3A_154, %get3A_155] {strides = array<i32>} : memref<128x80xf32, #tpu.memory_space<vmem>>, vector<16xf32>,
        %get3A_157 = arith.index_cast %squeeze3A_60 : i32 to index
        %get3A_158 = arith.constant 48 : index
        %get3A_159 = tpu.vector_load %arg7[%get3A_157, %get3A_158] {strides = array<i32>} : memref<314x80xf32, #tpu.memory_space<vmem>>, vector<16xf32>,
        %add3A_160 = arith.addf %get3A_159, %get3A_156 : vector<16xf32>
        %swap3A_161 = arith.index_cast %squeeze3A_60 : i32 to index
        %swap3A_162 = arith.constant 48 : index
        %swap3A_163 = tpu.vector_load %arg7[%swap3A_161, %swap3A_162] {strides = array<i32>} : memref<314x80xf32, #tpu.memory_space<vmem>>, vector<16xf32>,
        tpu.vector_store %arg7[%swap3A_161, %swap3A_162], %add3A_160 {strides = array<i32>} : memref<314x80xf32, #tpu.memory_space<vmem>>, vector<16xf32>,
        %get3A_164 = arith.index_cast %squeeze3A_60 : i32 to index
        %get3A_165 = arith.constant 48 : index
        %get3A_166 = tpu.vector_load %arg8[%get3A_164, %get3A_165] {strides = array<i32>} : memref<314x80xf32, #tpu.memory_space<vmem>>, vector<16xf32>,
        %mul3A_167 = arith.mulf %get3A_156, %get3A_156 : vector<16xf32>
        %add3A_168 = arith.addf %get3A_166, %mul3A_167 : vector<16xf32>
        %swap3A_169 = arith.index_cast %squeeze3A_60 : i32 to index
        %swap3A_170 = arith.constant 48 : index
        %swap3A_171 = tpu.vector_load %arg8[%swap3A_169, %swap3A_170] {strides = array<i32>} : memref<314x80xf32, #tpu.memory_space<vmem>>, vector<16xf32>,
        tpu.vector_store %arg8[%swap3A_169, %swap3A_170], %add3A_168 {strides = array<i32>} : memref<314x80xf32, #tpu.memory_space<vmem>>, vector<16xf32>,
        %get3A_172 = arith.index_cast %squeeze3A_60 : i32 to index
        %get3A_173 = arith.constant 48 : index
        %get3A_174 = tpu.vector_load %arg9[%get3A_172, %get3A_173] {strides = array<i32>} : memref<314x80xf32, #tpu.memory_space<vmem>>, vector<16xf32>,
        %min3A_175 = arith.minimumf %get3A_174, %get3A_156 : vector<16xf32>
        %swap3A_176 = arith.index_cast %squeeze3A_60 : i32 to index
        %swap3A_177 = arith.constant 48 : index
        %swap3A_178 = tpu.vector_load %arg9[%swap3A_176, %swap3A_177] {strides = array<i32>} : memref<314x80xf32, #tpu.memory_space<vmem>>, vector<16xf32>,
        tpu.vector_store %arg9[%swap3A_176, %swap3A_177], %min3A_175 {strides = array<i32>} : memref<314x80xf32, #tpu.memory_space<vmem>>, vector<16xf32>,
        %get3A_179 = arith.index_cast %squeeze3A_60 : i32 to index
        %get3A_180 = arith.constant 48 : index
        %get3A_181 = tpu.vector_load %arg10[%get3A_179, %get3A_180] {strides = array<i32>} : memref<314x80xf32, #tpu.memory_space<vmem>>, vector<16xf32>,
        %max3A_182 = arith.maximumf %get3A_181, %get3A_156 : vector<16xf32>
        %swap3A_183 = arith.index_cast %squeeze3A_60 : i32 to index
        %swap3A_184 = arith.constant 48 : index
        %swap3A_185 = tpu.vector_load %arg10[%swap3A_183, %swap3A_184] {strides = array<i32>} : memref<314x80xf32, #tpu.memory_space<vmem>>, vector<16xf32>,
        tpu.vector_store %arg10[%swap3A_183, %swap3A_184], %max3A_182 {strides = array<i32>} : memref<314x80xf32, #tpu.memory_space<vmem>>, vector<16xf32>,
        %get3A_186 = arith.index_cast %scan3A_56 : i32 to index
        %get3A_187 = arith.constant 64 : index
        %get3A_188 = tpu.vector_load %arg11[%get3A_186, %get3A_187] {strides = array<i32>} : memref<128x80xf32, #tpu.memory_space<vmem>>, vector<16xf32>,
        %get3A_189 = arith.index_cast %squeeze3A_60 : i32 to index
        %get3A_190 = arith.constant 64 : index
        %get3A_191 = tpu.vector_load %arg7[%get3A_189, %get3A_190] {strides = array<i32>} : memref<314x80xf32, #tpu.memory_space<vmem>>, vector<16xf32>,
        %add3A_192 = arith.addf %get3A_191, %get3A_188 : vector<16xf32>
        %swap3A_193 = arith.index_cast %squeeze3A_60 : i32 to index
        %swap3A_194 = arith.constant 64 : index
        %swap3A_195 = tpu.vector_load %arg7[%swap3A_193, %swap3A_194] {strides = array<i32>} : memref<314x80xf32, #tpu.memory_space<vmem>>, vector<16xf32>,
        tpu.vector_store %arg7[%swap3A_193, %swap3A_194], %add3A_192 {strides = array<i32>} : memref<314x80xf32, #tpu.memory_space<vmem>>, vector<16xf32>,
        %get3A_196 = arith.index_cast %squeeze3A_60 : i32 to index
        %get3A_197 = arith.constant 64 : index
        %get3A_198 = tpu.vector_load %arg8[%get3A_196, %get3A_197] {strides = array<i32>} : memref<314x80xf32, #tpu.memory_space<vmem>>, vector<16xf32>,
        %mul3A_199 = arith.mulf %get3A_188, %get3A_188 : vector<16xf32>
        %add3A_200 = arith.addf %get3A_198, %mul3A_199 : vector<16xf32>
        %swap3A_201 = arith.index_cast %squeeze3A_60 : i32 to index
        %swap3A_202 = arith.constant 64 : index
        %swap3A_203 = tpu.vector_load %arg8[%swap3A_201, %swap3A_202] {strides = array<i32>} : memref<314x80xf32, #tpu.memory_space<vmem>>, vector<16xf32>,
        tpu.vector_store %arg8[%swap3A_201, %swap3A_202], %add3A_200 {strides = array<i32>} : memref<314x80xf32, #tpu.memory_space<vmem>>, vector<16xf32>,
        %get3A_204 = arith.index_cast %squeeze3A_60 : i32 to index
        %get3A_205 = arith.constant 64 : index
        %get3A_206 = tpu.vector_load %arg9[%get3A_204, %get3A_205] {strides = array<i32>} : memref<314x80xf32, #tpu.memory_space<vmem>>, vector<16xf32>,
        %min3A_207 = arith.minimumf %get3A_206, %get3A_188 : vector<16xf32>
        %swap3A_208 = arith.index_cast %squeeze3A_60 : i32 to index
        %swap3A_209 = arith.constant 64 : index
        %swap3A_210 = tpu.vector_load %arg9[%swap3A_208, %swap3A_209] {strides = array<i32>} : memref<314x80xf32, #tpu.memory_space<vmem>>, vector<16xf32>,
        tpu.vector_store %arg9[%swap3A_208, %swap3A_209], %min3A_207 {strides = array<i32>} : memref<314x80xf32, #tpu.memory_space<vmem>>, vector<16xf32>,
        %get3A_211 = arith.index_cast %squeeze3A_60 : i32 to index
        %get3A_212 = arith.constant 64 : index
        %get3A_213 = tpu.vector_load %arg10[%get3A_211, %get3A_212] {strides = array<i32>} : memref<314x80xf32, #tpu.memory_space<vmem>>, vector<16xf32>,
        %max3A_214 = arith.maximumf %get3A_213, %get3A_188 : vector<16xf32>
        %swap3A_215 = arith.index_cast %squeeze3A_60 : i32 to index
        %swap3A_216 = arith.constant 64 : index
        %swap3A_217 = tpu.vector_load %arg10[%swap3A_215, %swap3A_216] {strides = array<i32>} : memref<314x80xf32, #tpu.memory_space<vmem>>, vector<16xf32>,
        tpu.vector_store %arg10[%swap3A_215, %swap3A_216], %max3A_214 {strides = array<i32>} : memref<314x80xf32, #tpu.memory_space<vmem>>, vector<16xf32>,
      }
      %scan3A_55 = arith.constant 128 : i32
    }
    %while3A_38 = arith.constant 1 : i32
    scf.for %while3A_42 = %while3A_36 to %while3A_32 step %while3A_38  : i32 {
      %mul3A_43 = arith.constant 128 : i32
      %mul3A_44 = arith.muli %while3A_42, %mul3A_43 : i32
      %multiple_of3A = tpu.assume_multiple %mul3A_44, 8 : i32
      "tpu.region"() ({
        %run_scoped3A_56 = tpu.sem_alloc : memref<!tpu.dma_semaphore, #tpu.memory_space<semaphore_mem>>
        %dma_start3A_57 = tpu.memref_slice %arg3[%add3A, %multiple_of3A] : memref<32x655360xi32, #tpu.memory_space<hbm>> -> memref<1x128xi32, #tpu.memory_space<hbm>>
        %dma_start3A_58 = tpu.memref_squeeze %dma_start3A_57 : memref<1x128xi32, #tpu.memory_space<hbm>> -> memref<128xi32, #tpu.memory_space<hbm>>
        %dma_start3A_59 = tpu.memref_slice %arg3[%add3A, %multiple_of3A] : memref<32x655360xi32, #tpu.memory_space<hbm>> -> memref<1x128xi32, #tpu.memory_space<hbm>>
        %dma_start3A_60 = tpu.memref_squeeze %dma_start3A_59 : memref<1x128xi32, #tpu.memory_space<hbm>> -> memref<128xi32, #tpu.memory_space<hbm>>
        tpu.enqueue_dma source(%dma_start3A_60 : memref<128xi32, #tpu.memory_space<hbm>>) target(%arg12 : memref<128xi32, #tpu.memory_space<vmem>>) target_semaphore(%run_scoped3A_56 : memref<!tpu.dma_semaphore, #tpu.memory_space<semaphore_mem>>)
        %dma_wait3A_61 = tpu.memref_slice %arg3[%add3A, %multiple_of3A] : memref<32x655360xi32, #tpu.memory_space<hbm>> -> memref<1x128xi32, #tpu.memory_space<hbm>>
        %dma_wait3A_62 = tpu.memref_squeeze %dma_wait3A_61 : memref<1x128xi32, #tpu.memory_space<hbm>> -> memref<128xi32, #tpu.memory_space<hbm>>
        %dma_wait3A_63 = tpu.memref_slice %arg3[%add3A, %multiple_of3A] : memref<32x655360xi32, #tpu.memory_space<hbm>> -> memref<1x128xi32, #tpu.memory_space<hbm>>
        %dma_wait3A_64 = tpu.memref_squeeze %dma_wait3A_63 : memref<1x128xi32, #tpu.memory_space<hbm>> -> memref<128xi32, #tpu.memory_space<hbm>>
        tpu.wait_dma2 semaphore(%run_scoped3A_56 : memref<!tpu.dma_semaphore, #tpu.memory_space<semaphore_mem>>) src(%dma_wait3A_64 : memref<128xi32, #tpu.memory_space<hbm>>) dst(%arg12 : memref<128xi32, #tpu.memory_space<vmem>>)
        tpu.yield
      }) : () -> ()
      %multiple_of3A_45 = tpu.assume_multiple %mul3A_44, 8 : i32
      "tpu.region"() ({
        %run_scoped3A_56 = tpu.sem_alloc : memref<!tpu.dma_semaphore, #tpu.memory_space<semaphore_mem>>
        %dma_start3A_57 = arith.constant 0 : i32
        %dma_start3A_58 = tpu.memref_slice %arg13[%dma_start3A_57] : memref<144xi32, #tpu.memory_space<vmem>> -> memref<128xi32, #tpu.memory_space<vmem>>
        %dma_start3A_59 = tpu.memref_slice %arg4[%add3A, %multiple_of3A_45] : memref<32x655360xi32, #tpu.memory_space<hbm>> -> memref<1x128xi32, #tpu.memory_space<hbm>>
        %dma_start3A_60 = tpu.memref_squeeze %dma_start3A_59 : memref<1x128xi32, #tpu.memory_space<hbm>> -> memref<128xi32, #tpu.memory_space<hbm>>
        %dma_start3A_61 = arith.constant 0 : i32
        %dma_start3A_62 = tpu.memref_slice %arg13[%dma_start3A_61] : memref<144xi32, #tpu.memory_space<vmem>> -> memref<128xi32, #tpu.memory_space<vmem>>
        %dma_start3A_63 = tpu.memref_slice %arg4[%add3A, %multiple_of3A_45] : memref<32x655360xi32, #tpu.memory_space<hbm>> -> memref<1x128xi32, #tpu.memory_space<hbm>>
        %dma_start3A_64 = tpu.memref_squeeze %dma_start3A_63 : memref<1x128xi32, #tpu.memory_space<hbm>> -> memref<128xi32, #tpu.memory_space<hbm>>
        tpu.enqueue_dma source(%dma_start3A_64 : memref<128xi32, #tpu.memory_space<hbm>>) target(%dma_start3A_62 : memref<128xi32, #tpu.memory_space<vmem>>) target_semaphore(%run_scoped3A_56 : memref<!tpu.dma_semaphore, #tpu.memory_space<semaphore_mem>>)
        %dma_wait3A_65 = arith.constant 0 : i32
        %dma_wait3A_66 = tpu.memref_slice %arg13[%dma_wait3A_65] : memref<144xi32, #tpu.memory_space<vmem>> -> memref<128xi32, #tpu.memory_space<vmem>>
        %dma_wait3A_67 = tpu.memref_slice %arg4[%add3A, %multiple_of3A_45] : memref<32x655360xi32, #tpu.memory_space<hbm>> -> memref<1x128xi32, #tpu.memory_space<hbm>>
        %dma_wait3A_68 = tpu.memref_squeeze %dma_wait3A_67 : memref<1x128xi32, #tpu.memory_space<hbm>> -> memref<128xi32, #tpu.memory_space<hbm>>
        %dma_wait3A_69 = arith.constant 0 : i32
        %dma_wait3A_70 = tpu.memref_slice %arg13[%dma_wait3A_69] : memref<144xi32, #tpu.memory_space<vmem>> -> memref<128xi32, #tpu.memory_space<vmem>>
        %dma_wait3A_71 = tpu.memref_slice %arg4[%add3A, %multiple_of3A_45] : memref<32x655360xi32, #tpu.memory_space<hbm>> -> memref<1x128xi32, #tpu.memory_space<hbm>>
        %dma_wait3A_72 = tpu.memref_squeeze %dma_wait3A_71 : memref<1x128xi32, #tpu.memory_space<hbm>> -> memref<128xi32, #tpu.memory_space<hbm>>
        tpu.wait_dma2 semaphore(%run_scoped3A_56 : memref<!tpu.dma_semaphore, #tpu.memory_space<semaphore_mem>>) src(%dma_wait3A_72 : memref<128xi32, #tpu.memory_space<hbm>>) dst(%dma_wait3A_70 : memref<128xi32, #tpu.memory_space<vmem>>)
        tpu.yield
      }) : () -> ()
      %dma_start3A = arith.constant 0 : i32
      %dma_start3A_46 = arith.constant 0 : i32
      %dma_start3A_47 = tpu.memref_slice %arg2[%dma_start3A, %dma_start3A_46] : memref<10000x80xf32, #tpu.memory_space<hbm>> -> memref<10000x80xf32, #tpu.memory_space<hbm>>
      tpu.enqueue_indirect_dma source(%dma_start3A_47 : memref<10000x80xf32, #tpu.memory_space<hbm>>) target(%arg11 : memref<128x80xf32, #tpu.memory_space<vmem>>) offsets(%arg12 : memref<128xi32, #tpu.memory_space<vmem>>) semaphore(%arg15 : memref<!tpu.dma_semaphore, #tpu.memory_space<semaphore_mem>>)
      %dma_wait3A = arith.constant 0 : i32
      %dma_wait3A_48 = arith.constant 0 : i32
      %dma_wait3A_49 = tpu.memref_slice %arg2[%dma_wait3A, %dma_wait3A_48] : memref<10000x80xf32, #tpu.memory_space<hbm>> -> memref<10000x80xf32, #tpu.memory_space<hbm>>
      tpu.wait_indirect_dma semaphore(%arg15 : memref<!tpu.dma_semaphore, #tpu.memory_space<semaphore_mem>>) src(%dma_wait3A_49 : memref<10000x80xf32, #tpu.memory_space<hbm>>) dst(%arg11 : memref<128x80xf32, #tpu.memory_space<vmem>>)
      %scan3A_50 = arith.constant 0 : i32
      %scan3A_51 = arith.constant 0 : i32
      %scan3A_52 = arith.constant 128 : i32
      %scan3A_53 = arith.addi %scan3A_51, %scan3A_52 : i32
      %scan3A_54 = arith.constant 1 : i32
      scf.for %scan3A_56 = %scan3A_51 to %scan3A_53 step %scan3A_54  : i32 {
        %get3A_57 = arith.index_cast %scan3A_56 : i32 to index
        %get3A_58 = tpu.vector_load %arg13[%get3A_57] {strides = array<i32>} : memref<144xi32, #tpu.memory_space<vmem>>, vector<16xi32>,
        %slice3A_59 = vector.extract_strided_slice %get3A_58 {offsets = [0], sizes = [1], strides = [1]} : vector<16xi32> to vector<1xi32>
        %squeeze3A_60 = vector.extract %slice3A_59[0] : i32 from vector<1xi32>
        %get3A_61 = arith.index_cast %scan3A_56 : i32 to index
        %get3A_62 = arith.constant 0 : index
        %get3A_63 = tpu.vector_load %arg11[%get3A_61, %get3A_62] {strides = array<i32>} : memref<128x80xf32, #tpu.memory_space<vmem>>, vector<16xf32>,
        %get3A_64 = arith.index_cast %squeeze3A_60 : i32 to index
        %get3A_65 = arith.constant 0 : index
        %get3A_66 = tpu.vector_load %arg7[%get3A_64, %get3A_65] {strides = array<i32>} : memref<314x80xf32, #tpu.memory_space<vmem>>, vector<16xf32>,
        %add3A_67 = arith.addf %get3A_66, %get3A_63 : vector<16xf32>
        %swap3A = arith.index_cast %squeeze3A_60 : i32 to index
        %swap3A_68 = arith.constant 0 : index
        %swap3A_69 = tpu.vector_load %arg7[%swap3A, %swap3A_68] {strides = array<i32>} : memref<314x80xf32, #tpu.memory_space<vmem>>, vector<16xf32>,
        tpu.vector_store %arg7[%swap3A, %swap3A_68], %add3A_67 {strides = array<i32>} : memref<314x80xf32, #tpu.memory_space<vmem>>, vector<16xf32>,
        %get3A_70 = arith.index_cast %squeeze3A_60 : i32 to index
        %get3A_71 = arith.constant 0 : index
        %get3A_72 = tpu.vector_load %arg8[%get3A_70, %get3A_71] {strides = array<i32>} : memref<314x80xf32, #tpu.memory_space<vmem>>, vector<16xf32>,
        %mul3A_73 = arith.mulf %get3A_63, %get3A_63 : vector<16xf32>
        %add3A_74 = arith.addf %get3A_72, %mul3A_73 : vector<16xf32>
        %swap3A_75 = arith.index_cast %squeeze3A_60 : i32 to index
        %swap3A_76 = arith.constant 0 : index
        %swap3A_77 = tpu.vector_load %arg8[%swap3A_75, %swap3A_76] {strides = array<i32>} : memref<314x80xf32, #tpu.memory_space<vmem>>, vector<16xf32>,
        tpu.vector_store %arg8[%swap3A_75, %swap3A_76], %add3A_74 {strides = array<i32>} : memref<314x80xf32, #tpu.memory_space<vmem>>, vector<16xf32>,
        %get3A_78 = arith.index_cast %squeeze3A_60 : i32 to index
        %get3A_79 = arith.constant 0 : index
        %get3A_80 = tpu.vector_load %arg9[%get3A_78, %get3A_79] {strides = array<i32>} : memref<314x80xf32, #tpu.memory_space<vmem>>, vector<16xf32>,
        %min3A = arith.minimumf %get3A_80, %get3A_63 : vector<16xf32>
        %swap3A_81 = arith.index_cast %squeeze3A_60 : i32 to index
        %swap3A_82 = arith.constant 0 : index
        %swap3A_83 = tpu.vector_load %arg9[%swap3A_81, %swap3A_82] {strides = array<i32>} : memref<314x80xf32, #tpu.memory_space<vmem>>, vector<16xf32>,
        tpu.vector_store %arg9[%swap3A_81, %swap3A_82], %min3A {strides = array<i32>} : memref<314x80xf32, #tpu.memory_space<vmem>>, vector<16xf32>,
        %get3A_84 = arith.index_cast %squeeze3A_60 : i32 to index
        %get3A_85 = arith.constant 0 : index
        %get3A_86 = tpu.vector_load %arg10[%get3A_84, %get3A_85] {strides = array<i32>} : memref<314x80xf32, #tpu.memory_space<vmem>>, vector<16xf32>,
        %max3A = arith.maximumf %get3A_86, %get3A_63 : vector<16xf32>
        %swap3A_87 = arith.index_cast %squeeze3A_60 : i32 to index
        %swap3A_88 = arith.constant 0 : index
        %swap3A_89 = tpu.vector_load %arg10[%swap3A_87, %swap3A_88] {strides = array<i32>} : memref<314x80xf32, #tpu.memory_space<vmem>>, vector<16xf32>,
        tpu.vector_store %arg10[%swap3A_87, %swap3A_88], %max3A {strides = array<i32>} : memref<314x80xf32, #tpu.memory_space<vmem>>, vector<16xf32>,
        %get3A_90 = arith.index_cast %scan3A_56 : i32 to index
        %get3A_91 = arith.constant 16 : index
        %get3A_92 = tpu.vector_load %arg11[%get3A_90, %get3A_91] {strides = array<i32>} : memref<128x80xf32, #tpu.memory_space<vmem>>, vector<16xf32>,
        %get3A_93 = arith.index_cast %squeeze3A_60 : i32 to index
        %get3A_94 = arith.constant 16 : index
        %get3A_95 = tpu.vector_load %arg7[%get3A_93, %get3A_94] {strides = array<i32>} : memref<314x80xf32, #tpu.memory_space<vmem>>, vector<16xf32>,
        %add3A_96 = arith.addf %get3A_95, %get3A_92 : vector<16xf32>
        %swap3A_97 = arith.index_cast %squeeze3A_60 : i32 to index
        %swap3A_98 = arith.constant 16 : index
        %swap3A_99 = tpu.vector_load %arg7[%swap3A_97, %swap3A_98] {strides = array<i32>} : memref<314x80xf32, #tpu.memory_space<vmem>>, vector<16xf32>,
        tpu.vector_store %arg7[%swap3A_97, %swap3A_98], %add3A_96 {strides = array<i32>} : memref<314x80xf32, #tpu.memory_space<vmem>>, vector<16xf32>,
        %get3A_100 = arith.index_cast %squeeze3A_60 : i32 to index
        %get3A_101 = arith.constant 16 : index
        %get3A_102 = tpu.vector_load %arg8[%get3A_100, %get3A_101] {strides = array<i32>} : memref<314x80xf32, #tpu.memory_space<vmem>>, vector<16xf32>,
        %mul3A_103 = arith.mulf %get3A_92, %get3A_92 : vector<16xf32>
        %add3A_104 = arith.addf %get3A_102, %mul3A_103 : vector<16xf32>
        %swap3A_105 = arith.index_cast %squeeze3A_60 : i32 to index
        %swap3A_106 = arith.constant 16 : index
        %swap3A_107 = tpu.vector_load %arg8[%swap3A_105, %swap3A_106] {strides = array<i32>} : memref<314x80xf32, #tpu.memory_space<vmem>>, vector<16xf32>,
        tpu.vector_store %arg8[%swap3A_105, %swap3A_106], %add3A_104 {strides = array<i32>} : memref<314x80xf32, #tpu.memory_space<vmem>>, vector<16xf32>,
        %get3A_108 = arith.index_cast %squeeze3A_60 : i32 to index
        %get3A_109 = arith.constant 16 : index
        %get3A_110 = tpu.vector_load %arg9[%get3A_108, %get3A_109] {strides = array<i32>} : memref<314x80xf32, #tpu.memory_space<vmem>>, vector<16xf32>,
        %min3A_111 = arith.minimumf %get3A_110, %get3A_92 : vector<16xf32>
        %swap3A_112 = arith.index_cast %squeeze3A_60 : i32 to index
        %swap3A_113 = arith.constant 16 : index
        %swap3A_114 = tpu.vector_load %arg9[%swap3A_112, %swap3A_113] {strides = array<i32>} : memref<314x80xf32, #tpu.memory_space<vmem>>, vector<16xf32>,
        tpu.vector_store %arg9[%swap3A_112, %swap3A_113], %min3A_111 {strides = array<i32>} : memref<314x80xf32, #tpu.memory_space<vmem>>, vector<16xf32>,
        %get3A_115 = arith.index_cast %squeeze3A_60 : i32 to index
        %get3A_116 = arith.constant 16 : index
        %get3A_117 = tpu.vector_load %arg10[%get3A_115, %get3A_116] {strides = array<i32>} : memref<314x80xf32, #tpu.memory_space<vmem>>, vector<16xf32>,
        %max3A_118 = arith.maximumf %get3A_117, %get3A_92 : vector<16xf32>
        %swap3A_119 = arith.index_cast %squeeze3A_60 : i32 to index
        %swap3A_120 = arith.constant 16 : index
        %swap3A_121 = tpu.vector_load %arg10[%swap3A_119, %swap3A_120] {strides = array<i32>} : memref<314x80xf32, #tpu.memory_space<vmem>>, vector<16xf32>,
        tpu.vector_store %arg10[%swap3A_119, %swap3A_120], %max3A_118 {strides = array<i32>} : memref<314x80xf32, #tpu.memory_space<vmem>>, vector<16xf32>,
        %get3A_122 = arith.index_cast %scan3A_56 : i32 to index
        %get3A_123 = arith.constant 32 : index
        %get3A_124 = tpu.vector_load %arg11[%get3A_122, %get3A_123] {strides = array<i32>} : memref<128x80xf32, #tpu.memory_space<vmem>>, vector<16xf32>,
        %get3A_125 = arith.index_cast %squeeze3A_60 : i32 to index
        %get3A_126 = arith.constant 32 : index
        %get3A_127 = tpu.vector_load %arg7[%get3A_125, %get3A_126] {strides = array<i32>} : memref<314x80xf32, #tpu.memory_space<vmem>>, vector<16xf32>,
        %add3A_128 = arith.addf %get3A_127, %get3A_124 : vector<16xf32>
        %swap3A_129 = arith.index_cast %squeeze3A_60 : i32 to index
        %swap3A_130 = arith.constant 32 : index
        %swap3A_131 = tpu.vector_load %arg7[%swap3A_129, %swap3A_130] {strides = array<i32>} : memref<314x80xf32, #tpu.memory_space<vmem>>, vector<16xf32>,
        tpu.vector_store %arg7[%swap3A_129, %swap3A_130], %add3A_128 {strides = array<i32>} : memref<314x80xf32, #tpu.memory_space<vmem>>, vector<16xf32>,
        %get3A_132 = arith.index_cast %squeeze3A_60 : i32 to index
        %get3A_133 = arith.constant 32 : index
        %get3A_134 = tpu.vector_load %arg8[%get3A_132, %get3A_133] {strides = array<i32>} : memref<314x80xf32, #tpu.memory_space<vmem>>, vector<16xf32>,
        %mul3A_135 = arith.mulf %get3A_124, %get3A_124 : vector<16xf32>
        %add3A_136 = arith.addf %get3A_134, %mul3A_135 : vector<16xf32>
        %swap3A_137 = arith.index_cast %squeeze3A_60 : i32 to index
        %swap3A_138 = arith.constant 32 : index
        %swap3A_139 = tpu.vector_load %arg8[%swap3A_137, %swap3A_138] {strides = array<i32>} : memref<314x80xf32, #tpu.memory_space<vmem>>, vector<16xf32>,
        tpu.vector_store %arg8[%swap3A_137, %swap3A_138], %add3A_136 {strides = array<i32>} : memref<314x80xf32, #tpu.memory_space<vmem>>, vector<16xf32>,
        %get3A_140 = arith.index_cast %squeeze3A_60 : i32 to index
        %get3A_141 = arith.constant 32 : index
        %get3A_142 = tpu.vector_load %arg9[%get3A_140, %get3A_141] {strides = array<i32>} : memref<314x80xf32, #tpu.memory_space<vmem>>, vector<16xf32>,
        %min3A_143 = arith.minimumf %get3A_142, %get3A_124 : vector<16xf32>
        %swap3A_144 = arith.index_cast %squeeze3A_60 : i32 to index
        %swap3A_145 = arith.constant 32 : index
        %swap3A_146 = tpu.vector_load %arg9[%swap3A_144, %swap3A_145] {strides = array<i32>} : memref<314x80xf32, #tpu.memory_space<vmem>>, vector<16xf32>,
        tpu.vector_store %arg9[%swap3A_144, %swap3A_145], %min3A_143 {strides = array<i32>} : memref<314x80xf32, #tpu.memory_space<vmem>>, vector<16xf32>,
        %get3A_147 = arith.index_cast %squeeze3A_60 : i32 to index
        %get3A_148 = arith.constant 32 : index
        %get3A_149 = tpu.vector_load %arg10[%get3A_147, %get3A_148] {strides = array<i32>} : memref<314x80xf32, #tpu.memory_space<vmem>>, vector<16xf32>,
        %max3A_150 = arith.maximumf %get3A_149, %get3A_124 : vector<16xf32>
        %swap3A_151 = arith.index_cast %squeeze3A_60 : i32 to index
        %swap3A_152 = arith.constant 32 : index
        %swap3A_153 = tpu.vector_load %arg10[%swap3A_151, %swap3A_152] {strides = array<i32>} : memref<314x80xf32, #tpu.memory_space<vmem>>, vector<16xf32>,
        tpu.vector_store %arg10[%swap3A_151, %swap3A_152], %max3A_150 {strides = array<i32>} : memref<314x80xf32, #tpu.memory_space<vmem>>, vector<16xf32>,
        %get3A_154 = arith.index_cast %scan3A_56 : i32 to index
        %get3A_155 = arith.constant 48 : index
        %get3A_156 = tpu.vector_load %arg11[%get3A_154, %get3A_155] {strides = array<i32>} : memref<128x80xf32, #tpu.memory_space<vmem>>, vector<16xf32>,
        %get3A_157 = arith.index_cast %squeeze3A_60 : i32 to index
        %get3A_158 = arith.constant 48 : index
        %get3A_159 = tpu.vector_load %arg7[%get3A_157, %get3A_158] {strides = array<i32>} : memref<314x80xf32, #tpu.memory_space<vmem>>, vector<16xf32>,
        %add3A_160 = arith.addf %get3A_159, %get3A_156 : vector<16xf32>
        %swap3A_161 = arith.index_cast %squeeze3A_60 : i32 to index
        %swap3A_162 = arith.constant 48 : index
        %swap3A_163 = tpu.vector_load %arg7[%swap3A_161, %swap3A_162] {strides = array<i32>} : memref<314x80xf32, #tpu.memory_space<vmem>>, vector<16xf32>,
        tpu.vector_store %arg7[%swap3A_161, %swap3A_162], %add3A_160 {strides = array<i32>} : memref<314x80xf32, #tpu.memory_space<vmem>>, vector<16xf32>,
        %get3A_164 = arith.index_cast %squeeze3A_60 : i32 to index
        %get3A_165 = arith.constant 48 : index
        %get3A_166 = tpu.vector_load %arg8[%get3A_164, %get3A_165] {strides = array<i32>} : memref<314x80xf32, #tpu.memory_space<vmem>>, vector<16xf32>,
        %mul3A_167 = arith.mulf %get3A_156, %get3A_156 : vector<16xf32>
        %add3A_168 = arith.addf %get3A_166, %mul3A_167 : vector<16xf32>
        %swap3A_169 = arith.index_cast %squeeze3A_60 : i32 to index
        %swap3A_170 = arith.constant 48 : index
        %swap3A_171 = tpu.vector_load %arg8[%swap3A_169, %swap3A_170] {strides = array<i32>} : memref<314x80xf32, #tpu.memory_space<vmem>>, vector<16xf32>,
        tpu.vector_store %arg8[%swap3A_169, %swap3A_170], %add3A_168 {strides = array<i32>} : memref<314x80xf32, #tpu.memory_space<vmem>>, vector<16xf32>,
        %get3A_172 = arith.index_cast %squeeze3A_60 : i32 to index
        %get3A_173 = arith.constant 48 : index
        %get3A_174 = tpu.vector_load %arg9[%get3A_172, %get3A_173] {strides = array<i32>} : memref<314x80xf32, #tpu.memory_space<vmem>>, vector<16xf32>,
        %min3A_175 = arith.minimumf %get3A_174, %get3A_156 : vector<16xf32>
        %swap3A_176 = arith.index_cast %squeeze3A_60 : i32 to index
        %swap3A_177 = arith.constant 48 : index
        %swap3A_178 = tpu.vector_load %arg9[%swap3A_176, %swap3A_177] {strides = array<i32>} : memref<314x80xf32, #tpu.memory_space<vmem>>, vector<16xf32>,
        tpu.vector_store %arg9[%swap3A_176, %swap3A_177], %min3A_175 {strides = array<i32>} : memref<314x80xf32, #tpu.memory_space<vmem>>, vector<16xf32>,
        %get3A_179 = arith.index_cast %squeeze3A_60 : i32 to index
        %get3A_180 = arith.constant 48 : index
        %get3A_181 = tpu.vector_load %arg10[%get3A_179, %get3A_180] {strides = array<i32>} : memref<314x80xf32, #tpu.memory_space<vmem>>, vector<16xf32>,
        %max3A_182 = arith.maximumf %get3A_181, %get3A_156 : vector<16xf32>
        %swap3A_183 = arith.index_cast %squeeze3A_60 : i32 to index
        %swap3A_184 = arith.constant 48 : index
        %swap3A_185 = tpu.vector_load %arg10[%swap3A_183, %swap3A_184] {strides = array<i32>} : memref<314x80xf32, #tpu.memory_space<vmem>>, vector<16xf32>,
        tpu.vector_store %arg10[%swap3A_183, %swap3A_184], %max3A_182 {strides = array<i32>} : memref<314x80xf32, #tpu.memory_space<vmem>>, vector<16xf32>,
        %get3A_186 = arith.index_cast %scan3A_56 : i32 to index
        %get3A_187 = arith.constant 64 : index
        %get3A_188 = tpu.vector_load %arg11[%get3A_186, %get3A_187] {strides = array<i32>} : memref<128x80xf32, #tpu.memory_space<vmem>>, vector<16xf32>,
        %get3A_189 = arith.index_cast %squeeze3A_60 : i32 to index
        %get3A_190 = arith.constant 64 : index
        %get3A_191 = tpu.vector_load %arg7[%get3A_189, %get3A_190] {strides = array<i32>} : memref<314x80xf32, #tpu.memory_space<vmem>>, vector<16xf32>,
        %add3A_192 = arith.addf %get3A_191, %get3A_188 : vector<16xf32>
        %swap3A_193 = arith.index_cast %squeeze3A_60 : i32 to index
        %swap3A_194 = arith.constant 64 : index
        %swap3A_195 = tpu.vector_load %arg7[%swap3A_193, %swap3A_194] {strides = array<i32>} : memref<314x80xf32, #tpu.memory_space<vmem>>, vector<16xf32>,
        tpu.vector_store %arg7[%swap3A_193, %swap3A_194], %add3A_192 {strides = array<i32>} : memref<314x80xf32, #tpu.memory_space<vmem>>, vector<16xf32>,
        %get3A_196 = arith.index_cast %squeeze3A_60 : i32 to index
        %get3A_197 = arith.constant 64 : index
        %get3A_198 = tpu.vector_load %arg8[%get3A_196, %get3A_197] {strides = array<i32>} : memref<314x80xf32, #tpu.memory_space<vmem>>, vector<16xf32>,
        %mul3A_199 = arith.mulf %get3A_188, %get3A_188 : vector<16xf32>
        %add3A_200 = arith.addf %get3A_198, %mul3A_199 : vector<16xf32>
        %swap3A_201 = arith.index_cast %squeeze3A_60 : i32 to index
        %swap3A_202 = arith.constant 64 : index
        %swap3A_203 = tpu.vector_load %arg8[%swap3A_201, %swap3A_202] {strides = array<i32>} : memref<314x80xf32, #tpu.memory_space<vmem>>, vector<16xf32>,
        tpu.vector_store %arg8[%swap3A_201, %swap3A_202], %add3A_200 {strides = array<i32>} : memref<314x80xf32, #tpu.memory_space<vmem>>, vector<16xf32>,
        %get3A_204 = arith.index_cast %squeeze3A_60 : i32 to index
        %get3A_205 = arith.constant 64 : index
        %get3A_206 = tpu.vector_load %arg9[%get3A_204, %get3A_205] {strides = array<i32>} : memref<314x80xf32, #tpu.memory_space<vmem>>, vector<16xf32>,
        %min3A_207 = arith.minimumf %get3A_206, %get3A_188 : vector<16xf32>
        %swap3A_208 = arith.index_cast %squeeze3A_60 : i32 to index
        %swap3A_209 = arith.constant 64 : index
        %swap3A_210 = tpu.vector_load %arg9[%swap3A_208, %swap3A_209] {strides = array<i32>} : memref<314x80xf32, #tpu.memory_space<vmem>>, vector<16xf32>,
        tpu.vector_store %arg9[%swap3A_208, %swap3A_209], %min3A_207 {strides = array<i32>} : memref<314x80xf32, #tpu.memory_space<vmem>>, vector<16xf32>,
        %get3A_211 = arith.index_cast %squeeze3A_60 : i32 to index
        %get3A_212 = arith.constant 64 : index
        %get3A_213 = tpu.vector_load %arg10[%get3A_211, %get3A_212] {strides = array<i32>} : memref<314x80xf32, #tpu.memory_space<vmem>>, vector<16xf32>,
        %max3A_214 = arith.maximumf %get3A_213, %get3A_188 : vector<16xf32>
        %swap3A_215 = arith.index_cast %squeeze3A_60 : i32 to index
        %swap3A_216 = arith.constant 64 : index
        %swap3A_217 = tpu.vector_load %arg10[%swap3A_215, %swap3A_216] {strides = array<i32>} : memref<314x80xf32, #tpu.memory_space<vmem>>, vector<16xf32>,
        tpu.vector_store %arg10[%swap3A_215, %swap3A_216], %max3A_214 {strides = array<i32>} : memref<314x80xf32, #tpu.memory_space<vmem>>, vector<16xf32>,
      }
      %scan3A_55 = arith.constant 128 : i32
    }
    %run_scoped3A = arith.constant 0 : i32
    "tpu.region"() ({
      %run_scoped3A_42 = tpu.sem_alloc : memref<!tpu.dma_semaphore, #tpu.memory_space<semaphore_mem>>
      %dma_start3A = arith.constant 0 : i32
      %dma_start3A_43 = arith.constant 0 : i32
      %dma_start3A_44 = tpu.memref_slice %arg6[%run_scoped3A, %add3A, %dma_start3A, %dma_start3A_43] : memref<4x32x314x80xf32, #tpu.memory_space<hbm>> -> memref<1x1x314x80xf32, #tpu.memory_space<hbm>>
      %dma_start3A_45 = tpu.memref_squeeze %dma_start3A_44 : memref<1x1x314x80xf32, #tpu.memory_space<hbm>> -> memref<314x80xf32, #tpu.memory_space<hbm>>
      %dma_start3A_46 = arith.constant 0 : i32
      %dma_start3A_47 = arith.constant 0 : i32
      %dma_start3A_48 = tpu.memref_slice %arg6[%run_scoped3A, %add3A, %dma_start3A_46, %dma_start3A_47] : memref<4x32x314x80xf32, #tpu.memory_space<hbm>> -> memref<1x1x314x80xf32, #tpu.memory_space<hbm>>
      %dma_start3A_49 = tpu.memref_squeeze %dma_start3A_48 : memref<1x1x314x80xf32, #tpu.memory_space<hbm>> -> memref<314x80xf32, #tpu.memory_space<hbm>>
      tpu.enqueue_dma source(%arg7 : memref<314x80xf32, #tpu.memory_space<vmem>>) target(%dma_start3A_49 : memref<314x80xf32, #tpu.memory_space<hbm>>) target_semaphore(%run_scoped3A_42 : memref<!tpu.dma_semaphore, #tpu.memory_space<semaphore_mem>>)
      %dma_wait3A = arith.constant 0 : i32
      %dma_wait3A_50 = arith.constant 0 : i32
      %dma_wait3A_51 = tpu.memref_slice %arg6[%run_scoped3A, %add3A, %dma_wait3A, %dma_wait3A_50] : memref<4x32x314x80xf32, #tpu.memory_space<hbm>> -> memref<1x1x314x80xf32, #tpu.memory_space<hbm>>
      %dma_wait3A_52 = tpu.memref_squeeze %dma_wait3A_51 : memref<1x1x314x80xf32, #tpu.memory_space<hbm>> -> memref<314x80xf32, #tpu.memory_space<hbm>>
      %dma_wait3A_53 = arith.constant 0 : i32
      %dma_wait3A_54 = arith.constant 0 : i32
      %dma_wait3A_55 = tpu.memref_slice %arg6[%run_scoped3A, %add3A, %dma_wait3A_53, %dma_wait3A_54] : memref<4x32x314x80xf32, #tpu.memory_space<hbm>> -> memref<1x1x314x80xf32, #tpu.memory_space<hbm>>
      %dma_wait3A_56 = tpu.memref_squeeze %dma_wait3A_55 : memref<1x1x314x80xf32, #tpu.memory_space<hbm>> -> memref<314x80xf32, #tpu.memory_space<hbm>>
      tpu.wait_dma2 semaphore(%run_scoped3A_42 : memref<!tpu.dma_semaphore, #tpu.memory_space<semaphore_mem>>) src(%arg7 : memref<314x80xf32, #tpu.memory_space<vmem>>) dst(%dma_wait3A_56 : memref<314x80xf32, #tpu.memory_space<hbm>>)
      tpu.yield
    }) : () -> ()
    %run_scoped3A_39 = arith.constant 1 : i32
    "tpu.region"() ({
      %run_scoped3A_42 = tpu.sem_alloc : memref<!tpu.dma_semaphore, #tpu.memory_space<semaphore_mem>>
      %dma_start3A = arith.constant 0 : i32
      %dma_start3A_43 = arith.constant 0 : i32
      %dma_start3A_44 = tpu.memref_slice %arg6[%run_scoped3A_39, %add3A, %dma_start3A, %dma_start3A_43] : memref<4x32x314x80xf32, #tpu.memory_space<hbm>> -> memref<1x1x314x80xf32, #tpu.memory_space<hbm>>
      %dma_start3A_45 = tpu.memref_squeeze %dma_start3A_44 : memref<1x1x314x80xf32, #tpu.memory_space<hbm>> -> memref<314x80xf32, #tpu.memory_space<hbm>>
      %dma_start3A_46 = arith.constant 0 : i32
      %dma_start3A_47 = arith.constant 0 : i32
      %dma_start3A_48 = tpu.memref_slice %arg6[%run_scoped3A_39, %add3A, %dma_start3A_46, %dma_start3A_47] : memref<4x32x314x80xf32, #tpu.memory_space<hbm>> -> memref<1x1x314x80xf32, #tpu.memory_space<hbm>>
      %dma_start3A_49 = tpu.memref_squeeze %dma_start3A_48 : memref<1x1x314x80xf32, #tpu.memory_space<hbm>> -> memref<314x80xf32, #tpu.memory_space<hbm>>
      tpu.enqueue_dma source(%arg8 : memref<314x80xf32, #tpu.memory_space<vmem>>) target(%dma_start3A_49 : memref<314x80xf32, #tpu.memory_space<hbm>>) target_semaphore(%run_scoped3A_42 : memref<!tpu.dma_semaphore, #tpu.memory_space<semaphore_mem>>)
      %dma_wait3A = arith.constant 0 : i32
      %dma_wait3A_50 = arith.constant 0 : i32
      %dma_wait3A_51 = tpu.memref_slice %arg6[%run_scoped3A_39, %add3A, %dma_wait3A, %dma_wait3A_50] : memref<4x32x314x80xf32, #tpu.memory_space<hbm>> -> memref<1x1x314x80xf32, #tpu.memory_space<hbm>>
      %dma_wait3A_52 = tpu.memref_squeeze %dma_wait3A_51 : memref<1x1x314x80xf32, #tpu.memory_space<hbm>> -> memref<314x80xf32, #tpu.memory_space<hbm>>
      %dma_wait3A_53 = arith.constant 0 : i32
      %dma_wait3A_54 = arith.constant 0 : i32
      %dma_wait3A_55 = tpu.memref_slice %arg6[%run_scoped3A_39, %add3A, %dma_wait3A_53, %dma_wait3A_54] : memref<4x32x314x80xf32, #tpu.memory_space<hbm>> -> memref<1x1x314x80xf32, #tpu.memory_space<hbm>>
      %dma_wait3A_56 = tpu.memref_squeeze %dma_wait3A_55 : memref<1x1x314x80xf32, #tpu.memory_space<hbm>> -> memref<314x80xf32, #tpu.memory_space<hbm>>
      tpu.wait_dma2 semaphore(%run_scoped3A_42 : memref<!tpu.dma_semaphore, #tpu.memory_space<semaphore_mem>>) src(%arg8 : memref<314x80xf32, #tpu.memory_space<vmem>>) dst(%dma_wait3A_56 : memref<314x80xf32, #tpu.memory_space<hbm>>)
      tpu.yield
    }) : () -> ()
    %run_scoped3A_40 = arith.constant 2 : i32
    "tpu.region"() ({
      %run_scoped3A_42 = tpu.sem_alloc : memref<!tpu.dma_semaphore, #tpu.memory_space<semaphore_mem>>
      %dma_start3A = arith.constant 0 : i32
      %dma_start3A_43 = arith.constant 0 : i32
      %dma_start3A_44 = tpu.memref_slice %arg6[%run_scoped3A_40, %add3A, %dma_start3A, %dma_start3A_43] : memref<4x32x314x80xf32, #tpu.memory_space<hbm>> -> memref<1x1x314x80xf32, #tpu.memory_space<hbm>>
      %dma_start3A_45 = tpu.memref_squeeze %dma_start3A_44 : memref<1x1x314x80xf32, #tpu.memory_space<hbm>> -> memref<314x80xf32, #tpu.memory_space<hbm>>
      %dma_start3A_46 = arith.constant 0 : i32
      %dma_start3A_47 = arith.constant 0 : i32
      %dma_start3A_48 = tpu.memref_slice %arg6[%run_scoped3A_40, %add3A, %dma_start3A_46, %dma_start3A_47] : memref<4x32x314x80xf32, #tpu.memory_space<hbm>> -> memref<1x1x314x80xf32, #tpu.memory_space<hbm>>
      %dma_start3A_49 = tpu.memref_squeeze %dma_start3A_48 : memref<1x1x314x80xf32, #tpu.memory_space<hbm>> -> memref<314x80xf32, #tpu.memory_space<hbm>>
      tpu.enqueue_dma source(%arg9 : memref<314x80xf32, #tpu.memory_space<vmem>>) target(%dma_start3A_49 : memref<314x80xf32, #tpu.memory_space<hbm>>) target_semaphore(%run_scoped3A_42 : memref<!tpu.dma_semaphore, #tpu.memory_space<semaphore_mem>>)
      %dma_wait3A = arith.constant 0 : i32
      %dma_wait3A_50 = arith.constant 0 : i32
      %dma_wait3A_51 = tpu.memref_slice %arg6[%run_scoped3A_40, %add3A, %dma_wait3A, %dma_wait3A_50] : memref<4x32x314x80xf32, #tpu.memory_space<hbm>> -> memref<1x1x314x80xf32, #tpu.memory_space<hbm>>
      %dma_wait3A_52 = tpu.memref_squeeze %dma_wait3A_51 : memref<1x1x314x80xf32, #tpu.memory_space<hbm>> -> memref<314x80xf32, #tpu.memory_space<hbm>>
      %dma_wait3A_53 = arith.constant 0 : i32
      %dma_wait3A_54 = arith.constant 0 : i32
      %dma_wait3A_55 = tpu.memref_slice %arg6[%run_scoped3A_40, %add3A, %dma_wait3A_53, %dma_wait3A_54] : memref<4x32x314x80xf32, #tpu.memory_space<hbm>> -> memref<1x1x314x80xf32, #tpu.memory_space<hbm>>
      %dma_wait3A_56 = tpu.memref_squeeze %dma_wait3A_55 : memref<1x1x314x80xf32, #tpu.memory_space<hbm>> -> memref<314x80xf32, #tpu.memory_space<hbm>>
      tpu.wait_dma2 semaphore(%run_scoped3A_42 : memref<!tpu.dma_semaphore, #tpu.memory_space<semaphore_mem>>) src(%arg9 : memref<314x80xf32, #tpu.memory_space<vmem>>) dst(%dma_wait3A_56 : memref<314x80xf32, #tpu.memory_space<hbm>>)
      tpu.yield
    }) : () -> ()
    %run_scoped3A_41 = arith.constant 3 : i32
    "tpu.region"() ({
      %run_scoped3A_42 = tpu.sem_alloc : memref<!tpu.dma_semaphore, #tpu.memory_space<semaphore_mem>>
      %dma_start3A = arith.constant 0 : i32
      %dma_start3A_43 = arith.constant 0 : i32
      %dma_start3A_44 = tpu.memref_slice %arg6[%run_scoped3A_41, %add3A, %dma_start3A, %dma_start3A_43] : memref<4x32x314x80xf32, #tpu.memory_space<hbm>> -> memref<1x1x314x80xf32, #tpu.memory_space<hbm>>
      %dma_start3A_45 = tpu.memref_squeeze %dma_start3A_44 : memref<1x1x314x80xf32, #tpu.memory_space<hbm>> -> memref<314x80xf32, #tpu.memory_space<hbm>>
      %dma_start3A_46 = arith.constant 0 : i32
      %dma_start3A_47 = arith.constant 0 : i32
      %dma_start3A_48 = tpu.memref_slice %arg6[%run_scoped3A_41, %add3A, %dma_start3A_46, %dma_start3A_47] : memref<4x32x314x80xf32, #tpu.memory_space<hbm>> -> memref<1x1x314x80xf32, #tpu.memory_space<hbm>>
      %dma_start3A_49 = tpu.memref_squeeze %dma_start3A_48 : memref<1x1x314x80xf32, #tpu.memory_space<hbm>> -> memref<314x80xf32, #tpu.memory_space<hbm>>
      tpu.enqueue_dma source(%arg10 : memref<314x80xf32, #tpu.memory_space<vmem>>) target(%dma_start3A_49 : memref<314x80xf32, #tpu.memory_space<hbm>>) target_semaphore(%run_scoped3A_42 : memref<!tpu.dma_semaphore, #tpu.memory_space<semaphore_mem>>)
      %dma_wait3A = arith.constant 0 : i32
      %dma_wait3A_50 = arith.constant 0 : i32
      %dma_wait3A_51 = tpu.memref_slice %arg6[%run_scoped3A_41, %add3A, %dma_wait3A, %dma_wait3A_50] : memref<4x32x314x80xf32, #tpu.memory_space<hbm>> -> memref<1x1x314x80xf32, #tpu.memory_space<hbm>>
      %dma_wait3A_52 = tpu.memref_squeeze %dma_wait3A_51 : memref<1x1x314x80xf32, #tpu.memory_space<hbm>> -> memref<314x80xf32, #tpu.memory_space<hbm>>
      %dma_wait3A_53 = arith.constant 0 : i32
      %dma_wait3A_54 = arith.constant 0 : i32
      %dma_wait3A_55 = tpu.memref_slice %arg6[%run_scoped3A_41, %add3A, %dma_wait3A_53, %dma_wait3A_54] : memref<4x32x314x80xf32, #tpu.memory_space<hbm>> -> memref<1x1x314x80xf32, #tpu.memory_space<hbm>>
      %dma_wait3A_56 = tpu.memref_squeeze %dma_wait3A_55 : memref<1x1x314x80xf32, #tpu.memory_space<hbm>> -> memref<314x80xf32, #tpu.memory_space<hbm>>
      tpu.wait_dma2 semaphore(%run_scoped3A_42 : memref<!tpu.dma_semaphore, #tpu.memory_space<semaphore_mem>>) src(%arg10 : memref<314x80xf32, #tpu.memory_space<vmem>>) dst(%dma_wait3A_56 : memref<314x80xf32, #tpu.memory_space<hbm>>)
      tpu.yield
    }) : () -> ()
    return
  }
}

#map = affine_map<(d0, d1) -> (0)>
#map1 = affine_map<(d0, d1) -> (0, 0)>
#map2 = affine_map<(d0, d1) -> (0, 0, 0)>
module attributes {stable_mosaic.version = 14 : i64} {
  func.func @_bucket_body(%arg0: i32, %arg1: i32, %arg2: memref<640000xi32, #tpu.memory_space<hbm>>, %arg3: memref<640000xi32, #tpu.memory_space<hbm>>, %arg4: memref<32x655360xi32, #tpu.memory_space<hbm>>, %arg5: memref<32x655360xi32, #tpu.memory_space<hbm>>, %arg6: memref<32x8xi32, #tpu.memory_space<hbm>>, %arg7: memref<32x314x16xf32, #tpu.memory_space<hbm>>, %arg8: memref<2000xi32, #tpu.memory_space<vmem>>, %arg9: memref<2000xi32, #tpu.memory_space<vmem>>, %arg10: memref<8192xi32, #tpu.memory_space<vmem>>, %arg11: memref<8192xi32, #tpu.memory_space<vmem>>, %arg12: memref<314x16xf32, #tpu.memory_space<vmem>>, %arg13: memref<16xi32, #tpu.memory_space<vmem>>, %arg14: memref<!tpu.dma_semaphore, #tpu.memory_space<semaphore_mem>>) attributes {dimension_semantics = [#tpu.dimension_semantics<core_parallel>, #tpu.dimension_semantics<subcore_parallel>], iteration_bounds = array<i64: 2, 16>, scalar_prefetch = 0 : i64, scratch_operands = 7 : i64, tpu.core_type = #tpu.core_type<sc_vector_subcore>, window_params = [{transform_indices = #map}, {transform_indices = #map}, {transform_indices = #map1}, {transform_indices = #map1}, {transform_indices = #map1}, {transform_indices = #map2}]} {
    %mul3A = arith.constant 2 : i32
    %mul3A_0 = arith.muli %arg1, %mul3A : i32
    %add3A = arith.addi %mul3A_0, %arg0 : i32
    %mul3A_1 = arith.constant 313 : i32
    %mul3A_2 = arith.muli %add3A, %mul3A_1 : i32
    %broadcast_in_dim3A = arith.constant 0.000000e+00 : f32
    %broadcast_in_dim3A_3 = vector.broadcast %broadcast_in_dim3A : f32 to vector<16xf32>
    %scan3A = arith.constant 0 : i32
    %scan3A_4 = arith.constant 0 : i32
    %scan3A_5 = arith.constant 314 : i32
    %scan3A_6 = arith.addi %scan3A_4, %scan3A_5 : i32
    %scan3A_7 = arith.constant 1 : i32
    scf.for %scan3A_69 = %scan3A_4 to %scan3A_6 step %scan3A_7  : i32 {
      %swap3A_70 = arith.index_cast %scan3A_69 : i32 to index
      %swap3A_71 = arith.constant 0 : index
      %swap3A_72 = tpu.vector_load %arg12[%swap3A_70, %swap3A_71] {strides = array<i32>} : memref<314x16xf32, #tpu.memory_space<vmem>>, vector<16xf32>,
      tpu.vector_store %arg12[%swap3A_70, %swap3A_71], %broadcast_in_dim3A_3 {strides = array<i32>} : memref<314x16xf32, #tpu.memory_space<vmem>>, vector<16xf32>,
    }
    %scan3A_8 = arith.constant 314 : i32
    %scan3A_9 = arith.constant 0 : i32
    %scan3A_10 = arith.constant 0 : i32
    %scan3A_11 = arith.constant 0 : i32
    %scan3A_12 = arith.constant 320 : i32
    %scan3A_13 = arith.addi %scan3A_11, %scan3A_12 : i32
    %scan3A_14 = arith.constant 1 : i32
    %scan3A_15:2 = scf.for %scan3A_69 = %scan3A_11 to %scan3A_13 step %scan3A_14 iter_args(%scan3A_70 = %scan3A_9, %scan3A_71 = %scan3A_10) -> (i32, i32)  : i32 {
      %mul3A_72 = arith.constant 2000 : i32
      %mul3A_73 = arith.muli %scan3A_69, %mul3A_72 : i32
      %multiple_of3A_74 = tpu.assume_multiple %mul3A_73, 8 : i32
      "tpu.region"() ({
        %run_scoped3A = tpu.sem_alloc : memref<!tpu.dma_semaphore, #tpu.memory_space<semaphore_mem>>
        %dma_start3A = tpu.memref_slice %arg2[%multiple_of3A_74] : memref<640000xi32, #tpu.memory_space<hbm>> -> memref<2000xi32, #tpu.memory_space<hbm>>
        %dma_start3A_88 = tpu.memref_slice %arg2[%multiple_of3A_74] : memref<640000xi32, #tpu.memory_space<hbm>> -> memref<2000xi32, #tpu.memory_space<hbm>>
        tpu.enqueue_dma source(%dma_start3A_88 : memref<2000xi32, #tpu.memory_space<hbm>>) target(%arg8 : memref<2000xi32, #tpu.memory_space<vmem>>) target_semaphore(%run_scoped3A : memref<!tpu.dma_semaphore, #tpu.memory_space<semaphore_mem>>)
        %dma_wait3A = tpu.memref_slice %arg2[%multiple_of3A_74] : memref<640000xi32, #tpu.memory_space<hbm>> -> memref<2000xi32, #tpu.memory_space<hbm>>
        %dma_wait3A_89 = tpu.memref_slice %arg2[%multiple_of3A_74] : memref<640000xi32, #tpu.memory_space<hbm>> -> memref<2000xi32, #tpu.memory_space<hbm>>
        tpu.wait_dma2 semaphore(%run_scoped3A : memref<!tpu.dma_semaphore, #tpu.memory_space<semaphore_mem>>) src(%dma_wait3A_89 : memref<2000xi32, #tpu.memory_space<hbm>>) dst(%arg8 : memref<2000xi32, #tpu.memory_space<vmem>>)
        tpu.yield
      }) : () -> ()
      %mul3A_75 = arith.constant 2000 : i32
      %mul3A_76 = arith.muli %scan3A_69, %mul3A_75 : i32
      %multiple_of3A_77 = tpu.assume_multiple %mul3A_76, 8 : i32
      "tpu.region"() ({
        %run_scoped3A = tpu.sem_alloc : memref<!tpu.dma_semaphore, #tpu.memory_space<semaphore_mem>>
        %dma_start3A = tpu.memref_slice %arg3[%multiple_of3A_77] : memref<640000xi32, #tpu.memory_space<hbm>> -> memref<2000xi32, #tpu.memory_space<hbm>>
        %dma_start3A_88 = tpu.memref_slice %arg3[%multiple_of3A_77] : memref<640000xi32, #tpu.memory_space<hbm>> -> memref<2000xi32, #tpu.memory_space<hbm>>
        tpu.enqueue_dma source(%dma_start3A_88 : memref<2000xi32, #tpu.memory_space<hbm>>) target(%arg9 : memref<2000xi32, #tpu.memory_space<vmem>>) target_semaphore(%run_scoped3A : memref<!tpu.dma_semaphore, #tpu.memory_space<semaphore_mem>>)
        %dma_wait3A = tpu.memref_slice %arg3[%multiple_of3A_77] : memref<640000xi32, #tpu.memory_space<hbm>> -> memref<2000xi32, #tpu.memory_space<hbm>>
        %dma_wait3A_89 = tpu.memref_slice %arg3[%multiple_of3A_77] : memref<640000xi32, #tpu.memory_space<hbm>> -> memref<2000xi32, #tpu.memory_space<hbm>>
        tpu.wait_dma2 semaphore(%run_scoped3A : memref<!tpu.dma_semaphore, #tpu.memory_space<semaphore_mem>>) src(%dma_wait3A_89 : memref<2000xi32, #tpu.memory_space<hbm>>) dst(%arg9 : memref<2000xi32, #tpu.memory_space<vmem>>)
        tpu.yield
      }) : () -> ()
      %scan3A_78 = arith.constant 0 : i32
      %scan3A_79 = arith.constant 125 : i32
      %scan3A_80 = arith.addi %scan3A_78, %scan3A_79 : i32
      %scan3A_81 = arith.constant 1 : i32
      %scan3A_82 = scf.for %scan3A_88 = %scan3A_78 to %scan3A_80 step %scan3A_81 iter_args(%scan3A_89 = %scan3A_70) -> (i32)  : i32 {
        %mul3A_90 = arith.constant 16 : i32
        %mul3A_91 = arith.muli %scan3A_88, %mul3A_90 : i32
        %get3A = arith.index_cast %mul3A_91 : i32 to index
        %get3A_92 = tpu.vector_load %arg9[%get3A] {strides = array<i32>} : memref<2000xi32, #tpu.memory_space<vmem>>, vector<16xi32>,
        %mul3A_93 = arith.constant 16 : i32
        %mul3A_94 = arith.muli %scan3A_88, %mul3A_93 : i32
        %get3A_95 = arith.index_cast %mul3A_94 : i32 to index
        %get3A_96 = tpu.vector_load %arg8[%get3A_95] {strides = array<i32>} : memref<2000xi32, #tpu.memory_space<vmem>>, vector<16xi32>,
        %sub3A_97 = vector.broadcast %mul3A_2 : i32 to vector<16xi32>
        %sub3A_98 = arith.subi %get3A_92, %sub3A_97 : vector<16xi32>
        %ge3A_99 = arith.constant 0 : i32
        %ge3A_100 = vector.broadcast %ge3A_99 : i32 to vector<16xi32>
        %ge3A_101 = arith.cmpi sge, %sub3A_98, %ge3A_100 : vector<16xi32>
        %lt3A = arith.constant 313 : i32
        %lt3A_102 = vector.broadcast %lt3A : i32 to vector<16xi32>
        %lt3A_103 = arith.cmpi slt, %sub3A_98, %lt3A_102 : vector<16xi32>
        %and3A_104 = arith.andi %ge3A_101, %lt3A_103 : vector<16xi1>
        %swap3A_105 = arith.index_cast %scan3A_89 : i32 to index
        %swap3A_106 = tpu.vector_load %arg11[%swap3A_105] masked %and3A_104 {strides = array<i32>} : memref<8192xi32, #tpu.memory_space<vmem>>, vector<16xi32>, vector<16xi1>
        tpu.vector_store %arg11[%swap3A_105], %sub3A_98 masked %and3A_104 {strides = array<i32>} : memref<8192xi32, #tpu.memory_space<vmem>>, vector<16xi32>, vector<16xi1>
        %swap3A_107 = arith.index_cast %scan3A_89 : i32 to index
        %swap3A_108 = tpu.vector_load %arg10[%swap3A_107] masked %and3A_104 {strides = array<i32>} : memref<8192xi32, #tpu.memory_space<vmem>>, vector<16xi32>, vector<16xi1>
        tpu.vector_store %arg10[%swap3A_107], %get3A_96 masked %and3A_104 {strides = array<i32>} : memref<8192xi32, #tpu.memory_space<vmem>>, vector<16xi32>, vector<16xi1>
        %convert_element_type3A_109 = arith.extui %and3A_104 : vector<16xi1> to vector<16xi32>
        %reduce_sum3A = arith.constant true
        %reduce_sum3A_110 = vector.broadcast %reduce_sum3A : i1 to vector<16xi1>
        %reduce_sum3A_111 = tpu.scan <sum>, %convert_element_type3A_109 masked %reduce_sum3A_110 : vector<16xi32>, vector<16xi1> -> vector<16xi32>
        %reduce_sum3A_112 = vector.extract %reduce_sum3A_111[15] : i32 from vector<16xi32>
        %add3A_113 = arith.addi %scan3A_89, %reduce_sum3A_112 : i32
        scf.yield %add3A_113 : i32
      }
      %scan3A_83 = arith.constant 125 : i32
      %ge3A = arith.constant 4096 : i32
      %ge3A_84 = arith.cmpi sge, %scan3A_82, %ge3A : i32
      %convert_element_type3A_85 = arith.extui %ge3A_84 : i1 to i32
      %cond3A = arith.constant 0 : i32
      %cond3A_86 = arith.cmpi ne, %convert_element_type3A_85, %cond3A : i32
      %cond3A_87:2 = scf.if %cond3A_86 -> (i32, i32) {
        %multiple_of3A_88 = tpu.assume_multiple %scan3A_71, 8 : i32
        "tpu.region"() ({
          %run_scoped3A = tpu.sem_alloc : memref<!tpu.dma_semaphore, #tpu.memory_space<semaphore_mem>>
          %dma_start3A = arith.constant 0 : i32
          %dma_start3A_100 = tpu.memref_slice %arg10[%dma_start3A] : memref<8192xi32, #tpu.memory_space<vmem>> -> memref<4096xi32, #tpu.memory_space<vmem>>
          %dma_start3A_101 = tpu.memref_slice %arg4[%add3A, %multiple_of3A_88] : memref<32x655360xi32, #tpu.memory_space<hbm>> -> memref<1x4096xi32, #tpu.memory_space<hbm>>
          %dma_start3A_102 = tpu.memref_squeeze %dma_start3A_101 : memref<1x4096xi32, #tpu.memory_space<hbm>> -> memref<4096xi32, #tpu.memory_space<hbm>>
          %dma_start3A_103 = tpu.memref_slice %arg4[%add3A, %multiple_of3A_88] : memref<32x655360xi32, #tpu.memory_space<hbm>> -> memref<1x4096xi32, #tpu.memory_space<hbm>>
          %dma_start3A_104 = tpu.memref_squeeze %dma_start3A_103 : memref<1x4096xi32, #tpu.memory_space<hbm>> -> memref<4096xi32, #tpu.memory_space<hbm>>
          %dma_start3A_105 = arith.constant 0 : i32
          %dma_start3A_106 = tpu.memref_slice %arg10[%dma_start3A_105] : memref<8192xi32, #tpu.memory_space<vmem>> -> memref<4096xi32, #tpu.memory_space<vmem>>
          tpu.enqueue_dma source(%dma_start3A_106 : memref<4096xi32, #tpu.memory_space<vmem>>) target(%dma_start3A_104 : memref<4096xi32, #tpu.memory_space<hbm>>) target_semaphore(%run_scoped3A : memref<!tpu.dma_semaphore, #tpu.memory_space<semaphore_mem>>)
          %dma_wait3A = arith.constant 0 : i32
          %dma_wait3A_107 = tpu.memref_slice %arg10[%dma_wait3A] : memref<8192xi32, #tpu.memory_space<vmem>> -> memref<4096xi32, #tpu.memory_space<vmem>>
          %dma_wait3A_108 = tpu.memref_slice %arg4[%add3A, %multiple_of3A_88] : memref<32x655360xi32, #tpu.memory_space<hbm>> -> memref<1x4096xi32, #tpu.memory_space<hbm>>
          %dma_wait3A_109 = tpu.memref_squeeze %dma_wait3A_108 : memref<1x4096xi32, #tpu.memory_space<hbm>> -> memref<4096xi32, #tpu.memory_space<hbm>>
          %dma_wait3A_110 = tpu.memref_slice %arg4[%add3A, %multiple_of3A_88] : memref<32x655360xi32, #tpu.memory_space<hbm>> -> memref<1x4096xi32, #tpu.memory_space<hbm>>
          %dma_wait3A_111 = tpu.memref_squeeze %dma_wait3A_110 : memref<1x4096xi32, #tpu.memory_space<hbm>> -> memref<4096xi32, #tpu.memory_space<hbm>>
          %dma_wait3A_112 = arith.constant 0 : i32
          %dma_wait3A_113 = tpu.memref_slice %arg10[%dma_wait3A_112] : memref<8192xi32, #tpu.memory_space<vmem>> -> memref<4096xi32, #tpu.memory_space<vmem>>
          tpu.wait_dma2 semaphore(%run_scoped3A : memref<!tpu.dma_semaphore, #tpu.memory_space<semaphore_mem>>) src(%dma_wait3A_113 : memref<4096xi32, #tpu.memory_space<vmem>>) dst(%dma_wait3A_111 : memref<4096xi32, #tpu.memory_space<hbm>>)
          tpu.yield
        }) : () -> ()
        %multiple_of3A_89 = tpu.assume_multiple %scan3A_71, 8 : i32
        "tpu.region"() ({
          %run_scoped3A = tpu.sem_alloc : memref<!tpu.dma_semaphore, #tpu.memory_space<semaphore_mem>>
          %dma_start3A = arith.constant 0 : i32
          %dma_start3A_100 = tpu.memref_slice %arg11[%dma_start3A] : memref<8192xi32, #tpu.memory_space<vmem>> -> memref<4096xi32, #tpu.memory_space<vmem>>
          %dma_start3A_101 = tpu.memref_slice %arg5[%add3A, %multiple_of3A_89] : memref<32x655360xi32, #tpu.memory_space<hbm>> -> memref<1x4096xi32, #tpu.memory_space<hbm>>
          %dma_start3A_102 = tpu.memref_squeeze %dma_start3A_101 : memref<1x4096xi32, #tpu.memory_space<hbm>> -> memref<4096xi32, #tpu.memory_space<hbm>>
          %dma_start3A_103 = tpu.memref_slice %arg5[%add3A, %multiple_of3A_89] : memref<32x655360xi32, #tpu.memory_space<hbm>> -> memref<1x4096xi32, #tpu.memory_space<hbm>>
          %dma_start3A_104 = tpu.memref_squeeze %dma_start3A_103 : memref<1x4096xi32, #tpu.memory_space<hbm>> -> memref<4096xi32, #tpu.memory_space<hbm>>
          %dma_start3A_105 = arith.constant 0 : i32
          %dma_start3A_106 = tpu.memref_slice %arg11[%dma_start3A_105] : memref<8192xi32, #tpu.memory_space<vmem>> -> memref<4096xi32, #tpu.memory_space<vmem>>
          tpu.enqueue_dma source(%dma_start3A_106 : memref<4096xi32, #tpu.memory_space<vmem>>) target(%dma_start3A_104 : memref<4096xi32, #tpu.memory_space<hbm>>) target_semaphore(%run_scoped3A : memref<!tpu.dma_semaphore, #tpu.memory_space<semaphore_mem>>)
          %dma_wait3A = arith.constant 0 : i32
          %dma_wait3A_107 = tpu.memref_slice %arg11[%dma_wait3A] : memref<8192xi32, #tpu.memory_space<vmem>> -> memref<4096xi32, #tpu.memory_space<vmem>>
          %dma_wait3A_108 = tpu.memref_slice %arg5[%add3A, %multiple_of3A_89] : memref<32x655360xi32, #tpu.memory_space<hbm>> -> memref<1x4096xi32, #tpu.memory_space<hbm>>
          %dma_wait3A_109 = tpu.memref_squeeze %dma_wait3A_108 : memref<1x4096xi32, #tpu.memory_space<hbm>> -> memref<4096xi32, #tpu.memory_space<hbm>>
          %dma_wait3A_110 = tpu.memref_slice %arg5[%add3A, %multiple_of3A_89] : memref<32x655360xi32, #tpu.memory_space<hbm>> -> memref<1x4096xi32, #tpu.memory_space<hbm>>
          %dma_wait3A_111 = tpu.memref_squeeze %dma_wait3A_110 : memref<1x4096xi32, #tpu.memory_space<hbm>> -> memref<4096xi32, #tpu.memory_space<hbm>>
          %dma_wait3A_112 = arith.constant 0 : i32
          %dma_wait3A_113 = tpu.memref_slice %arg11[%dma_wait3A_112] : memref<8192xi32, #tpu.memory_space<vmem>> -> memref<4096xi32, #tpu.memory_space<vmem>>
          tpu.wait_dma2 semaphore(%run_scoped3A : memref<!tpu.dma_semaphore, #tpu.memory_space<semaphore_mem>>) src(%dma_wait3A_113 : memref<4096xi32, #tpu.memory_space<vmem>>) dst(%dma_wait3A_111 : memref<4096xi32, #tpu.memory_space<hbm>>)
          tpu.yield
        }) : () -> ()
        %scan3A_90 = arith.constant 0 : i32
        %scan3A_91 = arith.constant 0 : i32
        %scan3A_92 = arith.constant 127 : i32
        %scan3A_93 = arith.addi %scan3A_91, %scan3A_92 : i32
        %scan3A_94 = arith.constant 1 : i32
        scf.for %scan3A_100 = %scan3A_91 to %scan3A_93 step %scan3A_94  : i32 {
          %mul3A_101 = arith.constant 16 : i32
          %mul3A_102 = arith.muli %scan3A_100, %mul3A_101 : i32
          %add3A_103 = arith.constant 4096 : i32
          %add3A_104 = arith.addi %add3A_103, %mul3A_102 : i32
          %get3A = arith.index_cast %add3A_104 : i32 to index
          %get3A_105 = tpu.vector_load %arg10[%get3A] {strides = array<i32>} : memref<8192xi32, #tpu.memory_space<vmem>>, vector<16xi32>,
          %mul3A_106 = arith.constant 16 : i32
          %mul3A_107 = arith.muli %scan3A_100, %mul3A_106 : i32
          %swap3A_108 = arith.index_cast %mul3A_107 : i32 to index
          %swap3A_109 = tpu.vector_load %arg10[%swap3A_108] {strides = array<i32>} : memref<8192xi32, #tpu.memory_space<vmem>>, vector<16xi32>,
          tpu.vector_store %arg10[%swap3A_108], %get3A_105 {strides = array<i32>} : memref<8192xi32, #tpu.memory_space<vmem>>, vector<16xi32>,
          %mul3A_110 = arith.constant 16 : i32
          %mul3A_111 = arith.muli %scan3A_100, %mul3A_110 : i32
          %add3A_112 = arith.constant 4096 : i32
          %add3A_113 = arith.addi %add3A_112, %mul3A_111 : i32
          %get3A_114 = arith.index_cast %add3A_113 : i32 to index
          %get3A_115 = tpu.vector_load %arg11[%get3A_114] {strides = array<i32>} : memref<8192xi32, #tpu.memory_space<vmem>>, vector<16xi32>,
          %mul3A_116 = arith.constant 16 : i32
          %mul3A_117 = arith.muli %scan3A_100, %mul3A_116 : i32
          %swap3A_118 = arith.index_cast %mul3A_117 : i32 to index
          %swap3A_119 = tpu.vector_load %arg11[%swap3A_118] {strides = array<i32>} : memref<8192xi32, #tpu.memory_space<vmem>>, vector<16xi32>,
          tpu.vector_store %arg11[%swap3A_118], %get3A_115 {strides = array<i32>} : memref<8192xi32, #tpu.memory_space<vmem>>, vector<16xi32>,
        }
        %scan3A_95 = arith.constant 127 : i32
        %sub3A_96 = arith.constant 4096 : i32
        %sub3A_97 = arith.subi %scan3A_82, %sub3A_96 : i32
        %add3A_98 = arith.constant 4096 : i32
        %add3A_99 = arith.addi %scan3A_71, %add3A_98 : i32
        scf.yield %sub3A_97, %add3A_99 : i32, i32
      } else {
        scf.yield %scan3A_82, %scan3A_71 : i32, i32
      }
      scf.yield %cond3A_87#0, %cond3A_87#1 : i32, i32
    }
    %scan3A_16 = arith.constant 320 : i32
    %iota3A = tpu.iota {dimensions = array<i32: 0>} : vector<16xi32>
    %broadcast_in_dim3A_17 = arith.constant 313 : i32
    %broadcast_in_dim3A_18 = vector.broadcast %broadcast_in_dim3A_17 : i32 to vector<16xi32>
    %broadcast_in_dim3A_19 = arith.constant 0 : i32
    %broadcast_in_dim3A_20 = vector.broadcast %broadcast_in_dim3A_19 : i32 to vector<16xi32>
    %scan3A_21 = arith.constant 0 : i32
    %scan3A_22 = arith.constant 10 : i32
    %scan3A_23 = arith.addi %scan3A_21, %scan3A_22 : i32
    %scan3A_24 = arith.constant 1 : i32
    scf.for %scan3A_69 = %scan3A_21 to %scan3A_23 step %scan3A_24  : i32 {
      %mul3A_70 = arith.constant 16 : i32
      %mul3A_71 = arith.muli %scan3A_69, %mul3A_70 : i32
      %add3A_72 = arith.addi %scan3A_15#0, %mul3A_71 : i32
      %add3A_73 = vector.broadcast %add3A_72 : i32 to vector<16xi32>
      %add3A_74 = arith.addi %add3A_73, %iota3A : vector<16xi32>
      tpu.vector_store_idx %arg11[%add3A_74], %broadcast_in_dim3A_18 : memref<8192xi32, #tpu.memory_space<vmem>>[vector<16xi32>], vector<16xi32>,
      %add3A_75 = vector.broadcast %add3A_72 : i32 to vector<16xi32>
      %add3A_76 = arith.addi %add3A_75, %iota3A : vector<16xi32>
      tpu.vector_store_idx %arg10[%add3A_76], %broadcast_in_dim3A_20 : memref<8192xi32, #tpu.memory_space<vmem>>[vector<16xi32>], vector<16xi32>,
    }
    %scan3A_25 = arith.constant 10 : i32
    %multiple_of3A = tpu.assume_multiple %scan3A_15#1, 8 : i32
    "tpu.region"() ({
      %run_scoped3A = tpu.sem_alloc : memref<!tpu.dma_semaphore, #tpu.memory_space<semaphore_mem>>
      %dma_start3A = arith.constant 0 : i32
      %dma_start3A_69 = tpu.memref_slice %arg10[%dma_start3A] : memref<8192xi32, #tpu.memory_space<vmem>> -> memref<4096xi32, #tpu.memory_space<vmem>>
      %dma_start3A_70 = tpu.memref_slice %arg4[%add3A, %multiple_of3A] : memref<32x655360xi32, #tpu.memory_space<hbm>> -> memref<1x4096xi32, #tpu.memory_space<hbm>>
      %dma_start3A_71 = tpu.memref_squeeze %dma_start3A_70 : memref<1x4096xi32, #tpu.memory_space<hbm>> -> memref<4096xi32, #tpu.memory_space<hbm>>
      %dma_start3A_72 = tpu.memref_slice %arg4[%add3A, %multiple_of3A] : memref<32x655360xi32, #tpu.memory_space<hbm>> -> memref<1x4096xi32, #tpu.memory_space<hbm>>
      %dma_start3A_73 = tpu.memref_squeeze %dma_start3A_72 : memref<1x4096xi32, #tpu.memory_space<hbm>> -> memref<4096xi32, #tpu.memory_space<hbm>>
      %dma_start3A_74 = arith.constant 0 : i32
      %dma_start3A_75 = tpu.memref_slice %arg10[%dma_start3A_74] : memref<8192xi32, #tpu.memory_space<vmem>> -> memref<4096xi32, #tpu.memory_space<vmem>>
      tpu.enqueue_dma source(%dma_start3A_75 : memref<4096xi32, #tpu.memory_space<vmem>>) target(%dma_start3A_73 : memref<4096xi32, #tpu.memory_space<hbm>>) target_semaphore(%run_scoped3A : memref<!tpu.dma_semaphore, #tpu.memory_space<semaphore_mem>>)
      %dma_wait3A = arith.constant 0 : i32
      %dma_wait3A_76 = tpu.memref_slice %arg10[%dma_wait3A] : memref<8192xi32, #tpu.memory_space<vmem>> -> memref<4096xi32, #tpu.memory_space<vmem>>
      %dma_wait3A_77 = tpu.memref_slice %arg4[%add3A, %multiple_of3A] : memref<32x655360xi32, #tpu.memory_space<hbm>> -> memref<1x4096xi32, #tpu.memory_space<hbm>>
      %dma_wait3A_78 = tpu.memref_squeeze %dma_wait3A_77 : memref<1x4096xi32, #tpu.memory_space<hbm>> -> memref<4096xi32, #tpu.memory_space<hbm>>
      %dma_wait3A_79 = tpu.memref_slice %arg4[%add3A, %multiple_of3A] : memref<32x655360xi32, #tpu.memory_space<hbm>> -> memref<1x4096xi32, #tpu.memory_space<hbm>>
      %dma_wait3A_80 = tpu.memref_squeeze %dma_wait3A_79 : memref<1x4096xi32, #tpu.memory_space<hbm>> -> memref<4096xi32, #tpu.memory_space<hbm>>
      %dma_wait3A_81 = arith.constant 0 : i32
      %dma_wait3A_82 = tpu.memref_slice %arg10[%dma_wait3A_81] : memref<8192xi32, #tpu.memory_space<vmem>> -> memref<4096xi32, #tpu.memory_space<vmem>>
      tpu.wait_dma2 semaphore(%run_scoped3A : memref<!tpu.dma_semaphore, #tpu.memory_space<semaphore_mem>>) src(%dma_wait3A_82 : memref<4096xi32, #tpu.memory_space<vmem>>) dst(%dma_wait3A_80 : memref<4096xi32, #tpu.memory_space<hbm>>)
      tpu.yield
    }) : () -> ()
    %multiple_of3A_26 = tpu.assume_multiple %scan3A_15#1, 8 : i32
    "tpu.region"() ({
      %run_scoped3A = tpu.sem_alloc : memref<!tpu.dma_semaphore, #tpu.memory_space<semaphore_mem>>
      %dma_start3A = arith.constant 0 : i32
      %dma_start3A_69 = tpu.memref_slice %arg11[%dma_start3A] : memref<8192xi32, #tpu.memory_space<vmem>> -> memref<4096xi32, #tpu.memory_space<vmem>>
      %dma_start3A_70 = tpu.memref_slice %arg5[%add3A, %multiple_of3A_26] : memref<32x655360xi32, #tpu.memory_space<hbm>> -> memref<1x4096xi32, #tpu.memory_space<hbm>>
      %dma_start3A_71 = tpu.memref_squeeze %dma_start3A_70 : memref<1x4096xi32, #tpu.memory_space<hbm>> -> memref<4096xi32, #tpu.memory_space<hbm>>
      %dma_start3A_72 = tpu.memref_slice %arg5[%add3A, %multiple_of3A_26] : memref<32x655360xi32, #tpu.memory_space<hbm>> -> memref<1x4096xi32, #tpu.memory_space<hbm>>
      %dma_start3A_73 = tpu.memref_squeeze %dma_start3A_72 : memref<1x4096xi32, #tpu.memory_space<hbm>> -> memref<4096xi32, #tpu.memory_space<hbm>>
      %dma_start3A_74 = arith.constant 0 : i32
      %dma_start3A_75 = tpu.memref_slice %arg11[%dma_start3A_74] : memref<8192xi32, #tpu.memory_space<vmem>> -> memref<4096xi32, #tpu.memory_space<vmem>>
      tpu.enqueue_dma source(%dma_start3A_75 : memref<4096xi32, #tpu.memory_space<vmem>>) target(%dma_start3A_73 : memref<4096xi32, #tpu.memory_space<hbm>>) target_semaphore(%run_scoped3A : memref<!tpu.dma_semaphore, #tpu.memory_space<semaphore_mem>>)
      %dma_wait3A = arith.constant 0 : i32
      %dma_wait3A_76 = tpu.memref_slice %arg11[%dma_wait3A] : memref<8192xi32, #tpu.memory_space<vmem>> -> memref<4096xi32, #tpu.memory_space<vmem>>
      %dma_wait3A_77 = tpu.memref_slice %arg5[%add3A, %multiple_of3A_26] : memref<32x655360xi32, #tpu.memory_space<hbm>> -> memref<1x4096xi32, #tpu.memory_space<hbm>>
      %dma_wait3A_78 = tpu.memref_squeeze %dma_wait3A_77 : memref<1x4096xi32, #tpu.memory_space<hbm>> -> memref<4096xi32, #tpu.memory_space<hbm>>
      %dma_wait3A_79 = tpu.memref_slice %arg5[%add3A, %multiple_of3A_26] : memref<32x655360xi32, #tpu.memory_space<hbm>> -> memref<1x4096xi32, #tpu.memory_space<hbm>>
      %dma_wait3A_80 = tpu.memref_squeeze %dma_wait3A_79 : memref<1x4096xi32, #tpu.memory_space<hbm>> -> memref<4096xi32, #tpu.memory_space<hbm>>
      %dma_wait3A_81 = arith.constant 0 : i32
      %dma_wait3A_82 = tpu.memref_slice %arg11[%dma_wait3A_81] : memref<8192xi32, #tpu.memory_space<vmem>> -> memref<4096xi32, #tpu.memory_space<vmem>>
      tpu.wait_dma2 semaphore(%run_scoped3A : memref<!tpu.dma_semaphore, #tpu.memory_space<semaphore_mem>>) src(%dma_wait3A_82 : memref<4096xi32, #tpu.memory_space<vmem>>) dst(%dma_wait3A_80 : memref<4096xi32, #tpu.memory_space<hbm>>)
      tpu.yield
    }) : () -> ()
    %add3A_27 = arith.constant 4096 : i32
    %add3A_28 = arith.addi %scan3A_15#1, %add3A_27 : i32
    %multiple_of3A_29 = tpu.assume_multiple %add3A_28, 8 : i32
    "tpu.region"() ({
      %run_scoped3A = tpu.sem_alloc : memref<!tpu.dma_semaphore, #tpu.memory_space<semaphore_mem>>
      %dma_start3A = arith.constant 4096 : i32
      %dma_start3A_69 = tpu.memref_slice %arg10[%dma_start3A] : memref<8192xi32, #tpu.memory_space<vmem>> -> memref<4096xi32, #tpu.memory_space<vmem>>
      %dma_start3A_70 = tpu.memref_slice %arg4[%add3A, %multiple_of3A_29] : memref<32x655360xi32, #tpu.memory_space<hbm>> -> memref<1x4096xi32, #tpu.memory_space<hbm>>
      %dma_start3A_71 = tpu.memref_squeeze %dma_start3A_70 : memref<1x4096xi32, #tpu.memory_space<hbm>> -> memref<4096xi32, #tpu.memory_space<hbm>>
      %dma_start3A_72 = tpu.memref_slice %arg4[%add3A, %multiple_of3A_29] : memref<32x655360xi32, #tpu.memory_space<hbm>> -> memref<1x4096xi32, #tpu.memory_space<hbm>>
      %dma_start3A_73 = tpu.memref_squeeze %dma_start3A_72 : memref<1x4096xi32, #tpu.memory_space<hbm>> -> memref<4096xi32, #tpu.memory_space<hbm>>
      %dma_start3A_74 = arith.constant 4096 : i32
      %dma_start3A_75 = tpu.memref_slice %arg10[%dma_start3A_74] : memref<8192xi32, #tpu.memory_space<vmem>> -> memref<4096xi32, #tpu.memory_space<vmem>>
      tpu.enqueue_dma source(%dma_start3A_75 : memref<4096xi32, #tpu.memory_space<vmem>>) target(%dma_start3A_73 : memref<4096xi32, #tpu.memory_space<hbm>>) target_semaphore(%run_scoped3A : memref<!tpu.dma_semaphore, #tpu.memory_space<semaphore_mem>>)
      %dma_wait3A = arith.constant 4096 : i32
      %dma_wait3A_76 = tpu.memref_slice %arg10[%dma_wait3A] : memref<8192xi32, #tpu.memory_space<vmem>> -> memref<4096xi32, #tpu.memory_space<vmem>>
      %dma_wait3A_77 = tpu.memref_slice %arg4[%add3A, %multiple_of3A_29] : memref<32x655360xi32, #tpu.memory_space<hbm>> -> memref<1x4096xi32, #tpu.memory_space<hbm>>
      %dma_wait3A_78 = tpu.memref_squeeze %dma_wait3A_77 : memref<1x4096xi32, #tpu.memory_space<hbm>> -> memref<4096xi32, #tpu.memory_space<hbm>>
      %dma_wait3A_79 = tpu.memref_slice %arg4[%add3A, %multiple_of3A_29] : memref<32x655360xi32, #tpu.memory_space<hbm>> -> memref<1x4096xi32, #tpu.memory_space<hbm>>
      %dma_wait3A_80 = tpu.memref_squeeze %dma_wait3A_79 : memref<1x4096xi32, #tpu.memory_space<hbm>> -> memref<4096xi32, #tpu.memory_space<hbm>>
      %dma_wait3A_81 = arith.constant 4096 : i32
      %dma_wait3A_82 = tpu.memref_slice %arg10[%dma_wait3A_81] : memref<8192xi32, #tpu.memory_space<vmem>> -> memref<4096xi32, #tpu.memory_space<vmem>>
      tpu.wait_dma2 semaphore(%run_scoped3A : memref<!tpu.dma_semaphore, #tpu.memory_space<semaphore_mem>>) src(%dma_wait3A_82 : memref<4096xi32, #tpu.memory_space<vmem>>) dst(%dma_wait3A_80 : memref<4096xi32, #tpu.memory_space<hbm>>)
      tpu.yield
    }) : () -> ()
    %add3A_30 = arith.constant 4096 : i32
    %add3A_31 = arith.addi %scan3A_15#1, %add3A_30 : i32
    %multiple_of3A_32 = tpu.assume_multiple %add3A_31, 8 : i32
    "tpu.region"() ({
      %run_scoped3A = tpu.sem_alloc : memref<!tpu.dma_semaphore, #tpu.memory_space<semaphore_mem>>
      %dma_start3A = arith.constant 4096 : i32
      %dma_start3A_69 = tpu.memref_slice %arg11[%dma_start3A] : memref<8192xi32, #tpu.memory_space<vmem>> -> memref<4096xi32, #tpu.memory_space<vmem>>
      %dma_start3A_70 = tpu.memref_slice %arg5[%add3A, %multiple_of3A_32] : memref<32x655360xi32, #tpu.memory_space<hbm>> -> memref<1x4096xi32, #tpu.memory_space<hbm>>
      %dma_start3A_71 = tpu.memref_squeeze %dma_start3A_70 : memref<1x4096xi32, #tpu.memory_space<hbm>> -> memref<4096xi32, #tpu.memory_space<hbm>>
      %dma_start3A_72 = tpu.memref_slice %arg5[%add3A, %multiple_of3A_32] : memref<32x655360xi32, #tpu.memory_space<hbm>> -> memref<1x4096xi32, #tpu.memory_space<hbm>>
      %dma_start3A_73 = tpu.memref_squeeze %dma_start3A_72 : memref<1x4096xi32, #tpu.memory_space<hbm>> -> memref<4096xi32, #tpu.memory_space<hbm>>
      %dma_start3A_74 = arith.constant 4096 : i32
      %dma_start3A_75 = tpu.memref_slice %arg11[%dma_start3A_74] : memref<8192xi32, #tpu.memory_space<vmem>> -> memref<4096xi32, #tpu.memory_space<vmem>>
      tpu.enqueue_dma source(%dma_start3A_75 : memref<4096xi32, #tpu.memory_space<vmem>>) target(%dma_start3A_73 : memref<4096xi32, #tpu.memory_space<hbm>>) target_semaphore(%run_scoped3A : memref<!tpu.dma_semaphore, #tpu.memory_space<semaphore_mem>>)
      %dma_wait3A = arith.constant 4096 : i32
      %dma_wait3A_76 = tpu.memref_slice %arg11[%dma_wait3A] : memref<8192xi32, #tpu.memory_space<vmem>> -> memref<4096xi32, #tpu.memory_space<vmem>>
      %dma_wait3A_77 = tpu.memref_slice %arg5[%add3A, %multiple_of3A_32] : memref<32x655360xi32, #tpu.memory_space<hbm>> -> memref<1x4096xi32, #tpu.memory_space<hbm>>
      %dma_wait3A_78 = tpu.memref_squeeze %dma_wait3A_77 : memref<1x4096xi32, #tpu.memory_space<hbm>> -> memref<4096xi32, #tpu.memory_space<hbm>>
      %dma_wait3A_79 = tpu.memref_slice %arg5[%add3A, %multiple_of3A_32] : memref<32x655360xi32, #tpu.memory_space<hbm>> -> memref<1x4096xi32, #tpu.memory_space<hbm>>
      %dma_wait3A_80 = tpu.memref_squeeze %dma_wait3A_79 : memref<1x4096xi32, #tpu.memory_space<hbm>> -> memref<4096xi32, #tpu.memory_space<hbm>>
      %dma_wait3A_81 = arith.constant 4096 : i32
      %dma_wait3A_82 = tpu.memref_slice %arg11[%dma_wait3A_81] : memref<8192xi32, #tpu.memory_space<vmem>> -> memref<4096xi32, #tpu.memory_space<vmem>>
      tpu.wait_dma2 semaphore(%run_scoped3A : memref<!tpu.dma_semaphore, #tpu.memory_space<semaphore_mem>>) src(%dma_wait3A_82 : memref<4096xi32, #tpu.memory_space<vmem>>) dst(%dma_wait3A_80 : memref<4096xi32, #tpu.memory_space<hbm>>)
      tpu.yield
    }) : () -> ()
    %add3A_33 = arith.addi %scan3A_15#1, %scan3A_15#0 : i32
    %broadcast_in_dim3A_34 = vector.broadcast %add3A_33 : i32 to vector<16xi32>
    %swap3A = arith.constant 0 : index
    %swap3A_35 = tpu.vector_load %arg13[%swap3A] {strides = array<i32>} : memref<16xi32, #tpu.memory_space<vmem>>, vector<16xi32>,
    tpu.vector_store %arg13[%swap3A], %broadcast_in_dim3A_34 {strides = array<i32>} : memref<16xi32, #tpu.memory_space<vmem>>, vector<16xi32>,
    "tpu.region"() ({
      %run_scoped3A = tpu.sem_alloc : memref<!tpu.dma_semaphore, #tpu.memory_space<semaphore_mem>>
      %dma_start3A = arith.constant 0 : i32
      %dma_start3A_69 = tpu.memref_slice %arg13[%dma_start3A] : memref<16xi32, #tpu.memory_space<vmem>> -> memref<8xi32, #tpu.memory_space<vmem>>
      %dma_start3A_70 = arith.constant 0 : i32
      %dma_start3A_71 = tpu.memref_slice %arg6[%add3A, %dma_start3A_70] : memref<32x8xi32, #tpu.memory_space<hbm>> -> memref<1x8xi32, #tpu.memory_space<hbm>>
      %dma_start3A_72 = tpu.memref_squeeze %dma_start3A_71 : memref<1x8xi32, #tpu.memory_space<hbm>> -> memref<8xi32, #tpu.memory_space<hbm>>
      %dma_start3A_73 = arith.constant 0 : i32
      %dma_start3A_74 = tpu.memref_slice %arg6[%add3A, %dma_start3A_73] : memref<32x8xi32, #tpu.memory_space<hbm>> -> memref<1x8xi32, #tpu.memory_space<hbm>>
      %dma_start3A_75 = tpu.memref_squeeze %dma_start3A_74 : memref<1x8xi32, #tpu.memory_space<hbm>> -> memref<8xi32, #tpu.memory_space<hbm>>
      %dma_start3A_76 = arith.constant 0 : i32
      %dma_start3A_77 = tpu.memref_slice %arg13[%dma_start3A_76] : memref<16xi32, #tpu.memory_space<vmem>> -> memref<8xi32, #tpu.memory_space<vmem>>
      tpu.enqueue_dma source(%dma_start3A_77 : memref<8xi32, #tpu.memory_space<vmem>>) target(%dma_start3A_75 : memref<8xi32, #tpu.memory_space<hbm>>) target_semaphore(%run_scoped3A : memref<!tpu.dma_semaphore, #tpu.memory_space<semaphore_mem>>)
      %dma_wait3A = arith.constant 0 : i32
      %dma_wait3A_78 = tpu.memref_slice %arg13[%dma_wait3A] : memref<16xi32, #tpu.memory_space<vmem>> -> memref<8xi32, #tpu.memory_space<vmem>>
      %dma_wait3A_79 = arith.constant 0 : i32
      %dma_wait3A_80 = tpu.memref_slice %arg6[%add3A, %dma_wait3A_79] : memref<32x8xi32, #tpu.memory_space<hbm>> -> memref<1x8xi32, #tpu.memory_space<hbm>>
      %dma_wait3A_81 = tpu.memref_squeeze %dma_wait3A_80 : memref<1x8xi32, #tpu.memory_space<hbm>> -> memref<8xi32, #tpu.memory_space<hbm>>
      %dma_wait3A_82 = arith.constant 0 : i32
      %dma_wait3A_83 = tpu.memref_slice %arg6[%add3A, %dma_wait3A_82] : memref<32x8xi32, #tpu.memory_space<hbm>> -> memref<1x8xi32, #tpu.memory_space<hbm>>
      %dma_wait3A_84 = tpu.memref_squeeze %dma_wait3A_83 : memref<1x8xi32, #tpu.memory_space<hbm>> -> memref<8xi32, #tpu.memory_space<hbm>>
      %dma_wait3A_85 = arith.constant 0 : i32
      %dma_wait3A_86 = tpu.memref_slice %arg13[%dma_wait3A_85] : memref<16xi32, #tpu.memory_space<vmem>> -> memref<8xi32, #tpu.memory_space<vmem>>
      tpu.wait_dma2 semaphore(%run_scoped3A : memref<!tpu.dma_semaphore, #tpu.memory_space<semaphore_mem>>) src(%dma_wait3A_86 : memref<8xi32, #tpu.memory_space<vmem>>) dst(%dma_wait3A_84 : memref<8xi32, #tpu.memory_space<hbm>>)
      tpu.yield
    }) : () -> ()
    %iota3A_36 = tpu.iota {dimensions = array<i32: 0>} : vector<16xi32>
    %eq3A = arith.constant 0 : i32
    %eq3A_37 = vector.broadcast %eq3A : i32 to vector<16xi32>
    %eq3A_38 = arith.cmpi eq, %iota3A_36, %eq3A_37 : vector<16xi32>
    %convert_element_type3A = arith.extui %eq3A_38 : vector<16xi1> to vector<16xi32>
    %convert_element_type3A_39 = arith.sitofp %convert_element_type3A : vector<16xi32> to vector<16xf32>
    %add3A_40 = arith.constant 128 : i32
    %add3A_41 = arith.addi %add3A_33, %add3A_40 : i32
    %sub3A = arith.constant 1 : i32
    %sub3A_42 = arith.subi %add3A_41, %sub3A : i32
    %jit3A = arith.constant 128 : i32
    %div3A = arith.divsi %sub3A_42, %jit3A : i32
    %sign3A = arith.constant 0 : i32
    %sign3A_43 = arith.cmpi sgt, %sub3A_42, %sign3A : i32
    %sign3A_44 = arith.extui %sign3A_43 : i1 to i32
    %sign3A_45 = arith.constant 0 : i32
    %sign3A_46 = arith.cmpi slt, %sub3A_42, %sign3A_45 : i32
    %sign3A_47 = arith.extui %sign3A_46 : i1 to i32
    %sign3A_48 = arith.subi %sign3A_44, %sign3A_47 : i32
    %sign3A_49 = arith.constant 0 : i32
    %sign3A_50 = arith.cmpi sgt, %jit3A, %sign3A_49 : i32
    %sign3A_51 = arith.extui %sign3A_50 : i1 to i32
    %sign3A_52 = arith.constant 0 : i32
    %sign3A_53 = arith.cmpi slt, %jit3A, %sign3A_52 : i32
    %sign3A_54 = arith.extui %sign3A_53 : i1 to i32
    %sign3A_55 = arith.subi %sign3A_51, %sign3A_54 : i32
    %ne3A = arith.cmpi ne, %sign3A_48, %sign3A_55 : i32
    %rem3A = arith.remsi %sub3A_42, %jit3A : i32
    %ne3A_56 = arith.constant 0 : i32
    %ne3A_57 = arith.cmpi ne, %rem3A, %ne3A_56 : i32
    %and3A = arith.andi %ne3A, %ne3A_57 : i1
    %sub3A_58 = arith.constant 1 : i32
    %sub3A_59 = arith.subi %div3A, %sub3A_58 : i32
    %select_n3A = arith.select %and3A, %sub3A_59, %div3A : i32
    %while3A = arith.constant 0 : i32
    %while3A_60 = arith.constant 0 : i32
    %while3A_61 = arith.subi %select_n3A, %while3A_60 : i32
    %while3A_62 = arith.addi %while3A_60, %while3A_61 : i32
    %while3A_63 = arith.constant 1 : i32
    %while3A_64 = arith.divsi %while3A_61, %while3A_63 : i32
    %while3A_65 = arith.muli %while3A_64, %while3A_63 : i32
    %while3A_66 = arith.addi %while3A_60, %while3A_65 : i32
    %while3A_67 = arith.constant 1 : i32
    scf.for %while3A_69 = %while3A_60 to %while3A_66 step %while3A_67  : i32 {
      %mul3A_70 = arith.constant 128 : i32
      %mul3A_71 = arith.muli %while3A_69, %mul3A_70 : i32
      %multiple_of3A_72 = tpu.assume_multiple %mul3A_71, 8 : i32
      "tpu.region"() ({
        %run_scoped3A = tpu.sem_alloc : memref<!tpu.dma_semaphore, #tpu.memory_space<semaphore_mem>>
        %dma_start3A = arith.constant 0 : i32
        %dma_start3A_79 = tpu.memref_slice %arg8[%dma_start3A] : memref<2000xi32, #tpu.memory_space<vmem>> -> memref<128xi32, #tpu.memory_space<vmem>>
        %dma_start3A_80 = tpu.memref_slice %arg5[%add3A, %multiple_of3A_72] : memref<32x655360xi32, #tpu.memory_space<hbm>> -> memref<1x128xi32, #tpu.memory_space<hbm>>
        %dma_start3A_81 = tpu.memref_squeeze %dma_start3A_80 : memref<1x128xi32, #tpu.memory_space<hbm>> -> memref<128xi32, #tpu.memory_space<hbm>>
        %dma_start3A_82 = arith.constant 0 : i32
        %dma_start3A_83 = tpu.memref_slice %arg8[%dma_start3A_82] : memref<2000xi32, #tpu.memory_space<vmem>> -> memref<128xi32, #tpu.memory_space<vmem>>
        %dma_start3A_84 = tpu.memref_slice %arg5[%add3A, %multiple_of3A_72] : memref<32x655360xi32, #tpu.memory_space<hbm>> -> memref<1x128xi32, #tpu.memory_space<hbm>>
        %dma_start3A_85 = tpu.memref_squeeze %dma_start3A_84 : memref<1x128xi32, #tpu.memory_space<hbm>> -> memref<128xi32, #tpu.memory_space<hbm>>
        tpu.enqueue_dma source(%dma_start3A_85 : memref<128xi32, #tpu.memory_space<hbm>>) target(%dma_start3A_83 : memref<128xi32, #tpu.memory_space<vmem>>) target_semaphore(%run_scoped3A : memref<!tpu.dma_semaphore, #tpu.memory_space<semaphore_mem>>)
        %dma_wait3A = arith.constant 0 : i32
        %dma_wait3A_86 = tpu.memref_slice %arg8[%dma_wait3A] : memref<2000xi32, #tpu.memory_space<vmem>> -> memref<128xi32, #tpu.memory_space<vmem>>
        %dma_wait3A_87 = tpu.memref_slice %arg5[%add3A, %multiple_of3A_72] : memref<32x655360xi32, #tpu.memory_space<hbm>> -> memref<1x128xi32, #tpu.memory_space<hbm>>
        %dma_wait3A_88 = tpu.memref_squeeze %dma_wait3A_87 : memref<1x128xi32, #tpu.memory_space<hbm>> -> memref<128xi32, #tpu.memory_space<hbm>>
        %dma_wait3A_89 = arith.constant 0 : i32
        %dma_wait3A_90 = tpu.memref_slice %arg8[%dma_wait3A_89] : memref<2000xi32, #tpu.memory_space<vmem>> -> memref<128xi32, #tpu.memory_space<vmem>>
        %dma_wait3A_91 = tpu.memref_slice %arg5[%add3A, %multiple_of3A_72] : memref<32x655360xi32, #tpu.memory_space<hbm>> -> memref<1x128xi32, #tpu.memory_space<hbm>>
        %dma_wait3A_92 = tpu.memref_squeeze %dma_wait3A_91 : memref<1x128xi32, #tpu.memory_space<hbm>> -> memref<128xi32, #tpu.memory_space<hbm>>
        tpu.wait_dma2 semaphore(%run_scoped3A : memref<!tpu.dma_semaphore, #tpu.memory_space<semaphore_mem>>) src(%dma_wait3A_92 : memref<128xi32, #tpu.memory_space<hbm>>) dst(%dma_wait3A_90 : memref<128xi32, #tpu.memory_space<vmem>>)
        tpu.yield
      }) : () -> ()
      %scan3A_73 = arith.constant 0 : i32
      %scan3A_74 = arith.constant 0 : i32
      %scan3A_75 = arith.constant 128 : i32
      %scan3A_76 = arith.addi %scan3A_74, %scan3A_75 : i32
      %scan3A_77 = arith.constant 1 : i32
      scf.for %scan3A_79 = %scan3A_74 to %scan3A_76 step %scan3A_77  : i32 {
        %get3A = arith.index_cast %scan3A_79 : i32 to index
        %get3A_80 = tpu.vector_load %arg8[%get3A] {strides = array<i32>} : memref<2000xi32, #tpu.memory_space<vmem>>, vector<16xi32>,
        %slice3A = vector.extract_strided_slice %get3A_80 {offsets = [0], sizes = [1], strides = [1]} : vector<16xi32> to vector<1xi32>
        %squeeze3A = vector.extract %slice3A[0] : i32 from vector<1xi32>
        %get3A_81 = arith.index_cast %squeeze3A : i32 to index
        %get3A_82 = arith.constant 0 : index
        %get3A_83 = tpu.vector_load %arg12[%get3A_81, %get3A_82] {strides = array<i32>} : memref<314x16xf32, #tpu.memory_space<vmem>>, vector<16xf32>,
        %add3A_84 = arith.addf %get3A_83, %convert_element_type3A_39 : vector<16xf32>
        %swap3A_85 = arith.index_cast %squeeze3A : i32 to index
        %swap3A_86 = arith.constant 0 : index
        %swap3A_87 = tpu.vector_load %arg12[%swap3A_85, %swap3A_86] {strides = array<i32>} : memref<314x16xf32, #tpu.memory_space<vmem>>, vector<16xf32>,
        tpu.vector_store %arg12[%swap3A_85, %swap3A_86], %add3A_84 {strides = array<i32>} : memref<314x16xf32, #tpu.memory_space<vmem>>, vector<16xf32>,
      }
      %scan3A_78 = arith.constant 128 : i32
    }
    %while3A_68 = arith.constant 1 : i32
    scf.for %while3A_69 = %while3A_66 to %while3A_62 step %while3A_68  : i32 {
      %mul3A_70 = arith.constant 128 : i32
      %mul3A_71 = arith.muli %while3A_69, %mul3A_70 : i32
      %multiple_of3A_72 = tpu.assume_multiple %mul3A_71, 8 : i32
      "tpu.region"() ({
        %run_scoped3A = tpu.sem_alloc : memref<!tpu.dma_semaphore, #tpu.memory_space<semaphore_mem>>
        %dma_start3A = arith.constant 0 : i32
        %dma_start3A_79 = tpu.memref_slice %arg8[%dma_start3A] : memref<2000xi32, #tpu.memory_space<vmem>> -> memref<128xi32, #tpu.memory_space<vmem>>
        %dma_start3A_80 = tpu.memref_slice %arg5[%add3A, %multiple_of3A_72] : memref<32x655360xi32, #tpu.memory_space<hbm>> -> memref<1x128xi32, #tpu.memory_space<hbm>>
        %dma_start3A_81 = tpu.memref_squeeze %dma_start3A_80 : memref<1x128xi32, #tpu.memory_space<hbm>> -> memref<128xi32, #tpu.memory_space<hbm>>
        %dma_start3A_82 = arith.constant 0 : i32
        %dma_start3A_83 = tpu.memref_slice %arg8[%dma_start3A_82] : memref<2000xi32, #tpu.memory_space<vmem>> -> memref<128xi32, #tpu.memory_space<vmem>>
        %dma_start3A_84 = tpu.memref_slice %arg5[%add3A, %multiple_of3A_72] : memref<32x655360xi32, #tpu.memory_space<hbm>> -> memref<1x128xi32, #tpu.memory_space<hbm>>
        %dma_start3A_85 = tpu.memref_squeeze %dma_start3A_84 : memref<1x128xi32, #tpu.memory_space<hbm>> -> memref<128xi32, #tpu.memory_space<hbm>>
        tpu.enqueue_dma source(%dma_start3A_85 : memref<128xi32, #tpu.memory_space<hbm>>) target(%dma_start3A_83 : memref<128xi32, #tpu.memory_space<vmem>>) target_semaphore(%run_scoped3A : memref<!tpu.dma_semaphore, #tpu.memory_space<semaphore_mem>>)
        %dma_wait3A = arith.constant 0 : i32
        %dma_wait3A_86 = tpu.memref_slice %arg8[%dma_wait3A] : memref<2000xi32, #tpu.memory_space<vmem>> -> memref<128xi32, #tpu.memory_space<vmem>>
        %dma_wait3A_87 = tpu.memref_slice %arg5[%add3A, %multiple_of3A_72] : memref<32x655360xi32, #tpu.memory_space<hbm>> -> memref<1x128xi32, #tpu.memory_space<hbm>>
        %dma_wait3A_88 = tpu.memref_squeeze %dma_wait3A_87 : memref<1x128xi32, #tpu.memory_space<hbm>> -> memref<128xi32, #tpu.memory_space<hbm>>
        %dma_wait3A_89 = arith.constant 0 : i32
        %dma_wait3A_90 = tpu.memref_slice %arg8[%dma_wait3A_89] : memref<2000xi32, #tpu.memory_space<vmem>> -> memref<128xi32, #tpu.memory_space<vmem>>
        %dma_wait3A_91 = tpu.memref_slice %arg5[%add3A, %multiple_of3A_72] : memref<32x655360xi32, #tpu.memory_space<hbm>> -> memref<1x128xi32, #tpu.memory_space<hbm>>
        %dma_wait3A_92 = tpu.memref_squeeze %dma_wait3A_91 : memref<1x128xi32, #tpu.memory_space<hbm>> -> memref<128xi32, #tpu.memory_space<hbm>>
        tpu.wait_dma2 semaphore(%run_scoped3A : memref<!tpu.dma_semaphore, #tpu.memory_space<semaphore_mem>>) src(%dma_wait3A_92 : memref<128xi32, #tpu.memory_space<hbm>>) dst(%dma_wait3A_90 : memref<128xi32, #tpu.memory_space<vmem>>)
        tpu.yield
      }) : () -> ()
      %scan3A_73 = arith.constant 0 : i32
      %scan3A_74 = arith.constant 0 : i32
      %scan3A_75 = arith.constant 128 : i32
      %scan3A_76 = arith.addi %scan3A_74, %scan3A_75 : i32
      %scan3A_77 = arith.constant 1 : i32
      scf.for %scan3A_79 = %scan3A_74 to %scan3A_76 step %scan3A_77  : i32 {
        %get3A = arith.index_cast %scan3A_79 : i32 to index
        %get3A_80 = tpu.vector_load %arg8[%get3A] {strides = array<i32>} : memref<2000xi32, #tpu.memory_space<vmem>>, vector<16xi32>,
        %slice3A = vector.extract_strided_slice %get3A_80 {offsets = [0], sizes = [1], strides = [1]} : vector<16xi32> to vector<1xi32>
        %squeeze3A = vector.extract %slice3A[0] : i32 from vector<1xi32>
        %get3A_81 = arith.index_cast %squeeze3A : i32 to index
        %get3A_82 = arith.constant 0 : index
        %get3A_83 = tpu.vector_load %arg12[%get3A_81, %get3A_82] {strides = array<i32>} : memref<314x16xf32, #tpu.memory_space<vmem>>, vector<16xf32>,
        %add3A_84 = arith.addf %get3A_83, %convert_element_type3A_39 : vector<16xf32>
        %swap3A_85 = arith.index_cast %squeeze3A : i32 to index
        %swap3A_86 = arith.constant 0 : index
        %swap3A_87 = tpu.vector_load %arg12[%swap3A_85, %swap3A_86] {strides = array<i32>} : memref<314x16xf32, #tpu.memory_space<vmem>>, vector<16xf32>,
        tpu.vector_store %arg12[%swap3A_85, %swap3A_86], %add3A_84 {strides = array<i32>} : memref<314x16xf32, #tpu.memory_space<vmem>>, vector<16xf32>,
      }
      %scan3A_78 = arith.constant 128 : i32
    }
    "tpu.region"() ({
      %run_scoped3A = tpu.sem_alloc : memref<!tpu.dma_semaphore, #tpu.memory_space<semaphore_mem>>
      %dma_start3A = arith.constant 0 : i32
      %dma_start3A_69 = arith.constant 0 : i32
      %dma_start3A_70 = tpu.memref_slice %arg7[%add3A, %dma_start3A, %dma_start3A_69] : memref<32x314x16xf32, #tpu.memory_space<hbm>> -> memref<1x314x16xf32, #tpu.memory_space<hbm>>
      %dma_start3A_71 = tpu.memref_squeeze %dma_start3A_70 : memref<1x314x16xf32, #tpu.memory_space<hbm>> -> memref<314x16xf32, #tpu.memory_space<hbm>>
      %dma_start3A_72 = arith.constant 0 : i32
      %dma_start3A_73 = arith.constant 0 : i32
      %dma_start3A_74 = tpu.memref_slice %arg7[%add3A, %dma_start3A_72, %dma_start3A_73] : memref<32x314x16xf32, #tpu.memory_space<hbm>> -> memref<1x314x16xf32, #tpu.memory_space<hbm>>
      %dma_start3A_75 = tpu.memref_squeeze %dma_start3A_74 : memref<1x314x16xf32, #tpu.memory_space<hbm>> -> memref<314x16xf32, #tpu.memory_space<hbm>>
      tpu.enqueue_dma source(%arg12 : memref<314x16xf32, #tpu.memory_space<vmem>>) target(%dma_start3A_75 : memref<314x16xf32, #tpu.memory_space<hbm>>) target_semaphore(%run_scoped3A : memref<!tpu.dma_semaphore, #tpu.memory_space<semaphore_mem>>)
      %dma_wait3A = arith.constant 0 : i32
      %dma_wait3A_76 = arith.constant 0 : i32
      %dma_wait3A_77 = tpu.memref_slice %arg7[%add3A, %dma_wait3A, %dma_wait3A_76] : memref<32x314x16xf32, #tpu.memory_space<hbm>> -> memref<1x314x16xf32, #tpu.memory_space<hbm>>
      %dma_wait3A_78 = tpu.memref_squeeze %dma_wait3A_77 : memref<1x314x16xf32, #tpu.memory_space<hbm>> -> memref<314x16xf32, #tpu.memory_space<hbm>>
      %dma_wait3A_79 = arith.constant 0 : i32
      %dma_wait3A_80 = arith.constant 0 : i32
      %dma_wait3A_81 = tpu.memref_slice %arg7[%add3A, %dma_wait3A_79, %dma_wait3A_80] : memref<32x314x16xf32, #tpu.memory_space<hbm>> -> memref<1x314x16xf32, #tpu.memory_space<hbm>>
      %dma_wait3A_82 = tpu.memref_squeeze %dma_wait3A_81 : memref<1x314x16xf32, #tpu.memory_space<hbm>> -> memref<314x16xf32, #tpu.memory_space<hbm>>
      tpu.wait_dma2 semaphore(%run_scoped3A : memref<!tpu.dma_semaphore, #tpu.memory_space<semaphore_mem>>) src(%arg12 : memref<314x16xf32, #tpu.memory_space<vmem>>) dst(%dma_wait3A_82 : memref<314x16xf32, #tpu.memory_space<hbm>>)
      tpu.yield
    }) : () -> ()
    return
  }
}

#map = affine_map<(d0, d1) -> (0, 0)>
#map1 = affine_map<(d0, d1) -> (0, 0, 0, 0)>
module attributes {stable_mosaic.version = 14 : i64} {
  func.func @_seg_body(%arg0: i32, %arg1: i32, %arg2: memref<10000x80xf32, #tpu.memory_space<hbm>>, %arg3: memref<32x655360xi32, #tpu.memory_space<hbm>>, %arg4: memref<32x655360xi32, #tpu.memory_space<hbm>>, %arg5: memref<32x8xi32, #tpu.memory_space<hbm>>, %arg6: memref<4x32x314x80xf32, #tpu.memory_space<hbm>>, %arg7: memref<314x80xf32, #tpu.memory_space<vmem>>, %arg8: memref<314x80xf32, #tpu.memory_space<vmem>>, %arg9: memref<314x80xf32, #tpu.memory_space<vmem>>, %arg10: memref<314x80xf32, #tpu.memory_space<vmem>>, %arg11: memref<128x80xf32, #tpu.memory_space<vmem>>, %arg12: memref<128xi32, #tpu.memory_space<vmem>>, %arg13: memref<144xi32, #tpu.memory_space<vmem>>, %arg14: memref<16xi32, #tpu.memory_space<vmem>>, %arg15: memref<!tpu.dma_semaphore, #tpu.memory_space<semaphore_mem>>) attributes {dimension_semantics = [#tpu.dimension_semantics<core_parallel>, #tpu.dimension_semantics<subcore_parallel>], iteration_bounds = array<i64: 2, 16>, scalar_prefetch = 0 : i64, scratch_operands = 9 : i64, tpu.core_type = #tpu.core_type<sc_vector_subcore>, window_params = [{transform_indices = #map}, {transform_indices = #map}, {transform_indices = #map}, {transform_indices = #map}, {transform_indices = #map1}]} {
    %mul3A = arith.constant 2 : i32
    %mul3A_0 = arith.muli %arg1, %mul3A : i32
    %add3A = arith.addi %mul3A_0, %arg0 : i32
    %broadcast_in_dim3A = arith.constant 0.000000e+00 : f32
    %broadcast_in_dim3A_1 = vector.broadcast %broadcast_in_dim3A : f32 to vector<16xf32>
    %broadcast_in_dim3A_2 = arith.constant 3.000000e+38 : f32
    %broadcast_in_dim3A_3 = vector.broadcast %broadcast_in_dim3A_2 : f32 to vector<16xf32>
    "tpu.region"() ({
      %run_scoped3A_42 = tpu.sem_alloc : memref<!tpu.dma_semaphore, #tpu.memory_space<semaphore_mem>>
      %dma_start3A = arith.constant 0 : i32
      %dma_start3A_43 = tpu.memref_slice %arg14[%dma_start3A] : memref<16xi32, #tpu.memory_space<vmem>> -> memref<8xi32, #tpu.memory_space<vmem>>
      %dma_start3A_44 = arith.constant 0 : i32
      %dma_start3A_45 = tpu.memref_slice %arg5[%add3A, %dma_start3A_44] : memref<32x8xi32, #tpu.memory_space<hbm>> -> memref<1x8xi32, #tpu.memory_space<hbm>>
      %dma_start3A_46 = tpu.memref_squeeze %dma_start3A_45 : memref<1x8xi32, #tpu.memory_space<hbm>> -> memref<8xi32, #tpu.memory_space<hbm>>
      %dma_start3A_47 = arith.constant 0 : i32
      %dma_start3A_48 = tpu.memref_slice %arg14[%dma_start3A_47] : memref<16xi32, #tpu.memory_space<vmem>> -> memref<8xi32, #tpu.memory_space<vmem>>
      %dma_start3A_49 = arith.constant 0 : i32
      %dma_start3A_50 = tpu.memref_slice %arg5[%add3A, %dma_start3A_49] : memref<32x8xi32, #tpu.memory_space<hbm>> -> memref<1x8xi32, #tpu.memory_space<hbm>>
      %dma_start3A_51 = tpu.memref_squeeze %dma_start3A_50 : memref<1x8xi32, #tpu.memory_space<hbm>> -> memref<8xi32, #tpu.memory_space<hbm>>
      tpu.enqueue_dma source(%dma_start3A_51 : memref<8xi32, #tpu.memory_space<hbm>>) target(%dma_start3A_48 : memref<8xi32, #tpu.memory_space<vmem>>) target_semaphore(%run_scoped3A_42 : memref<!tpu.dma_semaphore, #tpu.memory_space<semaphore_mem>>)
      %dma_wait3A = arith.constant 0 : i32
      %dma_wait3A_52 = tpu.memref_slice %arg14[%dma_wait3A] : memref<16xi32, #tpu.memory_space<vmem>> -> memref<8xi32, #tpu.memory_space<vmem>>
      %dma_wait3A_53 = arith.constant 0 : i32
      %dma_wait3A_54 = tpu.memref_slice %arg5[%add3A, %dma_wait3A_53] : memref<32x8xi32, #tpu.memory_space<hbm>> -> memref<1x8xi32, #tpu.memory_space<hbm>>
      %dma_wait3A_55 = tpu.memref_squeeze %dma_wait3A_54 : memref<1x8xi32, #tpu.memory_space<hbm>> -> memref<8xi32, #tpu.memory_space<hbm>>
      %dma_wait3A_56 = arith.constant 0 : i32
      %dma_wait3A_57 = tpu.memref_slice %arg14[%dma_wait3A_56] : memref<16xi32, #tpu.memory_space<vmem>> -> memref<8xi32, #tpu.memory_space<vmem>>
      %dma_wait3A_58 = arith.constant 0 : i32
      %dma_wait3A_59 = tpu.memref_slice %arg5[%add3A, %dma_wait3A_58] : memref<32x8xi32, #tpu.memory_space<hbm>> -> memref<1x8xi32, #tpu.memory_space<hbm>>
      %dma_wait3A_60 = tpu.memref_squeeze %dma_wait3A_59 : memref<1x8xi32, #tpu.memory_space<hbm>> -> memref<8xi32, #tpu.memory_space<hbm>>
      tpu.wait_dma2 semaphore(%run_scoped3A_42 : memref<!tpu.dma_semaphore, #tpu.memory_space<semaphore_mem>>) src(%dma_wait3A_60 : memref<8xi32, #tpu.memory_space<hbm>>) dst(%dma_wait3A_57 : memref<8xi32, #tpu.memory_space<vmem>>)
      tpu.yield
    }) : () -> ()
    %get3A = arith.constant 0 : index
    %get3A_4 = tpu.vector_load %arg14[%get3A] {strides = array<i32>} : memref<16xi32, #tpu.memory_space<vmem>>, vector<16xi32>,
    %slice3A = vector.extract_strided_slice %get3A_4 {offsets = [0], sizes = [1], strides = [1]} : vector<16xi32> to vector<1xi32>
    %squeeze3A = vector.extract %slice3A[0] : i32 from vector<1xi32>
    %add3A_5 = arith.constant 128 : i32
    %add3A_6 = arith.addi %squeeze3A, %add3A_5 : i32
    %sub3A = arith.constant 1 : i32
    %sub3A_7 = arith.subi %add3A_6, %sub3A : i32
    %jit3A = arith.constant 128 : i32
    %div3A = arith.divsi %sub3A_7, %jit3A : i32
    %sign3A = arith.constant 0 : i32
    %sign3A_8 = arith.cmpi sgt, %sub3A_7, %sign3A : i32
    %sign3A_9 = arith.extui %sign3A_8 : i1 to i32
    %sign3A_10 = arith.constant 0 : i32
    %sign3A_11 = arith.cmpi slt, %sub3A_7, %sign3A_10 : i32
    %sign3A_12 = arith.extui %sign3A_11 : i1 to i32
    %sign3A_13 = arith.subi %sign3A_9, %sign3A_12 : i32
    %sign3A_14 = arith.constant 0 : i32
    %sign3A_15 = arith.cmpi sgt, %jit3A, %sign3A_14 : i32
    %sign3A_16 = arith.extui %sign3A_15 : i1 to i32
    %sign3A_17 = arith.constant 0 : i32
    %sign3A_18 = arith.cmpi slt, %jit3A, %sign3A_17 : i32
    %sign3A_19 = arith.extui %sign3A_18 : i1 to i32
    %sign3A_20 = arith.subi %sign3A_16, %sign3A_19 : i32
    %ne3A = arith.cmpi ne, %sign3A_13, %sign3A_20 : i32
    %rem3A = arith.remsi %sub3A_7, %jit3A : i32
    %ne3A_21 = arith.constant 0 : i32
    %ne3A_22 = arith.cmpi ne, %rem3A, %ne3A_21 : i32
    %and3A = arith.andi %ne3A, %ne3A_22 : i1
    %sub3A_23 = arith.constant 1 : i32
    %sub3A_24 = arith.subi %div3A, %sub3A_23 : i32
    %select_n3A = arith.select %and3A, %sub3A_24, %div3A : i32
    %scan3A = arith.constant 0 : i32
    %scan3A_25 = arith.constant 0 : i32
    %scan3A_26 = arith.constant 314 : i32
    %scan3A_27 = arith.addi %scan3A_25, %scan3A_26 : i32
    %scan3A_28 = arith.constant 1 : i32
    scf.for %scan3A_42 = %scan3A_25 to %scan3A_27 step %scan3A_28  : i32 {
      %swap3A = arith.index_cast %scan3A_42 : i32 to index
      %swap3A_43 = arith.constant 0 : index
      %swap3A_44 = tpu.vector_load %arg7[%swap3A, %swap3A_43] {strides = array<i32>} : memref<314x80xf32, #tpu.memory_space<vmem>>, vector<16xf32>,
      tpu.vector_store %arg7[%swap3A, %swap3A_43], %broadcast_in_dim3A_1 {strides = array<i32>} : memref<314x80xf32, #tpu.memory_space<vmem>>, vector<16xf32>,
      %swap3A_45 = arith.index_cast %scan3A_42 : i32 to index
      %swap3A_46 = arith.constant 0 : index
      %swap3A_47 = tpu.vector_load %arg8[%swap3A_45, %swap3A_46] {strides = array<i32>} : memref<314x80xf32, #tpu.memory_space<vmem>>, vector<16xf32>,
      tpu.vector_store %arg8[%swap3A_45, %swap3A_46], %broadcast_in_dim3A_1 {strides = array<i32>} : memref<314x80xf32, #tpu.memory_space<vmem>>, vector<16xf32>,
      %swap3A_48 = arith.index_cast %scan3A_42 : i32 to index
      %swap3A_49 = arith.constant 0 : index
      %swap3A_50 = tpu.vector_load %arg9[%swap3A_48, %swap3A_49] {strides = array<i32>} : memref<314x80xf32, #tpu.memory_space<vmem>>, vector<16xf32>,
      tpu.vector_store %arg9[%swap3A_48, %swap3A_49], %broadcast_in_dim3A_3 {strides = array<i32>} : memref<314x80xf32, #tpu.memory_space<vmem>>, vector<16xf32>,
      %neg3A = arith.constant 0.000000e+00 : f32
      %neg3A_51 = vector.broadcast %neg3A : f32 to vector<16xf32>
      %neg3A_52 = arith.subf %neg3A_51, %broadcast_in_dim3A_3 : vector<16xf32>
      %swap3A_53 = arith.index_cast %scan3A_42 : i32 to index
      %swap3A_54 = arith.constant 0 : index
      %swap3A_55 = tpu.vector_load %arg10[%swap3A_53, %swap3A_54] {strides = array<i32>} : memref<314x80xf32, #tpu.memory_space<vmem>>, vector<16xf32>,
      tpu.vector_store %arg10[%swap3A_53, %swap3A_54], %neg3A_52 {strides = array<i32>} : memref<314x80xf32, #tpu.memory_space<vmem>>, vector<16xf32>,
      %swap3A_56 = arith.index_cast %scan3A_42 : i32 to index
      %swap3A_57 = arith.constant 16 : index
      %swap3A_58 = tpu.vector_load %arg7[%swap3A_56, %swap3A_57] {strides = array<i32>} : memref<314x80xf32, #tpu.memory_space<vmem>>, vector<16xf32>,
      tpu.vector_store %arg7[%swap3A_56, %swap3A_57], %broadcast_in_dim3A_1 {strides = array<i32>} : memref<314x80xf32, #tpu.memory_space<vmem>>, vector<16xf32>,
      %swap3A_59 = arith.index_cast %scan3A_42 : i32 to index
      %swap3A_60 = arith.constant 16 : index
      %swap3A_61 = tpu.vector_load %arg8[%swap3A_59, %swap3A_60] {strides = array<i32>} : memref<314x80xf32, #tpu.memory_space<vmem>>, vector<16xf32>,
      tpu.vector_store %arg8[%swap3A_59, %swap3A_60], %broadcast_in_dim3A_1 {strides = array<i32>} : memref<314x80xf32, #tpu.memory_space<vmem>>, vector<16xf32>,
      %swap3A_62 = arith.index_cast %scan3A_42 : i32 to index
      %swap3A_63 = arith.constant 16 : index
      %swap3A_64 = tpu.vector_load %arg9[%swap3A_62, %swap3A_63] {strides = array<i32>} : memref<314x80xf32, #tpu.memory_space<vmem>>, vector<16xf32>,
      tpu.vector_store %arg9[%swap3A_62, %swap3A_63], %broadcast_in_dim3A_3 {strides = array<i32>} : memref<314x80xf32, #tpu.memory_space<vmem>>, vector<16xf32>,
      %neg3A_65 = arith.constant 0.000000e+00 : f32
      %neg3A_66 = vector.broadcast %neg3A_65 : f32 to vector<16xf32>
      %neg3A_67 = arith.subf %neg3A_66, %broadcast_in_dim3A_3 : vector<16xf32>
      %swap3A_68 = arith.index_cast %scan3A_42 : i32 to index
      %swap3A_69 = arith.constant 16 : index
      %swap3A_70 = tpu.vector_load %arg10[%swap3A_68, %swap3A_69] {strides = array<i32>} : memref<314x80xf32, #tpu.memory_space<vmem>>, vector<16xf32>,
      tpu.vector_store %arg10[%swap3A_68, %swap3A_69], %neg3A_67 {strides = array<i32>} : memref<314x80xf32, #tpu.memory_space<vmem>>, vector<16xf32>,
      %swap3A_71 = arith.index_cast %scan3A_42 : i32 to index
      %swap3A_72 = arith.constant 32 : index
      %swap3A_73 = tpu.vector_load %arg7[%swap3A_71, %swap3A_72] {strides = array<i32>} : memref<314x80xf32, #tpu.memory_space<vmem>>, vector<16xf32>,
      tpu.vector_store %arg7[%swap3A_71, %swap3A_72], %broadcast_in_dim3A_1 {strides = array<i32>} : memref<314x80xf32, #tpu.memory_space<vmem>>, vector<16xf32>,
      %swap3A_74 = arith.index_cast %scan3A_42 : i32 to index
      %swap3A_75 = arith.constant 32 : index
      %swap3A_76 = tpu.vector_load %arg8[%swap3A_74, %swap3A_75] {strides = array<i32>} : memref<314x80xf32, #tpu.memory_space<vmem>>, vector<16xf32>,
      tpu.vector_store %arg8[%swap3A_74, %swap3A_75], %broadcast_in_dim3A_1 {strides = array<i32>} : memref<314x80xf32, #tpu.memory_space<vmem>>, vector<16xf32>,
      %swap3A_77 = arith.index_cast %scan3A_42 : i32 to index
      %swap3A_78 = arith.constant 32 : index
      %swap3A_79 = tpu.vector_load %arg9[%swap3A_77, %swap3A_78] {strides = array<i32>} : memref<314x80xf32, #tpu.memory_space<vmem>>, vector<16xf32>,
      tpu.vector_store %arg9[%swap3A_77, %swap3A_78], %broadcast_in_dim3A_3 {strides = array<i32>} : memref<314x80xf32, #tpu.memory_space<vmem>>, vector<16xf32>,
      %neg3A_80 = arith.constant 0.000000e+00 : f32
      %neg3A_81 = vector.broadcast %neg3A_80 : f32 to vector<16xf32>
      %neg3A_82 = arith.subf %neg3A_81, %broadcast_in_dim3A_3 : vector<16xf32>
      %swap3A_83 = arith.index_cast %scan3A_42 : i32 to index
      %swap3A_84 = arith.constant 32 : index
      %swap3A_85 = tpu.vector_load %arg10[%swap3A_83, %swap3A_84] {strides = array<i32>} : memref<314x80xf32, #tpu.memory_space<vmem>>, vector<16xf32>,
      tpu.vector_store %arg10[%swap3A_83, %swap3A_84], %neg3A_82 {strides = array<i32>} : memref<314x80xf32, #tpu.memory_space<vmem>>, vector<16xf32>,
      %swap3A_86 = arith.index_cast %scan3A_42 : i32 to index
      %swap3A_87 = arith.constant 48 : index
      %swap3A_88 = tpu.vector_load %arg7[%swap3A_86, %swap3A_87] {strides = array<i32>} : memref<314x80xf32, #tpu.memory_space<vmem>>, vector<16xf32>,
      tpu.vector_store %arg7[%swap3A_86, %swap3A_87], %broadcast_in_dim3A_1 {strides = array<i32>} : memref<314x80xf32, #tpu.memory_space<vmem>>, vector<16xf32>,
      %swap3A_89 = arith.index_cast %scan3A_42 : i32 to index
      %swap3A_90 = arith.constant 48 : index
      %swap3A_91 = tpu.vector_load %arg8[%swap3A_89, %swap3A_90] {strides = array<i32>} : memref<314x80xf32, #tpu.memory_space<vmem>>, vector<16xf32>,
      tpu.vector_store %arg8[%swap3A_89, %swap3A_90], %broadcast_in_dim3A_1 {strides = array<i32>} : memref<314x80xf32, #tpu.memory_space<vmem>>, vector<16xf32>,
      %swap3A_92 = arith.index_cast %scan3A_42 : i32 to index
      %swap3A_93 = arith.constant 48 : index
      %swap3A_94 = tpu.vector_load %arg9[%swap3A_92, %swap3A_93] {strides = array<i32>} : memref<314x80xf32, #tpu.memory_space<vmem>>, vector<16xf32>,
      tpu.vector_store %arg9[%swap3A_92, %swap3A_93], %broadcast_in_dim3A_3 {strides = array<i32>} : memref<314x80xf32, #tpu.memory_space<vmem>>, vector<16xf32>,
      %neg3A_95 = arith.constant 0.000000e+00 : f32
      %neg3A_96 = vector.broadcast %neg3A_95 : f32 to vector<16xf32>
      %neg3A_97 = arith.subf %neg3A_96, %broadcast_in_dim3A_3 : vector<16xf32>
      %swap3A_98 = arith.index_cast %scan3A_42 : i32 to index
      %swap3A_99 = arith.constant 48 : index
      %swap3A_100 = tpu.vector_load %arg10[%swap3A_98, %swap3A_99] {strides = array<i32>} : memref<314x80xf32, #tpu.memory_space<vmem>>, vector<16xf32>,
      tpu.vector_store %arg10[%swap3A_98, %swap3A_99], %neg3A_97 {strides = array<i32>} : memref<314x80xf32, #tpu.memory_space<vmem>>, vector<16xf32>,
      %swap3A_101 = arith.index_cast %scan3A_42 : i32 to index
      %swap3A_102 = arith.constant 64 : index
      %swap3A_103 = tpu.vector_load %arg7[%swap3A_101, %swap3A_102] {strides = array<i32>} : memref<314x80xf32, #tpu.memory_space<vmem>>, vector<16xf32>,
      tpu.vector_store %arg7[%swap3A_101, %swap3A_102], %broadcast_in_dim3A_1 {strides = array<i32>} : memref<314x80xf32, #tpu.memory_space<vmem>>, vector<16xf32>,
      %swap3A_104 = arith.index_cast %scan3A_42 : i32 to index
      %swap3A_105 = arith.constant 64 : index
      %swap3A_106 = tpu.vector_load %arg8[%swap3A_104, %swap3A_105] {strides = array<i32>} : memref<314x80xf32, #tpu.memory_space<vmem>>, vector<16xf32>,
      tpu.vector_store %arg8[%swap3A_104, %swap3A_105], %broadcast_in_dim3A_1 {strides = array<i32>} : memref<314x80xf32, #tpu.memory_space<vmem>>, vector<16xf32>,
      %swap3A_107 = arith.index_cast %scan3A_42 : i32 to index
      %swap3A_108 = arith.constant 64 : index
      %swap3A_109 = tpu.vector_load %arg9[%swap3A_107, %swap3A_108] {strides = array<i32>} : memref<314x80xf32, #tpu.memory_space<vmem>>, vector<16xf32>,
      tpu.vector_store %arg9[%swap3A_107, %swap3A_108], %broadcast_in_dim3A_3 {strides = array<i32>} : memref<314x80xf32, #tpu.memory_space<vmem>>, vector<16xf32>,
      %neg3A_110 = arith.constant 0.000000e+00 : f32
      %neg3A_111 = vector.broadcast %neg3A_110 : f32 to vector<16xf32>
      %neg3A_112 = arith.subf %neg3A_111, %broadcast_in_dim3A_3 : vector<16xf32>
      %swap3A_113 = arith.index_cast %scan3A_42 : i32 to index
      %swap3A_114 = arith.constant 64 : index
      %swap3A_115 = tpu.vector_load %arg10[%swap3A_113, %swap3A_114] {strides = array<i32>} : memref<314x80xf32, #tpu.memory_space<vmem>>, vector<16xf32>,
      tpu.vector_store %arg10[%swap3A_113, %swap3A_114], %neg3A_112 {strides = array<i32>} : memref<314x80xf32, #tpu.memory_space<vmem>>, vector<16xf32>,
    }
    %scan3A_29 = arith.constant 314 : i32
    %while3A = arith.constant 0 : i32
    %while3A_30 = arith.constant 0 : i32
    %while3A_31 = arith.subi %select_n3A, %while3A_30 : i32
    %while3A_32 = arith.addi %while3A_30, %while3A_31 : i32
    %while3A_33 = arith.constant 1 : i32
    %while3A_34 = arith.divsi %while3A_31, %while3A_33 : i32
    %while3A_35 = arith.muli %while3A_34, %while3A_33 : i32
    %while3A_36 = arith.addi %while3A_30, %while3A_35 : i32
    %while3A_37 = arith.constant 1 : i32
    scf.for %while3A_42 = %while3A_30 to %while3A_36 step %while3A_37  : i32 {
      %mul3A_43 = arith.constant 128 : i32
      %mul3A_44 = arith.muli %while3A_42, %mul3A_43 : i32
      %multiple_of3A = tpu.assume_multiple %mul3A_44, 8 : i32
      "tpu.region"() ({
        %run_scoped3A_56 = tpu.sem_alloc : memref<!tpu.dma_semaphore, #tpu.memory_space<semaphore_mem>>
        %dma_start3A_57 = tpu.memref_slice %arg3[%add3A, %multiple_of3A] : memref<32x655360xi32, #tpu.memory_space<hbm>> -> memref<1x128xi32, #tpu.memory_space<hbm>>
        %dma_start3A_58 = tpu.memref_squeeze %dma_start3A_57 : memref<1x128xi32, #tpu.memory_space<hbm>> -> memref<128xi32, #tpu.memory_space<hbm>>
        %dma_start3A_59 = tpu.memref_slice %arg3[%add3A, %multiple_of3A] : memref<32x655360xi32, #tpu.memory_space<hbm>> -> memref<1x128xi32, #tpu.memory_space<hbm>>
        %dma_start3A_60 = tpu.memref_squeeze %dma_start3A_59 : memref<1x128xi32, #tpu.memory_space<hbm>> -> memref<128xi32, #tpu.memory_space<hbm>>
        tpu.enqueue_dma source(%dma_start3A_60 : memref<128xi32, #tpu.memory_space<hbm>>) target(%arg12 : memref<128xi32, #tpu.memory_space<vmem>>) target_semaphore(%run_scoped3A_56 : memref<!tpu.dma_semaphore, #tpu.memory_space<semaphore_mem>>)
        %dma_wait3A_61 = tpu.memref_slice %arg3[%add3A, %multiple_of3A] : memref<32x655360xi32, #tpu.memory_space<hbm>> -> memref<1x128xi32, #tpu.memory_space<hbm>>
        %dma_wait3A_62 = tpu.memref_squeeze %dma_wait3A_61 : memref<1x128xi32, #tpu.memory_space<hbm>> -> memref<128xi32, #tpu.memory_space<hbm>>
        %dma_wait3A_63 = tpu.memref_slice %arg3[%add3A, %multiple_of3A] : memref<32x655360xi32, #tpu.memory_space<hbm>> -> memref<1x128xi32, #tpu.memory_space<hbm>>
        %dma_wait3A_64 = tpu.memref_squeeze %dma_wait3A_63 : memref<1x128xi32, #tpu.memory_space<hbm>> -> memref<128xi32, #tpu.memory_space<hbm>>
        tpu.wait_dma2 semaphore(%run_scoped3A_56 : memref<!tpu.dma_semaphore, #tpu.memory_space<semaphore_mem>>) src(%dma_wait3A_64 : memref<128xi32, #tpu.memory_space<hbm>>) dst(%arg12 : memref<128xi32, #tpu.memory_space<vmem>>)
        tpu.yield
      }) : () -> ()
      %multiple_of3A_45 = tpu.assume_multiple %mul3A_44, 8 : i32
      "tpu.region"() ({
        %run_scoped3A_56 = tpu.sem_alloc : memref<!tpu.dma_semaphore, #tpu.memory_space<semaphore_mem>>
        %dma_start3A_57 = arith.constant 0 : i32
        %dma_start3A_58 = tpu.memref_slice %arg13[%dma_start3A_57] : memref<144xi32, #tpu.memory_space<vmem>> -> memref<128xi32, #tpu.memory_space<vmem>>
        %dma_start3A_59 = tpu.memref_slice %arg4[%add3A, %multiple_of3A_45] : memref<32x655360xi32, #tpu.memory_space<hbm>> -> memref<1x128xi32, #tpu.memory_space<hbm>>
        %dma_start3A_60 = tpu.memref_squeeze %dma_start3A_59 : memref<1x128xi32, #tpu.memory_space<hbm>> -> memref<128xi32, #tpu.memory_space<hbm>>
        %dma_start3A_61 = arith.constant 0 : i32
        %dma_start3A_62 = tpu.memref_slice %arg13[%dma_start3A_61] : memref<144xi32, #tpu.memory_space<vmem>> -> memref<128xi32, #tpu.memory_space<vmem>>
        %dma_start3A_63 = tpu.memref_slice %arg4[%add3A, %multiple_of3A_45] : memref<32x655360xi32, #tpu.memory_space<hbm>> -> memref<1x128xi32, #tpu.memory_space<hbm>>
        %dma_start3A_64 = tpu.memref_squeeze %dma_start3A_63 : memref<1x128xi32, #tpu.memory_space<hbm>> -> memref<128xi32, #tpu.memory_space<hbm>>
        tpu.enqueue_dma source(%dma_start3A_64 : memref<128xi32, #tpu.memory_space<hbm>>) target(%dma_start3A_62 : memref<128xi32, #tpu.memory_space<vmem>>) target_semaphore(%run_scoped3A_56 : memref<!tpu.dma_semaphore, #tpu.memory_space<semaphore_mem>>)
        %dma_wait3A_65 = arith.constant 0 : i32
        %dma_wait3A_66 = tpu.memref_slice %arg13[%dma_wait3A_65] : memref<144xi32, #tpu.memory_space<vmem>> -> memref<128xi32, #tpu.memory_space<vmem>>
        %dma_wait3A_67 = tpu.memref_slice %arg4[%add3A, %multiple_of3A_45] : memref<32x655360xi32, #tpu.memory_space<hbm>> -> memref<1x128xi32, #tpu.memory_space<hbm>>
        %dma_wait3A_68 = tpu.memref_squeeze %dma_wait3A_67 : memref<1x128xi32, #tpu.memory_space<hbm>> -> memref<128xi32, #tpu.memory_space<hbm>>
        %dma_wait3A_69 = arith.constant 0 : i32
        %dma_wait3A_70 = tpu.memref_slice %arg13[%dma_wait3A_69] : memref<144xi32, #tpu.memory_space<vmem>> -> memref<128xi32, #tpu.memory_space<vmem>>
        %dma_wait3A_71 = tpu.memref_slice %arg4[%add3A, %multiple_of3A_45] : memref<32x655360xi32, #tpu.memory_space<hbm>> -> memref<1x128xi32, #tpu.memory_space<hbm>>
        %dma_wait3A_72 = tpu.memref_squeeze %dma_wait3A_71 : memref<1x128xi32, #tpu.memory_space<hbm>> -> memref<128xi32, #tpu.memory_space<hbm>>
        tpu.wait_dma2 semaphore(%run_scoped3A_56 : memref<!tpu.dma_semaphore, #tpu.memory_space<semaphore_mem>>) src(%dma_wait3A_72 : memref<128xi32, #tpu.memory_space<hbm>>) dst(%dma_wait3A_70 : memref<128xi32, #tpu.memory_space<vmem>>)
        tpu.yield
      }) : () -> ()
      %dma_start3A = arith.constant 0 : i32
      %dma_start3A_46 = arith.constant 0 : i32
      %dma_start3A_47 = tpu.memref_slice %arg2[%dma_start3A, %dma_start3A_46] : memref<10000x80xf32, #tpu.memory_space<hbm>> -> memref<10000x80xf32, #tpu.memory_space<hbm>>
      tpu.enqueue_indirect_dma source(%dma_start3A_47 : memref<10000x80xf32, #tpu.memory_space<hbm>>) target(%arg11 : memref<128x80xf32, #tpu.memory_space<vmem>>) offsets(%arg12 : memref<128xi32, #tpu.memory_space<vmem>>) semaphore(%arg15 : memref<!tpu.dma_semaphore, #tpu.memory_space<semaphore_mem>>)
      %dma_wait3A = arith.constant 0 : i32
      %dma_wait3A_48 = arith.constant 0 : i32
      %dma_wait3A_49 = tpu.memref_slice %arg2[%dma_wait3A, %dma_wait3A_48] : memref<10000x80xf32, #tpu.memory_space<hbm>> -> memref<10000x80xf32, #tpu.memory_space<hbm>>
      tpu.wait_indirect_dma semaphore(%arg15 : memref<!tpu.dma_semaphore, #tpu.memory_space<semaphore_mem>>) src(%dma_wait3A_49 : memref<10000x80xf32, #tpu.memory_space<hbm>>) dst(%arg11 : memref<128x80xf32, #tpu.memory_space<vmem>>)
      %scan3A_50 = arith.constant 0 : i32
      %scan3A_51 = arith.constant 0 : i32
      %scan3A_52 = arith.constant 128 : i32
      %scan3A_53 = arith.addi %scan3A_51, %scan3A_52 : i32
      %scan3A_54 = arith.constant 1 : i32
      scf.for %scan3A_56 = %scan3A_51 to %scan3A_53 step %scan3A_54  : i32 {
        %get3A_57 = arith.index_cast %scan3A_56 : i32 to index
        %get3A_58 = tpu.vector_load %arg13[%get3A_57] {strides = array<i32>} : memref<144xi32, #tpu.memory_space<vmem>>, vector<16xi32>,
        %slice3A_59 = vector.extract_strided_slice %get3A_58 {offsets = [0], sizes = [1], strides = [1]} : vector<16xi32> to vector<1xi32>
        %squeeze3A_60 = vector.extract %slice3A_59[0] : i32 from vector<1xi32>
        %get3A_61 = arith.index_cast %scan3A_56 : i32 to index
        %get3A_62 = arith.constant 0 : index
        %get3A_63 = tpu.vector_load %arg11[%get3A_61, %get3A_62] {strides = array<i32>} : memref<128x80xf32, #tpu.memory_space<vmem>>, vector<16xf32>,
        %get3A_64 = arith.index_cast %squeeze3A_60 : i32 to index
        %get3A_65 = arith.constant 0 : index
        %get3A_66 = tpu.vector_load %arg7[%get3A_64, %get3A_65] {strides = array<i32>} : memref<314x80xf32, #tpu.memory_space<vmem>>, vector<16xf32>,
        %add3A_67 = arith.addf %get3A_66, %get3A_63 : vector<16xf32>
        %swap3A = arith.index_cast %squeeze3A_60 : i32 to index
        %swap3A_68 = arith.constant 0 : index
        %swap3A_69 = tpu.vector_load %arg7[%swap3A, %swap3A_68] {strides = array<i32>} : memref<314x80xf32, #tpu.memory_space<vmem>>, vector<16xf32>,
        tpu.vector_store %arg7[%swap3A, %swap3A_68], %add3A_67 {strides = array<i32>} : memref<314x80xf32, #tpu.memory_space<vmem>>, vector<16xf32>,
        %get3A_70 = arith.index_cast %squeeze3A_60 : i32 to index
        %get3A_71 = arith.constant 0 : index
        %get3A_72 = tpu.vector_load %arg8[%get3A_70, %get3A_71] {strides = array<i32>} : memref<314x80xf32, #tpu.memory_space<vmem>>, vector<16xf32>,
        %mul3A_73 = arith.mulf %get3A_63, %get3A_63 : vector<16xf32>
        %add3A_74 = arith.addf %get3A_72, %mul3A_73 : vector<16xf32>
        %swap3A_75 = arith.index_cast %squeeze3A_60 : i32 to index
        %swap3A_76 = arith.constant 0 : index
        %swap3A_77 = tpu.vector_load %arg8[%swap3A_75, %swap3A_76] {strides = array<i32>} : memref<314x80xf32, #tpu.memory_space<vmem>>, vector<16xf32>,
        tpu.vector_store %arg8[%swap3A_75, %swap3A_76], %add3A_74 {strides = array<i32>} : memref<314x80xf32, #tpu.memory_space<vmem>>, vector<16xf32>,
        %get3A_78 = arith.index_cast %squeeze3A_60 : i32 to index
        %get3A_79 = arith.constant 0 : index
        %get3A_80 = tpu.vector_load %arg9[%get3A_78, %get3A_79] {strides = array<i32>} : memref<314x80xf32, #tpu.memory_space<vmem>>, vector<16xf32>,
        %min3A = arith.minimumf %get3A_80, %get3A_63 : vector<16xf32>
        %swap3A_81 = arith.index_cast %squeeze3A_60 : i32 to index
        %swap3A_82 = arith.constant 0 : index
        %swap3A_83 = tpu.vector_load %arg9[%swap3A_81, %swap3A_82] {strides = array<i32>} : memref<314x80xf32, #tpu.memory_space<vmem>>, vector<16xf32>,
        tpu.vector_store %arg9[%swap3A_81, %swap3A_82], %min3A {strides = array<i32>} : memref<314x80xf32, #tpu.memory_space<vmem>>, vector<16xf32>,
        %get3A_84 = arith.index_cast %squeeze3A_60 : i32 to index
        %get3A_85 = arith.constant 0 : index
        %get3A_86 = tpu.vector_load %arg10[%get3A_84, %get3A_85] {strides = array<i32>} : memref<314x80xf32, #tpu.memory_space<vmem>>, vector<16xf32>,
        %max3A = arith.maximumf %get3A_86, %get3A_63 : vector<16xf32>
        %swap3A_87 = arith.index_cast %squeeze3A_60 : i32 to index
        %swap3A_88 = arith.constant 0 : index
        %swap3A_89 = tpu.vector_load %arg10[%swap3A_87, %swap3A_88] {strides = array<i32>} : memref<314x80xf32, #tpu.memory_space<vmem>>, vector<16xf32>,
        tpu.vector_store %arg10[%swap3A_87, %swap3A_88], %max3A {strides = array<i32>} : memref<314x80xf32, #tpu.memory_space<vmem>>, vector<16xf32>,
        %get3A_90 = arith.index_cast %scan3A_56 : i32 to index
        %get3A_91 = arith.constant 16 : index
        %get3A_92 = tpu.vector_load %arg11[%get3A_90, %get3A_91] {strides = array<i32>} : memref<128x80xf32, #tpu.memory_space<vmem>>, vector<16xf32>,
        %get3A_93 = arith.index_cast %squeeze3A_60 : i32 to index
        %get3A_94 = arith.constant 16 : index
        %get3A_95 = tpu.vector_load %arg7[%get3A_93, %get3A_94] {strides = array<i32>} : memref<314x80xf32, #tpu.memory_space<vmem>>, vector<16xf32>,
        %add3A_96 = arith.addf %get3A_95, %get3A_92 : vector<16xf32>
        %swap3A_97 = arith.index_cast %squeeze3A_60 : i32 to index
        %swap3A_98 = arith.constant 16 : index
        %swap3A_99 = tpu.vector_load %arg7[%swap3A_97, %swap3A_98] {strides = array<i32>} : memref<314x80xf32, #tpu.memory_space<vmem>>, vector<16xf32>,
        tpu.vector_store %arg7[%swap3A_97, %swap3A_98], %add3A_96 {strides = array<i32>} : memref<314x80xf32, #tpu.memory_space<vmem>>, vector<16xf32>,
        %get3A_100 = arith.index_cast %squeeze3A_60 : i32 to index
        %get3A_101 = arith.constant 16 : index
        %get3A_102 = tpu.vector_load %arg8[%get3A_100, %get3A_101] {strides = array<i32>} : memref<314x80xf32, #tpu.memory_space<vmem>>, vector<16xf32>,
        %mul3A_103 = arith.mulf %get3A_92, %get3A_92 : vector<16xf32>
        %add3A_104 = arith.addf %get3A_102, %mul3A_103 : vector<16xf32>
        %swap3A_105 = arith.index_cast %squeeze3A_60 : i32 to index
        %swap3A_106 = arith.constant 16 : index
        %swap3A_107 = tpu.vector_load %arg8[%swap3A_105, %swap3A_106] {strides = array<i32>} : memref<314x80xf32, #tpu.memory_space<vmem>>, vector<16xf32>,
        tpu.vector_store %arg8[%swap3A_105, %swap3A_106], %add3A_104 {strides = array<i32>} : memref<314x80xf32, #tpu.memory_space<vmem>>, vector<16xf32>,
        %get3A_108 = arith.index_cast %squeeze3A_60 : i32 to index
        %get3A_109 = arith.constant 16 : index
        %get3A_110 = tpu.vector_load %arg9[%get3A_108, %get3A_109] {strides = array<i32>} : memref<314x80xf32, #tpu.memory_space<vmem>>, vector<16xf32>,
        %min3A_111 = arith.minimumf %get3A_110, %get3A_92 : vector<16xf32>
        %swap3A_112 = arith.index_cast %squeeze3A_60 : i32 to index
        %swap3A_113 = arith.constant 16 : index
        %swap3A_114 = tpu.vector_load %arg9[%swap3A_112, %swap3A_113] {strides = array<i32>} : memref<314x80xf32, #tpu.memory_space<vmem>>, vector<16xf32>,
        tpu.vector_store %arg9[%swap3A_112, %swap3A_113], %min3A_111 {strides = array<i32>} : memref<314x80xf32, #tpu.memory_space<vmem>>, vector<16xf32>,
        %get3A_115 = arith.index_cast %squeeze3A_60 : i32 to index
        %get3A_116 = arith.constant 16 : index
        %get3A_117 = tpu.vector_load %arg10[%get3A_115, %get3A_116] {strides = array<i32>} : memref<314x80xf32, #tpu.memory_space<vmem>>, vector<16xf32>,
        %max3A_118 = arith.maximumf %get3A_117, %get3A_92 : vector<16xf32>
        %swap3A_119 = arith.index_cast %squeeze3A_60 : i32 to index
        %swap3A_120 = arith.constant 16 : index
        %swap3A_121 = tpu.vector_load %arg10[%swap3A_119, %swap3A_120] {strides = array<i32>} : memref<314x80xf32, #tpu.memory_space<vmem>>, vector<16xf32>,
        tpu.vector_store %arg10[%swap3A_119, %swap3A_120], %max3A_118 {strides = array<i32>} : memref<314x80xf32, #tpu.memory_space<vmem>>, vector<16xf32>,
        %get3A_122 = arith.index_cast %scan3A_56 : i32 to index
        %get3A_123 = arith.constant 32 : index
        %get3A_124 = tpu.vector_load %arg11[%get3A_122, %get3A_123] {strides = array<i32>} : memref<128x80xf32, #tpu.memory_space<vmem>>, vector<16xf32>,
        %get3A_125 = arith.index_cast %squeeze3A_60 : i32 to index
        %get3A_126 = arith.constant 32 : index
        %get3A_127 = tpu.vector_load %arg7[%get3A_125, %get3A_126] {strides = array<i32>} : memref<314x80xf32, #tpu.memory_space<vmem>>, vector<16xf32>,
        %add3A_128 = arith.addf %get3A_127, %get3A_124 : vector<16xf32>
        %swap3A_129 = arith.index_cast %squeeze3A_60 : i32 to index
        %swap3A_130 = arith.constant 32 : index
        %swap3A_131 = tpu.vector_load %arg7[%swap3A_129, %swap3A_130] {strides = array<i32>} : memref<314x80xf32, #tpu.memory_space<vmem>>, vector<16xf32>,
        tpu.vector_store %arg7[%swap3A_129, %swap3A_130], %add3A_128 {strides = array<i32>} : memref<314x80xf32, #tpu.memory_space<vmem>>, vector<16xf32>,
        %get3A_132 = arith.index_cast %squeeze3A_60 : i32 to index
        %get3A_133 = arith.constant 32 : index
        %get3A_134 = tpu.vector_load %arg8[%get3A_132, %get3A_133] {strides = array<i32>} : memref<314x80xf32, #tpu.memory_space<vmem>>, vector<16xf32>,
        %mul3A_135 = arith.mulf %get3A_124, %get3A_124 : vector<16xf32>
        %add3A_136 = arith.addf %get3A_134, %mul3A_135 : vector<16xf32>
        %swap3A_137 = arith.index_cast %squeeze3A_60 : i32 to index
        %swap3A_138 = arith.constant 32 : index
        %swap3A_139 = tpu.vector_load %arg8[%swap3A_137, %swap3A_138] {strides = array<i32>} : memref<314x80xf32, #tpu.memory_space<vmem>>, vector<16xf32>,
        tpu.vector_store %arg8[%swap3A_137, %swap3A_138], %add3A_136 {strides = array<i32>} : memref<314x80xf32, #tpu.memory_space<vmem>>, vector<16xf32>,
        %get3A_140 = arith.index_cast %squeeze3A_60 : i32 to index
        %get3A_141 = arith.constant 32 : index
        %get3A_142 = tpu.vector_load %arg9[%get3A_140, %get3A_141] {strides = array<i32>} : memref<314x80xf32, #tpu.memory_space<vmem>>, vector<16xf32>,
        %min3A_143 = arith.minimumf %get3A_142, %get3A_124 : vector<16xf32>
        %swap3A_144 = arith.index_cast %squeeze3A_60 : i32 to index
        %swap3A_145 = arith.constant 32 : index
        %swap3A_146 = tpu.vector_load %arg9[%swap3A_144, %swap3A_145] {strides = array<i32>} : memref<314x80xf32, #tpu.memory_space<vmem>>, vector<16xf32>,
        tpu.vector_store %arg9[%swap3A_144, %swap3A_145], %min3A_143 {strides = array<i32>} : memref<314x80xf32, #tpu.memory_space<vmem>>, vector<16xf32>,
        %get3A_147 = arith.index_cast %squeeze3A_60 : i32 to index
        %get3A_148 = arith.constant 32 : index
        %get3A_149 = tpu.vector_load %arg10[%get3A_147, %get3A_148] {strides = array<i32>} : memref<314x80xf32, #tpu.memory_space<vmem>>, vector<16xf32>,
        %max3A_150 = arith.maximumf %get3A_149, %get3A_124 : vector<16xf32>
        %swap3A_151 = arith.index_cast %squeeze3A_60 : i32 to index
        %swap3A_152 = arith.constant 32 : index
        %swap3A_153 = tpu.vector_load %arg10[%swap3A_151, %swap3A_152] {strides = array<i32>} : memref<314x80xf32, #tpu.memory_space<vmem>>, vector<16xf32>,
        tpu.vector_store %arg10[%swap3A_151, %swap3A_152], %max3A_150 {strides = array<i32>} : memref<314x80xf32, #tpu.memory_space<vmem>>, vector<16xf32>,
        %get3A_154 = arith.index_cast %scan3A_56 : i32 to index
        %get3A_155 = arith.constant 48 : index
        %get3A_156 = tpu.vector_load %arg11[%get3A_154, %get3A_155] {strides = array<i32>} : memref<128x80xf32, #tpu.memory_space<vmem>>, vector<16xf32>,
        %get3A_157 = arith.index_cast %squeeze3A_60 : i32 to index
        %get3A_158 = arith.constant 48 : index
        %get3A_159 = tpu.vector_load %arg7[%get3A_157, %get3A_158] {strides = array<i32>} : memref<314x80xf32, #tpu.memory_space<vmem>>, vector<16xf32>,
        %add3A_160 = arith.addf %get3A_159, %get3A_156 : vector<16xf32>
        %swap3A_161 = arith.index_cast %squeeze3A_60 : i32 to index
        %swap3A_162 = arith.constant 48 : index
        %swap3A_163 = tpu.vector_load %arg7[%swap3A_161, %swap3A_162] {strides = array<i32>} : memref<314x80xf32, #tpu.memory_space<vmem>>, vector<16xf32>,
        tpu.vector_store %arg7[%swap3A_161, %swap3A_162], %add3A_160 {strides = array<i32>} : memref<314x80xf32, #tpu.memory_space<vmem>>, vector<16xf32>,
        %get3A_164 = arith.index_cast %squeeze3A_60 : i32 to index
        %get3A_165 = arith.constant 48 : index
        %get3A_166 = tpu.vector_load %arg8[%get3A_164, %get3A_165] {strides = array<i32>} : memref<314x80xf32, #tpu.memory_space<vmem>>, vector<16xf32>,
        %mul3A_167 = arith.mulf %get3A_156, %get3A_156 : vector<16xf32>
        %add3A_168 = arith.addf %get3A_166, %mul3A_167 : vector<16xf32>
        %swap3A_169 = arith.index_cast %squeeze3A_60 : i32 to index
        %swap3A_170 = arith.constant 48 : index
        %swap3A_171 = tpu.vector_load %arg8[%swap3A_169, %swap3A_170] {strides = array<i32>} : memref<314x80xf32, #tpu.memory_space<vmem>>, vector<16xf32>,
        tpu.vector_store %arg8[%swap3A_169, %swap3A_170], %add3A_168 {strides = array<i32>} : memref<314x80xf32, #tpu.memory_space<vmem>>, vector<16xf32>,
        %get3A_172 = arith.index_cast %squeeze3A_60 : i32 to index
        %get3A_173 = arith.constant 48 : index
        %get3A_174 = tpu.vector_load %arg9[%get3A_172, %get3A_173] {strides = array<i32>} : memref<314x80xf32, #tpu.memory_space<vmem>>, vector<16xf32>,
        %min3A_175 = arith.minimumf %get3A_174, %get3A_156 : vector<16xf32>
        %swap3A_176 = arith.index_cast %squeeze3A_60 : i32 to index
        %swap3A_177 = arith.constant 48 : index
        %swap3A_178 = tpu.vector_load %arg9[%swap3A_176, %swap3A_177] {strides = array<i32>} : memref<314x80xf32, #tpu.memory_space<vmem>>, vector<16xf32>,
        tpu.vector_store %arg9[%swap3A_176, %swap3A_177], %min3A_175 {strides = array<i32>} : memref<314x80xf32, #tpu.memory_space<vmem>>, vector<16xf32>,
        %get3A_179 = arith.index_cast %squeeze3A_60 : i32 to index
        %get3A_180 = arith.constant 48 : index
        %get3A_181 = tpu.vector_load %arg10[%get3A_179, %get3A_180] {strides = array<i32>} : memref<314x80xf32, #tpu.memory_space<vmem>>, vector<16xf32>,
        %max3A_182 = arith.maximumf %get3A_181, %get3A_156 : vector<16xf32>
        %swap3A_183 = arith.index_cast %squeeze3A_60 : i32 to index
        %swap3A_184 = arith.constant 48 : index
        %swap3A_185 = tpu.vector_load %arg10[%swap3A_183, %swap3A_184] {strides = array<i32>} : memref<314x80xf32, #tpu.memory_space<vmem>>, vector<16xf32>,
        tpu.vector_store %arg10[%swap3A_183, %swap3A_184], %max3A_182 {strides = array<i32>} : memref<314x80xf32, #tpu.memory_space<vmem>>, vector<16xf32>,
        %get3A_186 = arith.index_cast %scan3A_56 : i32 to index
        %get3A_187 = arith.constant 64 : index
        %get3A_188 = tpu.vector_load %arg11[%get3A_186, %get3A_187] {strides = array<i32>} : memref<128x80xf32, #tpu.memory_space<vmem>>, vector<16xf32>,
        %get3A_189 = arith.index_cast %squeeze3A_60 : i32 to index
        %get3A_190 = arith.constant 64 : index
        %get3A_191 = tpu.vector_load %arg7[%get3A_189, %get3A_190] {strides = array<i32>} : memref<314x80xf32, #tpu.memory_space<vmem>>, vector<16xf32>,
        %add3A_192 = arith.addf %get3A_191, %get3A_188 : vector<16xf32>
        %swap3A_193 = arith.index_cast %squeeze3A_60 : i32 to index
        %swap3A_194 = arith.constant 64 : index
        %swap3A_195 = tpu.vector_load %arg7[%swap3A_193, %swap3A_194] {strides = array<i32>} : memref<314x80xf32, #tpu.memory_space<vmem>>, vector<16xf32>,
        tpu.vector_store %arg7[%swap3A_193, %swap3A_194], %add3A_192 {strides = array<i32>} : memref<314x80xf32, #tpu.memory_space<vmem>>, vector<16xf32>,
        %get3A_196 = arith.index_cast %squeeze3A_60 : i32 to index
        %get3A_197 = arith.constant 64 : index
        %get3A_198 = tpu.vector_load %arg8[%get3A_196, %get3A_197] {strides = array<i32>} : memref<314x80xf32, #tpu.memory_space<vmem>>, vector<16xf32>,
        %mul3A_199 = arith.mulf %get3A_188, %get3A_188 : vector<16xf32>
        %add3A_200 = arith.addf %get3A_198, %mul3A_199 : vector<16xf32>
        %swap3A_201 = arith.index_cast %squeeze3A_60 : i32 to index
        %swap3A_202 = arith.constant 64 : index
        %swap3A_203 = tpu.vector_load %arg8[%swap3A_201, %swap3A_202] {strides = array<i32>} : memref<314x80xf32, #tpu.memory_space<vmem>>, vector<16xf32>,
        tpu.vector_store %arg8[%swap3A_201, %swap3A_202], %add3A_200 {strides = array<i32>} : memref<314x80xf32, #tpu.memory_space<vmem>>, vector<16xf32>,
        %get3A_204 = arith.index_cast %squeeze3A_60 : i32 to index
        %get3A_205 = arith.constant 64 : index
        %get3A_206 = tpu.vector_load %arg9[%get3A_204, %get3A_205] {strides = array<i32>} : memref<314x80xf32, #tpu.memory_space<vmem>>, vector<16xf32>,
        %min3A_207 = arith.minimumf %get3A_206, %get3A_188 : vector<16xf32>
        %swap3A_208 = arith.index_cast %squeeze3A_60 : i32 to index
        %swap3A_209 = arith.constant 64 : index
        %swap3A_210 = tpu.vector_load %arg9[%swap3A_208, %swap3A_209] {strides = array<i32>} : memref<314x80xf32, #tpu.memory_space<vmem>>, vector<16xf32>,
        tpu.vector_store %arg9[%swap3A_208, %swap3A_209], %min3A_207 {strides = array<i32>} : memref<314x80xf32, #tpu.memory_space<vmem>>, vector<16xf32>,
        %get3A_211 = arith.index_cast %squeeze3A_60 : i32 to index
        %get3A_212 = arith.constant 64 : index
        %get3A_213 = tpu.vector_load %arg10[%get3A_211, %get3A_212] {strides = array<i32>} : memref<314x80xf32, #tpu.memory_space<vmem>>, vector<16xf32>,
        %max3A_214 = arith.maximumf %get3A_213, %get3A_188 : vector<16xf32>
        %swap3A_215 = arith.index_cast %squeeze3A_60 : i32 to index
        %swap3A_216 = arith.constant 64 : index
        %swap3A_217 = tpu.vector_load %arg10[%swap3A_215, %swap3A_216] {strides = array<i32>} : memref<314x80xf32, #tpu.memory_space<vmem>>, vector<16xf32>,
        tpu.vector_store %arg10[%swap3A_215, %swap3A_216], %max3A_214 {strides = array<i32>} : memref<314x80xf32, #tpu.memory_space<vmem>>, vector<16xf32>,
      }
      %scan3A_55 = arith.constant 128 : i32
    }
    %while3A_38 = arith.constant 1 : i32
    scf.for %while3A_42 = %while3A_36 to %while3A_32 step %while3A_38  : i32 {
      %mul3A_43 = arith.constant 128 : i32
      %mul3A_44 = arith.muli %while3A_42, %mul3A_43 : i32
      %multiple_of3A = tpu.assume_multiple %mul3A_44, 8 : i32
      "tpu.region"() ({
        %run_scoped3A_56 = tpu.sem_alloc : memref<!tpu.dma_semaphore, #tpu.memory_space<semaphore_mem>>
        %dma_start3A_57 = tpu.memref_slice %arg3[%add3A, %multiple_of3A] : memref<32x655360xi32, #tpu.memory_space<hbm>> -> memref<1x128xi32, #tpu.memory_space<hbm>>
        %dma_start3A_58 = tpu.memref_squeeze %dma_start3A_57 : memref<1x128xi32, #tpu.memory_space<hbm>> -> memref<128xi32, #tpu.memory_space<hbm>>
        %dma_start3A_59 = tpu.memref_slice %arg3[%add3A, %multiple_of3A] : memref<32x655360xi32, #tpu.memory_space<hbm>> -> memref<1x128xi32, #tpu.memory_space<hbm>>
        %dma_start3A_60 = tpu.memref_squeeze %dma_start3A_59 : memref<1x128xi32, #tpu.memory_space<hbm>> -> memref<128xi32, #tpu.memory_space<hbm>>
        tpu.enqueue_dma source(%dma_start3A_60 : memref<128xi32, #tpu.memory_space<hbm>>) target(%arg12 : memref<128xi32, #tpu.memory_space<vmem>>) target_semaphore(%run_scoped3A_56 : memref<!tpu.dma_semaphore, #tpu.memory_space<semaphore_mem>>)
        %dma_wait3A_61 = tpu.memref_slice %arg3[%add3A, %multiple_of3A] : memref<32x655360xi32, #tpu.memory_space<hbm>> -> memref<1x128xi32, #tpu.memory_space<hbm>>
        %dma_wait3A_62 = tpu.memref_squeeze %dma_wait3A_61 : memref<1x128xi32, #tpu.memory_space<hbm>> -> memref<128xi32, #tpu.memory_space<hbm>>
        %dma_wait3A_63 = tpu.memref_slice %arg3[%add3A, %multiple_of3A] : memref<32x655360xi32, #tpu.memory_space<hbm>> -> memref<1x128xi32, #tpu.memory_space<hbm>>
        %dma_wait3A_64 = tpu.memref_squeeze %dma_wait3A_63 : memref<1x128xi32, #tpu.memory_space<hbm>> -> memref<128xi32, #tpu.memory_space<hbm>>
        tpu.wait_dma2 semaphore(%run_scoped3A_56 : memref<!tpu.dma_semaphore, #tpu.memory_space<semaphore_mem>>) src(%dma_wait3A_64 : memref<128xi32, #tpu.memory_space<hbm>>) dst(%arg12 : memref<128xi32, #tpu.memory_space<vmem>>)
        tpu.yield
      }) : () -> ()
      %multiple_of3A_45 = tpu.assume_multiple %mul3A_44, 8 : i32
      "tpu.region"() ({
        %run_scoped3A_56 = tpu.sem_alloc : memref<!tpu.dma_semaphore, #tpu.memory_space<semaphore_mem>>
        %dma_start3A_57 = arith.constant 0 : i32
        %dma_start3A_58 = tpu.memref_slice %arg13[%dma_start3A_57] : memref<144xi32, #tpu.memory_space<vmem>> -> memref<128xi32, #tpu.memory_space<vmem>>
        %dma_start3A_59 = tpu.memref_slice %arg4[%add3A, %multiple_of3A_45] : memref<32x655360xi32, #tpu.memory_space<hbm>> -> memref<1x128xi32, #tpu.memory_space<hbm>>
        %dma_start3A_60 = tpu.memref_squeeze %dma_start3A_59 : memref<1x128xi32, #tpu.memory_space<hbm>> -> memref<128xi32, #tpu.memory_space<hbm>>
        %dma_start3A_61 = arith.constant 0 : i32
        %dma_start3A_62 = tpu.memref_slice %arg13[%dma_start3A_61] : memref<144xi32, #tpu.memory_space<vmem>> -> memref<128xi32, #tpu.memory_space<vmem>>
        %dma_start3A_63 = tpu.memref_slice %arg4[%add3A, %multiple_of3A_45] : memref<32x655360xi32, #tpu.memory_space<hbm>> -> memref<1x128xi32, #tpu.memory_space<hbm>>
        %dma_start3A_64 = tpu.memref_squeeze %dma_start3A_63 : memref<1x128xi32, #tpu.memory_space<hbm>> -> memref<128xi32, #tpu.memory_space<hbm>>
        tpu.enqueue_dma source(%dma_start3A_64 : memref<128xi32, #tpu.memory_space<hbm>>) target(%dma_start3A_62 : memref<128xi32, #tpu.memory_space<vmem>>) target_semaphore(%run_scoped3A_56 : memref<!tpu.dma_semaphore, #tpu.memory_space<semaphore_mem>>)
        %dma_wait3A_65 = arith.constant 0 : i32
        %dma_wait3A_66 = tpu.memref_slice %arg13[%dma_wait3A_65] : memref<144xi32, #tpu.memory_space<vmem>> -> memref<128xi32, #tpu.memory_space<vmem>>
        %dma_wait3A_67 = tpu.memref_slice %arg4[%add3A, %multiple_of3A_45] : memref<32x655360xi32, #tpu.memory_space<hbm>> -> memref<1x128xi32, #tpu.memory_space<hbm>>
        %dma_wait3A_68 = tpu.memref_squeeze %dma_wait3A_67 : memref<1x128xi32, #tpu.memory_space<hbm>> -> memref<128xi32, #tpu.memory_space<hbm>>
        %dma_wait3A_69 = arith.constant 0 : i32
        %dma_wait3A_70 = tpu.memref_slice %arg13[%dma_wait3A_69] : memref<144xi32, #tpu.memory_space<vmem>> -> memref<128xi32, #tpu.memory_space<vmem>>
        %dma_wait3A_71 = tpu.memref_slice %arg4[%add3A, %multiple_of3A_45] : memref<32x655360xi32, #tpu.memory_space<hbm>> -> memref<1x128xi32, #tpu.memory_space<hbm>>
        %dma_wait3A_72 = tpu.memref_squeeze %dma_wait3A_71 : memref<1x128xi32, #tpu.memory_space<hbm>> -> memref<128xi32, #tpu.memory_space<hbm>>
        tpu.wait_dma2 semaphore(%run_scoped3A_56 : memref<!tpu.dma_semaphore, #tpu.memory_space<semaphore_mem>>) src(%dma_wait3A_72 : memref<128xi32, #tpu.memory_space<hbm>>) dst(%dma_wait3A_70 : memref<128xi32, #tpu.memory_space<vmem>>)
        tpu.yield
      }) : () -> ()
      %dma_start3A = arith.constant 0 : i32
      %dma_start3A_46 = arith.constant 0 : i32
      %dma_start3A_47 = tpu.memref_slice %arg2[%dma_start3A, %dma_start3A_46] : memref<10000x80xf32, #tpu.memory_space<hbm>> -> memref<10000x80xf32, #tpu.memory_space<hbm>>
      tpu.enqueue_indirect_dma source(%dma_start3A_47 : memref<10000x80xf32, #tpu.memory_space<hbm>>) target(%arg11 : memref<128x80xf32, #tpu.memory_space<vmem>>) offsets(%arg12 : memref<128xi32, #tpu.memory_space<vmem>>) semaphore(%arg15 : memref<!tpu.dma_semaphore, #tpu.memory_space<semaphore_mem>>)
      %dma_wait3A = arith.constant 0 : i32
      %dma_wait3A_48 = arith.constant 0 : i32
      %dma_wait3A_49 = tpu.memref_slice %arg2[%dma_wait3A, %dma_wait3A_48] : memref<10000x80xf32, #tpu.memory_space<hbm>> -> memref<10000x80xf32, #tpu.memory_space<hbm>>
      tpu.wait_indirect_dma semaphore(%arg15 : memref<!tpu.dma_semaphore, #tpu.memory_space<semaphore_mem>>) src(%dma_wait3A_49 : memref<10000x80xf32, #tpu.memory_space<hbm>>) dst(%arg11 : memref<128x80xf32, #tpu.memory_space<vmem>>)
      %scan3A_50 = arith.constant 0 : i32
      %scan3A_51 = arith.constant 0 : i32
      %scan3A_52 = arith.constant 128 : i32
      %scan3A_53 = arith.addi %scan3A_51, %scan3A_52 : i32
      %scan3A_54 = arith.constant 1 : i32
      scf.for %scan3A_56 = %scan3A_51 to %scan3A_53 step %scan3A_54  : i32 {
        %get3A_57 = arith.index_cast %scan3A_56 : i32 to index
        %get3A_58 = tpu.vector_load %arg13[%get3A_57] {strides = array<i32>} : memref<144xi32, #tpu.memory_space<vmem>>, vector<16xi32>,
        %slice3A_59 = vector.extract_strided_slice %get3A_58 {offsets = [0], sizes = [1], strides = [1]} : vector<16xi32> to vector<1xi32>
        %squeeze3A_60 = vector.extract %slice3A_59[0] : i32 from vector<1xi32>
        %get3A_61 = arith.index_cast %scan3A_56 : i32 to index
        %get3A_62 = arith.constant 0 : index
        %get3A_63 = tpu.vector_load %arg11[%get3A_61, %get3A_62] {strides = array<i32>} : memref<128x80xf32, #tpu.memory_space<vmem>>, vector<16xf32>,
        %get3A_64 = arith.index_cast %squeeze3A_60 : i32 to index
        %get3A_65 = arith.constant 0 : index
        %get3A_66 = tpu.vector_load %arg7[%get3A_64, %get3A_65] {strides = array<i32>} : memref<314x80xf32, #tpu.memory_space<vmem>>, vector<16xf32>,
        %add3A_67 = arith.addf %get3A_66, %get3A_63 : vector<16xf32>
        %swap3A = arith.index_cast %squeeze3A_60 : i32 to index
        %swap3A_68 = arith.constant 0 : index
        %swap3A_69 = tpu.vector_load %arg7[%swap3A, %swap3A_68] {strides = array<i32>} : memref<314x80xf32, #tpu.memory_space<vmem>>, vector<16xf32>,
        tpu.vector_store %arg7[%swap3A, %swap3A_68], %add3A_67 {strides = array<i32>} : memref<314x80xf32, #tpu.memory_space<vmem>>, vector<16xf32>,
        %get3A_70 = arith.index_cast %squeeze3A_60 : i32 to index
        %get3A_71 = arith.constant 0 : index
        %get3A_72 = tpu.vector_load %arg8[%get3A_70, %get3A_71] {strides = array<i32>} : memref<314x80xf32, #tpu.memory_space<vmem>>, vector<16xf32>,
        %mul3A_73 = arith.mulf %get3A_63, %get3A_63 : vector<16xf32>
        %add3A_74 = arith.addf %get3A_72, %mul3A_73 : vector<16xf32>
        %swap3A_75 = arith.index_cast %squeeze3A_60 : i32 to index
        %swap3A_76 = arith.constant 0 : index
        %swap3A_77 = tpu.vector_load %arg8[%swap3A_75, %swap3A_76] {strides = array<i32>} : memref<314x80xf32, #tpu.memory_space<vmem>>, vector<16xf32>,
        tpu.vector_store %arg8[%swap3A_75, %swap3A_76], %add3A_74 {strides = array<i32>} : memref<314x80xf32, #tpu.memory_space<vmem>>, vector<16xf32>,
        %get3A_78 = arith.index_cast %squeeze3A_60 : i32 to index
        %get3A_79 = arith.constant 0 : index
        %get3A_80 = tpu.vector_load %arg9[%get3A_78, %get3A_79] {strides = array<i32>} : memref<314x80xf32, #tpu.memory_space<vmem>>, vector<16xf32>,
        %min3A = arith.minimumf %get3A_80, %get3A_63 : vector<16xf32>
        %swap3A_81 = arith.index_cast %squeeze3A_60 : i32 to index
        %swap3A_82 = arith.constant 0 : index
        %swap3A_83 = tpu.vector_load %arg9[%swap3A_81, %swap3A_82] {strides = array<i32>} : memref<314x80xf32, #tpu.memory_space<vmem>>, vector<16xf32>,
        tpu.vector_store %arg9[%swap3A_81, %swap3A_82], %min3A {strides = array<i32>} : memref<314x80xf32, #tpu.memory_space<vmem>>, vector<16xf32>,
        %get3A_84 = arith.index_cast %squeeze3A_60 : i32 to index
        %get3A_85 = arith.constant 0 : index
        %get3A_86 = tpu.vector_load %arg10[%get3A_84, %get3A_85] {strides = array<i32>} : memref<314x80xf32, #tpu.memory_space<vmem>>, vector<16xf32>,
        %max3A = arith.maximumf %get3A_86, %get3A_63 : vector<16xf32>
        %swap3A_87 = arith.index_cast %squeeze3A_60 : i32 to index
        %swap3A_88 = arith.constant 0 : index
        %swap3A_89 = tpu.vector_load %arg10[%swap3A_87, %swap3A_88] {strides = array<i32>} : memref<314x80xf32, #tpu.memory_space<vmem>>, vector<16xf32>,
        tpu.vector_store %arg10[%swap3A_87, %swap3A_88], %max3A {strides = array<i32>} : memref<314x80xf32, #tpu.memory_space<vmem>>, vector<16xf32>,
        %get3A_90 = arith.index_cast %scan3A_56 : i32 to index
        %get3A_91 = arith.constant 16 : index
        %get3A_92 = tpu.vector_load %arg11[%get3A_90, %get3A_91] {strides = array<i32>} : memref<128x80xf32, #tpu.memory_space<vmem>>, vector<16xf32>,
        %get3A_93 = arith.index_cast %squeeze3A_60 : i32 to index
        %get3A_94 = arith.constant 16 : index
        %get3A_95 = tpu.vector_load %arg7[%get3A_93, %get3A_94] {strides = array<i32>} : memref<314x80xf32, #tpu.memory_space<vmem>>, vector<16xf32>,
        %add3A_96 = arith.addf %get3A_95, %get3A_92 : vector<16xf32>
        %swap3A_97 = arith.index_cast %squeeze3A_60 : i32 to index
        %swap3A_98 = arith.constant 16 : index
        %swap3A_99 = tpu.vector_load %arg7[%swap3A_97, %swap3A_98] {strides = array<i32>} : memref<314x80xf32, #tpu.memory_space<vmem>>, vector<16xf32>,
        tpu.vector_store %arg7[%swap3A_97, %swap3A_98], %add3A_96 {strides = array<i32>} : memref<314x80xf32, #tpu.memory_space<vmem>>, vector<16xf32>,
        %get3A_100 = arith.index_cast %squeeze3A_60 : i32 to index
        %get3A_101 = arith.constant 16 : index
        %get3A_102 = tpu.vector_load %arg8[%get3A_100, %get3A_101] {strides = array<i32>} : memref<314x80xf32, #tpu.memory_space<vmem>>, vector<16xf32>,
        %mul3A_103 = arith.mulf %get3A_92, %get3A_92 : vector<16xf32>
        %add3A_104 = arith.addf %get3A_102, %mul3A_103 : vector<16xf32>
        %swap3A_105 = arith.index_cast %squeeze3A_60 : i32 to index
        %swap3A_106 = arith.constant 16 : index
        %swap3A_107 = tpu.vector_load %arg8[%swap3A_105, %swap3A_106] {strides = array<i32>} : memref<314x80xf32, #tpu.memory_space<vmem>>, vector<16xf32>,
        tpu.vector_store %arg8[%swap3A_105, %swap3A_106], %add3A_104 {strides = array<i32>} : memref<314x80xf32, #tpu.memory_space<vmem>>, vector<16xf32>,
        %get3A_108 = arith.index_cast %squeeze3A_60 : i32 to index
        %get3A_109 = arith.constant 16 : index
        %get3A_110 = tpu.vector_load %arg9[%get3A_108, %get3A_109] {strides = array<i32>} : memref<314x80xf32, #tpu.memory_space<vmem>>, vector<16xf32>,
        %min3A_111 = arith.minimumf %get3A_110, %get3A_92 : vector<16xf32>
        %swap3A_112 = arith.index_cast %squeeze3A_60 : i32 to index
        %swap3A_113 = arith.constant 16 : index
        %swap3A_114 = tpu.vector_load %arg9[%swap3A_112, %swap3A_113] {strides = array<i32>} : memref<314x80xf32, #tpu.memory_space<vmem>>, vector<16xf32>,
        tpu.vector_store %arg9[%swap3A_112, %swap3A_113], %min3A_111 {strides = array<i32>} : memref<314x80xf32, #tpu.memory_space<vmem>>, vector<16xf32>,
        %get3A_115 = arith.index_cast %squeeze3A_60 : i32 to index
        %get3A_116 = arith.constant 16 : index
        %get3A_117 = tpu.vector_load %arg10[%get3A_115, %get3A_116] {strides = array<i32>} : memref<314x80xf32, #tpu.memory_space<vmem>>, vector<16xf32>,
        %max3A_118 = arith.maximumf %get3A_117, %get3A_92 : vector<16xf32>
        %swap3A_119 = arith.index_cast %squeeze3A_60 : i32 to index
        %swap3A_120 = arith.constant 16 : index
        %swap3A_121 = tpu.vector_load %arg10[%swap3A_119, %swap3A_120] {strides = array<i32>} : memref<314x80xf32, #tpu.memory_space<vmem>>, vector<16xf32>,
        tpu.vector_store %arg10[%swap3A_119, %swap3A_120], %max3A_118 {strides = array<i32>} : memref<314x80xf32, #tpu.memory_space<vmem>>, vector<16xf32>,
        %get3A_122 = arith.index_cast %scan3A_56 : i32 to index
        %get3A_123 = arith.constant 32 : index
        %get3A_124 = tpu.vector_load %arg11[%get3A_122, %get3A_123] {strides = array<i32>} : memref<128x80xf32, #tpu.memory_space<vmem>>, vector<16xf32>,
        %get3A_125 = arith.index_cast %squeeze3A_60 : i32 to index
        %get3A_126 = arith.constant 32 : index
        %get3A_127 = tpu.vector_load %arg7[%get3A_125, %get3A_126] {strides = array<i32>} : memref<314x80xf32, #tpu.memory_space<vmem>>, vector<16xf32>,
        %add3A_128 = arith.addf %get3A_127, %get3A_124 : vector<16xf32>
        %swap3A_129 = arith.index_cast %squeeze3A_60 : i32 to index
        %swap3A_130 = arith.constant 32 : index
        %swap3A_131 = tpu.vector_load %arg7[%swap3A_129, %swap3A_130] {strides = array<i32>} : memref<314x80xf32, #tpu.memory_space<vmem>>, vector<16xf32>,
        tpu.vector_store %arg7[%swap3A_129, %swap3A_130], %add3A_128 {strides = array<i32>} : memref<314x80xf32, #tpu.memory_space<vmem>>, vector<16xf32>,
        %get3A_132 = arith.index_cast %squeeze3A_60 : i32 to index
        %get3A_133 = arith.constant 32 : index
        %get3A_134 = tpu.vector_load %arg8[%get3A_132, %get3A_133] {strides = array<i32>} : memref<314x80xf32, #tpu.memory_space<vmem>>, vector<16xf32>,
        %mul3A_135 = arith.mulf %get3A_124, %get3A_124 : vector<16xf32>
        %add3A_136 = arith.addf %get3A_134, %mul3A_135 : vector<16xf32>
        %swap3A_137 = arith.index_cast %squeeze3A_60 : i32 to index
        %swap3A_138 = arith.constant 32 : index
        %swap3A_139 = tpu.vector_load %arg8[%swap3A_137, %swap3A_138] {strides = array<i32>} : memref<314x80xf32, #tpu.memory_space<vmem>>, vector<16xf32>,
        tpu.vector_store %arg8[%swap3A_137, %swap3A_138], %add3A_136 {strides = array<i32>} : memref<314x80xf32, #tpu.memory_space<vmem>>, vector<16xf32>,
        %get3A_140 = arith.index_cast %squeeze3A_60 : i32 to index
        %get3A_141 = arith.constant 32 : index
        %get3A_142 = tpu.vector_load %arg9[%get3A_140, %get3A_141] {strides = array<i32>} : memref<314x80xf32, #tpu.memory_space<vmem>>, vector<16xf32>,
        %min3A_143 = arith.minimumf %get3A_142, %get3A_124 : vector<16xf32>
        %swap3A_144 = arith.index_cast %squeeze3A_60 : i32 to index
        %swap3A_145 = arith.constant 32 : index
        %swap3A_146 = tpu.vector_load %arg9[%swap3A_144, %swap3A_145] {strides = array<i32>} : memref<314x80xf32, #tpu.memory_space<vmem>>, vector<16xf32>,
        tpu.vector_store %arg9[%swap3A_144, %swap3A_145], %min3A_143 {strides = array<i32>} : memref<314x80xf32, #tpu.memory_space<vmem>>, vector<16xf32>,
        %get3A_147 = arith.index_cast %squeeze3A_60 : i32 to index
        %get3A_148 = arith.constant 32 : index
        %get3A_149 = tpu.vector_load %arg10[%get3A_147, %get3A_148] {strides = array<i32>} : memref<314x80xf32, #tpu.memory_space<vmem>>, vector<16xf32>,
        %max3A_150 = arith.maximumf %get3A_149, %get3A_124 : vector<16xf32>
        %swap3A_151 = arith.index_cast %squeeze3A_60 : i32 to index
        %swap3A_152 = arith.constant 32 : index
        %swap3A_153 = tpu.vector_load %arg10[%swap3A_151, %swap3A_152] {strides = array<i32>} : memref<314x80xf32, #tpu.memory_space<vmem>>, vector<16xf32>,
        tpu.vector_store %arg10[%swap3A_151, %swap3A_152], %max3A_150 {strides = array<i32>} : memref<314x80xf32, #tpu.memory_space<vmem>>, vector<16xf32>,
        %get3A_154 = arith.index_cast %scan3A_56 : i32 to index
        %get3A_155 = arith.constant 48 : index
        %get3A_156 = tpu.vector_load %arg11[%get3A_154, %get3A_155] {strides = array<i32>} : memref<128x80xf32, #tpu.memory_space<vmem>>, vector<16xf32>,
        %get3A_157 = arith.index_cast %squeeze3A_60 : i32 to index
        %get3A_158 = arith.constant 48 : index
        %get3A_159 = tpu.vector_load %arg7[%get3A_157, %get3A_158] {strides = array<i32>} : memref<314x80xf32, #tpu.memory_space<vmem>>, vector<16xf32>,
        %add3A_160 = arith.addf %get3A_159, %get3A_156 : vector<16xf32>
        %swap3A_161 = arith.index_cast %squeeze3A_60 : i32 to index
        %swap3A_162 = arith.constant 48 : index
        %swap3A_163 = tpu.vector_load %arg7[%swap3A_161, %swap3A_162] {strides = array<i32>} : memref<314x80xf32, #tpu.memory_space<vmem>>, vector<16xf32>,
        tpu.vector_store %arg7[%swap3A_161, %swap3A_162], %add3A_160 {strides = array<i32>} : memref<314x80xf32, #tpu.memory_space<vmem>>, vector<16xf32>,
        %get3A_164 = arith.index_cast %squeeze3A_60 : i32 to index
        %get3A_165 = arith.constant 48 : index
        %get3A_166 = tpu.vector_load %arg8[%get3A_164, %get3A_165] {strides = array<i32>} : memref<314x80xf32, #tpu.memory_space<vmem>>, vector<16xf32>,
        %mul3A_167 = arith.mulf %get3A_156, %get3A_156 : vector<16xf32>
        %add3A_168 = arith.addf %get3A_166, %mul3A_167 : vector<16xf32>
        %swap3A_169 = arith.index_cast %squeeze3A_60 : i32 to index
        %swap3A_170 = arith.constant 48 : index
        %swap3A_171 = tpu.vector_load %arg8[%swap3A_169, %swap3A_170] {strides = array<i32>} : memref<314x80xf32, #tpu.memory_space<vmem>>, vector<16xf32>,
        tpu.vector_store %arg8[%swap3A_169, %swap3A_170], %add3A_168 {strides = array<i32>} : memref<314x80xf32, #tpu.memory_space<vmem>>, vector<16xf32>,
        %get3A_172 = arith.index_cast %squeeze3A_60 : i32 to index
        %get3A_173 = arith.constant 48 : index
        %get3A_174 = tpu.vector_load %arg9[%get3A_172, %get3A_173] {strides = array<i32>} : memref<314x80xf32, #tpu.memory_space<vmem>>, vector<16xf32>,
        %min3A_175 = arith.minimumf %get3A_174, %get3A_156 : vector<16xf32>
        %swap3A_176 = arith.index_cast %squeeze3A_60 : i32 to index
        %swap3A_177 = arith.constant 48 : index
        %swap3A_178 = tpu.vector_load %arg9[%swap3A_176, %swap3A_177] {strides = array<i32>} : memref<314x80xf32, #tpu.memory_space<vmem>>, vector<16xf32>,
        tpu.vector_store %arg9[%swap3A_176, %swap3A_177], %min3A_175 {strides = array<i32>} : memref<314x80xf32, #tpu.memory_space<vmem>>, vector<16xf32>,
        %get3A_179 = arith.index_cast %squeeze3A_60 : i32 to index
        %get3A_180 = arith.constant 48 : index
        %get3A_181 = tpu.vector_load %arg10[%get3A_179, %get3A_180] {strides = array<i32>} : memref<314x80xf32, #tpu.memory_space<vmem>>, vector<16xf32>,
        %max3A_182 = arith.maximumf %get3A_181, %get3A_156 : vector<16xf32>
        %swap3A_183 = arith.index_cast %squeeze3A_60 : i32 to index
        %swap3A_184 = arith.constant 48 : index
        %swap3A_185 = tpu.vector_load %arg10[%swap3A_183, %swap3A_184] {strides = array<i32>} : memref<314x80xf32, #tpu.memory_space<vmem>>, vector<16xf32>,
        tpu.vector_store %arg10[%swap3A_183, %swap3A_184], %max3A_182 {strides = array<i32>} : memref<314x80xf32, #tpu.memory_space<vmem>>, vector<16xf32>,
        %get3A_186 = arith.index_cast %scan3A_56 : i32 to index
        %get3A_187 = arith.constant 64 : index
        %get3A_188 = tpu.vector_load %arg11[%get3A_186, %get3A_187] {strides = array<i32>} : memref<128x80xf32, #tpu.memory_space<vmem>>, vector<16xf32>,
        %get3A_189 = arith.index_cast %squeeze3A_60 : i32 to index
        %get3A_190 = arith.constant 64 : index
        %get3A_191 = tpu.vector_load %arg7[%get3A_189, %get3A_190] {strides = array<i32>} : memref<314x80xf32, #tpu.memory_space<vmem>>, vector<16xf32>,
        %add3A_192 = arith.addf %get3A_191, %get3A_188 : vector<16xf32>
        %swap3A_193 = arith.index_cast %squeeze3A_60 : i32 to index
        %swap3A_194 = arith.constant 64 : index
        %swap3A_195 = tpu.vector_load %arg7[%swap3A_193, %swap3A_194] {strides = array<i32>} : memref<314x80xf32, #tpu.memory_space<vmem>>, vector<16xf32>,
        tpu.vector_store %arg7[%swap3A_193, %swap3A_194], %add3A_192 {strides = array<i32>} : memref<314x80xf32, #tpu.memory_space<vmem>>, vector<16xf32>,
        %get3A_196 = arith.index_cast %squeeze3A_60 : i32 to index
        %get3A_197 = arith.constant 64 : index
        %get3A_198 = tpu.vector_load %arg8[%get3A_196, %get3A_197] {strides = array<i32>} : memref<314x80xf32, #tpu.memory_space<vmem>>, vector<16xf32>,
        %mul3A_199 = arith.mulf %get3A_188, %get3A_188 : vector<16xf32>
        %add3A_200 = arith.addf %get3A_198, %mul3A_199 : vector<16xf32>
        %swap3A_201 = arith.index_cast %squeeze3A_60 : i32 to index
        %swap3A_202 = arith.constant 64 : index
        %swap3A_203 = tpu.vector_load %arg8[%swap3A_201, %swap3A_202] {strides = array<i32>} : memref<314x80xf32, #tpu.memory_space<vmem>>, vector<16xf32>,
        tpu.vector_store %arg8[%swap3A_201, %swap3A_202], %add3A_200 {strides = array<i32>} : memref<314x80xf32, #tpu.memory_space<vmem>>, vector<16xf32>,
        %get3A_204 = arith.index_cast %squeeze3A_60 : i32 to index
        %get3A_205 = arith.constant 64 : index
        %get3A_206 = tpu.vector_load %arg9[%get3A_204, %get3A_205] {strides = array<i32>} : memref<314x80xf32, #tpu.memory_space<vmem>>, vector<16xf32>,
        %min3A_207 = arith.minimumf %get3A_206, %get3A_188 : vector<16xf32>
        %swap3A_208 = arith.index_cast %squeeze3A_60 : i32 to index
        %swap3A_209 = arith.constant 64 : index
        %swap3A_210 = tpu.vector_load %arg9[%swap3A_208, %swap3A_209] {strides = array<i32>} : memref<314x80xf32, #tpu.memory_space<vmem>>, vector<16xf32>,
        tpu.vector_store %arg9[%swap3A_208, %swap3A_209], %min3A_207 {strides = array<i32>} : memref<314x80xf32, #tpu.memory_space<vmem>>, vector<16xf32>,
        %get3A_211 = arith.index_cast %squeeze3A_60 : i32 to index
        %get3A_212 = arith.constant 64 : index
        %get3A_213 = tpu.vector_load %arg10[%get3A_211, %get3A_212] {strides = array<i32>} : memref<314x80xf32, #tpu.memory_space<vmem>>, vector<16xf32>,
        %max3A_214 = arith.maximumf %get3A_213, %get3A_188 : vector<16xf32>
        %swap3A_215 = arith.index_cast %squeeze3A_60 : i32 to index
        %swap3A_216 = arith.constant 64 : index
        %swap3A_217 = tpu.vector_load %arg10[%swap3A_215, %swap3A_216] {strides = array<i32>} : memref<314x80xf32, #tpu.memory_space<vmem>>, vector<16xf32>,
        tpu.vector_store %arg10[%swap3A_215, %swap3A_216], %max3A_214 {strides = array<i32>} : memref<314x80xf32, #tpu.memory_space<vmem>>, vector<16xf32>,
      }
      %scan3A_55 = arith.constant 128 : i32
    }
    %run_scoped3A = arith.constant 0 : i32
    "tpu.region"() ({
      %run_scoped3A_42 = tpu.sem_alloc : memref<!tpu.dma_semaphore, #tpu.memory_space<semaphore_mem>>
      %dma_start3A = arith.constant 0 : i32
      %dma_start3A_43 = arith.constant 0 : i32
      %dma_start3A_44 = tpu.memref_slice %arg6[%run_scoped3A, %add3A, %dma_start3A, %dma_start3A_43] : memref<4x32x314x80xf32, #tpu.memory_space<hbm>> -> memref<1x1x314x80xf32, #tpu.memory_space<hbm>>
      %dma_start3A_45 = tpu.memref_squeeze %dma_start3A_44 : memref<1x1x314x80xf32, #tpu.memory_space<hbm>> -> memref<314x80xf32, #tpu.memory_space<hbm>>
      %dma_start3A_46 = arith.constant 0 : i32
      %dma_start3A_47 = arith.constant 0 : i32
      %dma_start3A_48 = tpu.memref_slice %arg6[%run_scoped3A, %add3A, %dma_start3A_46, %dma_start3A_47] : memref<4x32x314x80xf32, #tpu.memory_space<hbm>> -> memref<1x1x314x80xf32, #tpu.memory_space<hbm>>
      %dma_start3A_49 = tpu.memref_squeeze %dma_start3A_48 : memref<1x1x314x80xf32, #tpu.memory_space<hbm>> -> memref<314x80xf32, #tpu.memory_space<hbm>>
      tpu.enqueue_dma source(%arg7 : memref<314x80xf32, #tpu.memory_space<vmem>>) target(%dma_start3A_49 : memref<314x80xf32, #tpu.memory_space<hbm>>) target_semaphore(%run_scoped3A_42 : memref<!tpu.dma_semaphore, #tpu.memory_space<semaphore_mem>>)
      %dma_wait3A = arith.constant 0 : i32
      %dma_wait3A_50 = arith.constant 0 : i32
      %dma_wait3A_51 = tpu.memref_slice %arg6[%run_scoped3A, %add3A, %dma_wait3A, %dma_wait3A_50] : memref<4x32x314x80xf32, #tpu.memory_space<hbm>> -> memref<1x1x314x80xf32, #tpu.memory_space<hbm>>
      %dma_wait3A_52 = tpu.memref_squeeze %dma_wait3A_51 : memref<1x1x314x80xf32, #tpu.memory_space<hbm>> -> memref<314x80xf32, #tpu.memory_space<hbm>>
      %dma_wait3A_53 = arith.constant 0 : i32
      %dma_wait3A_54 = arith.constant 0 : i32
      %dma_wait3A_55 = tpu.memref_slice %arg6[%run_scoped3A, %add3A, %dma_wait3A_53, %dma_wait3A_54] : memref<4x32x314x80xf32, #tpu.memory_space<hbm>> -> memref<1x1x314x80xf32, #tpu.memory_space<hbm>>
      %dma_wait3A_56 = tpu.memref_squeeze %dma_wait3A_55 : memref<1x1x314x80xf32, #tpu.memory_space<hbm>> -> memref<314x80xf32, #tpu.memory_space<hbm>>
      tpu.wait_dma2 semaphore(%run_scoped3A_42 : memref<!tpu.dma_semaphore, #tpu.memory_space<semaphore_mem>>) src(%arg7 : memref<314x80xf32, #tpu.memory_space<vmem>>) dst(%dma_wait3A_56 : memref<314x80xf32, #tpu.memory_space<hbm>>)
      tpu.yield
    }) : () -> ()
    %run_scoped3A_39 = arith.constant 1 : i32
    "tpu.region"() ({
      %run_scoped3A_42 = tpu.sem_alloc : memref<!tpu.dma_semaphore, #tpu.memory_space<semaphore_mem>>
      %dma_start3A = arith.constant 0 : i32
      %dma_start3A_43 = arith.constant 0 : i32
      %dma_start3A_44 = tpu.memref_slice %arg6[%run_scoped3A_39, %add3A, %dma_start3A, %dma_start3A_43] : memref<4x32x314x80xf32, #tpu.memory_space<hbm>> -> memref<1x1x314x80xf32, #tpu.memory_space<hbm>>
      %dma_start3A_45 = tpu.memref_squeeze %dma_start3A_44 : memref<1x1x314x80xf32, #tpu.memory_space<hbm>> -> memref<314x80xf32, #tpu.memory_space<hbm>>
      %dma_start3A_46 = arith.constant 0 : i32
      %dma_start3A_47 = arith.constant 0 : i32
      %dma_start3A_48 = tpu.memref_slice %arg6[%run_scoped3A_39, %add3A, %dma_start3A_46, %dma_start3A_47] : memref<4x32x314x80xf32, #tpu.memory_space<hbm>> -> memref<1x1x314x80xf32, #tpu.memory_space<hbm>>
      %dma_start3A_49 = tpu.memref_squeeze %dma_start3A_48 : memref<1x1x314x80xf32, #tpu.memory_space<hbm>> -> memref<314x80xf32, #tpu.memory_space<hbm>>
      tpu.enqueue_dma source(%arg8 : memref<314x80xf32, #tpu.memory_space<vmem>>) target(%dma_start3A_49 : memref<314x80xf32, #tpu.memory_space<hbm>>) target_semaphore(%run_scoped3A_42 : memref<!tpu.dma_semaphore, #tpu.memory_space<semaphore_mem>>)
      %dma_wait3A = arith.constant 0 : i32
      %dma_wait3A_50 = arith.constant 0 : i32
      %dma_wait3A_51 = tpu.memref_slice %arg6[%run_scoped3A_39, %add3A, %dma_wait3A, %dma_wait3A_50] : memref<4x32x314x80xf32, #tpu.memory_space<hbm>> -> memref<1x1x314x80xf32, #tpu.memory_space<hbm>>
      %dma_wait3A_52 = tpu.memref_squeeze %dma_wait3A_51 : memref<1x1x314x80xf32, #tpu.memory_space<hbm>> -> memref<314x80xf32, #tpu.memory_space<hbm>>
      %dma_wait3A_53 = arith.constant 0 : i32
      %dma_wait3A_54 = arith.constant 0 : i32
      %dma_wait3A_55 = tpu.memref_slice %arg6[%run_scoped3A_39, %add3A, %dma_wait3A_53, %dma_wait3A_54] : memref<4x32x314x80xf32, #tpu.memory_space<hbm>> -> memref<1x1x314x80xf32, #tpu.memory_space<hbm>>
      %dma_wait3A_56 = tpu.memref_squeeze %dma_wait3A_55 : memref<1x1x314x80xf32, #tpu.memory_space<hbm>> -> memref<314x80xf32, #tpu.memory_space<hbm>>
      tpu.wait_dma2 semaphore(%run_scoped3A_42 : memref<!tpu.dma_semaphore, #tpu.memory_space<semaphore_mem>>) src(%arg8 : memref<314x80xf32, #tpu.memory_space<vmem>>) dst(%dma_wait3A_56 : memref<314x80xf32, #tpu.memory_space<hbm>>)
      tpu.yield
    }) : () -> ()
    %run_scoped3A_40 = arith.constant 2 : i32
    "tpu.region"() ({
      %run_scoped3A_42 = tpu.sem_alloc : memref<!tpu.dma_semaphore, #tpu.memory_space<semaphore_mem>>
      %dma_start3A = arith.constant 0 : i32
      %dma_start3A_43 = arith.constant 0 : i32
      %dma_start3A_44 = tpu.memref_slice %arg6[%run_scoped3A_40, %add3A, %dma_start3A, %dma_start3A_43] : memref<4x32x314x80xf32, #tpu.memory_space<hbm>> -> memref<1x1x314x80xf32, #tpu.memory_space<hbm>>
      %dma_start3A_45 = tpu.memref_squeeze %dma_start3A_44 : memref<1x1x314x80xf32, #tpu.memory_space<hbm>> -> memref<314x80xf32, #tpu.memory_space<hbm>>
      %dma_start3A_46 = arith.constant 0 : i32
      %dma_start3A_47 = arith.constant 0 : i32
      %dma_start3A_48 = tpu.memref_slice %arg6[%run_scoped3A_40, %add3A, %dma_start3A_46, %dma_start3A_47] : memref<4x32x314x80xf32, #tpu.memory_space<hbm>> -> memref<1x1x314x80xf32, #tpu.memory_space<hbm>>
      %dma_start3A_49 = tpu.memref_squeeze %dma_start3A_48 : memref<1x1x314x80xf32, #tpu.memory_space<hbm>> -> memref<314x80xf32, #tpu.memory_space<hbm>>
      tpu.enqueue_dma source(%arg9 : memref<314x80xf32, #tpu.memory_space<vmem>>) target(%dma_start3A_49 : memref<314x80xf32, #tpu.memory_space<hbm>>) target_semaphore(%run_scoped3A_42 : memref<!tpu.dma_semaphore, #tpu.memory_space<semaphore_mem>>)
      %dma_wait3A = arith.constant 0 : i32
      %dma_wait3A_50 = arith.constant 0 : i32
      %dma_wait3A_51 = tpu.memref_slice %arg6[%run_scoped3A_40, %add3A, %dma_wait3A, %dma_wait3A_50] : memref<4x32x314x80xf32, #tpu.memory_space<hbm>> -> memref<1x1x314x80xf32, #tpu.memory_space<hbm>>
      %dma_wait3A_52 = tpu.memref_squeeze %dma_wait3A_51 : memref<1x1x314x80xf32, #tpu.memory_space<hbm>> -> memref<314x80xf32, #tpu.memory_space<hbm>>
      %dma_wait3A_53 = arith.constant 0 : i32
      %dma_wait3A_54 = arith.constant 0 : i32
      %dma_wait3A_55 = tpu.memref_slice %arg6[%run_scoped3A_40, %add3A, %dma_wait3A_53, %dma_wait3A_54] : memref<4x32x314x80xf32, #tpu.memory_space<hbm>> -> memref<1x1x314x80xf32, #tpu.memory_space<hbm>>
      %dma_wait3A_56 = tpu.memref_squeeze %dma_wait3A_55 : memref<1x1x314x80xf32, #tpu.memory_space<hbm>> -> memref<314x80xf32, #tpu.memory_space<hbm>>
      tpu.wait_dma2 semaphore(%run_scoped3A_42 : memref<!tpu.dma_semaphore, #tpu.memory_space<semaphore_mem>>) src(%arg9 : memref<314x80xf32, #tpu.memory_space<vmem>>) dst(%dma_wait3A_56 : memref<314x80xf32, #tpu.memory_space<hbm>>)
      tpu.yield
    }) : () -> ()
    %run_scoped3A_41 = arith.constant 3 : i32
    "tpu.region"() ({
      %run_scoped3A_42 = tpu.sem_alloc : memref<!tpu.dma_semaphore, #tpu.memory_space<semaphore_mem>>
      %dma_start3A = arith.constant 0 : i32
      %dma_start3A_43 = arith.constant 0 : i32
      %dma_start3A_44 = tpu.memref_slice %arg6[%run_scoped3A_41, %add3A, %dma_start3A, %dma_start3A_43] : memref<4x32x314x80xf32, #tpu.memory_space<hbm>> -> memref<1x1x314x80xf32, #tpu.memory_space<hbm>>
      %dma_start3A_45 = tpu.memref_squeeze %dma_start3A_44 : memref<1x1x314x80xf32, #tpu.memory_space<hbm>> -> memref<314x80xf32, #tpu.memory_space<hbm>>
      %dma_start3A_46 = arith.constant 0 : i32
      %dma_start3A_47 = arith.constant 0 : i32
      %dma_start3A_48 = tpu.memref_slice %arg6[%run_scoped3A_41, %add3A, %dma_start3A_46, %dma_start3A_47] : memref<4x32x314x80xf32, #tpu.memory_space<hbm>> -> memref<1x1x314x80xf32, #tpu.memory_space<hbm>>
      %dma_start3A_49 = tpu.memref_squeeze %dma_start3A_48 : memref<1x1x314x80xf32, #tpu.memory_space<hbm>> -> memref<314x80xf32, #tpu.memory_space<hbm>>
      tpu.enqueue_dma source(%arg10 : memref<314x80xf32, #tpu.memory_space<vmem>>) target(%dma_start3A_49 : memref<314x80xf32, #tpu.memory_space<hbm>>) target_semaphore(%run_scoped3A_42 : memref<!tpu.dma_semaphore, #tpu.memory_space<semaphore_mem>>)
      %dma_wait3A = arith.constant 0 : i32
      %dma_wait3A_50 = arith.constant 0 : i32
      %dma_wait3A_51 = tpu.memref_slice %arg6[%run_scoped3A_41, %add3A, %dma_wait3A, %dma_wait3A_50] : memref<4x32x314x80xf32, #tpu.memory_space<hbm>> -> memref<1x1x314x80xf32, #tpu.memory_space<hbm>>
      %dma_wait3A_52 = tpu.memref_squeeze %dma_wait3A_51 : memref<1x1x314x80xf32, #tpu.memory_space<hbm>> -> memref<314x80xf32, #tpu.memory_space<hbm>>
      %dma_wait3A_53 = arith.constant 0 : i32
      %dma_wait3A_54 = arith.constant 0 : i32
      %dma_wait3A_55 = tpu.memref_slice %arg6[%run_scoped3A_41, %add3A, %dma_wait3A_53, %dma_wait3A_54] : memref<4x32x314x80xf32, #tpu.memory_space<hbm>> -> memref<1x1x314x80xf32, #tpu.memory_space<hbm>>
      %dma_wait3A_56 = tpu.memref_squeeze %dma_wait3A_55 : memref<1x1x314x80xf32, #tpu.memory_space<hbm>> -> memref<314x80xf32, #tpu.memory_space<hbm>>
      tpu.wait_dma2 semaphore(%run_scoped3A_42 : memref<!tpu.dma_semaphore, #tpu.memory_space<semaphore_mem>>) src(%arg10 : memref<314x80xf32, #tpu.memory_space<vmem>>) dst(%dma_wait3A_56 : memref<314x80xf32, #tpu.memory_space<hbm>>)
      tpu.yield
    }) : () -> ()
    return
  }
}

#map = affine_map<(d0, d1) -> (0, 0)>
#map1 = affine_map<(d0, d1) -> (0, 0, 0, 0)>
module attributes {stable_mosaic.version = 14 : i64} {
  func.func @_seg_body(%arg0: i32, %arg1: i32, %arg2: memref<10000x80xf32, #tpu.memory_space<hbm>>, %arg3: memref<32x655360xi32, #tpu.memory_space<hbm>>, %arg4: memref<32x655360xi32, #tpu.memory_space<hbm>>, %arg5: memref<32x8xi32, #tpu.memory_space<hbm>>, %arg6: memref<4x32x314x80xf32, #tpu.memory_space<hbm>>, %arg7: memref<314x80xf32, #tpu.memory_space<vmem>>, %arg8: memref<314x80xf32, #tpu.memory_space<vmem>>, %arg9: memref<314x80xf32, #tpu.memory_space<vmem>>, %arg10: memref<314x80xf32, #tpu.memory_space<vmem>>, %arg11: memref<128x80xf32, #tpu.memory_space<vmem>>, %arg12: memref<128xi32, #tpu.memory_space<vmem>>, %arg13: memref<144xi32, #tpu.memory_space<vmem>>, %arg14: memref<16xi32, #tpu.memory_space<vmem>>, %arg15: memref<!tpu.dma_semaphore, #tpu.memory_space<semaphore_mem>>) attributes {dimension_semantics = [#tpu.dimension_semantics<core_parallel>, #tpu.dimension_semantics<subcore_parallel>], iteration_bounds = array<i64: 2, 16>, scalar_prefetch = 0 : i64, scratch_operands = 9 : i64, tpu.core_type = #tpu.core_type<sc_vector_subcore>, window_params = [{transform_indices = #map}, {transform_indices = #map}, {transform_indices = #map}, {transform_indices = #map}, {transform_indices = #map1}]} {
    %mul3A = arith.constant 2 : i32
    %mul3A_0 = arith.muli %arg1, %mul3A : i32
    %add3A = arith.addi %mul3A_0, %arg0 : i32
    %broadcast_in_dim3A = arith.constant 0.000000e+00 : f32
    %broadcast_in_dim3A_1 = vector.broadcast %broadcast_in_dim3A : f32 to vector<16xf32>
    %broadcast_in_dim3A_2 = arith.constant 3.000000e+38 : f32
    %broadcast_in_dim3A_3 = vector.broadcast %broadcast_in_dim3A_2 : f32 to vector<16xf32>
    "tpu.region"() ({
      %run_scoped3A_42 = tpu.sem_alloc : memref<!tpu.dma_semaphore, #tpu.memory_space<semaphore_mem>>
      %dma_start3A = arith.constant 0 : i32
      %dma_start3A_43 = tpu.memref_slice %arg14[%dma_start3A] : memref<16xi32, #tpu.memory_space<vmem>> -> memref<8xi32, #tpu.memory_space<vmem>>
      %dma_start3A_44 = arith.constant 0 : i32
      %dma_start3A_45 = tpu.memref_slice %arg5[%add3A, %dma_start3A_44] : memref<32x8xi32, #tpu.memory_space<hbm>> -> memref<1x8xi32, #tpu.memory_space<hbm>>
      %dma_start3A_46 = tpu.memref_squeeze %dma_start3A_45 : memref<1x8xi32, #tpu.memory_space<hbm>> -> memref<8xi32, #tpu.memory_space<hbm>>
      %dma_start3A_47 = arith.constant 0 : i32
      %dma_start3A_48 = tpu.memref_slice %arg14[%dma_start3A_47] : memref<16xi32, #tpu.memory_space<vmem>> -> memref<8xi32, #tpu.memory_space<vmem>>
      %dma_start3A_49 = arith.constant 0 : i32
      %dma_start3A_50 = tpu.memref_slice %arg5[%add3A, %dma_start3A_49] : memref<32x8xi32, #tpu.memory_space<hbm>> -> memref<1x8xi32, #tpu.memory_space<hbm>>
      %dma_start3A_51 = tpu.memref_squeeze %dma_start3A_50 : memref<1x8xi32, #tpu.memory_space<hbm>> -> memref<8xi32, #tpu.memory_space<hbm>>
      tpu.enqueue_dma source(%dma_start3A_51 : memref<8xi32, #tpu.memory_space<hbm>>) target(%dma_start3A_48 : memref<8xi32, #tpu.memory_space<vmem>>) target_semaphore(%run_scoped3A_42 : memref<!tpu.dma_semaphore, #tpu.memory_space<semaphore_mem>>)
      %dma_wait3A = arith.constant 0 : i32
      %dma_wait3A_52 = tpu.memref_slice %arg14[%dma_wait3A] : memref<16xi32, #tpu.memory_space<vmem>> -> memref<8xi32, #tpu.memory_space<vmem>>
      %dma_wait3A_53 = arith.constant 0 : i32
      %dma_wait3A_54 = tpu.memref_slice %arg5[%add3A, %dma_wait3A_53] : memref<32x8xi32, #tpu.memory_space<hbm>> -> memref<1x8xi32, #tpu.memory_space<hbm>>
      %dma_wait3A_55 = tpu.memref_squeeze %dma_wait3A_54 : memref<1x8xi32, #tpu.memory_space<hbm>> -> memref<8xi32, #tpu.memory_space<hbm>>
      %dma_wait3A_56 = arith.constant 0 : i32
      %dma_wait3A_57 = tpu.memref_slice %arg14[%dma_wait3A_56] : memref<16xi32, #tpu.memory_space<vmem>> -> memref<8xi32, #tpu.memory_space<vmem>>
      %dma_wait3A_58 = arith.constant 0 : i32
      %dma_wait3A_59 = tpu.memref_slice %arg5[%add3A, %dma_wait3A_58] : memref<32x8xi32, #tpu.memory_space<hbm>> -> memref<1x8xi32, #tpu.memory_space<hbm>>
      %dma_wait3A_60 = tpu.memref_squeeze %dma_wait3A_59 : memref<1x8xi32, #tpu.memory_space<hbm>> -> memref<8xi32, #tpu.memory_space<hbm>>
      tpu.wait_dma2 semaphore(%run_scoped3A_42 : memref<!tpu.dma_semaphore, #tpu.memory_space<semaphore_mem>>) src(%dma_wait3A_60 : memref<8xi32, #tpu.memory_space<hbm>>) dst(%dma_wait3A_57 : memref<8xi32, #tpu.memory_space<vmem>>)
      tpu.yield
    }) : () -> ()
    %get3A = arith.constant 0 : index
    %get3A_4 = tpu.vector_load %arg14[%get3A] {strides = array<i32>} : memref<16xi32, #tpu.memory_space<vmem>>, vector<16xi32>,
    %slice3A = vector.extract_strided_slice %get3A_4 {offsets = [0], sizes = [1], strides = [1]} : vector<16xi32> to vector<1xi32>
    %squeeze3A = vector.extract %slice3A[0] : i32 from vector<1xi32>
    %add3A_5 = arith.constant 128 : i32
    %add3A_6 = arith.addi %squeeze3A, %add3A_5 : i32
    %sub3A = arith.constant 1 : i32
    %sub3A_7 = arith.subi %add3A_6, %sub3A : i32
    %jit3A = arith.constant 128 : i32
    %div3A = arith.divsi %sub3A_7, %jit3A : i32
    %sign3A = arith.constant 0 : i32
    %sign3A_8 = arith.cmpi sgt, %sub3A_7, %sign3A : i32
    %sign3A_9 = arith.extui %sign3A_8 : i1 to i32
    %sign3A_10 = arith.constant 0 : i32
    %sign3A_11 = arith.cmpi slt, %sub3A_7, %sign3A_10 : i32
    %sign3A_12 = arith.extui %sign3A_11 : i1 to i32
    %sign3A_13 = arith.subi %sign3A_9, %sign3A_12 : i32
    %sign3A_14 = arith.constant 0 : i32
    %sign3A_15 = arith.cmpi sgt, %jit3A, %sign3A_14 : i32
    %sign3A_16 = arith.extui %sign3A_15 : i1 to i32
    %sign3A_17 = arith.constant 0 : i32
    %sign3A_18 = arith.cmpi slt, %jit3A, %sign3A_17 : i32
    %sign3A_19 = arith.extui %sign3A_18 : i1 to i32
    %sign3A_20 = arith.subi %sign3A_16, %sign3A_19 : i32
    %ne3A = arith.cmpi ne, %sign3A_13, %sign3A_20 : i32
    %rem3A = arith.remsi %sub3A_7, %jit3A : i32
    %ne3A_21 = arith.constant 0 : i32
    %ne3A_22 = arith.cmpi ne, %rem3A, %ne3A_21 : i32
    %and3A = arith.andi %ne3A, %ne3A_22 : i1
    %sub3A_23 = arith.constant 1 : i32
    %sub3A_24 = arith.subi %div3A, %sub3A_23 : i32
    %select_n3A = arith.select %and3A, %sub3A_24, %div3A : i32
    %scan3A = arith.constant 0 : i32
    %scan3A_25 = arith.constant 0 : i32
    %scan3A_26 = arith.constant 314 : i32
    %scan3A_27 = arith.addi %scan3A_25, %scan3A_26 : i32
    %scan3A_28 = arith.constant 1 : i32
    scf.for %scan3A_42 = %scan3A_25 to %scan3A_27 step %scan3A_28  : i32 {
      %swap3A = arith.index_cast %scan3A_42 : i32 to index
      %swap3A_43 = arith.constant 0 : index
      %swap3A_44 = tpu.vector_load %arg7[%swap3A, %swap3A_43] {strides = array<i32>} : memref<314x80xf32, #tpu.memory_space<vmem>>, vector<16xf32>,
      tpu.vector_store %arg7[%swap3A, %swap3A_43], %broadcast_in_dim3A_1 {strides = array<i32>} : memref<314x80xf32, #tpu.memory_space<vmem>>, vector<16xf32>,
      %swap3A_45 = arith.index_cast %scan3A_42 : i32 to index
      %swap3A_46 = arith.constant 0 : index
      %swap3A_47 = tpu.vector_load %arg8[%swap3A_45, %swap3A_46] {strides = array<i32>} : memref<314x80xf32, #tpu.memory_space<vmem>>, vector<16xf32>,
      tpu.vector_store %arg8[%swap3A_45, %swap3A_46], %broadcast_in_dim3A_1 {strides = array<i32>} : memref<314x80xf32, #tpu.memory_space<vmem>>, vector<16xf32>,
      %swap3A_48 = arith.index_cast %scan3A_42 : i32 to index
      %swap3A_49 = arith.constant 0 : index
      %swap3A_50 = tpu.vector_load %arg9[%swap3A_48, %swap3A_49] {strides = array<i32>} : memref<314x80xf32, #tpu.memory_space<vmem>>, vector<16xf32>,
      tpu.vector_store %arg9[%swap3A_48, %swap3A_49], %broadcast_in_dim3A_3 {strides = array<i32>} : memref<314x80xf32, #tpu.memory_space<vmem>>, vector<16xf32>,
      %neg3A = arith.constant 0.000000e+00 : f32
      %neg3A_51 = vector.broadcast %neg3A : f32 to vector<16xf32>
      %neg3A_52 = arith.subf %neg3A_51, %broadcast_in_dim3A_3 : vector<16xf32>
      %swap3A_53 = arith.index_cast %scan3A_42 : i32 to index
      %swap3A_54 = arith.constant 0 : index
      %swap3A_55 = tpu.vector_load %arg10[%swap3A_53, %swap3A_54] {strides = array<i32>} : memref<314x80xf32, #tpu.memory_space<vmem>>, vector<16xf32>,
      tpu.vector_store %arg10[%swap3A_53, %swap3A_54], %neg3A_52 {strides = array<i32>} : memref<314x80xf32, #tpu.memory_space<vmem>>, vector<16xf32>,
      %swap3A_56 = arith.index_cast %scan3A_42 : i32 to index
      %swap3A_57 = arith.constant 16 : index
      %swap3A_58 = tpu.vector_load %arg7[%swap3A_56, %swap3A_57] {strides = array<i32>} : memref<314x80xf32, #tpu.memory_space<vmem>>, vector<16xf32>,
      tpu.vector_store %arg7[%swap3A_56, %swap3A_57], %broadcast_in_dim3A_1 {strides = array<i32>} : memref<314x80xf32, #tpu.memory_space<vmem>>, vector<16xf32>,
      %swap3A_59 = arith.index_cast %scan3A_42 : i32 to index
      %swap3A_60 = arith.constant 16 : index
      %swap3A_61 = tpu.vector_load %arg8[%swap3A_59, %swap3A_60] {strides = array<i32>} : memref<314x80xf32, #tpu.memory_space<vmem>>, vector<16xf32>,
      tpu.vector_store %arg8[%swap3A_59, %swap3A_60], %broadcast_in_dim3A_1 {strides = array<i32>} : memref<314x80xf32, #tpu.memory_space<vmem>>, vector<16xf32>,
      %swap3A_62 = arith.index_cast %scan3A_42 : i32 to index
      %swap3A_63 = arith.constant 16 : index
      %swap3A_64 = tpu.vector_load %arg9[%swap3A_62, %swap3A_63] {strides = array<i32>} : memref<314x80xf32, #tpu.memory_space<vmem>>, vector<16xf32>,
      tpu.vector_store %arg9[%swap3A_62, %swap3A_63], %broadcast_in_dim3A_3 {strides = array<i32>} : memref<314x80xf32, #tpu.memory_space<vmem>>, vector<16xf32>,
      %neg3A_65 = arith.constant 0.000000e+00 : f32
      %neg3A_66 = vector.broadcast %neg3A_65 : f32 to vector<16xf32>
      %neg3A_67 = arith.subf %neg3A_66, %broadcast_in_dim3A_3 : vector<16xf32>
      %swap3A_68 = arith.index_cast %scan3A_42 : i32 to index
      %swap3A_69 = arith.constant 16 : index
      %swap3A_70 = tpu.vector_load %arg10[%swap3A_68, %swap3A_69] {strides = array<i32>} : memref<314x80xf32, #tpu.memory_space<vmem>>, vector<16xf32>,
      tpu.vector_store %arg10[%swap3A_68, %swap3A_69], %neg3A_67 {strides = array<i32>} : memref<314x80xf32, #tpu.memory_space<vmem>>, vector<16xf32>,
      %swap3A_71 = arith.index_cast %scan3A_42 : i32 to index
      %swap3A_72 = arith.constant 32 : index
      %swap3A_73 = tpu.vector_load %arg7[%swap3A_71, %swap3A_72] {strides = array<i32>} : memref<314x80xf32, #tpu.memory_space<vmem>>, vector<16xf32>,
      tpu.vector_store %arg7[%swap3A_71, %swap3A_72], %broadcast_in_dim3A_1 {strides = array<i32>} : memref<314x80xf32, #tpu.memory_space<vmem>>, vector<16xf32>,
      %swap3A_74 = arith.index_cast %scan3A_42 : i32 to index
      %swap3A_75 = arith.constant 32 : index
      %swap3A_76 = tpu.vector_load %arg8[%swap3A_74, %swap3A_75] {strides = array<i32>} : memref<314x80xf32, #tpu.memory_space<vmem>>, vector<16xf32>,
      tpu.vector_store %arg8[%swap3A_74, %swap3A_75], %broadcast_in_dim3A_1 {strides = array<i32>} : memref<314x80xf32, #tpu.memory_space<vmem>>, vector<16xf32>,
      %swap3A_77 = arith.index_cast %scan3A_42 : i32 to index
      %swap3A_78 = arith.constant 32 : index
      %swap3A_79 = tpu.vector_load %arg9[%swap3A_77, %swap3A_78] {strides = array<i32>} : memref<314x80xf32, #tpu.memory_space<vmem>>, vector<16xf32>,
      tpu.vector_store %arg9[%swap3A_77, %swap3A_78], %broadcast_in_dim3A_3 {strides = array<i32>} : memref<314x80xf32, #tpu.memory_space<vmem>>, vector<16xf32>,
      %neg3A_80 = arith.constant 0.000000e+00 : f32
      %neg3A_81 = vector.broadcast %neg3A_80 : f32 to vector<16xf32>
      %neg3A_82 = arith.subf %neg3A_81, %broadcast_in_dim3A_3 : vector<16xf32>
      %swap3A_83 = arith.index_cast %scan3A_42 : i32 to index
      %swap3A_84 = arith.constant 32 : index
      %swap3A_85 = tpu.vector_load %arg10[%swap3A_83, %swap3A_84] {strides = array<i32>} : memref<314x80xf32, #tpu.memory_space<vmem>>, vector<16xf32>,
      tpu.vector_store %arg10[%swap3A_83, %swap3A_84], %neg3A_82 {strides = array<i32>} : memref<314x80xf32, #tpu.memory_space<vmem>>, vector<16xf32>,
      %swap3A_86 = arith.index_cast %scan3A_42 : i32 to index
      %swap3A_87 = arith.constant 48 : index
      %swap3A_88 = tpu.vector_load %arg7[%swap3A_86, %swap3A_87] {strides = array<i32>} : memref<314x80xf32, #tpu.memory_space<vmem>>, vector<16xf32>,
      tpu.vector_store %arg7[%swap3A_86, %swap3A_87], %broadcast_in_dim3A_1 {strides = array<i32>} : memref<314x80xf32, #tpu.memory_space<vmem>>, vector<16xf32>,
      %swap3A_89 = arith.index_cast %scan3A_42 : i32 to index
      %swap3A_90 = arith.constant 48 : index
      %swap3A_91 = tpu.vector_load %arg8[%swap3A_89, %swap3A_90] {strides = array<i32>} : memref<314x80xf32, #tpu.memory_space<vmem>>, vector<16xf32>,
      tpu.vector_store %arg8[%swap3A_89, %swap3A_90], %broadcast_in_dim3A_1 {strides = array<i32>} : memref<314x80xf32, #tpu.memory_space<vmem>>, vector<16xf32>,
      %swap3A_92 = arith.index_cast %scan3A_42 : i32 to index
      %swap3A_93 = arith.constant 48 : index
      %swap3A_94 = tpu.vector_load %arg9[%swap3A_92, %swap3A_93] {strides = array<i32>} : memref<314x80xf32, #tpu.memory_space<vmem>>, vector<16xf32>,
      tpu.vector_store %arg9[%swap3A_92, %swap3A_93], %broadcast_in_dim3A_3 {strides = array<i32>} : memref<314x80xf32, #tpu.memory_space<vmem>>, vector<16xf32>,
      %neg3A_95 = arith.constant 0.000000e+00 : f32
      %neg3A_96 = vector.broadcast %neg3A_95 : f32 to vector<16xf32>
      %neg3A_97 = arith.subf %neg3A_96, %broadcast_in_dim3A_3 : vector<16xf32>
      %swap3A_98 = arith.index_cast %scan3A_42 : i32 to index
      %swap3A_99 = arith.constant 48 : index
      %swap3A_100 = tpu.vector_load %arg10[%swap3A_98, %swap3A_99] {strides = array<i32>} : memref<314x80xf32, #tpu.memory_space<vmem>>, vector<16xf32>,
      tpu.vector_store %arg10[%swap3A_98, %swap3A_99], %neg3A_97 {strides = array<i32>} : memref<314x80xf32, #tpu.memory_space<vmem>>, vector<16xf32>,
      %swap3A_101 = arith.index_cast %scan3A_42 : i32 to index
      %swap3A_102 = arith.constant 64 : index
      %swap3A_103 = tpu.vector_load %arg7[%swap3A_101, %swap3A_102] {strides = array<i32>} : memref<314x80xf32, #tpu.memory_space<vmem>>, vector<16xf32>,
      tpu.vector_store %arg7[%swap3A_101, %swap3A_102], %broadcast_in_dim3A_1 {strides = array<i32>} : memref<314x80xf32, #tpu.memory_space<vmem>>, vector<16xf32>,
      %swap3A_104 = arith.index_cast %scan3A_42 : i32 to index
      %swap3A_105 = arith.constant 64 : index
      %swap3A_106 = tpu.vector_load %arg8[%swap3A_104, %swap3A_105] {strides = array<i32>} : memref<314x80xf32, #tpu.memory_space<vmem>>, vector<16xf32>,
      tpu.vector_store %arg8[%swap3A_104, %swap3A_105], %broadcast_in_dim3A_1 {strides = array<i32>} : memref<314x80xf32, #tpu.memory_space<vmem>>, vector<16xf32>,
      %swap3A_107 = arith.index_cast %scan3A_42 : i32 to index
      %swap3A_108 = arith.constant 64 : index
      %swap3A_109 = tpu.vector_load %arg9[%swap3A_107, %swap3A_108] {strides = array<i32>} : memref<314x80xf32, #tpu.memory_space<vmem>>, vector<16xf32>,
      tpu.vector_store %arg9[%swap3A_107, %swap3A_108], %broadcast_in_dim3A_3 {strides = array<i32>} : memref<314x80xf32, #tpu.memory_space<vmem>>, vector<16xf32>,
      %neg3A_110 = arith.constant 0.000000e+00 : f32
      %neg3A_111 = vector.broadcast %neg3A_110 : f32 to vector<16xf32>
      %neg3A_112 = arith.subf %neg3A_111, %broadcast_in_dim3A_3 : vector<16xf32>
      %swap3A_113 = arith.index_cast %scan3A_42 : i32 to index
      %swap3A_114 = arith.constant 64 : index
      %swap3A_115 = tpu.vector_load %arg10[%swap3A_113, %swap3A_114] {strides = array<i32>} : memref<314x80xf32, #tpu.memory_space<vmem>>, vector<16xf32>,
      tpu.vector_store %arg10[%swap3A_113, %swap3A_114], %neg3A_112 {strides = array<i32>} : memref<314x80xf32, #tpu.memory_space<vmem>>, vector<16xf32>,
    }
    %scan3A_29 = arith.constant 314 : i32
    %while3A = arith.constant 0 : i32
    %while3A_30 = arith.constant 0 : i32
    %while3A_31 = arith.subi %select_n3A, %while3A_30 : i32
    %while3A_32 = arith.addi %while3A_30, %while3A_31 : i32
    %while3A_33 = arith.constant 1 : i32
    %while3A_34 = arith.divsi %while3A_31, %while3A_33 : i32
    %while3A_35 = arith.muli %while3A_34, %while3A_33 : i32
    %while3A_36 = arith.addi %while3A_30, %while3A_35 : i32
    %while3A_37 = arith.constant 1 : i32
    scf.for %while3A_42 = %while3A_30 to %while3A_36 step %while3A_37  : i32 {
      %mul3A_43 = arith.constant 128 : i32
      %mul3A_44 = arith.muli %while3A_42, %mul3A_43 : i32
      %multiple_of3A = tpu.assume_multiple %mul3A_44, 8 : i32
      "tpu.region"() ({
        %run_scoped3A_56 = tpu.sem_alloc : memref<!tpu.dma_semaphore, #tpu.memory_space<semaphore_mem>>
        %dma_start3A_57 = tpu.memref_slice %arg3[%add3A, %multiple_of3A] : memref<32x655360xi32, #tpu.memory_space<hbm>> -> memref<1x128xi32, #tpu.memory_space<hbm>>
        %dma_start3A_58 = tpu.memref_squeeze %dma_start3A_57 : memref<1x128xi32, #tpu.memory_space<hbm>> -> memref<128xi32, #tpu.memory_space<hbm>>
        %dma_start3A_59 = tpu.memref_slice %arg3[%add3A, %multiple_of3A] : memref<32x655360xi32, #tpu.memory_space<hbm>> -> memref<1x128xi32, #tpu.memory_space<hbm>>
        %dma_start3A_60 = tpu.memref_squeeze %dma_start3A_59 : memref<1x128xi32, #tpu.memory_space<hbm>> -> memref<128xi32, #tpu.memory_space<hbm>>
        tpu.enqueue_dma source(%dma_start3A_60 : memref<128xi32, #tpu.memory_space<hbm>>) target(%arg12 : memref<128xi32, #tpu.memory_space<vmem>>) target_semaphore(%run_scoped3A_56 : memref<!tpu.dma_semaphore, #tpu.memory_space<semaphore_mem>>)
        %dma_wait3A_61 = tpu.memref_slice %arg3[%add3A, %multiple_of3A] : memref<32x655360xi32, #tpu.memory_space<hbm>> -> memref<1x128xi32, #tpu.memory_space<hbm>>
        %dma_wait3A_62 = tpu.memref_squeeze %dma_wait3A_61 : memref<1x128xi32, #tpu.memory_space<hbm>> -> memref<128xi32, #tpu.memory_space<hbm>>
        %dma_wait3A_63 = tpu.memref_slice %arg3[%add3A, %multiple_of3A] : memref<32x655360xi32, #tpu.memory_space<hbm>> -> memref<1x128xi32, #tpu.memory_space<hbm>>
        %dma_wait3A_64 = tpu.memref_squeeze %dma_wait3A_63 : memref<1x128xi32, #tpu.memory_space<hbm>> -> memref<128xi32, #tpu.memory_space<hbm>>
        tpu.wait_dma2 semaphore(%run_scoped3A_56 : memref<!tpu.dma_semaphore, #tpu.memory_space<semaphore_mem>>) src(%dma_wait3A_64 : memref<128xi32, #tpu.memory_space<hbm>>) dst(%arg12 : memref<128xi32, #tpu.memory_space<vmem>>)
        tpu.yield
      }) : () -> ()
      %multiple_of3A_45 = tpu.assume_multiple %mul3A_44, 8 : i32
      "tpu.region"() ({
        %run_scoped3A_56 = tpu.sem_alloc : memref<!tpu.dma_semaphore, #tpu.memory_space<semaphore_mem>>
        %dma_start3A_57 = arith.constant 0 : i32
        %dma_start3A_58 = tpu.memref_slice %arg13[%dma_start3A_57] : memref<144xi32, #tpu.memory_space<vmem>> -> memref<128xi32, #tpu.memory_space<vmem>>
        %dma_start3A_59 = tpu.memref_slice %arg4[%add3A, %multiple_of3A_45] : memref<32x655360xi32, #tpu.memory_space<hbm>> -> memref<1x128xi32, #tpu.memory_space<hbm>>
        %dma_start3A_60 = tpu.memref_squeeze %dma_start3A_59 : memref<1x128xi32, #tpu.memory_space<hbm>> -> memref<128xi32, #tpu.memory_space<hbm>>
        %dma_start3A_61 = arith.constant 0 : i32
        %dma_start3A_62 = tpu.memref_slice %arg13[%dma_start3A_61] : memref<144xi32, #tpu.memory_space<vmem>> -> memref<128xi32, #tpu.memory_space<vmem>>
        %dma_start3A_63 = tpu.memref_slice %arg4[%add3A, %multiple_of3A_45] : memref<32x655360xi32, #tpu.memory_space<hbm>> -> memref<1x128xi32, #tpu.memory_space<hbm>>
        %dma_start3A_64 = tpu.memref_squeeze %dma_start3A_63 : memref<1x128xi32, #tpu.memory_space<hbm>> -> memref<128xi32, #tpu.memory_space<hbm>>
        tpu.enqueue_dma source(%dma_start3A_64 : memref<128xi32, #tpu.memory_space<hbm>>) target(%dma_start3A_62 : memref<128xi32, #tpu.memory_space<vmem>>) target_semaphore(%run_scoped3A_56 : memref<!tpu.dma_semaphore, #tpu.memory_space<semaphore_mem>>)
        %dma_wait3A_65 = arith.constant 0 : i32
        %dma_wait3A_66 = tpu.memref_slice %arg13[%dma_wait3A_65] : memref<144xi32, #tpu.memory_space<vmem>> -> memref<128xi32, #tpu.memory_space<vmem>>
        %dma_wait3A_67 = tpu.memref_slice %arg4[%add3A, %multiple_of3A_45] : memref<32x655360xi32, #tpu.memory_space<hbm>> -> memref<1x128xi32, #tpu.memory_space<hbm>>
        %dma_wait3A_68 = tpu.memref_squeeze %dma_wait3A_67 : memref<1x128xi32, #tpu.memory_space<hbm>> -> memref<128xi32, #tpu.memory_space<hbm>>
        %dma_wait3A_69 = arith.constant 0 : i32
        %dma_wait3A_70 = tpu.memref_slice %arg13[%dma_wait3A_69] : memref<144xi32, #tpu.memory_space<vmem>> -> memref<128xi32, #tpu.memory_space<vmem>>
        %dma_wait3A_71 = tpu.memref_slice %arg4[%add3A, %multiple_of3A_45] : memref<32x655360xi32, #tpu.memory_space<hbm>> -> memref<1x128xi32, #tpu.memory_space<hbm>>
        %dma_wait3A_72 = tpu.memref_squeeze %dma_wait3A_71 : memref<1x128xi32, #tpu.memory_space<hbm>> -> memref<128xi32, #tpu.memory_space<hbm>>
        tpu.wait_dma2 semaphore(%run_scoped3A_56 : memref<!tpu.dma_semaphore, #tpu.memory_space<semaphore_mem>>) src(%dma_wait3A_72 : memref<128xi32, #tpu.memory_space<hbm>>) dst(%dma_wait3A_70 : memref<128xi32, #tpu.memory_space<vmem>>)
        tpu.yield
      }) : () -> ()
      %dma_start3A = arith.constant 0 : i32
      %dma_start3A_46 = arith.constant 0 : i32
      %dma_start3A_47 = tpu.memref_slice %arg2[%dma_start3A, %dma_start3A_46] : memref<10000x80xf32, #tpu.memory_space<hbm>> -> memref<10000x80xf32, #tpu.memory_space<hbm>>
      tpu.enqueue_indirect_dma source(%dma_start3A_47 : memref<10000x80xf32, #tpu.memory_space<hbm>>) target(%arg11 : memref<128x80xf32, #tpu.memory_space<vmem>>) offsets(%arg12 : memref<128xi32, #tpu.memory_space<vmem>>) semaphore(%arg15 : memref<!tpu.dma_semaphore, #tpu.memory_space<semaphore_mem>>)
      %dma_wait3A = arith.constant 0 : i32
      %dma_wait3A_48 = arith.constant 0 : i32
      %dma_wait3A_49 = tpu.memref_slice %arg2[%dma_wait3A, %dma_wait3A_48] : memref<10000x80xf32, #tpu.memory_space<hbm>> -> memref<10000x80xf32, #tpu.memory_space<hbm>>
      tpu.wait_indirect_dma semaphore(%arg15 : memref<!tpu.dma_semaphore, #tpu.memory_space<semaphore_mem>>) src(%dma_wait3A_49 : memref<10000x80xf32, #tpu.memory_space<hbm>>) dst(%arg11 : memref<128x80xf32, #tpu.memory_space<vmem>>)
      %scan3A_50 = arith.constant 0 : i32
      %scan3A_51 = arith.constant 0 : i32
      %scan3A_52 = arith.constant 128 : i32
      %scan3A_53 = arith.addi %scan3A_51, %scan3A_52 : i32
      %scan3A_54 = arith.constant 1 : i32
      scf.for %scan3A_56 = %scan3A_51 to %scan3A_53 step %scan3A_54  : i32 {
        %get3A_57 = arith.index_cast %scan3A_56 : i32 to index
        %get3A_58 = tpu.vector_load %arg13[%get3A_57] {strides = array<i32>} : memref<144xi32, #tpu.memory_space<vmem>>, vector<16xi32>,
        %slice3A_59 = vector.extract_strided_slice %get3A_58 {offsets = [0], sizes = [1], strides = [1]} : vector<16xi32> to vector<1xi32>
        %squeeze3A_60 = vector.extract %slice3A_59[0] : i32 from vector<1xi32>
        %get3A_61 = arith.index_cast %scan3A_56 : i32 to index
        %get3A_62 = arith.constant 0 : index
        %get3A_63 = tpu.vector_load %arg11[%get3A_61, %get3A_62] {strides = array<i32>} : memref<128x80xf32, #tpu.memory_space<vmem>>, vector<16xf32>,
        %get3A_64 = arith.index_cast %squeeze3A_60 : i32 to index
        %get3A_65 = arith.constant 0 : index
        %get3A_66 = tpu.vector_load %arg7[%get3A_64, %get3A_65] {strides = array<i32>} : memref<314x80xf32, #tpu.memory_space<vmem>>, vector<16xf32>,
        %add3A_67 = arith.addf %get3A_66, %get3A_63 : vector<16xf32>
        %swap3A = arith.index_cast %squeeze3A_60 : i32 to index
        %swap3A_68 = arith.constant 0 : index
        %swap3A_69 = tpu.vector_load %arg7[%swap3A, %swap3A_68] {strides = array<i32>} : memref<314x80xf32, #tpu.memory_space<vmem>>, vector<16xf32>,
        tpu.vector_store %arg7[%swap3A, %swap3A_68], %add3A_67 {strides = array<i32>} : memref<314x80xf32, #tpu.memory_space<vmem>>, vector<16xf32>,
        %get3A_70 = arith.index_cast %squeeze3A_60 : i32 to index
        %get3A_71 = arith.constant 0 : index
        %get3A_72 = tpu.vector_load %arg8[%get3A_70, %get3A_71] {strides = array<i32>} : memref<314x80xf32, #tpu.memory_space<vmem>>, vector<16xf32>,
        %mul3A_73 = arith.mulf %get3A_63, %get3A_63 : vector<16xf32>
        %add3A_74 = arith.addf %get3A_72, %mul3A_73 : vector<16xf32>
        %swap3A_75 = arith.index_cast %squeeze3A_60 : i32 to index
        %swap3A_76 = arith.constant 0 : index
        %swap3A_77 = tpu.vector_load %arg8[%swap3A_75, %swap3A_76] {strides = array<i32>} : memref<314x80xf32, #tpu.memory_space<vmem>>, vector<16xf32>,
        tpu.vector_store %arg8[%swap3A_75, %swap3A_76], %add3A_74 {strides = array<i32>} : memref<314x80xf32, #tpu.memory_space<vmem>>, vector<16xf32>,
        %get3A_78 = arith.index_cast %squeeze3A_60 : i32 to index
        %get3A_79 = arith.constant 0 : index
        %get3A_80 = tpu.vector_load %arg9[%get3A_78, %get3A_79] {strides = array<i32>} : memref<314x80xf32, #tpu.memory_space<vmem>>, vector<16xf32>,
        %min3A = arith.minimumf %get3A_80, %get3A_63 : vector<16xf32>
        %swap3A_81 = arith.index_cast %squeeze3A_60 : i32 to index
        %swap3A_82 = arith.constant 0 : index
        %swap3A_83 = tpu.vector_load %arg9[%swap3A_81, %swap3A_82] {strides = array<i32>} : memref<314x80xf32, #tpu.memory_space<vmem>>, vector<16xf32>,
        tpu.vector_store %arg9[%swap3A_81, %swap3A_82], %min3A {strides = array<i32>} : memref<314x80xf32, #tpu.memory_space<vmem>>, vector<16xf32>,
        %get3A_84 = arith.index_cast %squeeze3A_60 : i32 to index
        %get3A_85 = arith.constant 0 : index
        %get3A_86 = tpu.vector_load %arg10[%get3A_84, %get3A_85] {strides = array<i32>} : memref<314x80xf32, #tpu.memory_space<vmem>>, vector<16xf32>,
        %max3A = arith.maximumf %get3A_86, %get3A_63 : vector<16xf32>
        %swap3A_87 = arith.index_cast %squeeze3A_60 : i32 to index
        %swap3A_88 = arith.constant 0 : index
        %swap3A_89 = tpu.vector_load %arg10[%swap3A_87, %swap3A_88] {strides = array<i32>} : memref<314x80xf32, #tpu.memory_space<vmem>>, vector<16xf32>,
        tpu.vector_store %arg10[%swap3A_87, %swap3A_88], %max3A {strides = array<i32>} : memref<314x80xf32, #tpu.memory_space<vmem>>, vector<16xf32>,
        %get3A_90 = arith.index_cast %scan3A_56 : i32 to index
        %get3A_91 = arith.constant 16 : index
        %get3A_92 = tpu.vector_load %arg11[%get3A_90, %get3A_91] {strides = array<i32>} : memref<128x80xf32, #tpu.memory_space<vmem>>, vector<16xf32>,
        %get3A_93 = arith.index_cast %squeeze3A_60 : i32 to index
        %get3A_94 = arith.constant 16 : index
        %get3A_95 = tpu.vector_load %arg7[%get3A_93, %get3A_94] {strides = array<i32>} : memref<314x80xf32, #tpu.memory_space<vmem>>, vector<16xf32>,
        %add3A_96 = arith.addf %get3A_95, %get3A_92 : vector<16xf32>
        %swap3A_97 = arith.index_cast %squeeze3A_60 : i32 to index
        %swap3A_98 = arith.constant 16 : index
        %swap3A_99 = tpu.vector_load %arg7[%swap3A_97, %swap3A_98] {strides = array<i32>} : memref<314x80xf32, #tpu.memory_space<vmem>>, vector<16xf32>,
        tpu.vector_store %arg7[%swap3A_97, %swap3A_98], %add3A_96 {strides = array<i32>} : memref<314x80xf32, #tpu.memory_space<vmem>>, vector<16xf32>,
        %get3A_100 = arith.index_cast %squeeze3A_60 : i32 to index
        %get3A_101 = arith.constant 16 : index
        %get3A_102 = tpu.vector_load %arg8[%get3A_100, %get3A_101] {strides = array<i32>} : memref<314x80xf32, #tpu.memory_space<vmem>>, vector<16xf32>,
        %mul3A_103 = arith.mulf %get3A_92, %get3A_92 : vector<16xf32>
        %add3A_104 = arith.addf %get3A_102, %mul3A_103 : vector<16xf32>
        %swap3A_105 = arith.index_cast %squeeze3A_60 : i32 to index
        %swap3A_106 = arith.constant 16 : index
        %swap3A_107 = tpu.vector_load %arg8[%swap3A_105, %swap3A_106] {strides = array<i32>} : memref<314x80xf32, #tpu.memory_space<vmem>>, vector<16xf32>,
        tpu.vector_store %arg8[%swap3A_105, %swap3A_106], %add3A_104 {strides = array<i32>} : memref<314x80xf32, #tpu.memory_space<vmem>>, vector<16xf32>,
        %get3A_108 = arith.index_cast %squeeze3A_60 : i32 to index
        %get3A_109 = arith.constant 16 : index
        %get3A_110 = tpu.vector_load %arg9[%get3A_108, %get3A_109] {strides = array<i32>} : memref<314x80xf32, #tpu.memory_space<vmem>>, vector<16xf32>,
        %min3A_111 = arith.minimumf %get3A_110, %get3A_92 : vector<16xf32>
        %swap3A_112 = arith.index_cast %squeeze3A_60 : i32 to index
        %swap3A_113 = arith.constant 16 : index
        %swap3A_114 = tpu.vector_load %arg9[%swap3A_112, %swap3A_113] {strides = array<i32>} : memref<314x80xf32, #tpu.memory_space<vmem>>, vector<16xf32>,
        tpu.vector_store %arg9[%swap3A_112, %swap3A_113], %min3A_111 {strides = array<i32>} : memref<314x80xf32, #tpu.memory_space<vmem>>, vector<16xf32>,
        %get3A_115 = arith.index_cast %squeeze3A_60 : i32 to index
        %get3A_116 = arith.constant 16 : index
        %get3A_117 = tpu.vector_load %arg10[%get3A_115, %get3A_116] {strides = array<i32>} : memref<314x80xf32, #tpu.memory_space<vmem>>, vector<16xf32>,
        %max3A_118 = arith.maximumf %get3A_117, %get3A_92 : vector<16xf32>
        %swap3A_119 = arith.index_cast %squeeze3A_60 : i32 to index
        %swap3A_120 = arith.constant 16 : index
        %swap3A_121 = tpu.vector_load %arg10[%swap3A_119, %swap3A_120] {strides = array<i32>} : memref<314x80xf32, #tpu.memory_space<vmem>>, vector<16xf32>,
        tpu.vector_store %arg10[%swap3A_119, %swap3A_120], %max3A_118 {strides = array<i32>} : memref<314x80xf32, #tpu.memory_space<vmem>>, vector<16xf32>,
        %get3A_122 = arith.index_cast %scan3A_56 : i32 to index
        %get3A_123 = arith.constant 32 : index
        %get3A_124 = tpu.vector_load %arg11[%get3A_122, %get3A_123] {strides = array<i32>} : memref<128x80xf32, #tpu.memory_space<vmem>>, vector<16xf32>,
        %get3A_125 = arith.index_cast %squeeze3A_60 : i32 to index
        %get3A_126 = arith.constant 32 : index
        %get3A_127 = tpu.vector_load %arg7[%get3A_125, %get3A_126] {strides = array<i32>} : memref<314x80xf32, #tpu.memory_space<vmem>>, vector<16xf32>,
        %add3A_128 = arith.addf %get3A_127, %get3A_124 : vector<16xf32>
        %swap3A_129 = arith.index_cast %squeeze3A_60 : i32 to index
        %swap3A_130 = arith.constant 32 : index
        %swap3A_131 = tpu.vector_load %arg7[%swap3A_129, %swap3A_130] {strides = array<i32>} : memref<314x80xf32, #tpu.memory_space<vmem>>, vector<16xf32>,
        tpu.vector_store %arg7[%swap3A_129, %swap3A_130], %add3A_128 {strides = array<i32>} : memref<314x80xf32, #tpu.memory_space<vmem>>, vector<16xf32>,
        %get3A_132 = arith.index_cast %squeeze3A_60 : i32 to index
        %get3A_133 = arith.constant 32 : index
        %get3A_134 = tpu.vector_load %arg8[%get3A_132, %get3A_133] {strides = array<i32>} : memref<314x80xf32, #tpu.memory_space<vmem>>, vector<16xf32>,
        %mul3A_135 = arith.mulf %get3A_124, %get3A_124 : vector<16xf32>
        %add3A_136 = arith.addf %get3A_134, %mul3A_135 : vector<16xf32>
        %swap3A_137 = arith.index_cast %squeeze3A_60 : i32 to index
        %swap3A_138 = arith.constant 32 : index
        %swap3A_139 = tpu.vector_load %arg8[%swap3A_137, %swap3A_138] {strides = array<i32>} : memref<314x80xf32, #tpu.memory_space<vmem>>, vector<16xf32>,
        tpu.vector_store %arg8[%swap3A_137, %swap3A_138], %add3A_136 {strides = array<i32>} : memref<314x80xf32, #tpu.memory_space<vmem>>, vector<16xf32>,
        %get3A_140 = arith.index_cast %squeeze3A_60 : i32 to index
        %get3A_141 = arith.constant 32 : index
        %get3A_142 = tpu.vector_load %arg9[%get3A_140, %get3A_141] {strides = array<i32>} : memref<314x80xf32, #tpu.memory_space<vmem>>, vector<16xf32>,
        %min3A_143 = arith.minimumf %get3A_142, %get3A_124 : vector<16xf32>
        %swap3A_144 = arith.index_cast %squeeze3A_60 : i32 to index
        %swap3A_145 = arith.constant 32 : index
        %swap3A_146 = tpu.vector_load %arg9[%swap3A_144, %swap3A_145] {strides = array<i32>} : memref<314x80xf32, #tpu.memory_space<vmem>>, vector<16xf32>,
        tpu.vector_store %arg9[%swap3A_144, %swap3A_145], %min3A_143 {strides = array<i32>} : memref<314x80xf32, #tpu.memory_space<vmem>>, vector<16xf32>,
        %get3A_147 = arith.index_cast %squeeze3A_60 : i32 to index
        %get3A_148 = arith.constant 32 : index
        %get3A_149 = tpu.vector_load %arg10[%get3A_147, %get3A_148] {strides = array<i32>} : memref<314x80xf32, #tpu.memory_space<vmem>>, vector<16xf32>,
        %max3A_150 = arith.maximumf %get3A_149, %get3A_124 : vector<16xf32>
        %swap3A_151 = arith.index_cast %squeeze3A_60 : i32 to index
        %swap3A_152 = arith.constant 32 : index
        %swap3A_153 = tpu.vector_load %arg10[%swap3A_151, %swap3A_152] {strides = array<i32>} : memref<314x80xf32, #tpu.memory_space<vmem>>, vector<16xf32>,
        tpu.vector_store %arg10[%swap3A_151, %swap3A_152], %max3A_150 {strides = array<i32>} : memref<314x80xf32, #tpu.memory_space<vmem>>, vector<16xf32>,
        %get3A_154 = arith.index_cast %scan3A_56 : i32 to index
        %get3A_155 = arith.constant 48 : index
        %get3A_156 = tpu.vector_load %arg11[%get3A_154, %get3A_155] {strides = array<i32>} : memref<128x80xf32, #tpu.memory_space<vmem>>, vector<16xf32>,
        %get3A_157 = arith.index_cast %squeeze3A_60 : i32 to index
        %get3A_158 = arith.constant 48 : index
        %get3A_159 = tpu.vector_load %arg7[%get3A_157, %get3A_158] {strides = array<i32>} : memref<314x80xf32, #tpu.memory_space<vmem>>, vector<16xf32>,
        %add3A_160 = arith.addf %get3A_159, %get3A_156 : vector<16xf32>
        %swap3A_161 = arith.index_cast %squeeze3A_60 : i32 to index
        %swap3A_162 = arith.constant 48 : index
        %swap3A_163 = tpu.vector_load %arg7[%swap3A_161, %swap3A_162] {strides = array<i32>} : memref<314x80xf32, #tpu.memory_space<vmem>>, vector<16xf32>,
        tpu.vector_store %arg7[%swap3A_161, %swap3A_162], %add3A_160 {strides = array<i32>} : memref<314x80xf32, #tpu.memory_space<vmem>>, vector<16xf32>,
        %get3A_164 = arith.index_cast %squeeze3A_60 : i32 to index
        %get3A_165 = arith.constant 48 : index
        %get3A_166 = tpu.vector_load %arg8[%get3A_164, %get3A_165] {strides = array<i32>} : memref<314x80xf32, #tpu.memory_space<vmem>>, vector<16xf32>,
        %mul3A_167 = arith.mulf %get3A_156, %get3A_156 : vector<16xf32>
        %add3A_168 = arith.addf %get3A_166, %mul3A_167 : vector<16xf32>
        %swap3A_169 = arith.index_cast %squeeze3A_60 : i32 to index
        %swap3A_170 = arith.constant 48 : index
        %swap3A_171 = tpu.vector_load %arg8[%swap3A_169, %swap3A_170] {strides = array<i32>} : memref<314x80xf32, #tpu.memory_space<vmem>>, vector<16xf32>,
        tpu.vector_store %arg8[%swap3A_169, %swap3A_170], %add3A_168 {strides = array<i32>} : memref<314x80xf32, #tpu.memory_space<vmem>>, vector<16xf32>,
        %get3A_172 = arith.index_cast %squeeze3A_60 : i32 to index
        %get3A_173 = arith.constant 48 : index
        %get3A_174 = tpu.vector_load %arg9[%get3A_172, %get3A_173] {strides = array<i32>} : memref<314x80xf32, #tpu.memory_space<vmem>>, vector<16xf32>,
        %min3A_175 = arith.minimumf %get3A_174, %get3A_156 : vector<16xf32>
        %swap3A_176 = arith.index_cast %squeeze3A_60 : i32 to index
        %swap3A_177 = arith.constant 48 : index
        %swap3A_178 = tpu.vector_load %arg9[%swap3A_176, %swap3A_177] {strides = array<i32>} : memref<314x80xf32, #tpu.memory_space<vmem>>, vector<16xf32>,
        tpu.vector_store %arg9[%swap3A_176, %swap3A_177], %min3A_175 {strides = array<i32>} : memref<314x80xf32, #tpu.memory_space<vmem>>, vector<16xf32>,
        %get3A_179 = arith.index_cast %squeeze3A_60 : i32 to index
        %get3A_180 = arith.constant 48 : index
        %get3A_181 = tpu.vector_load %arg10[%get3A_179, %get3A_180] {strides = array<i32>} : memref<314x80xf32, #tpu.memory_space<vmem>>, vector<16xf32>,
        %max3A_182 = arith.maximumf %get3A_181, %get3A_156 : vector<16xf32>
        %swap3A_183 = arith.index_cast %squeeze3A_60 : i32 to index
        %swap3A_184 = arith.constant 48 : index
        %swap3A_185 = tpu.vector_load %arg10[%swap3A_183, %swap3A_184] {strides = array<i32>} : memref<314x80xf32, #tpu.memory_space<vmem>>, vector<16xf32>,
        tpu.vector_store %arg10[%swap3A_183, %swap3A_184], %max3A_182 {strides = array<i32>} : memref<314x80xf32, #tpu.memory_space<vmem>>, vector<16xf32>,
        %get3A_186 = arith.index_cast %scan3A_56 : i32 to index
        %get3A_187 = arith.constant 64 : index
        %get3A_188 = tpu.vector_load %arg11[%get3A_186, %get3A_187] {strides = array<i32>} : memref<128x80xf32, #tpu.memory_space<vmem>>, vector<16xf32>,
        %get3A_189 = arith.index_cast %squeeze3A_60 : i32 to index
        %get3A_190 = arith.constant 64 : index
        %get3A_191 = tpu.vector_load %arg7[%get3A_189, %get3A_190] {strides = array<i32>} : memref<314x80xf32, #tpu.memory_space<vmem>>, vector<16xf32>,
        %add3A_192 = arith.addf %get3A_191, %get3A_188 : vector<16xf32>
        %swap3A_193 = arith.index_cast %squeeze3A_60 : i32 to index
        %swap3A_194 = arith.constant 64 : index
        %swap3A_195 = tpu.vector_load %arg7[%swap3A_193, %swap3A_194] {strides = array<i32>} : memref<314x80xf32, #tpu.memory_space<vmem>>, vector<16xf32>,
        tpu.vector_store %arg7[%swap3A_193, %swap3A_194], %add3A_192 {strides = array<i32>} : memref<314x80xf32, #tpu.memory_space<vmem>>, vector<16xf32>,
        %get3A_196 = arith.index_cast %squeeze3A_60 : i32 to index
        %get3A_197 = arith.constant 64 : index
        %get3A_198 = tpu.vector_load %arg8[%get3A_196, %get3A_197] {strides = array<i32>} : memref<314x80xf32, #tpu.memory_space<vmem>>, vector<16xf32>,
        %mul3A_199 = arith.mulf %get3A_188, %get3A_188 : vector<16xf32>
        %add3A_200 = arith.addf %get3A_198, %mul3A_199 : vector<16xf32>
        %swap3A_201 = arith.index_cast %squeeze3A_60 : i32 to index
        %swap3A_202 = arith.constant 64 : index
        %swap3A_203 = tpu.vector_load %arg8[%swap3A_201, %swap3A_202] {strides = array<i32>} : memref<314x80xf32, #tpu.memory_space<vmem>>, vector<16xf32>,
        tpu.vector_store %arg8[%swap3A_201, %swap3A_202], %add3A_200 {strides = array<i32>} : memref<314x80xf32, #tpu.memory_space<vmem>>, vector<16xf32>,
        %get3A_204 = arith.index_cast %squeeze3A_60 : i32 to index
        %get3A_205 = arith.constant 64 : index
        %get3A_206 = tpu.vector_load %arg9[%get3A_204, %get3A_205] {strides = array<i32>} : memref<314x80xf32, #tpu.memory_space<vmem>>, vector<16xf32>,
        %min3A_207 = arith.minimumf %get3A_206, %get3A_188 : vector<16xf32>
        %swap3A_208 = arith.index_cast %squeeze3A_60 : i32 to index
        %swap3A_209 = arith.constant 64 : index
        %swap3A_210 = tpu.vector_load %arg9[%swap3A_208, %swap3A_209] {strides = array<i32>} : memref<314x80xf32, #tpu.memory_space<vmem>>, vector<16xf32>,
        tpu.vector_store %arg9[%swap3A_208, %swap3A_209], %min3A_207 {strides = array<i32>} : memref<314x80xf32, #tpu.memory_space<vmem>>, vector<16xf32>,
        %get3A_211 = arith.index_cast %squeeze3A_60 : i32 to index
        %get3A_212 = arith.constant 64 : index
        %get3A_213 = tpu.vector_load %arg10[%get3A_211, %get3A_212] {strides = array<i32>} : memref<314x80xf32, #tpu.memory_space<vmem>>, vector<16xf32>,
        %max3A_214 = arith.maximumf %get3A_213, %get3A_188 : vector<16xf32>
        %swap3A_215 = arith.index_cast %squeeze3A_60 : i32 to index
        %swap3A_216 = arith.constant 64 : index
        %swap3A_217 = tpu.vector_load %arg10[%swap3A_215, %swap3A_216] {strides = array<i32>} : memref<314x80xf32, #tpu.memory_space<vmem>>, vector<16xf32>,
        tpu.vector_store %arg10[%swap3A_215, %swap3A_216], %max3A_214 {strides = array<i32>} : memref<314x80xf32, #tpu.memory_space<vmem>>, vector<16xf32>,
      }
      %scan3A_55 = arith.constant 128 : i32
    }
    %while3A_38 = arith.constant 1 : i32
    scf.for %while3A_42 = %while3A_36 to %while3A_32 step %while3A_38  : i32 {
      %mul3A_43 = arith.constant 128 : i32
      %mul3A_44 = arith.muli %while3A_42, %mul3A_43 : i32
      %multiple_of3A = tpu.assume_multiple %mul3A_44, 8 : i32
      "tpu.region"() ({
        %run_scoped3A_56 = tpu.sem_alloc : memref<!tpu.dma_semaphore, #tpu.memory_space<semaphore_mem>>
        %dma_start3A_57 = tpu.memref_slice %arg3[%add3A, %multiple_of3A] : memref<32x655360xi32, #tpu.memory_space<hbm>> -> memref<1x128xi32, #tpu.memory_space<hbm>>
        %dma_start3A_58 = tpu.memref_squeeze %dma_start3A_57 : memref<1x128xi32, #tpu.memory_space<hbm>> -> memref<128xi32, #tpu.memory_space<hbm>>
        %dma_start3A_59 = tpu.memref_slice %arg3[%add3A, %multiple_of3A] : memref<32x655360xi32, #tpu.memory_space<hbm>> -> memref<1x128xi32, #tpu.memory_space<hbm>>
        %dma_start3A_60 = tpu.memref_squeeze %dma_start3A_59 : memref<1x128xi32, #tpu.memory_space<hbm>> -> memref<128xi32, #tpu.memory_space<hbm>>
        tpu.enqueue_dma source(%dma_start3A_60 : memref<128xi32, #tpu.memory_space<hbm>>) target(%arg12 : memref<128xi32, #tpu.memory_space<vmem>>) target_semaphore(%run_scoped3A_56 : memref<!tpu.dma_semaphore, #tpu.memory_space<semaphore_mem>>)
        %dma_wait3A_61 = tpu.memref_slice %arg3[%add3A, %multiple_of3A] : memref<32x655360xi32, #tpu.memory_space<hbm>> -> memref<1x128xi32, #tpu.memory_space<hbm>>
        %dma_wait3A_62 = tpu.memref_squeeze %dma_wait3A_61 : memref<1x128xi32, #tpu.memory_space<hbm>> -> memref<128xi32, #tpu.memory_space<hbm>>
        %dma_wait3A_63 = tpu.memref_slice %arg3[%add3A, %multiple_of3A] : memref<32x655360xi32, #tpu.memory_space<hbm>> -> memref<1x128xi32, #tpu.memory_space<hbm>>
        %dma_wait3A_64 = tpu.memref_squeeze %dma_wait3A_63 : memref<1x128xi32, #tpu.memory_space<hbm>> -> memref<128xi32, #tpu.memory_space<hbm>>
        tpu.wait_dma2 semaphore(%run_scoped3A_56 : memref<!tpu.dma_semaphore, #tpu.memory_space<semaphore_mem>>) src(%dma_wait3A_64 : memref<128xi32, #tpu.memory_space<hbm>>) dst(%arg12 : memref<128xi32, #tpu.memory_space<vmem>>)
        tpu.yield
      }) : () -> ()
      %multiple_of3A_45 = tpu.assume_multiple %mul3A_44, 8 : i32
      "tpu.region"() ({
        %run_scoped3A_56 = tpu.sem_alloc : memref<!tpu.dma_semaphore, #tpu.memory_space<semaphore_mem>>
        %dma_start3A_57 = arith.constant 0 : i32
        %dma_start3A_58 = tpu.memref_slice %arg13[%dma_start3A_57] : memref<144xi32, #tpu.memory_space<vmem>> -> memref<128xi32, #tpu.memory_space<vmem>>
        %dma_start3A_59 = tpu.memref_slice %arg4[%add3A, %multiple_of3A_45] : memref<32x655360xi32, #tpu.memory_space<hbm>> -> memref<1x128xi32, #tpu.memory_space<hbm>>
        %dma_start3A_60 = tpu.memref_squeeze %dma_start3A_59 : memref<1x128xi32, #tpu.memory_space<hbm>> -> memref<128xi32, #tpu.memory_space<hbm>>
        %dma_start3A_61 = arith.constant 0 : i32
        %dma_start3A_62 = tpu.memref_slice %arg13[%dma_start3A_61] : memref<144xi32, #tpu.memory_space<vmem>> -> memref<128xi32, #tpu.memory_space<vmem>>
        %dma_start3A_63 = tpu.memref_slice %arg4[%add3A, %multiple_of3A_45] : memref<32x655360xi32, #tpu.memory_space<hbm>> -> memref<1x128xi32, #tpu.memory_space<hbm>>
        %dma_start3A_64 = tpu.memref_squeeze %dma_start3A_63 : memref<1x128xi32, #tpu.memory_space<hbm>> -> memref<128xi32, #tpu.memory_space<hbm>>
        tpu.enqueue_dma source(%dma_start3A_64 : memref<128xi32, #tpu.memory_space<hbm>>) target(%dma_start3A_62 : memref<128xi32, #tpu.memory_space<vmem>>) target_semaphore(%run_scoped3A_56 : memref<!tpu.dma_semaphore, #tpu.memory_space<semaphore_mem>>)
        %dma_wait3A_65 = arith.constant 0 : i32
        %dma_wait3A_66 = tpu.memref_slice %arg13[%dma_wait3A_65] : memref<144xi32, #tpu.memory_space<vmem>> -> memref<128xi32, #tpu.memory_space<vmem>>
        %dma_wait3A_67 = tpu.memref_slice %arg4[%add3A, %multiple_of3A_45] : memref<32x655360xi32, #tpu.memory_space<hbm>> -> memref<1x128xi32, #tpu.memory_space<hbm>>
        %dma_wait3A_68 = tpu.memref_squeeze %dma_wait3A_67 : memref<1x128xi32, #tpu.memory_space<hbm>> -> memref<128xi32, #tpu.memory_space<hbm>>
        %dma_wait3A_69 = arith.constant 0 : i32
        %dma_wait3A_70 = tpu.memref_slice %arg13[%dma_wait3A_69] : memref<144xi32, #tpu.memory_space<vmem>> -> memref<128xi32, #tpu.memory_space<vmem>>
        %dma_wait3A_71 = tpu.memref_slice %arg4[%add3A, %multiple_of3A_45] : memref<32x655360xi32, #tpu.memory_space<hbm>> -> memref<1x128xi32, #tpu.memory_space<hbm>>
        %dma_wait3A_72 = tpu.memref_squeeze %dma_wait3A_71 : memref<1x128xi32, #tpu.memory_space<hbm>> -> memref<128xi32, #tpu.memory_space<hbm>>
        tpu.wait_dma2 semaphore(%run_scoped3A_56 : memref<!tpu.dma_semaphore, #tpu.memory_space<semaphore_mem>>) src(%dma_wait3A_72 : memref<128xi32, #tpu.memory_space<hbm>>) dst(%dma_wait3A_70 : memref<128xi32, #tpu.memory_space<vmem>>)
        tpu.yield
      }) : () -> ()
      %dma_start3A = arith.constant 0 : i32
      %dma_start3A_46 = arith.constant 0 : i32
      %dma_start3A_47 = tpu.memref_slice %arg2[%dma_start3A, %dma_start3A_46] : memref<10000x80xf32, #tpu.memory_space<hbm>> -> memref<10000x80xf32, #tpu.memory_space<hbm>>
      tpu.enqueue_indirect_dma source(%dma_start3A_47 : memref<10000x80xf32, #tpu.memory_space<hbm>>) target(%arg11 : memref<128x80xf32, #tpu.memory_space<vmem>>) offsets(%arg12 : memref<128xi32, #tpu.memory_space<vmem>>) semaphore(%arg15 : memref<!tpu.dma_semaphore, #tpu.memory_space<semaphore_mem>>)
      %dma_wait3A = arith.constant 0 : i32
      %dma_wait3A_48 = arith.constant 0 : i32
      %dma_wait3A_49 = tpu.memref_slice %arg2[%dma_wait3A, %dma_wait3A_48] : memref<10000x80xf32, #tpu.memory_space<hbm>> -> memref<10000x80xf32, #tpu.memory_space<hbm>>
      tpu.wait_indirect_dma semaphore(%arg15 : memref<!tpu.dma_semaphore, #tpu.memory_space<semaphore_mem>>) src(%dma_wait3A_49 : memref<10000x80xf32, #tpu.memory_space<hbm>>) dst(%arg11 : memref<128x80xf32, #tpu.memory_space<vmem>>)
      %scan3A_50 = arith.constant 0 : i32
      %scan3A_51 = arith.constant 0 : i32
      %scan3A_52 = arith.constant 128 : i32
      %scan3A_53 = arith.addi %scan3A_51, %scan3A_52 : i32
      %scan3A_54 = arith.constant 1 : i32
      scf.for %scan3A_56 = %scan3A_51 to %scan3A_53 step %scan3A_54  : i32 {
        %get3A_57 = arith.index_cast %scan3A_56 : i32 to index
        %get3A_58 = tpu.vector_load %arg13[%get3A_57] {strides = array<i32>} : memref<144xi32, #tpu.memory_space<vmem>>, vector<16xi32>,
        %slice3A_59 = vector.extract_strided_slice %get3A_58 {offsets = [0], sizes = [1], strides = [1]} : vector<16xi32> to vector<1xi32>
        %squeeze3A_60 = vector.extract %slice3A_59[0] : i32 from vector<1xi32>
        %get3A_61 = arith.index_cast %scan3A_56 : i32 to index
        %get3A_62 = arith.constant 0 : index
        %get3A_63 = tpu.vector_load %arg11[%get3A_61, %get3A_62] {strides = array<i32>} : memref<128x80xf32, #tpu.memory_space<vmem>>, vector<16xf32>,
        %get3A_64 = arith.index_cast %squeeze3A_60 : i32 to index
        %get3A_65 = arith.constant 0 : index
        %get3A_66 = tpu.vector_load %arg7[%get3A_64, %get3A_65] {strides = array<i32>} : memref<314x80xf32, #tpu.memory_space<vmem>>, vector<16xf32>,
        %add3A_67 = arith.addf %get3A_66, %get3A_63 : vector<16xf32>
        %swap3A = arith.index_cast %squeeze3A_60 : i32 to index
        %swap3A_68 = arith.constant 0 : index
        %swap3A_69 = tpu.vector_load %arg7[%swap3A, %swap3A_68] {strides = array<i32>} : memref<314x80xf32, #tpu.memory_space<vmem>>, vector<16xf32>,
        tpu.vector_store %arg7[%swap3A, %swap3A_68], %add3A_67 {strides = array<i32>} : memref<314x80xf32, #tpu.memory_space<vmem>>, vector<16xf32>,
        %get3A_70 = arith.index_cast %squeeze3A_60 : i32 to index
        %get3A_71 = arith.constant 0 : index
        %get3A_72 = tpu.vector_load %arg8[%get3A_70, %get3A_71] {strides = array<i32>} : memref<314x80xf32, #tpu.memory_space<vmem>>, vector<16xf32>,
        %mul3A_73 = arith.mulf %get3A_63, %get3A_63 : vector<16xf32>
        %add3A_74 = arith.addf %get3A_72, %mul3A_73 : vector<16xf32>
        %swap3A_75 = arith.index_cast %squeeze3A_60 : i32 to index
        %swap3A_76 = arith.constant 0 : index
        %swap3A_77 = tpu.vector_load %arg8[%swap3A_75, %swap3A_76] {strides = array<i32>} : memref<314x80xf32, #tpu.memory_space<vmem>>, vector<16xf32>,
        tpu.vector_store %arg8[%swap3A_75, %swap3A_76], %add3A_74 {strides = array<i32>} : memref<314x80xf32, #tpu.memory_space<vmem>>, vector<16xf32>,
        %get3A_78 = arith.index_cast %squeeze3A_60 : i32 to index
        %get3A_79 = arith.constant 0 : index
        %get3A_80 = tpu.vector_load %arg9[%get3A_78, %get3A_79] {strides = array<i32>} : memref<314x80xf32, #tpu.memory_space<vmem>>, vector<16xf32>,
        %min3A = arith.minimumf %get3A_80, %get3A_63 : vector<16xf32>
        %swap3A_81 = arith.index_cast %squeeze3A_60 : i32 to index
        %swap3A_82 = arith.constant 0 : index
        %swap3A_83 = tpu.vector_load %arg9[%swap3A_81, %swap3A_82] {strides = array<i32>} : memref<314x80xf32, #tpu.memory_space<vmem>>, vector<16xf32>,
        tpu.vector_store %arg9[%swap3A_81, %swap3A_82], %min3A {strides = array<i32>} : memref<314x80xf32, #tpu.memory_space<vmem>>, vector<16xf32>,
        %get3A_84 = arith.index_cast %squeeze3A_60 : i32 to index
        %get3A_85 = arith.constant 0 : index
        %get3A_86 = tpu.vector_load %arg10[%get3A_84, %get3A_85] {strides = array<i32>} : memref<314x80xf32, #tpu.memory_space<vmem>>, vector<16xf32>,
        %max3A = arith.maximumf %get3A_86, %get3A_63 : vector<16xf32>
        %swap3A_87 = arith.index_cast %squeeze3A_60 : i32 to index
        %swap3A_88 = arith.constant 0 : index
        %swap3A_89 = tpu.vector_load %arg10[%swap3A_87, %swap3A_88] {strides = array<i32>} : memref<314x80xf32, #tpu.memory_space<vmem>>, vector<16xf32>,
        tpu.vector_store %arg10[%swap3A_87, %swap3A_88], %max3A {strides = array<i32>} : memref<314x80xf32, #tpu.memory_space<vmem>>, vector<16xf32>,
        %get3A_90 = arith.index_cast %scan3A_56 : i32 to index
        %get3A_91 = arith.constant 16 : index
        %get3A_92 = tpu.vector_load %arg11[%get3A_90, %get3A_91] {strides = array<i32>} : memref<128x80xf32, #tpu.memory_space<vmem>>, vector<16xf32>,
        %get3A_93 = arith.index_cast %squeeze3A_60 : i32 to index
        %get3A_94 = arith.constant 16 : index
        %get3A_95 = tpu.vector_load %arg7[%get3A_93, %get3A_94] {strides = array<i32>} : memref<314x80xf32, #tpu.memory_space<vmem>>, vector<16xf32>,
        %add3A_96 = arith.addf %get3A_95, %get3A_92 : vector<16xf32>
        %swap3A_97 = arith.index_cast %squeeze3A_60 : i32 to index
        %swap3A_98 = arith.constant 16 : index
        %swap3A_99 = tpu.vector_load %arg7[%swap3A_97, %swap3A_98] {strides = array<i32>} : memref<314x80xf32, #tpu.memory_space<vmem>>, vector<16xf32>,
        tpu.vector_store %arg7[%swap3A_97, %swap3A_98], %add3A_96 {strides = array<i32>} : memref<314x80xf32, #tpu.memory_space<vmem>>, vector<16xf32>,
        %get3A_100 = arith.index_cast %squeeze3A_60 : i32 to index
        %get3A_101 = arith.constant 16 : index
        %get3A_102 = tpu.vector_load %arg8[%get3A_100, %get3A_101] {strides = array<i32>} : memref<314x80xf32, #tpu.memory_space<vmem>>, vector<16xf32>,
        %mul3A_103 = arith.mulf %get3A_92, %get3A_92 : vector<16xf32>
        %add3A_104 = arith.addf %get3A_102, %mul3A_103 : vector<16xf32>
        %swap3A_105 = arith.index_cast %squeeze3A_60 : i32 to index
        %swap3A_106 = arith.constant 16 : index
        %swap3A_107 = tpu.vector_load %arg8[%swap3A_105, %swap3A_106] {strides = array<i32>} : memref<314x80xf32, #tpu.memory_space<vmem>>, vector<16xf32>,
        tpu.vector_store %arg8[%swap3A_105, %swap3A_106], %add3A_104 {strides = array<i32>} : memref<314x80xf32, #tpu.memory_space<vmem>>, vector<16xf32>,
        %get3A_108 = arith.index_cast %squeeze3A_60 : i32 to index
        %get3A_109 = arith.constant 16 : index
        %get3A_110 = tpu.vector_load %arg9[%get3A_108, %get3A_109] {strides = array<i32>} : memref<314x80xf32, #tpu.memory_space<vmem>>, vector<16xf32>,
        %min3A_111 = arith.minimumf %get3A_110, %get3A_92 : vector<16xf32>
        %swap3A_112 = arith.index_cast %squeeze3A_60 : i32 to index
        %swap3A_113 = arith.constant 16 : index
        %swap3A_114 = tpu.vector_load %arg9[%swap3A_112, %swap3A_113] {strides = array<i32>} : memref<314x80xf32, #tpu.memory_space<vmem>>, vector<16xf32>,
        tpu.vector_store %arg9[%swap3A_112, %swap3A_113], %min3A_111 {strides = array<i32>} : memref<314x80xf32, #tpu.memory_space<vmem>>, vector<16xf32>,
        %get3A_115 = arith.index_cast %squeeze3A_60 : i32 to index
        %get3A_116 = arith.constant 16 : index
        %get3A_117 = tpu.vector_load %arg10[%get3A_115, %get3A_116] {strides = array<i32>} : memref<314x80xf32, #tpu.memory_space<vmem>>, vector<16xf32>,
        %max3A_118 = arith.maximumf %get3A_117, %get3A_92 : vector<16xf32>
        %swap3A_119 = arith.index_cast %squeeze3A_60 : i32 to index
        %swap3A_120 = arith.constant 16 : index
        %swap3A_121 = tpu.vector_load %arg10[%swap3A_119, %swap3A_120] {strides = array<i32>} : memref<314x80xf32, #tpu.memory_space<vmem>>, vector<16xf32>,
        tpu.vector_store %arg10[%swap3A_119, %swap3A_120], %max3A_118 {strides = array<i32>} : memref<314x80xf32, #tpu.memory_space<vmem>>, vector<16xf32>,
        %get3A_122 = arith.index_cast %scan3A_56 : i32 to index
        %get3A_123 = arith.constant 32 : index
        %get3A_124 = tpu.vector_load %arg11[%get3A_122, %get3A_123] {strides = array<i32>} : memref<128x80xf32, #tpu.memory_space<vmem>>, vector<16xf32>,
        %get3A_125 = arith.index_cast %squeeze3A_60 : i32 to index
        %get3A_126 = arith.constant 32 : index
        %get3A_127 = tpu.vector_load %arg7[%get3A_125, %get3A_126] {strides = array<i32>} : memref<314x80xf32, #tpu.memory_space<vmem>>, vector<16xf32>,
        %add3A_128 = arith.addf %get3A_127, %get3A_124 : vector<16xf32>
        %swap3A_129 = arith.index_cast %squeeze3A_60 : i32 to index
        %swap3A_130 = arith.constant 32 : index
        %swap3A_131 = tpu.vector_load %arg7[%swap3A_129, %swap3A_130] {strides = array<i32>} : memref<314x80xf32, #tpu.memory_space<vmem>>, vector<16xf32>,
        tpu.vector_store %arg7[%swap3A_129, %swap3A_130], %add3A_128 {strides = array<i32>} : memref<314x80xf32, #tpu.memory_space<vmem>>, vector<16xf32>,
        %get3A_132 = arith.index_cast %squeeze3A_60 : i32 to index
        %get3A_133 = arith.constant 32 : index
        %get3A_134 = tpu.vector_load %arg8[%get3A_132, %get3A_133] {strides = array<i32>} : memref<314x80xf32, #tpu.memory_space<vmem>>, vector<16xf32>,
        %mul3A_135 = arith.mulf %get3A_124, %get3A_124 : vector<16xf32>
        %add3A_136 = arith.addf %get3A_134, %mul3A_135 : vector<16xf32>
        %swap3A_137 = arith.index_cast %squeeze3A_60 : i32 to index
        %swap3A_138 = arith.constant 32 : index
        %swap3A_139 = tpu.vector_load %arg8[%swap3A_137, %swap3A_138] {strides = array<i32>} : memref<314x80xf32, #tpu.memory_space<vmem>>, vector<16xf32>,
        tpu.vector_store %arg8[%swap3A_137, %swap3A_138], %add3A_136 {strides = array<i32>} : memref<314x80xf32, #tpu.memory_space<vmem>>, vector<16xf32>,
        %get3A_140 = arith.index_cast %squeeze3A_60 : i32 to index
        %get3A_141 = arith.constant 32 : index
        %get3A_142 = tpu.vector_load %arg9[%get3A_140, %get3A_141] {strides = array<i32>} : memref<314x80xf32, #tpu.memory_space<vmem>>, vector<16xf32>,
        %min3A_143 = arith.minimumf %get3A_142, %get3A_124 : vector<16xf32>
        %swap3A_144 = arith.index_cast %squeeze3A_60 : i32 to index
        %swap3A_145 = arith.constant 32 : index
        %swap3A_146 = tpu.vector_load %arg9[%swap3A_144, %swap3A_145] {strides = array<i32>} : memref<314x80xf32, #tpu.memory_space<vmem>>, vector<16xf32>,
        tpu.vector_store %arg9[%swap3A_144, %swap3A_145], %min3A_143 {strides = array<i32>} : memref<314x80xf32, #tpu.memory_space<vmem>>, vector<16xf32>,
        %get3A_147 = arith.index_cast %squeeze3A_60 : i32 to index
        %get3A_148 = arith.constant 32 : index
        %get3A_149 = tpu.vector_load %arg10[%get3A_147, %get3A_148] {strides = array<i32>} : memref<314x80xf32, #tpu.memory_space<vmem>>, vector<16xf32>,
        %max3A_150 = arith.maximumf %get3A_149, %get3A_124 : vector<16xf32>
        %swap3A_151 = arith.index_cast %squeeze3A_60 : i32 to index
        %swap3A_152 = arith.constant 32 : index
        %swap3A_153 = tpu.vector_load %arg10[%swap3A_151, %swap3A_152] {strides = array<i32>} : memref<314x80xf32, #tpu.memory_space<vmem>>, vector<16xf32>,
        tpu.vector_store %arg10[%swap3A_151, %swap3A_152], %max3A_150 {strides = array<i32>} : memref<314x80xf32, #tpu.memory_space<vmem>>, vector<16xf32>,
        %get3A_154 = arith.index_cast %scan3A_56 : i32 to index
        %get3A_155 = arith.constant 48 : index
        %get3A_156 = tpu.vector_load %arg11[%get3A_154, %get3A_155] {strides = array<i32>} : memref<128x80xf32, #tpu.memory_space<vmem>>, vector<16xf32>,
        %get3A_157 = arith.index_cast %squeeze3A_60 : i32 to index
        %get3A_158 = arith.constant 48 : index
        %get3A_159 = tpu.vector_load %arg7[%get3A_157, %get3A_158] {strides = array<i32>} : memref<314x80xf32, #tpu.memory_space<vmem>>, vector<16xf32>,
        %add3A_160 = arith.addf %get3A_159, %get3A_156 : vector<16xf32>
        %swap3A_161 = arith.index_cast %squeeze3A_60 : i32 to index
        %swap3A_162 = arith.constant 48 : index
        %swap3A_163 = tpu.vector_load %arg7[%swap3A_161, %swap3A_162] {strides = array<i32>} : memref<314x80xf32, #tpu.memory_space<vmem>>, vector<16xf32>,
        tpu.vector_store %arg7[%swap3A_161, %swap3A_162], %add3A_160 {strides = array<i32>} : memref<314x80xf32, #tpu.memory_space<vmem>>, vector<16xf32>,
        %get3A_164 = arith.index_cast %squeeze3A_60 : i32 to index
        %get3A_165 = arith.constant 48 : index
        %get3A_166 = tpu.vector_load %arg8[%get3A_164, %get3A_165] {strides = array<i32>} : memref<314x80xf32, #tpu.memory_space<vmem>>, vector<16xf32>,
        %mul3A_167 = arith.mulf %get3A_156, %get3A_156 : vector<16xf32>
        %add3A_168 = arith.addf %get3A_166, %mul3A_167 : vector<16xf32>
        %swap3A_169 = arith.index_cast %squeeze3A_60 : i32 to index
        %swap3A_170 = arith.constant 48 : index
        %swap3A_171 = tpu.vector_load %arg8[%swap3A_169, %swap3A_170] {strides = array<i32>} : memref<314x80xf32, #tpu.memory_space<vmem>>, vector<16xf32>,
        tpu.vector_store %arg8[%swap3A_169, %swap3A_170], %add3A_168 {strides = array<i32>} : memref<314x80xf32, #tpu.memory_space<vmem>>, vector<16xf32>,
        %get3A_172 = arith.index_cast %squeeze3A_60 : i32 to index
        %get3A_173 = arith.constant 48 : index
        %get3A_174 = tpu.vector_load %arg9[%get3A_172, %get3A_173] {strides = array<i32>} : memref<314x80xf32, #tpu.memory_space<vmem>>, vector<16xf32>,
        %min3A_175 = arith.minimumf %get3A_174, %get3A_156 : vector<16xf32>
        %swap3A_176 = arith.index_cast %squeeze3A_60 : i32 to index
        %swap3A_177 = arith.constant 48 : index
        %swap3A_178 = tpu.vector_load %arg9[%swap3A_176, %swap3A_177] {strides = array<i32>} : memref<314x80xf32, #tpu.memory_space<vmem>>, vector<16xf32>,
        tpu.vector_store %arg9[%swap3A_176, %swap3A_177], %min3A_175 {strides = array<i32>} : memref<314x80xf32, #tpu.memory_space<vmem>>, vector<16xf32>,
        %get3A_179 = arith.index_cast %squeeze3A_60 : i32 to index
        %get3A_180 = arith.constant 48 : index
        %get3A_181 = tpu.vector_load %arg10[%get3A_179, %get3A_180] {strides = array<i32>} : memref<314x80xf32, #tpu.memory_space<vmem>>, vector<16xf32>,
        %max3A_182 = arith.maximumf %get3A_181, %get3A_156 : vector<16xf32>
        %swap3A_183 = arith.index_cast %squeeze3A_60 : i32 to index
        %swap3A_184 = arith.constant 48 : index
        %swap3A_185 = tpu.vector_load %arg10[%swap3A_183, %swap3A_184] {strides = array<i32>} : memref<314x80xf32, #tpu.memory_space<vmem>>, vector<16xf32>,
        tpu.vector_store %arg10[%swap3A_183, %swap3A_184], %max3A_182 {strides = array<i32>} : memref<314x80xf32, #tpu.memory_space<vmem>>, vector<16xf32>,
        %get3A_186 = arith.index_cast %scan3A_56 : i32 to index
        %get3A_187 = arith.constant 64 : index
        %get3A_188 = tpu.vector_load %arg11[%get3A_186, %get3A_187] {strides = array<i32>} : memref<128x80xf32, #tpu.memory_space<vmem>>, vector<16xf32>,
        %get3A_189 = arith.index_cast %squeeze3A_60 : i32 to index
        %get3A_190 = arith.constant 64 : index
        %get3A_191 = tpu.vector_load %arg7[%get3A_189, %get3A_190] {strides = array<i32>} : memref<314x80xf32, #tpu.memory_space<vmem>>, vector<16xf32>,
        %add3A_192 = arith.addf %get3A_191, %get3A_188 : vector<16xf32>
        %swap3A_193 = arith.index_cast %squeeze3A_60 : i32 to index
        %swap3A_194 = arith.constant 64 : index
        %swap3A_195 = tpu.vector_load %arg7[%swap3A_193, %swap3A_194] {strides = array<i32>} : memref<314x80xf32, #tpu.memory_space<vmem>>, vector<16xf32>,
        tpu.vector_store %arg7[%swap3A_193, %swap3A_194], %add3A_192 {strides = array<i32>} : memref<314x80xf32, #tpu.memory_space<vmem>>, vector<16xf32>,
        %get3A_196 = arith.index_cast %squeeze3A_60 : i32 to index
        %get3A_197 = arith.constant 64 : index
        %get3A_198 = tpu.vector_load %arg8[%get3A_196, %get3A_197] {strides = array<i32>} : memref<314x80xf32, #tpu.memory_space<vmem>>, vector<16xf32>,
        %mul3A_199 = arith.mulf %get3A_188, %get3A_188 : vector<16xf32>
        %add3A_200 = arith.addf %get3A_198, %mul3A_199 : vector<16xf32>
        %swap3A_201 = arith.index_cast %squeeze3A_60 : i32 to index
        %swap3A_202 = arith.constant 64 : index
        %swap3A_203 = tpu.vector_load %arg8[%swap3A_201, %swap3A_202] {strides = array<i32>} : memref<314x80xf32, #tpu.memory_space<vmem>>, vector<16xf32>,
        tpu.vector_store %arg8[%swap3A_201, %swap3A_202], %add3A_200 {strides = array<i32>} : memref<314x80xf32, #tpu.memory_space<vmem>>, vector<16xf32>,
        %get3A_204 = arith.index_cast %squeeze3A_60 : i32 to index
        %get3A_205 = arith.constant 64 : index
        %get3A_206 = tpu.vector_load %arg9[%get3A_204, %get3A_205] {strides = array<i32>} : memref<314x80xf32, #tpu.memory_space<vmem>>, vector<16xf32>,
        %min3A_207 = arith.minimumf %get3A_206, %get3A_188 : vector<16xf32>
        %swap3A_208 = arith.index_cast %squeeze3A_60 : i32 to index
        %swap3A_209 = arith.constant 64 : index
        %swap3A_210 = tpu.vector_load %arg9[%swap3A_208, %swap3A_209] {strides = array<i32>} : memref<314x80xf32, #tpu.memory_space<vmem>>, vector<16xf32>,
        tpu.vector_store %arg9[%swap3A_208, %swap3A_209], %min3A_207 {strides = array<i32>} : memref<314x80xf32, #tpu.memory_space<vmem>>, vector<16xf32>,
        %get3A_211 = arith.index_cast %squeeze3A_60 : i32 to index
        %get3A_212 = arith.constant 64 : index
        %get3A_213 = tpu.vector_load %arg10[%get3A_211, %get3A_212] {strides = array<i32>} : memref<314x80xf32, #tpu.memory_space<vmem>>, vector<16xf32>,
        %max3A_214 = arith.maximumf %get3A_213, %get3A_188 : vector<16xf32>
        %swap3A_215 = arith.index_cast %squeeze3A_60 : i32 to index
        %swap3A_216 = arith.constant 64 : index
        %swap3A_217 = tpu.vector_load %arg10[%swap3A_215, %swap3A_216] {strides = array<i32>} : memref<314x80xf32, #tpu.memory_space<vmem>>, vector<16xf32>,
        tpu.vector_store %arg10[%swap3A_215, %swap3A_216], %max3A_214 {strides = array<i32>} : memref<314x80xf32, #tpu.memory_space<vmem>>, vector<16xf32>,
      }
      %scan3A_55 = arith.constant 128 : i32
    }
    %run_scoped3A = arith.constant 0 : i32
    "tpu.region"() ({
      %run_scoped3A_42 = tpu.sem_alloc : memref<!tpu.dma_semaphore, #tpu.memory_space<semaphore_mem>>
      %dma_start3A = arith.constant 0 : i32
      %dma_start3A_43 = arith.constant 0 : i32
      %dma_start3A_44 = tpu.memref_slice %arg6[%run_scoped3A, %add3A, %dma_start3A, %dma_start3A_43] : memref<4x32x314x80xf32, #tpu.memory_space<hbm>> -> memref<1x1x314x80xf32, #tpu.memory_space<hbm>>
      %dma_start3A_45 = tpu.memref_squeeze %dma_start3A_44 : memref<1x1x314x80xf32, #tpu.memory_space<hbm>> -> memref<314x80xf32, #tpu.memory_space<hbm>>
      %dma_start3A_46 = arith.constant 0 : i32
      %dma_start3A_47 = arith.constant 0 : i32
      %dma_start3A_48 = tpu.memref_slice %arg6[%run_scoped3A, %add3A, %dma_start3A_46, %dma_start3A_47] : memref<4x32x314x80xf32, #tpu.memory_space<hbm>> -> memref<1x1x314x80xf32, #tpu.memory_space<hbm>>
      %dma_start3A_49 = tpu.memref_squeeze %dma_start3A_48 : memref<1x1x314x80xf32, #tpu.memory_space<hbm>> -> memref<314x80xf32, #tpu.memory_space<hbm>>
      tpu.enqueue_dma source(%arg7 : memref<314x80xf32, #tpu.memory_space<vmem>>) target(%dma_start3A_49 : memref<314x80xf32, #tpu.memory_space<hbm>>) target_semaphore(%run_scoped3A_42 : memref<!tpu.dma_semaphore, #tpu.memory_space<semaphore_mem>>)
      %dma_wait3A = arith.constant 0 : i32
      %dma_wait3A_50 = arith.constant 0 : i32
      %dma_wait3A_51 = tpu.memref_slice %arg6[%run_scoped3A, %add3A, %dma_wait3A, %dma_wait3A_50] : memref<4x32x314x80xf32, #tpu.memory_space<hbm>> -> memref<1x1x314x80xf32, #tpu.memory_space<hbm>>
      %dma_wait3A_52 = tpu.memref_squeeze %dma_wait3A_51 : memref<1x1x314x80xf32, #tpu.memory_space<hbm>> -> memref<314x80xf32, #tpu.memory_space<hbm>>
      %dma_wait3A_53 = arith.constant 0 : i32
      %dma_wait3A_54 = arith.constant 0 : i32
      %dma_wait3A_55 = tpu.memref_slice %arg6[%run_scoped3A, %add3A, %dma_wait3A_53, %dma_wait3A_54] : memref<4x32x314x80xf32, #tpu.memory_space<hbm>> -> memref<1x1x314x80xf32, #tpu.memory_space<hbm>>
      %dma_wait3A_56 = tpu.memref_squeeze %dma_wait3A_55 : memref<1x1x314x80xf32, #tpu.memory_space<hbm>> -> memref<314x80xf32, #tpu.memory_space<hbm>>
      tpu.wait_dma2 semaphore(%run_scoped3A_42 : memref<!tpu.dma_semaphore, #tpu.memory_space<semaphore_mem>>) src(%arg7 : memref<314x80xf32, #tpu.memory_space<vmem>>) dst(%dma_wait3A_56 : memref<314x80xf32, #tpu.memory_space<hbm>>)
      tpu.yield
    }) : () -> ()
    %run_scoped3A_39 = arith.constant 1 : i32
    "tpu.region"() ({
      %run_scoped3A_42 = tpu.sem_alloc : memref<!tpu.dma_semaphore, #tpu.memory_space<semaphore_mem>>
      %dma_start3A = arith.constant 0 : i32
      %dma_start3A_43 = arith.constant 0 : i32
      %dma_start3A_44 = tpu.memref_slice %arg6[%run_scoped3A_39, %add3A, %dma_start3A, %dma_start3A_43] : memref<4x32x314x80xf32, #tpu.memory_space<hbm>> -> memref<1x1x314x80xf32, #tpu.memory_space<hbm>>
      %dma_start3A_45 = tpu.memref_squeeze %dma_start3A_44 : memref<1x1x314x80xf32, #tpu.memory_space<hbm>> -> memref<314x80xf32, #tpu.memory_space<hbm>>
      %dma_start3A_46 = arith.constant 0 : i32
      %dma_start3A_47 = arith.constant 0 : i32
      %dma_start3A_48 = tpu.memref_slice %arg6[%run_scoped3A_39, %add3A, %dma_start3A_46, %dma_start3A_47] : memref<4x32x314x80xf32, #tpu.memory_space<hbm>> -> memref<1x1x314x80xf32, #tpu.memory_space<hbm>>
      %dma_start3A_49 = tpu.memref_squeeze %dma_start3A_48 : memref<1x1x314x80xf32, #tpu.memory_space<hbm>> -> memref<314x80xf32, #tpu.memory_space<hbm>>
      tpu.enqueue_dma source(%arg8 : memref<314x80xf32, #tpu.memory_space<vmem>>) target(%dma_start3A_49 : memref<314x80xf32, #tpu.memory_space<hbm>>) target_semaphore(%run_scoped3A_42 : memref<!tpu.dma_semaphore, #tpu.memory_space<semaphore_mem>>)
      %dma_wait3A = arith.constant 0 : i32
      %dma_wait3A_50 = arith.constant 0 : i32
      %dma_wait3A_51 = tpu.memref_slice %arg6[%run_scoped3A_39, %add3A, %dma_wait3A, %dma_wait3A_50] : memref<4x32x314x80xf32, #tpu.memory_space<hbm>> -> memref<1x1x314x80xf32, #tpu.memory_space<hbm>>
      %dma_wait3A_52 = tpu.memref_squeeze %dma_wait3A_51 : memref<1x1x314x80xf32, #tpu.memory_space<hbm>> -> memref<314x80xf32, #tpu.memory_space<hbm>>
      %dma_wait3A_53 = arith.constant 0 : i32
      %dma_wait3A_54 = arith.constant 0 : i32
      %dma_wait3A_55 = tpu.memref_slice %arg6[%run_scoped3A_39, %add3A, %dma_wait3A_53, %dma_wait3A_54] : memref<4x32x314x80xf32, #tpu.memory_space<hbm>> -> memref<1x1x314x80xf32, #tpu.memory_space<hbm>>
      %dma_wait3A_56 = tpu.memref_squeeze %dma_wait3A_55 : memref<1x1x314x80xf32, #tpu.memory_space<hbm>> -> memref<314x80xf32, #tpu.memory_space<hbm>>
      tpu.wait_dma2 semaphore(%run_scoped3A_42 : memref<!tpu.dma_semaphore, #tpu.memory_space<semaphore_mem>>) src(%arg8 : memref<314x80xf32, #tpu.memory_space<vmem>>) dst(%dma_wait3A_56 : memref<314x80xf32, #tpu.memory_space<hbm>>)
      tpu.yield
    }) : () -> ()
    %run_scoped3A_40 = arith.constant 2 : i32
    "tpu.region"() ({
      %run_scoped3A_42 = tpu.sem_alloc : memref<!tpu.dma_semaphore, #tpu.memory_space<semaphore_mem>>
      %dma_start3A = arith.constant 0 : i32
      %dma_start3A_43 = arith.constant 0 : i32
      %dma_start3A_44 = tpu.memref_slice %arg6[%run_scoped3A_40, %add3A, %dma_start3A, %dma_start3A_43] : memref<4x32x314x80xf32, #tpu.memory_space<hbm>> -> memref<1x1x314x80xf32, #tpu.memory_space<hbm>>
      %dma_start3A_45 = tpu.memref_squeeze %dma_start3A_44 : memref<1x1x314x80xf32, #tpu.memory_space<hbm>> -> memref<314x80xf32, #tpu.memory_space<hbm>>
      %dma_start3A_46 = arith.constant 0 : i32
      %dma_start3A_47 = arith.constant 0 : i32
      %dma_start3A_48 = tpu.memref_slice %arg6[%run_scoped3A_40, %add3A, %dma_start3A_46, %dma_start3A_47] : memref<4x32x314x80xf32, #tpu.memory_space<hbm>> -> memref<1x1x314x80xf32, #tpu.memory_space<hbm>>
      %dma_start3A_49 = tpu.memref_squeeze %dma_start3A_48 : memref<1x1x314x80xf32, #tpu.memory_space<hbm>> -> memref<314x80xf32, #tpu.memory_space<hbm>>
      tpu.enqueue_dma source(%arg9 : memref<314x80xf32, #tpu.memory_space<vmem>>) target(%dma_start3A_49 : memref<314x80xf32, #tpu.memory_space<hbm>>) target_semaphore(%run_scoped3A_42 : memref<!tpu.dma_semaphore, #tpu.memory_space<semaphore_mem>>)
      %dma_wait3A = arith.constant 0 : i32
      %dma_wait3A_50 = arith.constant 0 : i32
      %dma_wait3A_51 = tpu.memref_slice %arg6[%run_scoped3A_40, %add3A, %dma_wait3A, %dma_wait3A_50] : memref<4x32x314x80xf32, #tpu.memory_space<hbm>> -> memref<1x1x314x80xf32, #tpu.memory_space<hbm>>
      %dma_wait3A_52 = tpu.memref_squeeze %dma_wait3A_51 : memref<1x1x314x80xf32, #tpu.memory_space<hbm>> -> memref<314x80xf32, #tpu.memory_space<hbm>>
      %dma_wait3A_53 = arith.constant 0 : i32
      %dma_wait3A_54 = arith.constant 0 : i32
      %dma_wait3A_55 = tpu.memref_slice %arg6[%run_scoped3A_40, %add3A, %dma_wait3A_53, %dma_wait3A_54] : memref<4x32x314x80xf32, #tpu.memory_space<hbm>> -> memref<1x1x314x80xf32, #tpu.memory_space<hbm>>
      %dma_wait3A_56 = tpu.memref_squeeze %dma_wait3A_55 : memref<1x1x314x80xf32, #tpu.memory_space<hbm>> -> memref<314x80xf32, #tpu.memory_space<hbm>>
      tpu.wait_dma2 semaphore(%run_scoped3A_42 : memref<!tpu.dma_semaphore, #tpu.memory_space<semaphore_mem>>) src(%arg9 : memref<314x80xf32, #tpu.memory_space<vmem>>) dst(%dma_wait3A_56 : memref<314x80xf32, #tpu.memory_space<hbm>>)
      tpu.yield
    }) : () -> ()
    %run_scoped3A_41 = arith.constant 3 : i32
    "tpu.region"() ({
      %run_scoped3A_42 = tpu.sem_alloc : memref<!tpu.dma_semaphore, #tpu.memory_space<semaphore_mem>>
      %dma_start3A = arith.constant 0 : i32
      %dma_start3A_43 = arith.constant 0 : i32
      %dma_start3A_44 = tpu.memref_slice %arg6[%run_scoped3A_41, %add3A, %dma_start3A, %dma_start3A_43] : memref<4x32x314x80xf32, #tpu.memory_space<hbm>> -> memref<1x1x314x80xf32, #tpu.memory_space<hbm>>
      %dma_start3A_45 = tpu.memref_squeeze %dma_start3A_44 : memref<1x1x314x80xf32, #tpu.memory_space<hbm>> -> memref<314x80xf32, #tpu.memory_space<hbm>>
      %dma_start3A_46 = arith.constant 0 : i32
      %dma_start3A_47 = arith.constant 0 : i32
      %dma_start3A_48 = tpu.memref_slice %arg6[%run_scoped3A_41, %add3A, %dma_start3A_46, %dma_start3A_47] : memref<4x32x314x80xf32, #tpu.memory_space<hbm>> -> memref<1x1x314x80xf32, #tpu.memory_space<hbm>>
      %dma_start3A_49 = tpu.memref_squeeze %dma_start3A_48 : memref<1x1x314x80xf32, #tpu.memory_space<hbm>> -> memref<314x80xf32, #tpu.memory_space<hbm>>
      tpu.enqueue_dma source(%arg10 : memref<314x80xf32, #tpu.memory_space<vmem>>) target(%dma_start3A_49 : memref<314x80xf32, #tpu.memory_space<hbm>>) target_semaphore(%run_scoped3A_42 : memref<!tpu.dma_semaphore, #tpu.memory_space<semaphore_mem>>)
      %dma_wait3A = arith.constant 0 : i32
      %dma_wait3A_50 = arith.constant 0 : i32
      %dma_wait3A_51 = tpu.memref_slice %arg6[%run_scoped3A_41, %add3A, %dma_wait3A, %dma_wait3A_50] : memref<4x32x314x80xf32, #tpu.memory_space<hbm>> -> memref<1x1x314x80xf32, #tpu.memory_space<hbm>>
      %dma_wait3A_52 = tpu.memref_squeeze %dma_wait3A_51 : memref<1x1x314x80xf32, #tpu.memory_space<hbm>> -> memref<314x80xf32, #tpu.memory_space<hbm>>
      %dma_wait3A_53 = arith.constant 0 : i32
      %dma_wait3A_54 = arith.constant 0 : i32
      %dma_wait3A_55 = tpu.memref_slice %arg6[%run_scoped3A_41, %add3A, %dma_wait3A_53, %dma_wait3A_54] : memref<4x32x314x80xf32, #tpu.memory_space<hbm>> -> memref<1x1x314x80xf32, #tpu.memory_space<hbm>>
      %dma_wait3A_56 = tpu.memref_squeeze %dma_wait3A_55 : memref<1x1x314x80xf32, #tpu.memory_space<hbm>> -> memref<314x80xf32, #tpu.memory_space<hbm>>
      tpu.wait_dma2 semaphore(%run_scoped3A_42 : memref<!tpu.dma_semaphore, #tpu.memory_space<semaphore_mem>>) src(%arg10 : memref<314x80xf32, #tpu.memory_space<vmem>>) dst(%dma_wait3A_56 : memref<314x80xf32, #tpu.memory_space<hbm>>)
      tpu.yield
    }) : () -> ()
    return
  }
}

module attributes {stable_mosaic.version = 14 : i64} {
  func.func @_pairwise_body(%arg0: i32, %arg1: i32, %arg2: memref<512x32xf32, #tpu.memory_space<vmem>>, %arg3: memref<1280x32xf32, #tpu.memory_space<vmem>>, %arg4: memref<512x1xf32, #tpu.memory_space<vmem>>, %arg5: memref<1280x1xf32, #tpu.memory_space<vmem>>, %arg6: memref<512x1280xf32, #tpu.memory_space<vmem>>) attributes {dimension_semantics = [#tpu.dimension_semantics<arbitrary>, #tpu.dimension_semantics<arbitrary>], iteration_bounds = array<i64: 20, 8>, scalar_prefetch = 0 : i64, scratch_operands = 0 : i64, tpu.core_type = #tpu.core_type<tc>, window_params = [{transform_indices = @transform_0, window_bounds = array<i64: 512, 32>}, {transform_indices = @transform_1, window_bounds = array<i64: 1280, 32>}, {transform_indices = @transform_2, window_bounds = array<i64: 512, 1>}, {transform_indices = @transform_3, window_bounds = array<i64: 1280, 1>}, {transform_indices = @transform_4, window_bounds = array<i64: 512, 1280>}]} {
    %get3A = arith.constant 0 : index
    %get3A_0 = arith.constant 0 : index
    %get3A_1 = vector.load %arg2[%get3A, %get3A_0] : memref<512x32xf32, #tpu.memory_space<vmem>>, vector<512x32xf32>
    %get3A_2 = arith.constant 0 : index
    %get3A_3 = arith.constant 0 : index
    %get3A_4 = vector.load %arg3[%get3A_2, %get3A_3] : memref<1280x32xf32, #tpu.memory_space<vmem>>, vector<1280x32xf32>
    %dot_general3A = arith.constant dense<0.000000e+00> : vector<512x1280xf32>
    %dot_general3A_5 = tpu.matmul %get3A_1, %get3A_4, %dot_general3A {dimension_numbers = #tpu.dot_dimension_numbers<[1], [1], [0], [0], [0, 0, 1, 0], [], []>, transpose_lhs_hint = false} : vector<512x32xf32>, vector<1280x32xf32>, vector<512x1280xf32> -> vector<512x1280xf32>
    %get3A_6 = arith.constant 0 : index
    %get3A_7 = arith.constant 0 : index
    %get3A_8 = vector.load %arg4[%get3A_6, %get3A_7] : memref<512x1xf32, #tpu.memory_space<vmem>>, vector<512x1xf32>
    %get3A_9 = arith.constant 0 : index
    %get3A_10 = arith.constant 0 : index
    %get3A_11 = vector.load %arg5[%get3A_9, %get3A_10] : memref<1280x1xf32, #tpu.memory_space<vmem>>, vector<1280x1xf32>
    %reshape3A = vector.shape_cast %get3A_11 : vector<1280x1xf32> to vector<1x1280xf32>
    %add3A = vector.broadcast %get3A_8 : vector<512x1xf32> to vector<512x1280xf32>
    %add3A_12 = vector.broadcast %reshape3A : vector<1x1280xf32> to vector<512x1280xf32>
    %add3A_13 = arith.addf %add3A, %add3A_12 : vector<512x1280xf32>
    %mul3A = arith.constant 2.000000e+00 : f32
    %mul3A_14 = vector.broadcast %mul3A : f32 to vector<512x1280xf32>
    %mul3A_15 = arith.mulf %mul3A_14, %dot_general3A_5 : vector<512x1280xf32>
    %sub3A = arith.subf %add3A_13, %mul3A_15 : vector<512x1280xf32>
    %max3A = arith.constant 0.000000e+00 : f32
    %max3A_16 = vector.broadcast %max3A : f32 to vector<512x1280xf32>
    %max3A_17 = arith.maximumf %sub3A, %max3A_16 : vector<512x1280xf32>
    %gt3A = arith.constant 0.000000e+00 : f32
    %gt3A_18 = vector.broadcast %gt3A : f32 to vector<512x1280xf32>
    %gt3A_19 = arith.cmpf ogt, %max3A_17, %gt3A_18 : vector<512x1280xf32>
    %max3A_20 = arith.constant 1.000000e-30 : f32
    %max3A_21 = vector.broadcast %max3A_20 : f32 to vector<512x1280xf32>
    %max3A_22 = arith.maximumf %max3A_17, %max3A_21 : vector<512x1280xf32>
    %log3A = math.log %max3A_22 : vector<512x1280xf32>
    %mul3A_23 = arith.constant 1.334000e+00 : f32
    %mul3A_24 = vector.broadcast %mul3A_23 : f32 to vector<512x1280xf32>
    %mul3A_25 = arith.mulf %mul3A_24, %log3A : vector<512x1280xf32>
    %exp3A = math.exp %mul3A_25 : vector<512x1280xf32>
    %jit3A = arith.constant 0.000000e+00 : f32
    %broadcast_in_dim3A = vector.broadcast %jit3A : f32 to vector<512x1280xf32>
    %select_n3A = arith.select %gt3A_19, %exp3A, %broadcast_in_dim3A : vector<512x1280xi1>, vector<512x1280xf32>
    %mul3A_26 = arith.constant 5.830000e-01 : f32
    %mul3A_27 = vector.broadcast %mul3A_26 : f32 to vector<512x1280xf32>
    %mul3A_28 = arith.mulf %mul3A_27, %select_n3A : vector<512x1280xf32>
    %add3A_29 = arith.constant 1.000000e+00 : f32
    %add3A_30 = vector.broadcast %add3A_29 : f32 to vector<512x1280xf32>
    %add3A_31 = arith.addf %add3A_30, %mul3A_28 : vector<512x1280xf32>
    %div3A = arith.constant 1.000000e+00 : f32
    %div3A_32 = vector.broadcast %div3A : f32 to vector<512x1280xf32>
    %div3A_33 = arith.divf %div3A_32, %add3A_31 : vector<512x1280xf32>
    %swap3A = arith.constant 0 : index
    %swap3A_34 = arith.constant 0 : index
    %swap3A_35 = vector.load %arg6[%swap3A, %swap3A_34] : memref<512x1280xf32, #tpu.memory_space<vmem>>, vector<512x1280xf32>
    tpu.vector_store %arg6[%swap3A, %swap3A_34], %div3A_33 {strides = array<i32>} : memref<512x1280xf32, #tpu.memory_space<vmem>>, vector<512x1280xf32>,
    return
  }
  func.func @transform_0(%arg0: i32, %arg1: i32) -> (i32, i32) {
    %c0_i32 = arith.constant 0 : i32
    %c0_i32_0 = arith.constant 0 : i32
    return %arg0, %c0_i32 : i32, i32
  }
  func.func @transform_1(%arg0: i32, %arg1: i32) -> (i32, i32) {
    %c0_i32 = arith.constant 0 : i32
    %c0_i32_0 = arith.constant 0 : i32
    return %arg1, %c0_i32 : i32, i32
  }
  func.func @transform_2(%arg0: i32, %arg1: i32) -> (i32, i32) {
    %c0_i32 = arith.constant 0 : i32
    %c0_i32_0 = arith.constant 0 : i32
    return %arg0, %c0_i32 : i32, i32
  }
  func.func @transform_3(%arg0: i32, %arg1: i32) -> (i32, i32) {
    %c0_i32 = arith.constant 0 : i32
    %c0_i32_0 = arith.constant 0 : i32
    return %arg1, %c0_i32 : i32, i32
  }
  func.func @transform_4(%arg0: i32, %arg1: i32) -> (i32, i32) {
    %c0_i32 = arith.constant 0 : i32
    return %arg0, %arg1 : i32, i32
  }
}

</mosaic_0001>

<sc_bundles>
// kernel: kernel.11.cloned.1.call-start
scs
__scs_entry_jumppad:
0x0: {  	(pc) =	sbr.rel $0x88, $3  }
0x1: {  	(tag) =	ssettag $0x0;
	lr =	simm.s32 $0x1  }
0x2: {  	[smem:$0x3F93] =	sst lr;
	_ =	strace $0xD0000000  }
0x3: {  	_ = 	snop  }
0x4: {  	_ = 	snop  }
0x5: {  	_ = 	snop  }
0x6: {  	_ = 	snop  }
0x7: {  	_ = 	snop  }
__scs_overlays_trampoline_lowered:
0x8: {  	[smem:$0x3FA2] =	sst s0  }
0x9: {  	[smem:$0x3FA3] =	sst s1  }
0xa: {  	[smem:$0x3FA4] =	sst s2  }
0xb: {  	[smem:$0x3FA5] =	sst s3  }
0xc: {  	[smem:$0x3FA6] =	sst s4  }
0xd: {  	[smem:$0x3FA7] =	sst s5  }
0xe: {  	[smem:$0x3FA8] =	sst s6  }
0xf: {  	[smem:$0x3FA9] =	sst s7  }
0x10: {  	[smem:$0x3FAA] =	sst s8  }
0x11: {  	[smem:$0x3FAB] =	sst s9;
	s0 =	simm.s32 @!p0 $0x0  }
0x12: {  	s1 =	sld [smem:$0x3F91];
	s0 =	simm.s32 @p0 $0x1  }
0x13: {  	[smem:$0x3FAC] =	sst s0;
	s0 =	simm.s32 @!p1 $0x0  }
0x14: {  	s2 =	sld [smem:$0x3F90];
	s0 =	simm.s32 @p1 $0x1  }
0x15: {  	[smem:$0x3FAD] =	sst s0;
	s0 =	simm.s32 @!p2 $0x0  }
0x16: {  	s3 =	sld [smem:$0x3FDB];
	s0 =	simm.s32 @p2 $0x1  }
0x17: {  	s4 =	simm.s32 $0x1BF5;
	[smem:$0x3FAF] =	sst s0  }
0x18: {  	s0 =	sld [smem:$0x3F92];
	_ =	swait.ge [sflag:s4], $0x0  }
0x19: {  	s7 =	sld [smem:$0x3F93]  }
0x1a: {  	s8 =	sadd.s32 $0xFFFFE003, lr  }
0x1b: {  	s9 =	sadd.s32 $0xFFFFFEF7, lr;
	s5 =	simm.s32 $0xFFFFFFFF;
	p2 =	slt.u32 s8, $0xFFFFF086  }
0x1c: {  	p1 =	slt.u32 s9, $0xF7A;
	s5 =	simm.s32 @!p2 $0x0  }
0x1d: {  	s5 =	simm.s32 @p1 $0x1;
	p0 =	seq.s32 s7, s2  }
0x1e: {  	s7 =	smul.u32 @!p0 $0xF7A, s2;
	p2 =	seq.s32 @!p0 s5, $0x0  }
0x1f: {  	s9 =	smul.u32 $0xF7A, s1;
	s8 =	simm.s32 @!p0 $0x1BF5;
	p2 =	por !p2, p0  }
0x20: {  	[sflag:s8] =	ssyncset.s32 @!p0 $0xFFFFF086;
	s6 =	sadd.s32 @!p0 s3, s7;
	s7 =	simm.s32 @!p0 $0x108  }
0x21: {  	s3 =	sadd.s32 s3, s9;
	s6 =	sadd.s32 @!p0 $0x88, s6;
	s7 =	simm.s32 @p2 $0x1082  }
0x22: {  	[simem:s7], [sflag:s8] =	dma.local @!p0 [hbm:s6], $0xF7A  }
0x23: {  	s9 =	sor.u32 $0xD0000000, s2;
	s6 =	simm.s32 $0x108;
	_ =	swait.ge @!p0 [sflag:s8], $0x0  }
0x24: {  	s3 =	sadd.s32 $0x88, s3;
	s6 =	simm.s32 @!p1 $0x1082;
	[sflag:s4] =	ssyncset.s32 $0xFFFFF086  }
0x25: {  	[simem:s6], [sflag:s4] =	dma.local [hbm:s3], $0xF7A  }
0x26: {  	[smem:$0x3F93] =	sst s1;
	(tag) =	ssettag s2;
	_ =	strace s9  }
0x27: {  	s1 =	sld [smem:$0x3FA3]  }
0x28: {  	s2 =	sld [smem:$0x3FA4]  }
0x29: {  	s4 =	sld [smem:$0x3FA6]  }
0x2a: {  	p0 =	seq.s32 s5, $0x0;
	s5 =	sld [smem:$0x3FA7]  }
0x2b: {  	s6 =	sld [smem:$0x3FA8]  }
0x2c: {  	s7 =	sld [smem:$0x3FA9]  }
0x2d: {  	s3 =	simm.s32 $0x108;
	s8 =	sld [smem:$0x3FAA]  }
0x2e: {  	s3 =	simm.s32 @!p0 $0x1082;
	s9 =	sld [smem:$0x3FAB]  }
0x2f: {  	lr =	sadd.s32 s0, s3;
	s0 =	sld [smem:$0x3FA2]  }
0x30: {  	s3 =	sld [smem:$0x3FA5]  }
0x31: {  	[smem:$0x3FAE] =	sst s10  }
0x32: {  	s10 =	sld [smem:$0x3FAC];
	_ =	sdelay $0x3  }
0x33: {  	p0 =	seq.s32 s10, $0x1;
	s10 =	sld [smem:$0x3FAE];
	_ =	sdelay $0x3  }
0x34: {  	[smem:$0x3FAE] =	sst s10  }
0x35: {  	s10 =	sld [smem:$0x3FAD];
	_ =	sdelay $0x3  }
0x36: {  	p1 =	seq.s32 s10, $0x1;
	s10 =	sld [smem:$0x3FAE];
	_ =	sdelay $0x3  }
0x37: {  	[smem:$0x3FAE] =	sst s10  }
0x38: {  	s10 =	sld [smem:$0x3FAF]  }
0x39: {  	_ = 	snop;
	(pc) =	sbr.ind lr, $3  }
0x3a: {  	_ = 	snop  }
0x3b: {  	_ = 	snop  }
0x3c: {  	p2 =	seq.s32 s10, $0x1;
	s10 =	sld [smem:$0x3FAE]  }
0x3d: {  	_ =	shalt  }
0x3e: {  	_ =	shalt  }
0x3f: {  	_ =	shalt  }
0x40: {  	_ =	shalt  }
0x41: {  	_ =	shalt  }
0x42: {  	_ =	shalt  }
0x43: {  	_ =	shalt  }
0x44: {  	_ =	shalt  }
0x45: {  	_ =	shalt  }
0x46: {  	_ =	shalt  }
0x47: {  	_ =	shalt  }
0x48: {  	_ =	shalt  }
0x49: {  	_ =	shalt  }
0x4a: {  	_ =	shalt  }
0x4b: {  	_ =	shalt  }
0x4c: {  	_ =	shalt  }
0x4d: {  	_ =	shalt  }
0x4e: {  	_ =	shalt  }
0x4f: {  	_ =	shalt  }
0x50: {  	_ =	shalt  }
0x51: {  	_ =	shalt  }
0x52: {  	_ =	shalt  }
0x53: {  	_ =	shalt  }
0x54: {  	_ =	shalt  }
0x55: {  	_ =	shalt  }
0x56: {  	_ =	shalt  }
0x57: {  	_ =	shalt  }
0x58: {  	_ =	shalt  }
0x59: {  	_ =	shalt  }
0x5a: {  	_ =	shalt  }
0x5b: {  	_ =	shalt  }
0x5c: {  	_ =	shalt  }
0x5d: {  	_ =	shalt  }
0x5e: {  	_ =	shalt  }
0x5f: {  	_ =	shalt  }
0x60: {  	_ =	shalt  }
0x61: {  	_ =	shalt  }
0x62: {  	_ =	shalt  }
0x63: {  	_ =	shalt  }
0x64: {  	_ =	shalt  }
0x65: {  	_ =	shalt  }
0x66: {  	_ =	shalt  }
0x67: {  	_ =	shalt  }
0x68: {  	_ =	shalt  }
0x69: {  	_ =	shalt  }
0x6a: {  	_ =	shalt  }
0x6b: {  	_ =	shalt  }
0x6c: {  	_ =	shalt  }
0x6d: {  	_ =	shalt  }
0x6e: {  	_ =	shalt  }
0x6f: {  	_ =	shalt  }
0x70: {  	_ =	shalt  }
0x71: {  	_ =	shalt  }
0x72: {  	_ =	shalt  }
0x73: {  	_ =	shalt  }
0x74: {  	_ =	shalt  }
0x75: {  	_ =	shalt  }
0x76: {  	_ =	shalt  }
0x77: {  	_ =	shalt  }
0x78: {  	_ =	shalt  }
0x79: {  	_ =	shalt  }
0x7a: {  	_ =	shalt  }
0x7b: {  	_ =	shalt  }
0x7c: {  	_ =	shalt  }
0x7d: {  	_ =	shalt  }
0x7e: {  	_ =	shalt  }
0x7f: {  	_ =	shalt  }
0x80: {  	_ =	shalt  }
0x81: {  	_ =	shalt  }
0x82: {  	_ =	shalt  }
0x83: {  	_ =	shalt  }
0x84: {  	_ =	shalt  }
0x85: {  	_ =	shalt  }
0x86: {  	_ =	shalt  }
0x87: {  	_ =	shalt  }
.Lfunc_end0:
.L_simem_size_0:
called_computation.1_lowered:
.L_overlay_start_0:
0x88: {  	s2 =	sld [smem:$0x3FD9]  }
0x89: {  	s3 =	sld [smem:$0x3FFE];
	_ =	sdelay $0x1  }
0x8a: {  	s1 =	srdreg.scid  }
0x8b: {  	s0 =	sand.u32 $0x1, s1  }
0x8c: {  	s17 =	sshll.u32 s0, $0xA;
	s2 =	sadd.s32 s3, s2  }
0x8d: {  	s2 =	sadd.s32 s2, s17  }
0x8e: {  	[smem:$0x3FBA] =	sst s2  }
0x8f: {  	_ = 	snop  }
0x90: {  	s2 =	sld [smem:$0x3FD0];
	(tm) =	ssettm $0x1  }
0x91: {  	s18 =	sld [smem:$0x3FFB];
	_ =	sdelay $0x3  }
0x92: {  	_ =	strace s18  }
0x93: {  	s3 =	sld [smem:$0x3FFC];
	_ =	sdelay $0x3  }
0x94: {  	_ =	strace s3  }
0x95: {  	s3 =	sld [smem:$0x3FFD];
	_ =	sdelay $0x3  }
0x96: {  	_ =	strace s3  }
0x97: {  	_ =	strace $0x8FFFFFFF  }
0x98: {  	s19 =	sld [smem:$0x3FDB];
	_ =	sdelay $0x1  }
0x99: {  	s4 =	simm.s32 $_scs_section_size  }
0x9a: {  	s5 =	simm.s32 $_size__tile_overlayer_lowered;
	s6 =	simm.s32 $_tile_overlayer_lowered  }
0x9b: {  	s22 =	simm.s32 $0x1BFF;
	s21 =	sshll.u32 s6, $0x1;
	s3 =	sadd.s32 s4, s19  }
0x9c: {  	s7 =	simm.s32 $0x0;
	s20 =	sshll.u32 s5, $0x1;
	s5 =	sadd.s32 s21, s3  }
0x9d: {  	[timem:s7], [sflag:s22] =	dma.local [hbm:s5], s20  }
0x9e: {  	_ =	swait.ge [sflag:s22], s20  }
0x9f: {  	s4 =	ssub.s32 $0x0, s20;
	[sflag:s22] =	ssyncset.done $0x0  }
0xa0: {  	[sflag:s22] =	ssyncadd.s32 s4;
	_ =	sdelay $0x1  }
0xa1: {  	s23 =	simm.s32 $0x1B8B  }
0xa2: {  	_ =	swait.ge [sflag:s23], $0x1  }
0xa3: {  	[sflag:s23] =	ssyncset.done $0x0  }
0xa4: {  	s25 =	simm.s32 $0x1B8E;
	s24 =	sld [smem:$0x3FFE];
	[sflag:s23] =	ssyncadd.s32 $0xFFFFFFFF  }
0xa5: {  	s26 =	simm.s32 $execute0_lowered;
	[smem:$0x3FD2] =	sst s25  }
0xa6: {  	s5 =	sshll.u32 s26, $0x1;
	_ =	strace $0x80000049;
	[dreg:$0x1] =	wrdreg $0xFFFFFFFF  }
0xa7: {  	s28 =	simm.s32 $_size_execute0_lowered;
	s3 =	sadd.s32 s3, s5;
	[dreg:$0x0] =	wrdreg $0x0  }
0xa8: {  	s5 =	sshll.u32 s28, $0x1;
	[dreg:$0x2] =	wrdreg s3  }
0xa9: {  	[dreg:$0x3] =	wrdreg s5  }
0xaa: {  	[dreg:$0x4] =	wrdreg $0xC0  }
0xab: {  	_ =	task [dreg:s7], $0x5FFFF  }
0xac: {  	[dreg:$0x1] =	wrdreg $0xFFFFFFFF  }
0xad: {  	[dreg:$0x0] =	wrdreg $0x60  }
0xae: {  	[dreg:$0x2] =	wrdreg s24  }
0xaf: {  	[dreg:$0x3] =	wrdreg s2  }
0xb0: {  	[dreg:$0x4] =	wrdreg $0x9  }
0xb1: {  	_ =	task.clear_ibuf [dreg:s7], $0x5FFFF;
	_ =	strace $0x90000049  }
0xb2: {  	s29 =	simm.s32 $0x9;
	_ =	strace $0x8000004B  }
0xb3: {  	_ =	swait.ge [sflag:s29], $0x1  }
0xb4: {  	[sflag:s29] =	ssyncadd.s32 $0xFFFFFFFF  }
0xb5: {  	_ =	strace $0x9000004B  }
0xb6: {  	_ =	sfence  }
0xb7: {  	s30 =	sld [smem:$0x0];
	_ =	sdelay $0x2  }
0xb8: {  	s31 =	sshll.u32 s1, $0xD;
	s1 =	sshrl.u32 s1, $0x2  }
0xb9: {  	s3 =	sand.u32 $0x4000, s31;
	s1 =	sadd.s32 s1, s30  }
0xba: {  	s0 =	sor.u32 s3, s0;
	s1 =	sshll.u32 s1, $0x11  }
0xbb: {  	s0 =	sor.u32 s1, s0  }
0xbc: {  	s0 =	sadd.s32 $0x8F2B, s0  }
0xbd: {  	[sflag:s0] =	ssyncadd.remote.s32 $0x1  }
0xbe: {  	_ =	sfence.sel $0xFFFF  }
0xbf: {  	[dreg:$0x0] =	wrdreg $0xFFFFFFFF;
	(pc) =	sbr.abs _section_cstart, $3  }
0xc0: {  	[dreg:$0x1] =	wrdreg $0xFFFFFFFF  }
0xc1: {  	_ =	task.clear_ibuf [dreg:s7], $0x2FFFF;
	_ =	strace $0x9FFFFFFF  }
0xc2: {  	(tm) =	ssettm $0x7FFFFFFF  }
0xc3: {  	_ =	shalt  }
tec
execute0_lowered:
.L_overlay_start_1:
0x0: {  	(tag) =	ssettag $0x1  }
0x1: {  	s1 =	srdreg.scid  }
0x2: {  	s0 =	stileid.u32;
	s6 =	rddreg [dreg:$0x0]  }
0x3: {  	s2 =	rddreg [dreg:$0x1];
	s3 =	simm.s32 $0x0;
	s13 =	simm.s32 $0x1B190  }
0x4: {  	s14 =	simm.s32 $0x2;
	s15 =	simm.s32 $0x1;
	s16 =	simm.s32 $0x1B080  }
0x5: {  	s17 =	simm.s32 $0x1B100;
	s18 =	simm.s32 $0x80;
	s19 =	simm.s32 $0x18880  }
0x6: {  	s20 =	simm.s32 $0x6220;
	s21 =	simm.s32 $0xC440;
	s22 =	simm.s32 $0x12660  }
0x7: {  	s23 =	simm.s32 $0x0;
	s7 =	sand.u32 $0x1, s1;
	s30 =	sshll.u32 s0, $0x1  }
0x8: {  	[smem:$0x7FF] =	sst s3;
	s4 =	sadd.s32 $0x2DBE00, s6;
	s8 =	sor.u32 s7, s30  }
0x9: {  	s1 =	rddreg [dreg:$0x2];
	_ =	strace $0x8000004A;
	s5 =	smul.u32 $0x6220, s8  }
.Ltmp0:
0xa: {  	s12 =	ssub.s32 $0x2, s7;
	s10 =	sadd.s32 s8, s6;
	(pc) =	sbr.rel .LBB2_1-.Ltmp0, $4  }
0xb: {  	s7 =	smul.u32 $0xA0000, s8;
	s31 =	sshrl.u32 s12, $0x1;
	s9 =	sshrl.u32 s5, $0x3  }
0xc: {  	s5 =	sadd.s32 $0x34A00, s6;
	s11 =	sadd.s32 s9, s6;
	s6 =	sadd.s32 $0x2B4A00, s10  }
0xd: {  	v1 =	vimm.f32 $3.000000010e+38;
	s12 =	ssub.s32 s12, s31;
	s8 =	sadd.s32 $0x2F4600, s11;
	s9 =	sadd.s32 $0x30CE80, s11  }
0xe: {  	v0 =	vimm.f32 $0.0e+00;
	v2 =	vimm.f32 $-3.000000010e+38;
	s12 =	smax.u32 s12, $0x1;
	s10 =	sadd.s32 $0x325700, s11;
	s11 =	sadd.s32 $0x33DF80, s11  }
.LBB2_7:
0xf: {  	[hbm4b:s8+s3] =	stream.linear.scatter [tilespmem:s3], [sflag:$0x2], $0x6220, $0x38;
	[tilespmem:$0x1B1A0] =	vst v63  }
0x10: {  	_ =	swait.ge [sflag:s14], $0x6220  }
0x11: {  	[sflag:s14] =	ssyncset.done $0x0  }
0x12: {  	[sflag:s14] =	ssyncadd.s32 $0xFFFF9DE0  }
0x13: {  	[hbm4b:s9+s3] =	stream.linear.scatter [tilespmem:s20], [sflag:$0x2], $0x6220, $0x38;
	[tilespmem:$0x1B1A0] =	vst v63  }
0x14: {  	_ =	swait.ge [sflag:s14], $0x6220  }
0x15: {  	[sflag:s14] =	ssyncset.done $0x0  }
0x16: {  	[sflag:s14] =	ssyncadd.s32 $0xFFFF9DE0  }
0x17: {  	[hbm4b:s10+s3] =	stream.linear.scatter [tilespmem:s21], [sflag:$0x2], $0x6220, $0x38;
	[tilespmem:$0x1B1A0] =	vst v63  }
0x18: {  	s23 =	sadd.s32 $0x1, s23;
	_ =	swait.ge [sflag:s14], $0x6220  }
0x19: {  	p0 =	sne.s32 s23, s12;
	[sflag:s14] =	ssyncset.done $0x0  }
.Ltmp1:
0x1a: {  	[sflag:s14] =	ssyncadd.s32 $0xFFFF9DE0;
	(pc) =	sbr.rel @!p0 .LBB2_8-.Ltmp1, $4  }
0x1b: {  	[hbm4b:s11+s3] =	stream.linear.scatter [tilespmem:s22], [sflag:$0x2], $0x6220, $0x38;
	[tilespmem:$0x1B1A0] =	vst v63  }
0x1c: {  	_ =	swait.ge [sflag:s14], $0x6220  }
0x1d: {  	[sflag:s14] =	ssyncset.done $0x0  }
0x1e: {  	[sflag:s14] =	ssyncadd.s32 $0xFFFF9DE0  }
.LBB2_1:
0x1f: {  	[tilespmem:s13], [sflag:$0x2] =	stream.linear.gather [hbm4b:s6+s3], $0x8, $0x38;
	[tilespmem:$0x1B1A0] =	vst v63  }
0x20: {  	_ =	swait.ge [sflag:s14], $0x8  }
0x21: {  	[sflag:s14] =	ssyncset.done $0x0  }
0x22: {  	[sflag:s14] =	ssyncadd.s32 $0xFFFFFFF8  }
0x23: {  	s24 =	simm.s32 $0x0;
	s25 =	simm.s32 $0x140;
	v3 =	vld [tilespmem:$0x1B190]  }
.LBB2_2:
0x24: {  	p0 =	seq.s32 s25, $0x18740;
	[tilespmem:s24+$0x126A0] =	vst v2  }
0x25: {  	[tilespmem:s24+$0x0] =	vst v0  }
0x26: {  	[tilespmem:s24+$0x6220] =	vst v0  }
0x27: {  	[tilespmem:s24+$0xC440] =	vst v1  }
0x28: {  	[tilespmem:s24+$0x12660] =	vst v2  }
0x29: {  	[tilespmem:s24+$0x10] =	vst v0  }
0x2a: {  	[tilespmem:s24+$0x6230] =	vst v0  }
0x2b: {  	[tilespmem:s24+$0xC450] =	vst v1  }
0x2c: {  	[tilespmem:s24+$0x12670] =	vst v2  }
0x2d: {  	[tilespmem:s24+$0x20] =	vst v0  }
0x2e: {  	[tilespmem:s24+$0x6240] =	vst v0  }
0x2f: {  	[tilespmem:s24+$0xC460] =	vst v1  }
0x30: {  	[tilespmem:s24+$0x12680] =	vst v2  }
0x31: {  	[tilespmem:s24+$0x30] =	vst v0  }
0x32: {  	[tilespmem:s24+$0x6250] =	vst v0  }
.Ltmp2:
0x33: {  	[tilespmem:s24+$0xC470] =	vst v1;
	(pc) =	sbr.rel @!p0 .LBB2_2-.Ltmp2, $4  }
0x34: {  	[tilespmem:s24+$0x12690] =	vst v2  }
0x35: {  	[tilespmem:s24+$0x40] =	vst v0  }
0x36: {  	[tilespmem:s24+$0x6260] =	vst v0  }
0x37: {  	[tilespmem:s24+$0xC480] =	vst v1;
	s24 =	sshra.s32 s25, $0x2;
	s25 =	sadd.s32 $0x140, s25  }
0x38: {  	[tilespmem:s24+$0x126A0] =	vst v2  }
0x39: {  	[tilespmem:s24+$0x0] =	vst v0  }
0x3a: {  	[tilespmem:s24+$0x6220] =	vst v0  }
0x3b: {  	[tilespmem:s24+$0xC440] =	vst v1;
	(v2sf) =	vpush v3, $0x0  }
0x3c: {  	[tilespmem:s24+$0x12660] =	vst v2  }
0x3d: {  	[tilespmem:s24+$0x10] =	vst v0  }
0x3e: {  	[tilespmem:s24+$0x6230] =	vst v0  }
0x3f: {  	[tilespmem:s24+$0xC450] =	vst v1  }
0x40: {  	[tilespmem:s24+$0x12670] =	vst v2  }
0x41: {  	[tilespmem:s24+$0x20] =	vst v0  }
0x42: {  	[tilespmem:s24+$0x6240] =	vst v0  }
0x43: {  	[tilespmem:s24+$0xC460] =	vst v1  }
0x44: {  	[tilespmem:s24+$0x12680] =	vst v2  }
0x45: {  	[tilespmem:s24+$0x30] =	vst v0  }
0x46: {  	[tilespmem:s24+$0x6250] =	vst v0  }
0x47: {  	[tilespmem:s24+$0xC470] =	vst v1  }
0x48: {  	[tilespmem:s24+$0x12690] =	vst v2  }
0x49: {  	[tilespmem:s24+$0x40] =	vst v0  }
0x4a: {  	[tilespmem:s24+$0x6260] =	vst v0;
	s30 =	spop (v2sf)  }
0x4b: {  	[tilespmem:s24+$0xC480] =	vst v1;
	s24 =	sadd.s32 $0x7F, s30  }
0x4c: {  	s25 =	sand.u32 $0x7F, s24  }
0x4d: {  	s26 =	sshra.s32 s24, $0x1F;
	p0 =	slt.s32 s24, $0x1;
	p1 =	sne.s32 s25, $0x0  }
0x4e: {  	s31 =	sshrl.u32 s26, $0x19;
	p0 =	por !p0, !p1  }
0x4f: {  	s25 =	simm.s32 $0x1;
	s24 =	sadd.s32 s31, s24;
	p0 =	por !p0, !p0  }
0x50: {  	s24 =	sshra.s32 s24, $0x7;
	s25 =	simm.s32 @!p0 $0x0  }
0x51: {  	s24 =	ssub.s32 s24, s25  }
0x52: {  	p0 =	sgt.s32 s24, $0x0  }
.Ltmp3:
0x53: {  	_ = 	snop;
	(pc) =	sbr.rel @!p0 .LBB2_7-.Ltmp3, $2  }
0x54: {  	_ =	sdelay $0x2  }
0x55: {  	s26 =	simm.s32 $0x0;
	s25 =	simm.s32 $0x0  }
.LBB2_4:
0x56: {  	s28 =	sshll.u32 s26, $0x7  }
0x57: {  	s28 =	sadd.s32 s7, s28  }
0x58: {  	s28 =	sshrl.u32 s28, $0x3  }
0x59: {  	s29 =	sadd.s32 s2, s28  }
0x5a: {  	[tilespmem:s16], [sflag:$0x2] =	stream.linear.gather [hbm4b:s29+s25], $0x80, $0x38;
	[tilespmem:$0x1B1A0] =	vst v63  }
0x5b: {  	_ =	swait.ge [sflag:s14], $0x80  }
0x5c: {  	[sflag:s14] =	ssyncset.done $0x0  }
0x5d: {  	s28 =	sadd.s32 s5, s28;
	[sflag:s14] =	ssyncadd.s32 $0xFFFFFF80  }
0x5e: {  	[tilespmem:s17], [sflag:$0x2] =	stream.linear.gather [hbm4b:s28+s25], $0x80, $0x38;
	[tilespmem:$0x1B1A0] =	vst v63  }
0x5f: {  	_ =	swait.ge [sflag:s14], $0x80  }
0x60: {  	[sflag:s14] =	ssyncset.done $0x0  }
0x61: {  	[sflag:s14] =	ssyncadd.s32 $0xFFFFFF80  }
0x62: {  	[tilespmem:s19], [sflag:$0x1] =	stream.indirect.gather [hbm4b:s4+s18], $0x50, s16, s18, $0xb8;
	[tilespmem:$0x1B1A0] =	vst v63  }
0x63: {  	_ =	swait.ge [sflag:s15], $0x2800  }
0x64: {  	[sflag:s15] =	ssyncset.done $0x0  }
0x65: {  	s28 =	simm.s32 $0x0;
	[sflag:s15] =	ssyncadd.s32 $0xFFFFD800  }
0x66: {  	v3 =	vld [tilespmem:s28+$0x1B100];
	_ =	sdelay $0x4  }
0x67: {  	(v2sf) =	vpush v3, $0x0;
	_ =	sdelay $0xe  }
0x68: {  	s29 =	spop (v2sf)  }
0x69: {  	s28 =	simm.s32 $0x188A0;
	s29 =	smul.u32 $0x50, s29  }
0x6a: {  	v3 =	vld [tilespmem:s28+$0xFFFFFFE0]  }
0x6b: {  	v4 =	vld [tilespmem:s29+$0x12660]  }
0x6c: {  	v5 =	vld [tilespmem:s29+$0xC440]  }
0x6d: {  	v6 =	vld [tilespmem:s29+$0x0]  }
0x6e: {  	v7 =	vld [tilespmem:s29+$0x6220];
	_ =	sdelay $0x2  }
0x6f: {  	v8 =	vmul.f32 v3, v3;
	v4 =	vmax.f32 v4, v3  }
0x70: {  	v5 =	vmin.f32 v5, v3;
	v3 =	vadd.f32 v6, v3;
	[tilespmem:s29+$0x12660] =	vst v4  }
0x71: {  	[tilespmem:s29+$0xC440] =	vst v5;
	v4 =	vadd.f32 v7, v8  }
0x72: {  	[tilespmem:s29+$0x0] =	vst v3;
	v3 =	vld [tilespmem:s29+$0xC450]  }
0x73: {  	[tilespmem:s29+$0x6220] =	vst v4;
	v4 =	vld [tilespmem:s29+$0x10]  }
0x74: {  	v5 =	vld [tilespmem:s28+$0xFFFFFFF0]  }
0x75: {  	v6 =	vld [tilespmem:s29+$0x12670]  }
0x76: {  	v7 =	vld [tilespmem:s29+$0x6230];
	_ =	sdelay $0x2  }
0x77: {  	v4 =	vadd.f32 v4, v5;
	v3 =	vmin.f32 v3, v5;
	v8 =	vmul.f32 v5, v5  }
0x78: {  	[tilespmem:s29+$0xC450] =	vst v3  }
0x79: {  	v3 =	vmax.f32 v6, v5;
	[tilespmem:s29+$0x10] =	vst v4;
	v4 =	vadd.f32 v7, v8  }
0x7a: {  	[tilespmem:s29+$0x12670] =	vst v3;
	v3 =	vld [tilespmem:s29+$0xC460]  }
0x7b: {  	[tilespmem:s29+$0x6230] =	vst v4;
	v4 =	vld [tilespmem:s29+$0x20]  }
0x7c: {  	v5 =	vld [tilespmem:s28+$0x0]  }
0x7d: {  	v6 =	vld [tilespmem:s29+$0x12680]  }
0x7e: {  	v7 =	vld [tilespmem:s29+$0x6240];
	_ =	sdelay $0x2  }
0x7f: {  	v4 =	vadd.f32 v4, v5;
	v3 =	vmin.f32 v3, v5;
	v8 =	vmul.f32 v5, v5  }
0x80: {  	[tilespmem:s29+$0xC460] =	vst v3  }
0x81: {  	v3 =	vmax.f32 v6, v5;
	[tilespmem:s29+$0x20] =	vst v4;
	v4 =	vadd.f32 v7, v8  }
0x82: {  	[tilespmem:s29+$0x12680] =	vst v3;
	v3 =	vld [tilespmem:s29+$0xC470]  }
0x83: {  	[tilespmem:s29+$0x6240] =	vst v4;
	v4 =	vld [tilespmem:s29+$0x30]  }
0x84: {  	v5 =	vld [tilespmem:s28+$0x10]  }
0x85: {  	v6 =	vld [tilespmem:s29+$0x12690]  }
0x86: {  	v7 =	vld [tilespmem:s29+$0x6250];
	_ =	sdelay $0x2  }
0x87: {  	v4 =	vadd.f32 v4, v5;
	v3 =	vmin.f32 v3, v5;
	v8 =	vmul.f32 v5, v5  }
0x88: {  	[tilespmem:s29+$0xC470] =	vst v3  }
0x89: {  	v3 =	vmax.f32 v6, v5;
	[tilespmem:s29+$0x30] =	vst v4;
	v4 =	vadd.f32 v7, v8  }
0x8a: {  	[tilespmem:s29+$0x12690] =	vst v3;
	v8 =	vld [tilespmem:s29+$0xC480]  }
0x8b: {  	[tilespmem:s29+$0x6250] =	vst v4;
	v4 =	vld [tilespmem:s29+$0x40]  }
0x8c: {  	v3 =	vld [tilespmem:s28+$0x20];
	_ =	sdelay $0x1  }
0x8d: {  	v6 =	vld [tilespmem:s29+$0x126A0]  }
0x8e: {  	v5 =	vld [tilespmem:s29+$0x6260];
	_ =	sdelay $0x1  }
0x8f: {  	s30 =	simm.s32 $0x4;
	v4 =	vadd.f32 v4, v3;
	v7 =	vmul.f32 v3, v3;
	v8 =	vmin.f32 v8, v3  }
.LBB2_5:
0x90: {  	p0 =	sne.s32 s30, $0x1FC  }
0x91: {  	[tilespmem:s29+$0xC480] =	vst v8;
	v3 =	vmax.f32 v6, v3;
	s28 =	sadd.s32 $0x50, s28;
	s31 =	smov.u32 s30;
	s30 =	sadd.s32 $0x4, s30  }
0x92: {  	v5 =	vadd.f32 v5, v7;
	[tilespmem:s29+$0x126A0] =	vst v3  }
0x93: {  	[tilespmem:s29+$0x40] =	vst v4  }
0x94: {  	s31 =	sshra.s32 s31, $0x2;
	[tilespmem:s29+$0x6260] =	vst v5  }
0x95: {  	v3 =	vld [tilespmem:s31+$0x1B100];
	_ =	sdelay $0x4  }
0x96: {  	(v2sf) =	vpush v3, $0x0;
	_ =	sdelay $0xe  }
0x97: {  	s29 =	spop (v2sf)  }
0x98: {  	s29 =	smul.u32 $0x50, s29  }
0x99: {  	v3 =	vld [tilespmem:s28+$0xFFFFFFE0]  }
0x9a: {  	v4 =	vld [tilespmem:s29+$0x12660]  }
0x9b: {  	v5 =	vld [tilespmem:s29+$0xC440]  }
0x9c: {  	v6 =	vld [tilespmem:s29+$0x0]  }
0x9d: {  	v7 =	vld [tilespmem:s29+$0x6220];
	_ =	sdelay $0x1  }
0x9e: {  	v4 =	vmax.f32 v4, v3  }
0x9f: {  	v8 =	vmul.f32 v3, v3;
	v5 =	vmin.f32 v5, v3  }
0xa0: {  	v3 =	vadd.f32 v6, v3;
	[tilespmem:s29+$0x12660] =	vst v4  }
0xa1: {  	v4 =	vadd.f32 v7, v8;
	[tilespmem:s29+$0xC440] =	vst v5  }
0xa2: {  	[tilespmem:s29+$0x0] =	vst v3;
	v3 =	vld [tilespmem:s29+$0xC450]  }
0xa3: {  	[tilespmem:s29+$0x6220] =	vst v4;
	v4 =	vld [tilespmem:s29+$0x10]  }
0xa4: {  	v5 =	vld [tilespmem:s28+$0xFFFFFFF0]  }
0xa5: {  	v6 =	vld [tilespmem:s29+$0x12670]  }
0xa6: {  	v7 =	vld [tilespmem:s29+$0x6230];
	_ =	sdelay $0x2  }
0xa7: {  	v4 =	vadd.f32 v4, v5;
	v8 =	vmul.f32 v5, v5;
	v3 =	vmin.f32 v3, v5  }
0xa8: {  	[tilespmem:s29+$0xC450] =	vst v3;
	v3 =	vmax.f32 v6, v5  }
0xa9: {  	[tilespmem:s29+$0x10] =	vst v4;
	v4 =	vadd.f32 v7, v8  }
0xaa: {  	[tilespmem:s29+$0x12670] =	vst v3;
	v3 =	vld [tilespmem:s29+$0xC460]  }
0xab: {  	[tilespmem:s29+$0x6230] =	vst v4;
	v4 =	vld [tilespmem:s29+$0x20]  }
0xac: {  	v5 =	vld [tilespmem:s28+$0x0]  }
0xad: {  	v6 =	vld [tilespmem:s29+$0x12680]  }
0xae: {  	v7 =	vld [tilespmem:s29+$0x6240];
	_ =	sdelay $0x2  }
0xaf: {  	v4 =	vadd.f32 v4, v5;
	v8 =	vmul.f32 v5, v5;
	v3 =	vmin.f32 v3, v5  }
0xb0: {  	[tilespmem:s29+$0xC460] =	vst v3;
	v3 =	vmax.f32 v6, v5  }
0xb1: {  	[tilespmem:s29+$0x20] =	vst v4;
	v4 =	vadd.f32 v7, v8  }
0xb2: {  	[tilespmem:s29+$0x12680] =	vst v3;
	v3 =	vld [tilespmem:s29+$0xC470]  }
0xb3: {  	[tilespmem:s29+$0x6240] =	vst v4;
	v4 =	vld [tilespmem:s29+$0x30]  }
0xb4: {  	v5 =	vld [tilespmem:s28+$0x10]  }
0xb5: {  	v6 =	vld [tilespmem:s29+$0x12690]  }
0xb6: {  	v7 =	vld [tilespmem:s29+$0x6250];
	_ =	sdelay $0x2  }
0xb7: {  	v4 =	vadd.f32 v4, v5;
	v8 =	vmul.f32 v5, v5;
	v3 =	vmin.f32 v3, v5  }
0xb8: {  	[tilespmem:s29+$0xC470] =	vst v3;
	v3 =	vmax.f32 v6, v5  }
0xb9: {  	[tilespmem:s29+$0x30] =	vst v4;
	v4 =	vadd.f32 v7, v8  }
0xba: {  	[tilespmem:s29+$0x12690] =	vst v3;
	v8 =	vld [tilespmem:s29+$0xC480]  }
0xbb: {  	[tilespmem:s29+$0x6250] =	vst v4;
	v4 =	vld [tilespmem:s29+$0x40]  }
0xbc: {  	v3 =	vld [tilespmem:s28+$0x20]  }
.Ltmp4:
0xbd: {  	v6 =	vld [tilespmem:s29+$0x126A0];
	(pc) =	sbr.rel @p0 .LBB2_5-.Ltmp4, $2  }
0xbe: {  	v5 =	vld [tilespmem:s29+$0x6260];
	_ =	sdelay $0x2  }
0xbf: {  	v4 =	vadd.f32 v4, v3;
	v7 =	vmul.f32 v3, v3;
	v8 =	vmin.f32 v8, v3  }
0xc0: {  	s26 =	sadd.s32 $0x1, s26  }
0xc1: {  	p0 =	sne.s32 s26, s24  }
.Ltmp5:
0xc2: {  	_ = 	snop;
	(pc) =	sbr.rel @p0 .LBB2_4-.Ltmp5, $4  }
.Ltmp6:
0xc3: {  	[tilespmem:s29+$0xC480] =	vst v8;
	v3 =	vmax.f32 v6, v3;
	(pc) =	sbr.rel @!p0 .LBB2_7-.Ltmp6, $4  }
0xc4: {  	v5 =	vadd.f32 v5, v7;
	[tilespmem:s29+$0x126A0] =	vst v3  }
0xc5: {  	[tilespmem:s29+$0x40] =	vst v4  }
0xc6: {  	[tilespmem:s29+$0x6260] =	vst v5  }
0xc7: {  	_ = 	snop  }
.LBB2_8:
0xc8: {  	_ =	sfence.sel $0x180000  }
0xc9: {  	[bflag:$0x0] =	sbarrier.arrive $0xFFFF  }
0xca: {  	p0 =	sne.s32 s0, $0x0;
	_ =	strace $0x9000004A  }
0xcb: {  	s0 =	sadd.s32 @!p0 $0x100000, s1;
	[bflag:$0x2] =	sbarrier.arrive $0xFFFF  }
0xcc: {  	[sflag:s0] =	ssyncadd.tile.s32 @!p0 $0x1;
	_ =	shalt  }
.Lfunc_end2:
_tile_overlayer_lowered:
.L_overlay_start_2:
0xcd: {  	(tag) =	ssettag $0x2  }
0xce: {  	s0 =	rddreg [dreg:$0x0];
	s2 =	stileid.u32  }
0xcf: {  	s1 =	rddreg [dreg:$0x1];
	p0 =	sne.s32 s2, $0x0  }
0xd0: {  	s3 =	rddreg [dreg:$0x2];
	[bflag:$0x3] =	sbarrier.arrive $0xFFFF;
	s2 =	simm.s32 @!p0 $0x1C02  }
0xd1: {  	[timem:s3], [sflag:s2] =	dma.local @!p0 [hbm:s0], s1  }
0xd2: {  	s0 =	simm.s32 @!p0 $0x2  }
0xd3: {  	_ =	swait.ge @!p0 [sflag:s0], s1  }
0xd4: {  	s1 =	ssub.s32 @!p0 $0x0, s1;
	[sflag:s0] =	ssyncset.done @!p0 $0x0  }
0xd5: {  	[sflag:s0] =	ssyncadd.s32 @!p0 s1  }
0xd6: {  	[bflag:$0x3] =	sbarrier.arrive $0xFFFF  }
0xd7: {  	_ =	shalt  }

// kernel: kernel.14.cloned.1.call-start
scs
__scs_entry_jumppad:
0x0: {  	(pc) =	sbr.rel $0x88, $3  }
0x1: {  	(tag) =	ssettag $0x0;
	lr =	simm.s32 $0x1  }
0x2: {  	[smem:$0x3F93] =	sst lr;
	_ =	strace $0xD0000000  }
0x3: {  	_ = 	snop  }
0x4: {  	_ = 	snop  }
0x5: {  	_ = 	snop  }
0x6: {  	_ = 	snop  }
0x7: {  	_ = 	snop  }
__scs_overlays_trampoline_lowered:
0x8: {  	[smem:$0x3FA2] =	sst s0  }
0x9: {  	[smem:$0x3FA3] =	sst s1  }
0xa: {  	[smem:$0x3FA4] =	sst s2  }
0xb: {  	[smem:$0x3FA5] =	sst s3  }
0xc: {  	[smem:$0x3FA6] =	sst s4  }
0xd: {  	[smem:$0x3FA7] =	sst s5  }
0xe: {  	[smem:$0x3FA8] =	sst s6  }
0xf: {  	[smem:$0x3FA9] =	sst s7  }
0x10: {  	[smem:$0x3FAA] =	sst s8  }
0x11: {  	[smem:$0x3FAB] =	sst s9;
	s0 =	simm.s32 @!p0 $0x0  }
0x12: {  	s1 =	sld [smem:$0x3F91];
	s0 =	simm.s32 @p0 $0x1  }
0x13: {  	[smem:$0x3FAC] =	sst s0;
	s0 =	simm.s32 @!p1 $0x0  }
0x14: {  	s2 =	sld [smem:$0x3F90];
	s0 =	simm.s32 @p1 $0x1  }
0x15: {  	[smem:$0x3FAD] =	sst s0;
	s0 =	simm.s32 @!p2 $0x0  }
0x16: {  	s3 =	sld [smem:$0x3FDB];
	s0 =	simm.s32 @p2 $0x1  }
0x17: {  	s4 =	simm.s32 $0x1BF5;
	[smem:$0x3FAF] =	sst s0  }
0x18: {  	s0 =	sld [smem:$0x3F92];
	_ =	swait.ge [sflag:s4], $0x0  }
0x19: {  	s7 =	sld [smem:$0x3F93]  }
0x1a: {  	s8 =	sadd.s32 $0xFFFFE003, lr  }
0x1b: {  	s9 =	sadd.s32 $0xFFFFFEF7, lr;
	s5 =	simm.s32 $0xFFFFFFFF;
	p2 =	slt.u32 s8, $0xFFFFF086  }
0x1c: {  	p1 =	slt.u32 s9, $0xF7A;
	s5 =	simm.s32 @!p2 $0x0  }
0x1d: {  	s5 =	simm.s32 @p1 $0x1;
	p0 =	seq.s32 s7, s2  }
0x1e: {  	s7 =	smul.u32 @!p0 $0xF7A, s2;
	p2 =	seq.s32 @!p0 s5, $0x0  }
0x1f: {  	s9 =	smul.u32 $0xF7A, s1;
	s8 =	simm.s32 @!p0 $0x1BF5;
	p2 =	por !p2, p0  }
0x20: {  	[sflag:s8] =	ssyncset.s32 @!p0 $0xFFFFF086;
	s6 =	sadd.s32 @!p0 s3, s7;
	s7 =	simm.s32 @!p0 $0x108  }
0x21: {  	s3 =	sadd.s32 s3, s9;
	s6 =	sadd.s32 @!p0 $0x88, s6;
	s7 =	simm.s32 @p2 $0x1082  }
0x22: {  	[simem:s7], [sflag:s8] =	dma.local @!p0 [hbm:s6], $0xF7A  }
0x23: {  	s9 =	sor.u32 $0xD0000000, s2;
	s6 =	simm.s32 $0x108;
	_ =	swait.ge @!p0 [sflag:s8], $0x0  }
0x24: {  	s3 =	sadd.s32 $0x88, s3;
	s6 =	simm.s32 @!p1 $0x1082;
	[sflag:s4] =	ssyncset.s32 $0xFFFFF086  }
0x25: {  	[simem:s6], [sflag:s4] =	dma.local [hbm:s3], $0xF7A  }
0x26: {  	[smem:$0x3F93] =	sst s1;
	(tag) =	ssettag s2;
	_ =	strace s9  }
0x27: {  	s1 =	sld [smem:$0x3FA3]  }
0x28: {  	s2 =	sld [smem:$0x3FA4]  }
0x29: {  	s4 =	sld [smem:$0x3FA6]  }
0x2a: {  	p0 =	seq.s32 s5, $0x0;
	s5 =	sld [smem:$0x3FA7]  }
0x2b: {  	s6 =	sld [smem:$0x3FA8]  }
0x2c: {  	s7 =	sld [smem:$0x3FA9]  }
0x2d: {  	s3 =	simm.s32 $0x108;
	s8 =	sld [smem:$0x3FAA]  }
0x2e: {  	s3 =	simm.s32 @!p0 $0x1082;
	s9 =	sld [smem:$0x3FAB]  }
0x2f: {  	lr =	sadd.s32 s0, s3;
	s0 =	sld [smem:$0x3FA2]  }
0x30: {  	s3 =	sld [smem:$0x3FA5]  }
0x31: {  	[smem:$0x3FAE] =	sst s10  }
0x32: {  	s10 =	sld [smem:$0x3FAC];
	_ =	sdelay $0x3  }
0x33: {  	p0 =	seq.s32 s10, $0x1;
	s10 =	sld [smem:$0x3FAE];
	_ =	sdelay $0x3  }
0x34: {  	[smem:$0x3FAE] =	sst s10  }
0x35: {  	s10 =	sld [smem:$0x3FAD];
	_ =	sdelay $0x3  }
0x36: {  	p1 =	seq.s32 s10, $0x1;
	s10 =	sld [smem:$0x3FAE];
	_ =	sdelay $0x3  }
0x37: {  	[smem:$0x3FAE] =	sst s10  }
0x38: {  	s10 =	sld [smem:$0x3FAF]  }
0x39: {  	_ = 	snop;
	(pc) =	sbr.ind lr, $3  }
0x3a: {  	_ = 	snop  }
0x3b: {  	_ = 	snop  }
0x3c: {  	p2 =	seq.s32 s10, $0x1;
	s10 =	sld [smem:$0x3FAE]  }
0x3d: {  	_ =	shalt  }
0x3e: {  	_ =	shalt  }
0x3f: {  	_ =	shalt  }
0x40: {  	_ =	shalt  }
0x41: {  	_ =	shalt  }
0x42: {  	_ =	shalt  }
0x43: {  	_ =	shalt  }
0x44: {  	_ =	shalt  }
0x45: {  	_ =	shalt  }
0x46: {  	_ =	shalt  }
0x47: {  	_ =	shalt  }
0x48: {  	_ =	shalt  }
0x49: {  	_ =	shalt  }
0x4a: {  	_ =	shalt  }
0x4b: {  	_ =	shalt  }
0x4c: {  	_ =	shalt  }
0x4d: {  	_ =	shalt  }
0x4e: {  	_ =	shalt  }
0x4f: {  	_ =	shalt  }
0x50: {  	_ =	shalt  }
0x51: {  	_ =	shalt  }
0x52: {  	_ =	shalt  }
0x53: {  	_ =	shalt  }
0x54: {  	_ =	shalt  }
0x55: {  	_ =	shalt  }
0x56: {  	_ =	shalt  }
0x57: {  	_ =	shalt  }
0x58: {  	_ =	shalt  }
0x59: {  	_ =	shalt  }
0x5a: {  	_ =	shalt  }
0x5b: {  	_ =	shalt  }
0x5c: {  	_ =	shalt  }
0x5d: {  	_ =	shalt  }
0x5e: {  	_ =	shalt  }
0x5f: {  	_ =	shalt  }
0x60: {  	_ =	shalt  }
0x61: {  	_ =	shalt  }
0x62: {  	_ =	shalt  }
0x63: {  	_ =	shalt  }
0x64: {  	_ =	shalt  }
0x65: {  	_ =	shalt  }
0x66: {  	_ =	shalt  }
0x67: {  	_ =	shalt  }
0x68: {  	_ =	shalt  }
0x69: {  	_ =	shalt  }
0x6a: {  	_ =	shalt  }
0x6b: {  	_ =	shalt  }
0x6c: {  	_ =	shalt  }
0x6d: {  	_ =	shalt  }
0x6e: {  	_ =	shalt  }
0x6f: {  	_ =	shalt  }
0x70: {  	_ =	shalt  }
0x71: {  	_ =	shalt  }
0x72: {  	_ =	shalt  }
0x73: {  	_ =	shalt  }
0x74: {  	_ =	shalt  }
0x75: {  	_ =	shalt  }
0x76: {  	_ =	shalt  }
0x77: {  	_ =	shalt  }
0x78: {  	_ =	shalt  }
0x79: {  	_ =	shalt  }
0x7a: {  	_ =	shalt  }
0x7b: {  	_ =	shalt  }
0x7c: {  	_ =	shalt  }
0x7d: {  	_ =	shalt  }
0x7e: {  	_ =	shalt  }
0x7f: {  	_ =	shalt  }
0x80: {  	_ =	shalt  }
0x81: {  	_ =	shalt  }
0x82: {  	_ =	shalt  }
0x83: {  	_ =	shalt  }
0x84: {  	_ =	shalt  }
0x85: {  	_ =	shalt  }
0x86: {  	_ =	shalt  }
0x87: {  	_ =	shalt  }
.Lfunc_end0:
.L_simem_size_0:
called_computation.2_lowered:
.L_overlay_start_0:
0x88: {  	s2 =	sld [smem:$0x3FD9]  }
0x89: {  	s3 =	sld [smem:$0x3FFE];
	_ =	sdelay $0x1  }
0x8a: {  	s1 =	srdreg.scid  }
0x8b: {  	s0 =	sand.u32 $0x1, s1  }
0x8c: {  	s17 =	sshll.u32 s0, $0xA;
	s2 =	sadd.s32 s3, s2  }
0x8d: {  	s2 =	sadd.s32 s2, s17  }
0x8e: {  	[smem:$0x3FBA] =	sst s2  }
0x8f: {  	_ = 	snop  }
0x90: {  	s2 =	sld [smem:$0x3FD0];
	(tm) =	ssettm $0x1  }
0x91: {  	s18 =	sld [smem:$0x3FFB];
	_ =	sdelay $0x3  }
0x92: {  	_ =	strace s18  }
0x93: {  	s3 =	sld [smem:$0x3FFC];
	_ =	sdelay $0x3  }
0x94: {  	_ =	strace s3  }
0x95: {  	s3 =	sld [smem:$0x3FFD];
	_ =	sdelay $0x3  }
0x96: {  	_ =	strace s3  }
0x97: {  	_ =	strace $0x8FFFFFFF  }
0x98: {  	s19 =	sld [smem:$0x3FDB];
	_ =	sdelay $0x1  }
0x99: {  	s4 =	simm.s32 $_scs_section_size  }
0x9a: {  	s5 =	simm.s32 $_size__tile_overlayer_lowered;
	s6 =	simm.s32 $_tile_overlayer_lowered  }
0x9b: {  	s22 =	simm.s32 $0x1BFF;
	s21 =	sshll.u32 s6, $0x1;
	s3 =	sadd.s32 s4, s19  }
0x9c: {  	s7 =	simm.s32 $0x0;
	s20 =	sshll.u32 s5, $0x1;
	s5 =	sadd.s32 s21, s3  }
0x9d: {  	[timem:s7], [sflag:s22] =	dma.local [hbm:s5], s20  }
0x9e: {  	_ =	swait.ge [sflag:s22], s20  }
0x9f: {  	s4 =	ssub.s32 $0x0, s20;
	[sflag:s22] =	ssyncset.done $0x0  }
0xa0: {  	[sflag:s22] =	ssyncadd.s32 s4;
	_ =	sdelay $0x1  }
0xa1: {  	s23 =	simm.s32 $0x1B8B  }
0xa2: {  	_ =	swait.ge [sflag:s23], $0x1  }
0xa3: {  	[sflag:s23] =	ssyncset.done $0x0  }
0xa4: {  	s25 =	simm.s32 $0x1B8E;
	s24 =	sld [smem:$0x3FFE];
	[sflag:s23] =	ssyncadd.s32 $0xFFFFFFFF  }
0xa5: {  	s26 =	simm.s32 $execute0_lowered;
	[smem:$0x3FD2] =	sst s25  }
0xa6: {  	s5 =	sshll.u32 s26, $0x1;
	_ =	strace $0x8000004C;
	[dreg:$0x1] =	wrdreg $0xFFFFFFFF  }
0xa7: {  	s28 =	simm.s32 $_size_execute0_lowered;
	s3 =	sadd.s32 s3, s5;
	[dreg:$0x0] =	wrdreg $0x0  }
0xa8: {  	s5 =	sshll.u32 s28, $0x1;
	[dreg:$0x2] =	wrdreg s3  }
0xa9: {  	[dreg:$0x3] =	wrdreg s5  }
0xaa: {  	[dreg:$0x4] =	wrdreg $0xC0  }
0xab: {  	_ =	task [dreg:s7], $0x5FFFF  }
0xac: {  	[dreg:$0x1] =	wrdreg $0xFFFFFFFF  }
0xad: {  	[dreg:$0x0] =	wrdreg $0x60  }
0xae: {  	[dreg:$0x2] =	wrdreg s24  }
0xaf: {  	[dreg:$0x3] =	wrdreg s2  }
0xb0: {  	[dreg:$0x4] =	wrdreg $0x9  }
0xb1: {  	_ =	task.clear_ibuf [dreg:s7], $0x5FFFF;
	_ =	strace $0x9000004C  }
0xb2: {  	s29 =	simm.s32 $0x9;
	_ =	strace $0x8000004E  }
0xb3: {  	_ =	swait.ge [sflag:s29], $0x1  }
0xb4: {  	[sflag:s29] =	ssyncadd.s32 $0xFFFFFFFF  }
0xb5: {  	_ =	strace $0x9000004E  }
0xb6: {  	_ =	sfence  }
0xb7: {  	s30 =	sld [smem:$0x0];
	_ =	sdelay $0x2  }
0xb8: {  	s31 =	sshll.u32 s1, $0xD;
	s1 =	sshrl.u32 s1, $0x2  }
0xb9: {  	s3 =	sand.u32 $0x4000, s31;
	s1 =	sadd.s32 s1, s30  }
0xba: {  	s0 =	sor.u32 s3, s0;
	s1 =	sshll.u32 s1, $0x11  }
0xbb: {  	s0 =	sor.u32 s1, s0  }
0xbc: {  	s0 =	sadd.s32 $0x8F2B, s0  }
0xbd: {  	[sflag:s0] =	ssyncadd.remote.s32 $0x1  }
0xbe: {  	_ =	sfence.sel $0xFFFF  }
0xbf: {  	[dreg:$0x0] =	wrdreg $0xFFFFFFFF;
	(pc) =	sbr.abs _section_cstart, $3  }
0xc0: {  	[dreg:$0x1] =	wrdreg $0xFFFFFFFF  }
0xc1: {  	_ =	task.clear_ibuf [dreg:s7], $0x2FFFF;
	_ =	strace $0x9FFFFFFF  }
0xc2: {  	(tm) =	ssettm $0x7FFFFFFF  }
0xc3: {  	_ =	shalt  }
tec
execute0_lowered:
.L_overlay_start_1:
0x0: {  	(tag) =	ssettag $0x1  }
0x1: {  	s1 =	srdreg.scid  }
0x2: {  	s0 =	stileid.u32;
	s6 =	rddreg [dreg:$0x0]  }
0x3: {  	s2 =	rddreg [dreg:$0x1];
	s3 =	simm.s32 $0x0;
	s13 =	simm.s32 $0x1B190  }
0x4: {  	s14 =	simm.s32 $0x2;
	s15 =	simm.s32 $0x1;
	s16 =	simm.s32 $0x1B080  }
0x5: {  	s17 =	simm.s32 $0x1B100;
	s18 =	simm.s32 $0x80;
	s19 =	simm.s32 $0x18880  }
0x6: {  	s20 =	simm.s32 $0x6220;
	s21 =	simm.s32 $0xC440;
	s22 =	simm.s32 $0x12660  }
0x7: {  	s23 =	simm.s32 $0x0;
	s7 =	sand.u32 $0x1, s1;
	s30 =	sshll.u32 s0, $0x1  }
0x8: {  	[smem:$0x7FF] =	sst s3;
	s4 =	sadd.s32 $0x2B4C00, s6;
	s8 =	sor.u32 s7, s30  }
0x9: {  	s1 =	rddreg [dreg:$0x2];
	_ =	strace $0x8000004D;
	s5 =	smul.u32 $0x6220, s8  }
.Ltmp0:
0xa: {  	s12 =	ssub.s32 $0x2, s7;
	s10 =	sadd.s32 s8, s6;
	(pc) =	sbr.rel .LBB2_1-.Ltmp0, $4  }
0xb: {  	s7 =	smul.u32 $0xA0000, s8;
	s31 =	sshrl.u32 s12, $0x1;
	s9 =	sshrl.u32 s5, $0x3  }
0xc: {  	s5 =	sadd.s32 $0x34A00, s6;
	s11 =	sadd.s32 s9, s6;
	s6 =	sadd.s32 $0x2B4A00, s10  }
0xd: {  	v1 =	vimm.f32 $3.000000010e+38;
	s12 =	ssub.s32 s12, s31;
	s8 =	sadd.s32 $0x2CD400, s11;
	s9 =	sadd.s32 $0x2E5C80, s11  }
0xe: {  	v0 =	vimm.f32 $0.0e+00;
	v2 =	vimm.f32 $-3.000000010e+38;
	s12 =	smax.u32 s12, $0x1;
	s10 =	sadd.s32 $0x2FE500, s11;
	s11 =	sadd.s32 $0x316D80, s11  }
.LBB2_7:
0xf: {  	[hbm4b:s8+s3] =	stream.linear.scatter [tilespmem:s3], [sflag:$0x2], $0x6220, $0x38;
	[tilespmem:$0x1B1A0] =	vst v63  }
0x10: {  	_ =	swait.ge [sflag:s14], $0x6220  }
0x11: {  	[sflag:s14] =	ssyncset.done $0x0  }
0x12: {  	[sflag:s14] =	ssyncadd.s32 $0xFFFF9DE0  }
0x13: {  	[hbm4b:s9+s3] =	stream.linear.scatter [tilespmem:s20], [sflag:$0x2], $0x6220, $0x38;
	[tilespmem:$0x1B1A0] =	vst v63  }
0x14: {  	_ =	swait.ge [sflag:s14], $0x6220  }
0x15: {  	[sflag:s14] =	ssyncset.done $0x0  }
0x16: {  	[sflag:s14] =	ssyncadd.s32 $0xFFFF9DE0  }
0x17: {  	[hbm4b:s10+s3] =	stream.linear.scatter [tilespmem:s21], [sflag:$0x2], $0x6220, $0x38;
	[tilespmem:$0x1B1A0] =	vst v63  }
0x18: {  	s23 =	sadd.s32 $0x1, s23;
	_ =	swait.ge [sflag:s14], $0x6220  }
0x19: {  	p0 =	sne.s32 s23, s12;
	[sflag:s14] =	ssyncset.done $0x0  }
.Ltmp1:
0x1a: {  	[sflag:s14] =	ssyncadd.s32 $0xFFFF9DE0;
	(pc) =	sbr.rel @!p0 .LBB2_8-.Ltmp1, $4  }
0x1b: {  	[hbm4b:s11+s3] =	stream.linear.scatter [tilespmem:s22], [sflag:$0x2], $0x6220, $0x38;
	[tilespmem:$0x1B1A0] =	vst v63  }
0x1c: {  	_ =	swait.ge [sflag:s14], $0x6220  }
0x1d: {  	[sflag:s14] =	ssyncset.done $0x0  }
0x1e: {  	[sflag:s14] =	ssyncadd.s32 $0xFFFF9DE0  }
.LBB2_1:
0x1f: {  	[tilespmem:s13], [sflag:$0x2] =	stream.linear.gather [hbm4b:s6+s3], $0x8, $0x38;
	[tilespmem:$0x1B1A0] =	vst v63  }
0x20: {  	_ =	swait.ge [sflag:s14], $0x8  }
0x21: {  	[sflag:s14] =	ssyncset.done $0x0  }
0x22: {  	[sflag:s14] =	ssyncadd.s32 $0xFFFFFFF8  }
0x23: {  	s24 =	simm.s32 $0x0;
	s25 =	simm.s32 $0x140;
	v3 =	vld [tilespmem:$0x1B190]  }
.LBB2_2:
0x24: {  	p0 =	seq.s32 s25, $0x18740;
	[tilespmem:s24+$0x126A0] =	vst v2  }
0x25: {  	[tilespmem:s24+$0x0] =	vst v0  }
0x26: {  	[tilespmem:s24+$0x6220] =	vst v0  }
0x27: {  	[tilespmem:s24+$0xC440] =	vst v1  }
0x28: {  	[tilespmem:s24+$0x12660] =	vst v2  }
0x29: {  	[tilespmem:s24+$0x10] =	vst v0  }
0x2a: {  	[tilespmem:s24+$0x6230] =	vst v0  }
0x2b: {  	[tilespmem:s24+$0xC450] =	vst v1  }
0x2c: {  	[tilespmem:s24+$0x12670] =	vst v2  }
0x2d: {  	[tilespmem:s24+$0x20] =	vst v0  }
0x2e: {  	[tilespmem:s24+$0x6240] =	vst v0  }
0x2f: {  	[tilespmem:s24+$0xC460] =	vst v1  }
0x30: {  	[tilespmem:s24+$0x12680] =	vst v2  }
0x31: {  	[tilespmem:s24+$0x30] =	vst v0  }
0x32: {  	[tilespmem:s24+$0x6250] =	vst v0  }
.Ltmp2:
0x33: {  	[tilespmem:s24+$0xC470] =	vst v1;
	(pc) =	sbr.rel @!p0 .LBB2_2-.Ltmp2, $4  }
0x34: {  	[tilespmem:s24+$0x12690] =	vst v2  }
0x35: {  	[tilespmem:s24+$0x40] =	vst v0  }
0x36: {  	[tilespmem:s24+$0x6260] =	vst v0  }
0x37: {  	[tilespmem:s24+$0xC480] =	vst v1;
	s24 =	sshra.s32 s25, $0x2;
	s25 =	sadd.s32 $0x140, s25  }
0x38: {  	[tilespmem:s24+$0x126A0] =	vst v2  }
0x39: {  	[tilespmem:s24+$0x0] =	vst v0  }
0x3a: {  	[tilespmem:s24+$0x6220] =	vst v0  }
0x3b: {  	[tilespmem:s24+$0xC440] =	vst v1;
	(v2sf) =	vpush v3, $0x0  }
0x3c: {  	[tilespmem:s24+$0x12660] =	vst v2  }
0x3d: {  	[tilespmem:s24+$0x10] =	vst v0  }
0x3e: {  	[tilespmem:s24+$0x6230] =	vst v0  }
0x3f: {  	[tilespmem:s24+$0xC450] =	vst v1  }
0x40: {  	[tilespmem:s24+$0x12670] =	vst v2  }
0x41: {  	[tilespmem:s24+$0x20] =	vst v0  }
0x42: {  	[tilespmem:s24+$0x6240] =	vst v0  }
0x43: {  	[tilespmem:s24+$0xC460] =	vst v1  }
0x44: {  	[tilespmem:s24+$0x12680] =	vst v2  }
0x45: {  	[tilespmem:s24+$0x30] =	vst v0  }
0x46: {  	[tilespmem:s24+$0x6250] =	vst v0  }
0x47: {  	[tilespmem:s24+$0xC470] =	vst v1  }
0x48: {  	[tilespmem:s24+$0x12690] =	vst v2  }
0x49: {  	[tilespmem:s24+$0x40] =	vst v0  }
0x4a: {  	[tilespmem:s24+$0x6260] =	vst v0;
	s30 =	spop (v2sf)  }
0x4b: {  	[tilespmem:s24+$0xC480] =	vst v1;
	s24 =	sadd.s32 $0x7F, s30  }
0x4c: {  	s25 =	sand.u32 $0x7F, s24  }
0x4d: {  	s26 =	sshra.s32 s24, $0x1F;
	p0 =	slt.s32 s24, $0x1;
	p1 =	sne.s32 s25, $0x0  }
0x4e: {  	s31 =	sshrl.u32 s26, $0x19;
	p0 =	por !p0, !p1  }
0x4f: {  	s25 =	simm.s32 $0x1;
	s24 =	sadd.s32 s31, s24;
	p0 =	por !p0, !p0  }
0x50: {  	s24 =	sshra.s32 s24, $0x7;
	s25 =	simm.s32 @!p0 $0x0  }
0x51: {  	s24 =	ssub.s32 s24, s25  }
0x52: {  	p0 =	sgt.s32 s24, $0x0  }
.Ltmp3:
0x53: {  	_ = 	snop;
	(pc) =	sbr.rel @!p0 .LBB2_7-.Ltmp3, $2  }
0x54: {  	_ =	sdelay $0x2  }
0x55: {  	s26 =	simm.s32 $0x0;
	s25 =	simm.s32 $0x0  }
.LBB2_4:
0x56: {  	s28 =	sshll.u32 s26, $0x7  }
0x57: {  	s28 =	sadd.s32 s7, s28  }
0x58: {  	s28 =	sshrl.u32 s28, $0x3  }
0x59: {  	s29 =	sadd.s32 s2, s28  }
0x5a: {  	[tilespmem:s16], [sflag:$0x2] =	stream.linear.gather [hbm4b:s29+s25], $0x80, $0x38;
	[tilespmem:$0x1B1A0] =	vst v63  }
0x5b: {  	_ =	swait.ge [sflag:s14], $0x80  }
0x5c: {  	[sflag:s14] =	ssyncset.done $0x0  }
0x5d: {  	s28 =	sadd.s32 s5, s28;
	[sflag:s14] =	ssyncadd.s32 $0xFFFFFF80  }
0x5e: {  	[tilespmem:s17], [sflag:$0x2] =	stream.linear.gather [hbm4b:s28+s25], $0x80, $0x38;
	[tilespmem:$0x1B1A0] =	vst v63  }
0x5f: {  	_ =	swait.ge [sflag:s14], $0x80  }
0x60: {  	[sflag:s14] =	ssyncset.done $0x0  }
0x61: {  	[sflag:s14] =	ssyncadd.s32 $0xFFFFFF80  }
0x62: {  	[tilespmem:s19], [sflag:$0x1] =	stream.indirect.gather [hbm4b:s4+s18], $0x50, s16, s18, $0xb8;
	[tilespmem:$0x1B1A0] =	vst v63  }
0x63: {  	_ =	swait.ge [sflag:s15], $0x2800  }
0x64: {  	[sflag:s15] =	ssyncset.done $0x0  }
0x65: {  	s28 =	simm.s32 $0x0;
	[sflag:s15] =	ssyncadd.s32 $0xFFFFD800  }
0x66: {  	v3 =	vld [tilespmem:s28+$0x1B100];
	_ =	sdelay $0x4  }
0x67: {  	(v2sf) =	vpush v3, $0x0;
	_ =	sdelay $0xe  }
0x68: {  	s29 =	spop (v2sf)  }
0x69: {  	s28 =	simm.s32 $0x188A0;
	s29 =	smul.u32 $0x50, s29  }
0x6a: {  	v3 =	vld [tilespmem:s28+$0xFFFFFFE0]  }
0x6b: {  	v4 =	vld [tilespmem:s29+$0x12660]  }
0x6c: {  	v5 =	vld [tilespmem:s29+$0xC440]  }
0x6d: {  	v6 =	vld [tilespmem:s29+$0x0]  }
0x6e: {  	v7 =	vld [tilespmem:s29+$0x6220];
	_ =	sdelay $0x2  }
0x6f: {  	v8 =	vmul.f32 v3, v3;
	v4 =	vmax.f32 v4, v3  }
0x70: {  	v5 =	vmin.f32 v5, v3;
	v3 =	vadd.f32 v6, v3;
	[tilespmem:s29+$0x12660] =	vst v4  }
0x71: {  	[tilespmem:s29+$0xC440] =	vst v5;
	v4 =	vadd.f32 v7, v8  }
0x72: {  	[tilespmem:s29+$0x0] =	vst v3;
	v3 =	vld [tilespmem:s29+$0xC450]  }
0x73: {  	[tilespmem:s29+$0x6220] =	vst v4;
	v4 =	vld [tilespmem:s29+$0x10]  }
0x74: {  	v5 =	vld [tilespmem:s28+$0xFFFFFFF0]  }
0x75: {  	v6 =	vld [tilespmem:s29+$0x12670]  }
0x76: {  	v7 =	vld [tilespmem:s29+$0x6230];
	_ =	sdelay $0x2  }
0x77: {  	v4 =	vadd.f32 v4, v5;
	v3 =	vmin.f32 v3, v5;
	v8 =	vmul.f32 v5, v5  }
0x78: {  	[tilespmem:s29+$0xC450] =	vst v3  }
0x79: {  	v3 =	vmax.f32 v6, v5;
	[tilespmem:s29+$0x10] =	vst v4;
	v4 =	vadd.f32 v7, v8  }
0x7a: {  	[tilespmem:s29+$0x12670] =	vst v3;
	v3 =	vld [tilespmem:s29+$0xC460]  }
0x7b: {  	[tilespmem:s29+$0x6230] =	vst v4;
	v4 =	vld [tilespmem:s29+$0x20]  }
0x7c: {  	v5 =	vld [tilespmem:s28+$0x0]  }
0x7d: {  	v6 =	vld [tilespmem:s29+$0x12680]  }
0x7e: {  	v7 =	vld [tilespmem:s29+$0x6240];
	_ =	sdelay $0x2  }
0x7f: {  	v4 =	vadd.f32 v4, v5;
	v3 =	vmin.f32 v3, v5;
	v8 =	vmul.f32 v5, v5  }
0x80: {  	[tilespmem:s29+$0xC460] =	vst v3  }
0x81: {  	v3 =	vmax.f32 v6, v5;
	[tilespmem:s29+$0x20] =	vst v4;
	v4 =	vadd.f32 v7, v8  }
0x82: {  	[tilespmem:s29+$0x12680] =	vst v3;
	v3 =	vld [tilespmem:s29+$0xC470]  }
0x83: {  	[tilespmem:s29+$0x6240] =	vst v4;
	v4 =	vld [tilespmem:s29+$0x30]  }
0x84: {  	v5 =	vld [tilespmem:s28+$0x10]  }
0x85: {  	v6 =	vld [tilespmem:s29+$0x12690]  }
0x86: {  	v7 =	vld [tilespmem:s29+$0x6250];
	_ =	sdelay $0x2  }
0x87: {  	v4 =	vadd.f32 v4, v5;
	v3 =	vmin.f32 v3, v5;
	v8 =	vmul.f32 v5, v5  }
0x88: {  	[tilespmem:s29+$0xC470] =	vst v3  }
0x89: {  	v3 =	vmax.f32 v6, v5;
	[tilespmem:s29+$0x30] =	vst v4;
	v4 =	vadd.f32 v7, v8  }
0x8a: {  	[tilespmem:s29+$0x12690] =	vst v3;
	v8 =	vld [tilespmem:s29+$0xC480]  }
0x8b: {  	[tilespmem:s29+$0x6250] =	vst v4;
	v4 =	vld [tilespmem:s29+$0x40]  }
0x8c: {  	v3 =	vld [tilespmem:s28+$0x20];
	_ =	sdelay $0x1  }
0x8d: {  	v6 =	vld [tilespmem:s29+$0x126A0]  }
0x8e: {  	v5 =	vld [tilespmem:s29+$0x6260];
	_ =	sdelay $0x1  }
0x8f: {  	s30 =	simm.s32 $0x4;
	v4 =	vadd.f32 v4, v3;
	v7 =	vmul.f32 v3, v3;
	v8 =	vmin.f32 v8, v3  }
.LBB2_5:
0x90: {  	p0 =	sne.s32 s30, $0x1FC  }
0x91: {  	[tilespmem:s29+$0xC480] =	vst v8;
	v3 =	vmax.f32 v6, v3;
	s28 =	sadd.s32 $0x50, s28;
	s31 =	smov.u32 s30;
	s30 =	sadd.s32 $0x4, s30  }
0x92: {  	v5 =	vadd.f32 v5, v7;
	[tilespmem:s29+$0x126A0] =	vst v3  }
0x93: {  	[tilespmem:s29+$0x40] =	vst v4  }
0x94: {  	s31 =	sshra.s32 s31, $0x2;
	[tilespmem:s29+$0x6260] =	vst v5  }
0x95: {  	v3 =	vld [tilespmem:s31+$0x1B100];
	_ =	sdelay $0x4  }
0x96: {  	(v2sf) =	vpush v3, $0x0;
	_ =	sdelay $0xe  }
0x97: {  	s29 =	spop (v2sf)  }
0x98: {  	s29 =	smul.u32 $0x50, s29  }
0x99: {  	v3 =	vld [tilespmem:s28+$0xFFFFFFE0]  }
0x9a: {  	v4 =	vld [tilespmem:s29+$0x12660]  }
0x9b: {  	v5 =	vld [tilespmem:s29+$0xC440]  }
0x9c: {  	v6 =	vld [tilespmem:s29+$0x0]  }
0x9d: {  	v7 =	vld [tilespmem:s29+$0x6220];
	_ =	sdelay $0x1  }
0x9e: {  	v4 =	vmax.f32 v4, v3  }
0x9f: {  	v8 =	vmul.f32 v3, v3;
	v5 =	vmin.f32 v5, v3  }
0xa0: {  	v3 =	vadd.f32 v6, v3;
	[tilespmem:s29+$0x12660] =	vst v4  }
0xa1: {  	v4 =	vadd.f32 v7, v8;
	[tilespmem:s29+$0xC440] =	vst v5  }
0xa2: {  	[tilespmem:s29+$0x0] =	vst v3;
	v3 =	vld [tilespmem:s29+$0xC450]  }
0xa3: {  	[tilespmem:s29+$0x6220] =	vst v4;
	v4 =	vld [tilespmem:s29+$0x10]  }
0xa4: {  	v5 =	vld [tilespmem:s28+$0xFFFFFFF0]  }
0xa5: {  	v6 =	vld [tilespmem:s29+$0x12670]  }
0xa6: {  	v7 =	vld [tilespmem:s29+$0x6230];
	_ =	sdelay $0x2  }
0xa7: {  	v4 =	vadd.f32 v4, v5;
	v8 =	vmul.f32 v5, v5;
	v3 =	vmin.f32 v3, v5  }
0xa8: {  	[tilespmem:s29+$0xC450] =	vst v3;
	v3 =	vmax.f32 v6, v5  }
0xa9: {  	[tilespmem:s29+$0x10] =	vst v4;
	v4 =	vadd.f32 v7, v8  }
0xaa: {  	[tilespmem:s29+$0x12670] =	vst v3;
	v3 =	vld [tilespmem:s29+$0xC460]  }
0xab: {  	[tilespmem:s29+$0x6230] =	vst v4;
	v4 =	vld [tilespmem:s29+$0x20]  }
0xac: {  	v5 =	vld [tilespmem:s28+$0x0]  }
0xad: {  	v6 =	vld [tilespmem:s29+$0x12680]  }
0xae: {  	v7 =	vld [tilespmem:s29+$0x6240];
	_ =	sdelay $0x2  }
0xaf: {  	v4 =	vadd.f32 v4, v5;
	v8 =	vmul.f32 v5, v5;
	v3 =	vmin.f32 v3, v5  }
0xb0: {  	[tilespmem:s29+$0xC460] =	vst v3;
	v3 =	vmax.f32 v6, v5  }
0xb1: {  	[tilespmem:s29+$0x20] =	vst v4;
	v4 =	vadd.f32 v7, v8  }
0xb2: {  	[tilespmem:s29+$0x12680] =	vst v3;
	v3 =	vld [tilespmem:s29+$0xC470]  }
0xb3: {  	[tilespmem:s29+$0x6240] =	vst v4;
	v4 =	vld [tilespmem:s29+$0x30]  }
0xb4: {  	v5 =	vld [tilespmem:s28+$0x10]  }
0xb5: {  	v6 =	vld [tilespmem:s29+$0x12690]  }
0xb6: {  	v7 =	vld [tilespmem:s29+$0x6250];
	_ =	sdelay $0x2  }
0xb7: {  	v4 =	vadd.f32 v4, v5;
	v8 =	vmul.f32 v5, v5;
	v3 =	vmin.f32 v3, v5  }
0xb8: {  	[tilespmem:s29+$0xC470] =	vst v3;
	v3 =	vmax.f32 v6, v5  }
0xb9: {  	[tilespmem:s29+$0x30] =	vst v4;
	v4 =	vadd.f32 v7, v8  }
0xba: {  	[tilespmem:s29+$0x12690] =	vst v3;
	v8 =	vld [tilespmem:s29+$0xC480]  }
0xbb: {  	[tilespmem:s29+$0x6250] =	vst v4;
	v4 =	vld [tilespmem:s29+$0x40]  }
0xbc: {  	v3 =	vld [tilespmem:s28+$0x20]  }
.Ltmp4:
0xbd: {  	v6 =	vld [tilespmem:s29+$0x126A0];
	(pc) =	sbr.rel @p0 .LBB2_5-.Ltmp4, $2  }
0xbe: {  	v5 =	vld [tilespmem:s29+$0x6260];
	_ =	sdelay $0x2  }
0xbf: {  	v4 =	vadd.f32 v4, v3;
	v7 =	vmul.f32 v3, v3;
	v8 =	vmin.f32 v8, v3  }
0xc0: {  	s26 =	sadd.s32 $0x1, s26  }
0xc1: {  	p0 =	sne.s32 s26, s24  }
.Ltmp5:
0xc2: {  	_ = 	snop;
	(pc) =	sbr.rel @p0 .LBB2_4-.Ltmp5, $4  }
.Ltmp6:
0xc3: {  	[tilespmem:s29+$0xC480] =	vst v8;
	v3 =	vmax.f32 v6, v3;
	(pc) =	sbr.rel @!p0 .LBB2_7-.Ltmp6, $4  }
0xc4: {  	v5 =	vadd.f32 v5, v7;
	[tilespmem:s29+$0x126A0] =	vst v3  }
0xc5: {  	[tilespmem:s29+$0x40] =	vst v4  }
0xc6: {  	[tilespmem:s29+$0x6260] =	vst v5  }
0xc7: {  	_ = 	snop  }
.LBB2_8:
0xc8: {  	_ =	sfence.sel $0x180000  }
0xc9: {  	[bflag:$0x0] =	sbarrier.arrive $0xFFFF  }
0xca: {  	p0 =	sne.s32 s0, $0x0;
	_ =	strace $0x9000004D  }
0xcb: {  	s0 =	sadd.s32 @!p0 $0x100000, s1;
	[bflag:$0x2] =	sbarrier.arrive $0xFFFF  }
0xcc: {  	[sflag:s0] =	ssyncadd.tile.s32 @!p0 $0x1;
	_ =	shalt  }
.Lfunc_end2:
_tile_overlayer_lowered:
.L_overlay_start_2:
0xcd: {  	(tag) =	ssettag $0x2  }
0xce: {  	s0 =	rddreg [dreg:$0x0];
	s2 =	stileid.u32  }
0xcf: {  	s1 =	rddreg [dreg:$0x1];
	p0 =	sne.s32 s2, $0x0  }
0xd0: {  	s3 =	rddreg [dreg:$0x2];
	[bflag:$0x3] =	sbarrier.arrive $0xFFFF;
	s2 =	simm.s32 @!p0 $0x1C02  }
0xd1: {  	[timem:s3], [sflag:s2] =	dma.local @!p0 [hbm:s0], s1  }
0xd2: {  	s0 =	simm.s32 @!p0 $0x2  }
0xd3: {  	_ =	swait.ge @!p0 [sflag:s0], s1  }
0xd4: {  	s1 =	ssub.s32 @!p0 $0x0, s1;
	[sflag:s0] =	ssyncset.done @!p0 $0x0  }
0xd5: {  	[sflag:s0] =	ssyncadd.s32 @!p0 s1  }
0xd6: {  	[bflag:$0x3] =	sbarrier.arrive $0xFFFF  }
0xd7: {  	_ =	shalt  }

// kernel: kernel.17.cloned.1.call-start
scs
__scs_entry_jumppad:
0x0: {  	(pc) =	sbr.rel $0x88, $3  }
0x1: {  	(tag) =	ssettag $0x0;
	lr =	simm.s32 $0x1  }
0x2: {  	[smem:$0x3F93] =	sst lr;
	_ =	strace $0xD0000000  }
0x3: {  	_ = 	snop  }
0x4: {  	_ = 	snop  }
0x5: {  	_ = 	snop  }
0x6: {  	_ = 	snop  }
0x7: {  	_ = 	snop  }
__scs_overlays_trampoline_lowered:
0x8: {  	[smem:$0x3FA2] =	sst s0  }
0x9: {  	[smem:$0x3FA3] =	sst s1  }
0xa: {  	[smem:$0x3FA4] =	sst s2  }
0xb: {  	[smem:$0x3FA5] =	sst s3  }
0xc: {  	[smem:$0x3FA6] =	sst s4  }
0xd: {  	[smem:$0x3FA7] =	sst s5  }
0xe: {  	[smem:$0x3FA8] =	sst s6  }
0xf: {  	[smem:$0x3FA9] =	sst s7  }
0x10: {  	[smem:$0x3FAA] =	sst s8  }
0x11: {  	[smem:$0x3FAB] =	sst s9;
	s0 =	simm.s32 @!p0 $0x0  }
0x12: {  	s1 =	sld [smem:$0x3F91];
	s0 =	simm.s32 @p0 $0x1  }
0x13: {  	[smem:$0x3FAC] =	sst s0;
	s0 =	simm.s32 @!p1 $0x0  }
0x14: {  	s2 =	sld [smem:$0x3F90];
	s0 =	simm.s32 @p1 $0x1  }
0x15: {  	[smem:$0x3FAD] =	sst s0;
	s0 =	simm.s32 @!p2 $0x0  }
0x16: {  	s3 =	sld [smem:$0x3FDB];
	s0 =	simm.s32 @p2 $0x1  }
0x17: {  	s4 =	simm.s32 $0x1BF5;
	[smem:$0x3FAF] =	sst s0  }
0x18: {  	s0 =	sld [smem:$0x3F92];
	_ =	swait.ge [sflag:s4], $0x0  }
0x19: {  	s7 =	sld [smem:$0x3F93]  }
0x1a: {  	s8 =	sadd.s32 $0xFFFFE003, lr  }
0x1b: {  	s9 =	sadd.s32 $0xFFFFFEF7, lr;
	s5 =	simm.s32 $0xFFFFFFFF;
	p2 =	slt.u32 s8, $0xFFFFF086  }
0x1c: {  	p1 =	slt.u32 s9, $0xF7A;
	s5 =	simm.s32 @!p2 $0x0  }
0x1d: {  	s5 =	simm.s32 @p1 $0x1;
	p0 =	seq.s32 s7, s2  }
0x1e: {  	s7 =	smul.u32 @!p0 $0xF7A, s2;
	p2 =	seq.s32 @!p0 s5, $0x0  }
0x1f: {  	s9 =	smul.u32 $0xF7A, s1;
	s8 =	simm.s32 @!p0 $0x1BF5;
	p2 =	por !p2, p0  }
0x20: {  	[sflag:s8] =	ssyncset.s32 @!p0 $0xFFFFF086;
	s6 =	sadd.s32 @!p0 s3, s7;
	s7 =	simm.s32 @!p0 $0x108  }
0x21: {  	s3 =	sadd.s32 s3, s9;
	s6 =	sadd.s32 @!p0 $0x88, s6;
	s7 =	simm.s32 @p2 $0x1082  }
0x22: {  	[simem:s7], [sflag:s8] =	dma.local @!p0 [hbm:s6], $0xF7A  }
0x23: {  	s9 =	sor.u32 $0xD0000000, s2;
	s6 =	simm.s32 $0x108;
	_ =	swait.ge @!p0 [sflag:s8], $0x0  }
0x24: {  	s3 =	sadd.s32 $0x88, s3;
	s6 =	simm.s32 @!p1 $0x1082;
	[sflag:s4] =	ssyncset.s32 $0xFFFFF086  }
0x25: {  	[simem:s6], [sflag:s4] =	dma.local [hbm:s3], $0xF7A  }
0x26: {  	[smem:$0x3F93] =	sst s1;
	(tag) =	ssettag s2;
	_ =	strace s9  }
0x27: {  	s1 =	sld [smem:$0x3FA3]  }
0x28: {  	s2 =	sld [smem:$0x3FA4]  }
0x29: {  	s4 =	sld [smem:$0x3FA6]  }
0x2a: {  	p0 =	seq.s32 s5, $0x0;
	s5 =	sld [smem:$0x3FA7]  }
0x2b: {  	s6 =	sld [smem:$0x3FA8]  }
0x2c: {  	s7 =	sld [smem:$0x3FA9]  }
0x2d: {  	s3 =	simm.s32 $0x108;
	s8 =	sld [smem:$0x3FAA]  }
0x2e: {  	s3 =	simm.s32 @!p0 $0x1082;
	s9 =	sld [smem:$0x3FAB]  }
0x2f: {  	lr =	sadd.s32 s0, s3;
	s0 =	sld [smem:$0x3FA2]  }
0x30: {  	s3 =	sld [smem:$0x3FA5]  }
0x31: {  	[smem:$0x3FAE] =	sst s10  }
0x32: {  	s10 =	sld [smem:$0x3FAC];
	_ =	sdelay $0x3  }
0x33: {  	p0 =	seq.s32 s10, $0x1;
	s10 =	sld [smem:$0x3FAE];
	_ =	sdelay $0x3  }
0x34: {  	[smem:$0x3FAE] =	sst s10  }
0x35: {  	s10 =	sld [smem:$0x3FAD];
	_ =	sdelay $0x3  }
0x36: {  	p1 =	seq.s32 s10, $0x1;
	s10 =	sld [smem:$0x3FAE];
	_ =	sdelay $0x3  }
0x37: {  	[smem:$0x3FAE] =	sst s10  }
0x38: {  	s10 =	sld [smem:$0x3FAF]  }
0x39: {  	_ = 	snop;
	(pc) =	sbr.ind lr, $3  }
0x3a: {  	_ = 	snop  }
0x3b: {  	_ = 	snop  }
0x3c: {  	p2 =	seq.s32 s10, $0x1;
	s10 =	sld [smem:$0x3FAE]  }
0x3d: {  	_ =	shalt  }
0x3e: {  	_ =	shalt  }
0x3f: {  	_ =	shalt  }
0x40: {  	_ =	shalt  }
0x41: {  	_ =	shalt  }
0x42: {  	_ =	shalt  }
0x43: {  	_ =	shalt  }
0x44: {  	_ =	shalt  }
0x45: {  	_ =	shalt  }
0x46: {  	_ =	shalt  }
0x47: {  	_ =	shalt  }
0x48: {  	_ =	shalt  }
0x49: {  	_ =	shalt  }
0x4a: {  	_ =	shalt  }
0x4b: {  	_ =	shalt  }
0x4c: {  	_ =	shalt  }
0x4d: {  	_ =	shalt  }
0x4e: {  	_ =	shalt  }
0x4f: {  	_ =	shalt  }
0x50: {  	_ =	shalt  }
0x51: {  	_ =	shalt  }
0x52: {  	_ =	shalt  }
0x53: {  	_ =	shalt  }
0x54: {  	_ =	shalt  }
0x55: {  	_ =	shalt  }
0x56: {  	_ =	shalt  }
0x57: {  	_ =	shalt  }
0x58: {  	_ =	shalt  }
0x59: {  	_ =	shalt  }
0x5a: {  	_ =	shalt  }
0x5b: {  	_ =	shalt  }
0x5c: {  	_ =	shalt  }
0x5d: {  	_ =	shalt  }
0x5e: {  	_ =	shalt  }
0x5f: {  	_ =	shalt  }
0x60: {  	_ =	shalt  }
0x61: {  	_ =	shalt  }
0x62: {  	_ =	shalt  }
0x63: {  	_ =	shalt  }
0x64: {  	_ =	shalt  }
0x65: {  	_ =	shalt  }
0x66: {  	_ =	shalt  }
0x67: {  	_ =	shalt  }
0x68: {  	_ =	shalt  }
0x69: {  	_ =	shalt  }
0x6a: {  	_ =	shalt  }
0x6b: {  	_ =	shalt  }
0x6c: {  	_ =	shalt  }
0x6d: {  	_ =	shalt  }
0x6e: {  	_ =	shalt  }
0x6f: {  	_ =	shalt  }
0x70: {  	_ =	shalt  }
0x71: {  	_ =	shalt  }
0x72: {  	_ =	shalt  }
0x73: {  	_ =	shalt  }
0x74: {  	_ =	shalt  }
0x75: {  	_ =	shalt  }
0x76: {  	_ =	shalt  }
0x77: {  	_ =	shalt  }
0x78: {  	_ =	shalt  }
0x79: {  	_ =	shalt  }
0x7a: {  	_ =	shalt  }
0x7b: {  	_ =	shalt  }
0x7c: {  	_ =	shalt  }
0x7d: {  	_ =	shalt  }
0x7e: {  	_ =	shalt  }
0x7f: {  	_ =	shalt  }
0x80: {  	_ =	shalt  }
0x81: {  	_ =	shalt  }
0x82: {  	_ =	shalt  }
0x83: {  	_ =	shalt  }
0x84: {  	_ =	shalt  }
0x85: {  	_ =	shalt  }
0x86: {  	_ =	shalt  }
0x87: {  	_ =	shalt  }
.Lfunc_end0:
.L_simem_size_0:
called_computation.3_lowered:
.L_overlay_start_0:
0x88: {  	s2 =	sld [smem:$0x3FD9]  }
0x89: {  	s3 =	sld [smem:$0x3FFE];
	_ =	sdelay $0x1  }
0x8a: {  	s1 =	srdreg.scid  }
0x8b: {  	s0 =	sand.u32 $0x1, s1  }
0x8c: {  	s17 =	sshll.u32 s0, $0xA;
	s2 =	sadd.s32 s3, s2  }
0x8d: {  	s2 =	sadd.s32 s2, s17  }
0x8e: {  	[smem:$0x3FBA] =	sst s2  }
0x8f: {  	_ = 	snop  }
0x90: {  	s2 =	sld [smem:$0x3FD0];
	(tm) =	ssettm $0x1  }
0x91: {  	s18 =	sld [smem:$0x3FFB];
	_ =	sdelay $0x3  }
0x92: {  	_ =	strace s18  }
0x93: {  	s3 =	sld [smem:$0x3FFC];
	_ =	sdelay $0x3  }
0x94: {  	_ =	strace s3  }
0x95: {  	s3 =	sld [smem:$0x3FFD];
	_ =	sdelay $0x3  }
0x96: {  	_ =	strace s3  }
0x97: {  	_ =	strace $0x8FFFFFFF  }
0x98: {  	s19 =	sld [smem:$0x3FDB];
	_ =	sdelay $0x1  }
0x99: {  	s4 =	simm.s32 $_scs_section_size  }
0x9a: {  	s5 =	simm.s32 $_size__tile_overlayer_lowered;
	s6 =	simm.s32 $_tile_overlayer_lowered  }
0x9b: {  	s22 =	simm.s32 $0x1BFF;
	s21 =	sshll.u32 s6, $0x1;
	s3 =	sadd.s32 s4, s19  }
0x9c: {  	s7 =	simm.s32 $0x0;
	s20 =	sshll.u32 s5, $0x1;
	s5 =	sadd.s32 s21, s3  }
0x9d: {  	[timem:s7], [sflag:s22] =	dma.local [hbm:s5], s20  }
0x9e: {  	_ =	swait.ge [sflag:s22], s20  }
0x9f: {  	s4 =	ssub.s32 $0x0, s20;
	[sflag:s22] =	ssyncset.done $0x0  }
0xa0: {  	[sflag:s22] =	ssyncadd.s32 s4;
	_ =	sdelay $0x1  }
0xa1: {  	s23 =	simm.s32 $0x1B8B  }
0xa2: {  	_ =	swait.ge [sflag:s23], $0x1  }
0xa3: {  	[sflag:s23] =	ssyncset.done $0x0  }
0xa4: {  	s25 =	simm.s32 $0x1B8E;
	s24 =	sld [smem:$0x3FFE];
	[sflag:s23] =	ssyncadd.s32 $0xFFFFFFFF  }
0xa5: {  	s26 =	simm.s32 $execute0_lowered;
	[smem:$0x3FD2] =	sst s25  }
0xa6: {  	s5 =	sshll.u32 s26, $0x1;
	_ =	strace $0x8000004F;
	[dreg:$0x1] =	wrdreg $0xFFFFFFFF  }
0xa7: {  	s28 =	simm.s32 $_size_execute0_lowered;
	s3 =	sadd.s32 s3, s5;
	[dreg:$0x0] =	wrdreg $0x0  }
0xa8: {  	s5 =	sshll.u32 s28, $0x1;
	[dreg:$0x2] =	wrdreg s3  }
0xa9: {  	[dreg:$0x3] =	wrdreg s5  }
0xaa: {  	[dreg:$0x4] =	wrdreg $0xC0  }
0xab: {  	_ =	task [dreg:s7], $0x5FFFF  }
0xac: {  	[dreg:$0x1] =	wrdreg $0xFFFFFFFF  }
0xad: {  	[dreg:$0x0] =	wrdreg $0x60  }
0xae: {  	[dreg:$0x2] =	wrdreg s24  }
0xaf: {  	[dreg:$0x3] =	wrdreg s2  }
0xb0: {  	[dreg:$0x4] =	wrdreg $0x9  }
0xb1: {  	_ =	task.clear_ibuf [dreg:s7], $0x5FFFF;
	_ =	strace $0x9000004F  }
0xb2: {  	s29 =	simm.s32 $0x9;
	_ =	strace $0x80000051  }
0xb3: {  	_ =	swait.ge [sflag:s29], $0x1  }
0xb4: {  	[sflag:s29] =	ssyncadd.s32 $0xFFFFFFFF  }
0xb5: {  	_ =	strace $0x90000051  }
0xb6: {  	_ =	sfence  }
0xb7: {  	s30 =	sld [smem:$0x0];
	_ =	sdelay $0x2  }
0xb8: {  	s31 =	sshll.u32 s1, $0xD;
	s1 =	sshrl.u32 s1, $0x2  }
0xb9: {  	s3 =	sand.u32 $0x4000, s31;
	s1 =	sadd.s32 s1, s30  }
0xba: {  	s0 =	sor.u32 s3, s0;
	s1 =	sshll.u32 s1, $0x11  }
0xbb: {  	s0 =	sor.u32 s1, s0  }
0xbc: {  	s0 =	sadd.s32 $0x8F2B, s0  }
0xbd: {  	[sflag:s0] =	ssyncadd.remote.s32 $0x1  }
0xbe: {  	_ =	sfence.sel $0xFFFF  }
0xbf: {  	[dreg:$0x0] =	wrdreg $0xFFFFFFFF;
	(pc) =	sbr.abs _section_cstart, $3  }
0xc0: {  	[dreg:$0x1] =	wrdreg $0xFFFFFFFF  }
0xc1: {  	_ =	task.clear_ibuf [dreg:s7], $0x2FFFF;
	_ =	strace $0x9FFFFFFF  }
0xc2: {  	(tm) =	ssettm $0x7FFFFFFF  }
0xc3: {  	_ =	shalt  }
tec
execute0_lowered:
.L_overlay_start_1:
0x0: {  	(tag) =	ssettag $0x1  }
0x1: {  	s1 =	srdreg.scid  }
0x2: {  	s0 =	stileid.u32;
	s6 =	rddreg [dreg:$0x0]  }
0x3: {  	s2 =	rddreg [dreg:$0x1];
	s3 =	simm.s32 $0x0;
	s13 =	simm.s32 $0x1B190  }
0x4: {  	s14 =	simm.s32 $0x2;
	s15 =	simm.s32 $0x1;
	s16 =	simm.s32 $0x1B080  }
0x5: {  	s17 =	simm.s32 $0x1B100;
	s18 =	simm.s32 $0x80;
	s19 =	simm.s32 $0x18880  }
0x6: {  	s20 =	simm.s32 $0x6220;
	s21 =	simm.s32 $0xC440;
	s22 =	simm.s32 $0x12660  }
0x7: {  	s23 =	simm.s32 $0x0;
	s7 =	sand.u32 $0x1, s1;
	s30 =	sshll.u32 s0, $0x1  }
0x8: {  	[smem:$0x7FF] =	sst s3;
	s4 =	sadd.s32 $0x2B4C00, s6;
	s8 =	sor.u32 s7, s30  }
0x9: {  	s1 =	rddreg [dreg:$0x2];
	_ =	strace $0x80000050;
	s5 =	smul.u32 $0x6220, s8  }
.Ltmp0:
0xa: {  	s12 =	ssub.s32 $0x2, s7;
	s10 =	sadd.s32 s8, s6;
	(pc) =	sbr.rel .LBB2_1-.Ltmp0, $4  }
0xb: {  	s7 =	smul.u32 $0xA0000, s8;
	s31 =	sshrl.u32 s12, $0x1;
	s9 =	sshrl.u32 s5, $0x3  }
0xc: {  	s5 =	sadd.s32 $0x34A00, s6;
	s11 =	sadd.s32 s9, s6;
	s6 =	sadd.s32 $0x2B4A00, s10  }
0xd: {  	v1 =	vimm.f32 $3.000000010e+38;
	s12 =	ssub.s32 s12, s31;
	s8 =	sadd.s32 $0x2CD400, s11;
	s9 =	sadd.s32 $0x2E5C80, s11  }
0xe: {  	v0 =	vimm.f32 $0.0e+00;
	v2 =	vimm.f32 $-3.000000010e+38;
	s12 =	smax.u32 s12, $0x1;
	s10 =	sadd.s32 $0x2FE500, s11;
	s11 =	sadd.s32 $0x316D80, s11  }
.LBB2_7:
0xf: {  	[hbm4b:s8+s3] =	stream.linear.scatter [tilespmem:s3], [sflag:$0x2], $0x6220, $0x38;
	[tilespmem:$0x1B1A0] =	vst v63  }
0x10: {  	_ =	swait.ge [sflag:s14], $0x6220  }
0x11: {  	[sflag:s14] =	ssyncset.done $0x0  }
0x12: {  	[sflag:s14] =	ssyncadd.s32 $0xFFFF9DE0  }
0x13: {  	[hbm4b:s9+s3] =	stream.linear.scatter [tilespmem:s20], [sflag:$0x2], $0x6220, $0x38;
	[tilespmem:$0x1B1A0] =	vst v63  }
0x14: {  	_ =	swait.ge [sflag:s14], $0x6220  }
0x15: {  	[sflag:s14] =	ssyncset.done $0x0  }
0x16: {  	[sflag:s14] =	ssyncadd.s32 $0xFFFF9DE0  }
0x17: {  	[hbm4b:s10+s3] =	stream.linear.scatter [tilespmem:s21], [sflag:$0x2], $0x6220, $0x38;
	[tilespmem:$0x1B1A0] =	vst v63  }
0x18: {  	s23 =	sadd.s32 $0x1, s23;
	_ =	swait.ge [sflag:s14], $0x6220  }
0x19: {  	p0 =	sne.s32 s23, s12;
	[sflag:s14] =	ssyncset.done $0x0  }
.Ltmp1:
0x1a: {  	[sflag:s14] =	ssyncadd.s32 $0xFFFF9DE0;
	(pc) =	sbr.rel @!p0 .LBB2_8-.Ltmp1, $4  }
0x1b: {  	[hbm4b:s11+s3] =	stream.linear.scatter [tilespmem:s22], [sflag:$0x2], $0x6220, $0x38;
	[tilespmem:$0x1B1A0] =	vst v63  }
0x1c: {  	_ =	swait.ge [sflag:s14], $0x6220  }
0x1d: {  	[sflag:s14] =	ssyncset.done $0x0  }
0x1e: {  	[sflag:s14] =	ssyncadd.s32 $0xFFFF9DE0  }
.LBB2_1:
0x1f: {  	[tilespmem:s13], [sflag:$0x2] =	stream.linear.gather [hbm4b:s6+s3], $0x8, $0x38;
	[tilespmem:$0x1B1A0] =	vst v63  }
0x20: {  	_ =	swait.ge [sflag:s14], $0x8  }
0x21: {  	[sflag:s14] =	ssyncset.done $0x0  }
0x22: {  	[sflag:s14] =	ssyncadd.s32 $0xFFFFFFF8  }
0x23: {  	s24 =	simm.s32 $0x0;
	s25 =	simm.s32 $0x140;
	v3 =	vld [tilespmem:$0x1B190]  }
.LBB2_2:
0x24: {  	p0 =	seq.s32 s25, $0x18740;
	[tilespmem:s24+$0x126A0] =	vst v2  }
0x25: {  	[tilespmem:s24+$0x0] =	vst v0  }
0x26: {  	[tilespmem:s24+$0x6220] =	vst v0  }
0x27: {  	[tilespmem:s24+$0xC440] =	vst v1  }
0x28: {  	[tilespmem:s24+$0x12660] =	vst v2  }
0x29: {  	[tilespmem:s24+$0x10] =	vst v0  }
0x2a: {  	[tilespmem:s24+$0x6230] =	vst v0  }
0x2b: {  	[tilespmem:s24+$0xC450] =	vst v1  }
0x2c: {  	[tilespmem:s24+$0x12670] =	vst v2  }
0x2d: {  	[tilespmem:s24+$0x20] =	vst v0  }
0x2e: {  	[tilespmem:s24+$0x6240] =	vst v0  }
0x2f: {  	[tilespmem:s24+$0xC460] =	vst v1  }
0x30: {  	[tilespmem:s24+$0x12680] =	vst v2  }
0x31: {  	[tilespmem:s24+$0x30] =	vst v0  }
0x32: {  	[tilespmem:s24+$0x6250] =	vst v0  }
.Ltmp2:
0x33: {  	[tilespmem:s24+$0xC470] =	vst v1;
	(pc) =	sbr.rel @!p0 .LBB2_2-.Ltmp2, $4  }
0x34: {  	[tilespmem:s24+$0x12690] =	vst v2  }
0x35: {  	[tilespmem:s24+$0x40] =	vst v0  }
0x36: {  	[tilespmem:s24+$0x6260] =	vst v0  }
0x37: {  	[tilespmem:s24+$0xC480] =	vst v1;
	s24 =	sshra.s32 s25, $0x2;
	s25 =	sadd.s32 $0x140, s25  }
0x38: {  	[tilespmem:s24+$0x126A0] =	vst v2  }
0x39: {  	[tilespmem:s24+$0x0] =	vst v0  }
0x3a: {  	[tilespmem:s24+$0x6220] =	vst v0  }
0x3b: {  	[tilespmem:s24+$0xC440] =	vst v1;
	(v2sf) =	vpush v3, $0x0  }
0x3c: {  	[tilespmem:s24+$0x12660] =	vst v2  }
0x3d: {  	[tilespmem:s24+$0x10] =	vst v0  }
0x3e: {  	[tilespmem:s24+$0x6230] =	vst v0  }
0x3f: {  	[tilespmem:s24+$0xC450] =	vst v1  }
0x40: {  	[tilespmem:s24+$0x12670] =	vst v2  }
0x41: {  	[tilespmem:s24+$0x20] =	vst v0  }
0x42: {  	[tilespmem:s24+$0x6240] =	vst v0  }
0x43: {  	[tilespmem:s24+$0xC460] =	vst v1  }
0x44: {  	[tilespmem:s24+$0x12680] =	vst v2  }
0x45: {  	[tilespmem:s24+$0x30] =	vst v0  }
0x46: {  	[tilespmem:s24+$0x6250] =	vst v0  }
0x47: {  	[tilespmem:s24+$0xC470] =	vst v1  }
0x48: {  	[tilespmem:s24+$0x12690] =	vst v2  }
0x49: {  	[tilespmem:s24+$0x40] =	vst v0  }
0x4a: {  	[tilespmem:s24+$0x6260] =	vst v0;
	s30 =	spop (v2sf)  }
0x4b: {  	[tilespmem:s24+$0xC480] =	vst v1;
	s24 =	sadd.s32 $0x7F, s30  }
0x4c: {  	s25 =	sand.u32 $0x7F, s24  }
0x4d: {  	s26 =	sshra.s32 s24, $0x1F;
	p0 =	slt.s32 s24, $0x1;
	p1 =	sne.s32 s25, $0x0  }
0x4e: {  	s31 =	sshrl.u32 s26, $0x19;
	p0 =	por !p0, !p1  }
0x4f: {  	s25 =	simm.s32 $0x1;
	s24 =	sadd.s32 s31, s24;
	p0 =	por !p0, !p0  }
0x50: {  	s24 =	sshra.s32 s24, $0x7;
	s25 =	simm.s32 @!p0 $0x0  }
0x51: {  	s24 =	ssub.s32 s24, s25  }
0x52: {  	p0 =	sgt.s32 s24, $0x0  }
.Ltmp3:
0x53: {  	_ = 	snop;
	(pc) =	sbr.rel @!p0 .LBB2_7-.Ltmp3, $2  }
0x54: {  	_ =	sdelay $0x2  }
0x55: {  	s26 =	simm.s32 $0x0;
	s25 =	simm.s32 $0x0  }
.LBB2_4:
0x56: {  	s28 =	sshll.u32 s26, $0x7  }
0x57: {  	s28 =	sadd.s32 s7, s28  }
0x58: {  	s28 =	sshrl.u32 s28, $0x3  }
0x59: {  	s29 =	sadd.s32 s2, s28  }
0x5a: {  	[tilespmem:s16], [sflag:$0x2] =	stream.linear.gather [hbm4b:s29+s25], $0x80, $0x38;
	[tilespmem:$0x1B1A0] =	vst v63  }
0x5b: {  	_ =	swait.ge [sflag:s14], $0x80  }
0x5c: {  	[sflag:s14] =	ssyncset.done $0x0  }
0x5d: {  	s28 =	sadd.s32 s5, s28;
	[sflag:s14] =	ssyncadd.s32 $0xFFFFFF80  }
0x5e: {  	[tilespmem:s17], [sflag:$0x2] =	stream.linear.gather [hbm4b:s28+s25], $0x80, $0x38;
	[tilespmem:$0x1B1A0] =	vst v63  }
0x5f: {  	_ =	swait.ge [sflag:s14], $0x80  }
0x60: {  	[sflag:s14] =	ssyncset.done $0x0  }
0x61: {  	[sflag:s14] =	ssyncadd.s32 $0xFFFFFF80  }
0x62: {  	[tilespmem:s19], [sflag:$0x1] =	stream.indirect.gather [hbm4b:s4+s18], $0x50, s16, s18, $0xb8;
	[tilespmem:$0x1B1A0] =	vst v63  }
0x63: {  	_ =	swait.ge [sflag:s15], $0x2800  }
0x64: {  	[sflag:s15] =	ssyncset.done $0x0  }
0x65: {  	s28 =	simm.s32 $0x0;
	[sflag:s15] =	ssyncadd.s32 $0xFFFFD800  }
0x66: {  	v3 =	vld [tilespmem:s28+$0x1B100];
	_ =	sdelay $0x4  }
0x67: {  	(v2sf) =	vpush v3, $0x0;
	_ =	sdelay $0xe  }
0x68: {  	s29 =	spop (v2sf)  }
0x69: {  	s28 =	simm.s32 $0x188A0;
	s29 =	smul.u32 $0x50, s29  }
0x6a: {  	v3 =	vld [tilespmem:s28+$0xFFFFFFE0]  }
0x6b: {  	v4 =	vld [tilespmem:s29+$0x12660]  }
0x6c: {  	v5 =	vld [tilespmem:s29+$0xC440]  }
0x6d: {  	v6 =	vld [tilespmem:s29+$0x0]  }
0x6e: {  	v7 =	vld [tilespmem:s29+$0x6220];
	_ =	sdelay $0x2  }
0x6f: {  	v8 =	vmul.f32 v3, v3;
	v4 =	vmax.f32 v4, v3  }
0x70: {  	v5 =	vmin.f32 v5, v3;
	v3 =	vadd.f32 v6, v3;
	[tilespmem:s29+$0x12660] =	vst v4  }
0x71: {  	[tilespmem:s29+$0xC440] =	vst v5;
	v4 =	vadd.f32 v7, v8  }
0x72: {  	[tilespmem:s29+$0x0] =	vst v3;
	v3 =	vld [tilespmem:s29+$0xC450]  }
0x73: {  	[tilespmem:s29+$0x6220] =	vst v4;
	v4 =	vld [tilespmem:s29+$0x10]  }
0x74: {  	v5 =	vld [tilespmem:s28+$0xFFFFFFF0]  }
0x75: {  	v6 =	vld [tilespmem:s29+$0x12670]  }
0x76: {  	v7 =	vld [tilespmem:s29+$0x6230];
	_ =	sdelay $0x2  }
0x77: {  	v4 =	vadd.f32 v4, v5;
	v3 =	vmin.f32 v3, v5;
	v8 =	vmul.f32 v5, v5  }
0x78: {  	[tilespmem:s29+$0xC450] =	vst v3  }
0x79: {  	v3 =	vmax.f32 v6, v5;
	[tilespmem:s29+$0x10] =	vst v4;
	v4 =	vadd.f32 v7, v8  }
0x7a: {  	[tilespmem:s29+$0x12670] =	vst v3;
	v3 =	vld [tilespmem:s29+$0xC460]  }
0x7b: {  	[tilespmem:s29+$0x6230] =	vst v4;
	v4 =	vld [tilespmem:s29+$0x20]  }
0x7c: {  	v5 =	vld [tilespmem:s28+$0x0]  }
0x7d: {  	v6 =	vld [tilespmem:s29+$0x12680]  }
0x7e: {  	v7 =	vld [tilespmem:s29+$0x6240];
	_ =	sdelay $0x2  }
0x7f: {  	v4 =	vadd.f32 v4, v5;
	v3 =	vmin.f32 v3, v5;
	v8 =	vmul.f32 v5, v5  }
0x80: {  	[tilespmem:s29+$0xC460] =	vst v3  }
0x81: {  	v3 =	vmax.f32 v6, v5;
	[tilespmem:s29+$0x20] =	vst v4;
	v4 =	vadd.f32 v7, v8  }
0x82: {  	[tilespmem:s29+$0x12680] =	vst v3;
	v3 =	vld [tilespmem:s29+$0xC470]  }
0x83: {  	[tilespmem:s29+$0x6240] =	vst v4;
	v4 =	vld [tilespmem:s29+$0x30]  }
0x84: {  	v5 =	vld [tilespmem:s28+$0x10]  }
0x85: {  	v6 =	vld [tilespmem:s29+$0x12690]  }
0x86: {  	v7 =	vld [tilespmem:s29+$0x6250];
	_ =	sdelay $0x2  }
0x87: {  	v4 =	vadd.f32 v4, v5;
	v3 =	vmin.f32 v3, v5;
	v8 =	vmul.f32 v5, v5  }
0x88: {  	[tilespmem:s29+$0xC470] =	vst v3  }
0x89: {  	v3 =	vmax.f32 v6, v5;
	[tilespmem:s29+$0x30] =	vst v4;
	v4 =	vadd.f32 v7, v8  }
0x8a: {  	[tilespmem:s29+$0x12690] =	vst v3;
	v8 =	vld [tilespmem:s29+$0xC480]  }
0x8b: {  	[tilespmem:s29+$0x6250] =	vst v4;
	v4 =	vld [tilespmem:s29+$0x40]  }
0x8c: {  	v3 =	vld [tilespmem:s28+$0x20];
	_ =	sdelay $0x1  }
0x8d: {  	v6 =	vld [tilespmem:s29+$0x126A0]  }
0x8e: {  	v5 =	vld [tilespmem:s29+$0x6260];
	_ =	sdelay $0x1  }
0x8f: {  	s30 =	simm.s32 $0x4;
	v4 =	vadd.f32 v4, v3;
	v7 =	vmul.f32 v3, v3;
	v8 =	vmin.f32 v8, v3  }
.LBB2_5:
0x90: {  	p0 =	sne.s32 s30, $0x1FC  }
0x91: {  	[tilespmem:s29+$0xC480] =	vst v8;
	v3 =	vmax.f32 v6, v3;
	s28 =	sadd.s32 $0x50, s28;
	s31 =	smov.u32 s30;
	s30 =	sadd.s32 $0x4, s30  }
0x92: {  	v5 =	vadd.f32 v5, v7;
	[tilespmem:s29+$0x126A0] =	vst v3  }
0x93: {  	[tilespmem:s29+$0x40] =	vst v4  }
0x94: {  	s31 =	sshra.s32 s31, $0x2;
	[tilespmem:s29+$0x6260] =	vst v5  }
0x95: {  	v3 =	vld [tilespmem:s31+$0x1B100];
	_ =	sdelay $0x4  }
0x96: {  	(v2sf) =	vpush v3, $0x0;
	_ =	sdelay $0xe  }
0x97: {  	s29 =	spop (v2sf)  }
0x98: {  	s29 =	smul.u32 $0x50, s29  }
0x99: {  	v3 =	vld [tilespmem:s28+$0xFFFFFFE0]  }
0x9a: {  	v4 =	vld [tilespmem:s29+$0x12660]  }
0x9b: {  	v5 =	vld [tilespmem:s29+$0xC440]  }
0x9c: {  	v6 =	vld [tilespmem:s29+$0x0]  }
0x9d: {  	v7 =	vld [tilespmem:s29+$0x6220];
	_ =	sdelay $0x1  }
0x9e: {  	v4 =	vmax.f32 v4, v3  }
0x9f: {  	v8 =	vmul.f32 v3, v3;
	v5 =	vmin.f32 v5, v3  }
0xa0: {  	v3 =	vadd.f32 v6, v3;
	[tilespmem:s29+$0x12660] =	vst v4  }
0xa1: {  	v4 =	vadd.f32 v7, v8;
	[tilespmem:s29+$0xC440] =	vst v5  }
0xa2: {  	[tilespmem:s29+$0x0] =	vst v3;
	v3 =	vld [tilespmem:s29+$0xC450]  }
0xa3: {  	[tilespmem:s29+$0x6220] =	vst v4;
	v4 =	vld [tilespmem:s29+$0x10]  }
0xa4: {  	v5 =	vld [tilespmem:s28+$0xFFFFFFF0]  }
0xa5: {  	v6 =	vld [tilespmem:s29+$0x12670]  }
0xa6: {  	v7 =	vld [tilespmem:s29+$0x6230];
	_ =	sdelay $0x2  }
0xa7: {  	v4 =	vadd.f32 v4, v5;
	v8 =	vmul.f32 v5, v5;
	v3 =	vmin.f32 v3, v5  }
0xa8: {  	[tilespmem:s29+$0xC450] =	vst v3;
	v3 =	vmax.f32 v6, v5  }
0xa9: {  	[tilespmem:s29+$0x10] =	vst v4;
	v4 =	vadd.f32 v7, v8  }
0xaa: {  	[tilespmem:s29+$0x12670] =	vst v3;
	v3 =	vld [tilespmem:s29+$0xC460]  }
0xab: {  	[tilespmem:s29+$0x6230] =	vst v4;
	v4 =	vld [tilespmem:s29+$0x20]  }
0xac: {  	v5 =	vld [tilespmem:s28+$0x0]  }
0xad: {  	v6 =	vld [tilespmem:s29+$0x12680]  }
0xae: {  	v7 =	vld [tilespmem:s29+$0x6240];
	_ =	sdelay $0x2  }
0xaf: {  	v4 =	vadd.f32 v4, v5;
	v8 =	vmul.f32 v5, v5;
	v3 =	vmin.f32 v3, v5  }
0xb0: {  	[tilespmem:s29+$0xC460] =	vst v3;
	v3 =	vmax.f32 v6, v5  }
0xb1: {  	[tilespmem:s29+$0x20] =	vst v4;
	v4 =	vadd.f32 v7, v8  }
0xb2: {  	[tilespmem:s29+$0x12680] =	vst v3;
	v3 =	vld [tilespmem:s29+$0xC470]  }
0xb3: {  	[tilespmem:s29+$0x6240] =	vst v4;
	v4 =	vld [tilespmem:s29+$0x30]  }
0xb4: {  	v5 =	vld [tilespmem:s28+$0x10]  }
0xb5: {  	v6 =	vld [tilespmem:s29+$0x12690]  }
0xb6: {  	v7 =	vld [tilespmem:s29+$0x6250];
	_ =	sdelay $0x2  }
0xb7: {  	v4 =	vadd.f32 v4, v5;
	v8 =	vmul.f32 v5, v5;
	v3 =	vmin.f32 v3, v5  }
0xb8: {  	[tilespmem:s29+$0xC470] =	vst v3;
	v3 =	vmax.f32 v6, v5  }
0xb9: {  	[tilespmem:s29+$0x30] =	vst v4;
	v4 =	vadd.f32 v7, v8  }
0xba: {  	[tilespmem:s29+$0x12690] =	vst v3;
	v8 =	vld [tilespmem:s29+$0xC480]  }
0xbb: {  	[tilespmem:s29+$0x6250] =	vst v4;
	v4 =	vld [tilespmem:s29+$0x40]  }
0xbc: {  	v3 =	vld [tilespmem:s28+$0x20]  }
.Ltmp4:
0xbd: {  	v6 =	vld [tilespmem:s29+$0x126A0];
	(pc) =	sbr.rel @p0 .LBB2_5-.Ltmp4, $2  }
0xbe: {  	v5 =	vld [tilespmem:s29+$0x6260];
	_ =	sdelay $0x2  }
0xbf: {  	v4 =	vadd.f32 v4, v3;
	v7 =	vmul.f32 v3, v3;
	v8 =	vmin.f32 v8, v3  }
0xc0: {  	s26 =	sadd.s32 $0x1, s26  }
0xc1: {  	p0 =	sne.s32 s26, s24  }
.Ltmp5:
0xc2: {  	_ = 	snop;
	(pc) =	sbr.rel @p0 .LBB2_4-.Ltmp5, $4  }
.Ltmp6:
0xc3: {  	[tilespmem:s29+$0xC480] =	vst v8;
	v3 =	vmax.f32 v6, v3;
	(pc) =	sbr.rel @!p0 .LBB2_7-.Ltmp6, $4  }
0xc4: {  	v5 =	vadd.f32 v5, v7;
	[tilespmem:s29+$0x126A0] =	vst v3  }
0xc5: {  	[tilespmem:s29+$0x40] =	vst v4  }
0xc6: {  	[tilespmem:s29+$0x6260] =	vst v5  }
0xc7: {  	_ = 	snop  }
.LBB2_8:
0xc8: {  	_ =	sfence.sel $0x180000  }
0xc9: {  	[bflag:$0x0] =	sbarrier.arrive $0xFFFF  }
0xca: {  	p0 =	sne.s32 s0, $0x0;
	_ =	strace $0x90000050  }
0xcb: {  	s0 =	sadd.s32 @!p0 $0x100000, s1;
	[bflag:$0x2] =	sbarrier.arrive $0xFFFF  }
0xcc: {  	[sflag:s0] =	ssyncadd.tile.s32 @!p0 $0x1;
	_ =	shalt  }
.Lfunc_end2:
_tile_overlayer_lowered:
.L_overlay_start_2:
0xcd: {  	(tag) =	ssettag $0x2  }
0xce: {  	s0 =	rddreg [dreg:$0x0];
	s2 =	stileid.u32  }
0xcf: {  	s1 =	rddreg [dreg:$0x1];
	p0 =	sne.s32 s2, $0x0  }
0xd0: {  	s3 =	rddreg [dreg:$0x2];
	[bflag:$0x3] =	sbarrier.arrive $0xFFFF;
	s2 =	simm.s32 @!p0 $0x1C02  }
0xd1: {  	[timem:s3], [sflag:s2] =	dma.local @!p0 [hbm:s0], s1  }
0xd2: {  	s0 =	simm.s32 @!p0 $0x2  }
0xd3: {  	_ =	swait.ge @!p0 [sflag:s0], s1  }
0xd4: {  	s1 =	ssub.s32 @!p0 $0x0, s1;
	[sflag:s0] =	ssyncset.done @!p0 $0x0  }
0xd5: {  	[sflag:s0] =	ssyncadd.s32 @!p0 s1  }
0xd6: {  	[bflag:$0x3] =	sbarrier.arrive $0xFFFF  }
0xd7: {  	_ =	shalt  }

// kernel: kernel.20.cloned.1.call-start
scs
__scs_entry_jumppad:
0x0: {  	(pc) =	sbr.rel $0x88, $3  }
0x1: {  	(tag) =	ssettag $0x0;
	lr =	simm.s32 $0x1  }
0x2: {  	[smem:$0x3F93] =	sst lr;
	_ =	strace $0xD0000000  }
0x3: {  	_ = 	snop  }
0x4: {  	_ = 	snop  }
0x5: {  	_ = 	snop  }
0x6: {  	_ = 	snop  }
0x7: {  	_ = 	snop  }
__scs_overlays_trampoline_lowered:
0x8: {  	[smem:$0x3FA2] =	sst s0  }
0x9: {  	[smem:$0x3FA3] =	sst s1  }
0xa: {  	[smem:$0x3FA4] =	sst s2  }
0xb: {  	[smem:$0x3FA5] =	sst s3  }
0xc: {  	[smem:$0x3FA6] =	sst s4  }
0xd: {  	[smem:$0x3FA7] =	sst s5  }
0xe: {  	[smem:$0x3FA8] =	sst s6  }
0xf: {  	[smem:$0x3FA9] =	sst s7  }
0x10: {  	[smem:$0x3FAA] =	sst s8  }
0x11: {  	[smem:$0x3FAB] =	sst s9;
	s0 =	simm.s32 @!p0 $0x0  }
0x12: {  	s1 =	sld [smem:$0x3F91];
	s0 =	simm.s32 @p0 $0x1  }
0x13: {  	[smem:$0x3FAC] =	sst s0;
	s0 =	simm.s32 @!p1 $0x0  }
0x14: {  	s2 =	sld [smem:$0x3F90];
	s0 =	simm.s32 @p1 $0x1  }
0x15: {  	[smem:$0x3FAD] =	sst s0;
	s0 =	simm.s32 @!p2 $0x0  }
0x16: {  	s3 =	sld [smem:$0x3FDB];
	s0 =	simm.s32 @p2 $0x1  }
0x17: {  	s4 =	simm.s32 $0x1BF5;
	[smem:$0x3FAF] =	sst s0  }
0x18: {  	s0 =	sld [smem:$0x3F92];
	_ =	swait.ge [sflag:s4], $0x0  }
0x19: {  	s7 =	sld [smem:$0x3F93]  }
0x1a: {  	s8 =	sadd.s32 $0xFFFFE003, lr  }
0x1b: {  	s9 =	sadd.s32 $0xFFFFFEF7, lr;
	s5 =	simm.s32 $0xFFFFFFFF;
	p2 =	slt.u32 s8, $0xFFFFF086  }
0x1c: {  	p1 =	slt.u32 s9, $0xF7A;
	s5 =	simm.s32 @!p2 $0x0  }
0x1d: {  	s5 =	simm.s32 @p1 $0x1;
	p0 =	seq.s32 s7, s2  }
0x1e: {  	s7 =	smul.u32 @!p0 $0xF7A, s2;
	p2 =	seq.s32 @!p0 s5, $0x0  }
0x1f: {  	s9 =	smul.u32 $0xF7A, s1;
	s8 =	simm.s32 @!p0 $0x1BF5;
	p2 =	por !p2, p0  }
0x20: {  	[sflag:s8] =	ssyncset.s32 @!p0 $0xFFFFF086;
	s6 =	sadd.s32 @!p0 s3, s7;
	s7 =	simm.s32 @!p0 $0x108  }
0x21: {  	s3 =	sadd.s32 s3, s9;
	s6 =	sadd.s32 @!p0 $0x88, s6;
	s7 =	simm.s32 @p2 $0x1082  }
0x22: {  	[simem:s7], [sflag:s8] =	dma.local @!p0 [hbm:s6], $0xF7A  }
0x23: {  	s9 =	sor.u32 $0xD0000000, s2;
	s6 =	simm.s32 $0x108;
	_ =	swait.ge @!p0 [sflag:s8], $0x0  }
0x24: {  	s3 =	sadd.s32 $0x88, s3;
	s6 =	simm.s32 @!p1 $0x1082;
	[sflag:s4] =	ssyncset.s32 $0xFFFFF086  }
0x25: {  	[simem:s6], [sflag:s4] =	dma.local [hbm:s3], $0xF7A  }
0x26: {  	[smem:$0x3F93] =	sst s1;
	(tag) =	ssettag s2;
	_ =	strace s9  }
0x27: {  	s1 =	sld [smem:$0x3FA3]  }
0x28: {  	s2 =	sld [smem:$0x3FA4]  }
0x29: {  	s4 =	sld [smem:$0x3FA6]  }
0x2a: {  	p0 =	seq.s32 s5, $0x0;
	s5 =	sld [smem:$0x3FA7]  }
0x2b: {  	s6 =	sld [smem:$0x3FA8]  }
0x2c: {  	s7 =	sld [smem:$0x3FA9]  }
0x2d: {  	s3 =	simm.s32 $0x108;
	s8 =	sld [smem:$0x3FAA]  }
0x2e: {  	s3 =	simm.s32 @!p0 $0x1082;
	s9 =	sld [smem:$0x3FAB]  }
0x2f: {  	lr =	sadd.s32 s0, s3;
	s0 =	sld [smem:$0x3FA2]  }
0x30: {  	s3 =	sld [smem:$0x3FA5]  }
0x31: {  	[smem:$0x3FAE] =	sst s10  }
0x32: {  	s10 =	sld [smem:$0x3FAC];
	_ =	sdelay $0x3  }
0x33: {  	p0 =	seq.s32 s10, $0x1;
	s10 =	sld [smem:$0x3FAE];
	_ =	sdelay $0x3  }
0x34: {  	[smem:$0x3FAE] =	sst s10  }
0x35: {  	s10 =	sld [smem:$0x3FAD];
	_ =	sdelay $0x3  }
0x36: {  	p1 =	seq.s32 s10, $0x1;
	s10 =	sld [smem:$0x3FAE];
	_ =	sdelay $0x3  }
0x37: {  	[smem:$0x3FAE] =	sst s10  }
0x38: {  	s10 =	sld [smem:$0x3FAF]  }
0x39: {  	_ = 	snop;
	(pc) =	sbr.ind lr, $3  }
0x3a: {  	_ = 	snop  }
0x3b: {  	_ = 	snop  }
0x3c: {  	p2 =	seq.s32 s10, $0x1;
	s10 =	sld [smem:$0x3FAE]  }
0x3d: {  	_ =	shalt  }
0x3e: {  	_ =	shalt  }
0x3f: {  	_ =	shalt  }
0x40: {  	_ =	shalt  }
0x41: {  	_ =	shalt  }
0x42: {  	_ =	shalt  }
0x43: {  	_ =	shalt  }
0x44: {  	_ =	shalt  }
0x45: {  	_ =	shalt  }
0x46: {  	_ =	shalt  }
0x47: {  	_ =	shalt  }
0x48: {  	_ =	shalt  }
0x49: {  	_ =	shalt  }
0x4a: {  	_ =	shalt  }
0x4b: {  	_ =	shalt  }
0x4c: {  	_ =	shalt  }
0x4d: {  	_ =	shalt  }
0x4e: {  	_ =	shalt  }
0x4f: {  	_ =	shalt  }
0x50: {  	_ =	shalt  }
0x51: {  	_ =	shalt  }
0x52: {  	_ =	shalt  }
0x53: {  	_ =	shalt  }
0x54: {  	_ =	shalt  }
0x55: {  	_ =	shalt  }
0x56: {  	_ =	shalt  }
0x57: {  	_ =	shalt  }
0x58: {  	_ =	shalt  }
0x59: {  	_ =	shalt  }
0x5a: {  	_ =	shalt  }
0x5b: {  	_ =	shalt  }
0x5c: {  	_ =	shalt  }
0x5d: {  	_ =	shalt  }
0x5e: {  	_ =	shalt  }
0x5f: {  	_ =	shalt  }
0x60: {  	_ =	shalt  }
0x61: {  	_ =	shalt  }
0x62: {  	_ =	shalt  }
0x63: {  	_ =	shalt  }
0x64: {  	_ =	shalt  }
0x65: {  	_ =	shalt  }
0x66: {  	_ =	shalt  }
0x67: {  	_ =	shalt  }
0x68: {  	_ =	shalt  }
0x69: {  	_ =	shalt  }
0x6a: {  	_ =	shalt  }
0x6b: {  	_ =	shalt  }
0x6c: {  	_ =	shalt  }
0x6d: {  	_ =	shalt  }
0x6e: {  	_ =	shalt  }
0x6f: {  	_ =	shalt  }
0x70: {  	_ =	shalt  }
0x71: {  	_ =	shalt  }
0x72: {  	_ =	shalt  }
0x73: {  	_ =	shalt  }
0x74: {  	_ =	shalt  }
0x75: {  	_ =	shalt  }
0x76: {  	_ =	shalt  }
0x77: {  	_ =	shalt  }
0x78: {  	_ =	shalt  }
0x79: {  	_ =	shalt  }
0x7a: {  	_ =	shalt  }
0x7b: {  	_ =	shalt  }
0x7c: {  	_ =	shalt  }
0x7d: {  	_ =	shalt  }
0x7e: {  	_ =	shalt  }
0x7f: {  	_ =	shalt  }
0x80: {  	_ =	shalt  }
0x81: {  	_ =	shalt  }
0x82: {  	_ =	shalt  }
0x83: {  	_ =	shalt  }
0x84: {  	_ =	shalt  }
0x85: {  	_ =	shalt  }
0x86: {  	_ =	shalt  }
0x87: {  	_ =	shalt  }
.Lfunc_end0:
.L_simem_size_0:
called_computation.4_lowered:
.L_overlay_start_0:
0x88: {  	s2 =	sld [smem:$0x3FD9]  }
0x89: {  	s3 =	sld [smem:$0x3FFE];
	_ =	sdelay $0x1  }
0x8a: {  	s1 =	srdreg.scid  }
0x8b: {  	s0 =	sand.u32 $0x1, s1  }
0x8c: {  	s17 =	sshll.u32 s0, $0xA;
	s2 =	sadd.s32 s3, s2  }
0x8d: {  	s2 =	sadd.s32 s2, s17  }
0x8e: {  	[smem:$0x3FBA] =	sst s2  }
0x8f: {  	_ = 	snop  }
0x90: {  	s2 =	sld [smem:$0x3FD0];
	(tm) =	ssettm $0x1  }
0x91: {  	s18 =	sld [smem:$0x3FFB];
	_ =	sdelay $0x3  }
0x92: {  	_ =	strace s18  }
0x93: {  	s3 =	sld [smem:$0x3FFC];
	_ =	sdelay $0x3  }
0x94: {  	_ =	strace s3  }
0x95: {  	s3 =	sld [smem:$0x3FFD];
	_ =	sdelay $0x3  }
0x96: {  	_ =	strace s3  }
0x97: {  	_ =	strace $0x8FFFFFFF  }
0x98: {  	s19 =	sld [smem:$0x3FDB];
	_ =	sdelay $0x1  }
0x99: {  	s4 =	simm.s32 $_scs_section_size  }
0x9a: {  	s5 =	simm.s32 $_size__tile_overlayer_lowered;
	s6 =	simm.s32 $_tile_overlayer_lowered  }
0x9b: {  	s22 =	simm.s32 $0x1BFF;
	s21 =	sshll.u32 s6, $0x1;
	s3 =	sadd.s32 s4, s19  }
0x9c: {  	s7 =	simm.s32 $0x0;
	s20 =	sshll.u32 s5, $0x1;
	s5 =	sadd.s32 s21, s3  }
0x9d: {  	[timem:s7], [sflag:s22] =	dma.local [hbm:s5], s20  }
0x9e: {  	_ =	swait.ge [sflag:s22], s20  }
0x9f: {  	s4 =	ssub.s32 $0x0, s20;
	[sflag:s22] =	ssyncset.done $0x0  }
0xa0: {  	[sflag:s22] =	ssyncadd.s32 s4;
	_ =	sdelay $0x1  }
0xa1: {  	s23 =	simm.s32 $0x1B8B  }
0xa2: {  	_ =	swait.ge [sflag:s23], $0x1  }
0xa3: {  	[sflag:s23] =	ssyncset.done $0x0  }
0xa4: {  	s25 =	simm.s32 $0x1B8E;
	s24 =	sld [smem:$0x3FFE];
	[sflag:s23] =	ssyncadd.s32 $0xFFFFFFFF  }
0xa5: {  	s26 =	simm.s32 $execute0_lowered;
	[smem:$0x3FD2] =	sst s25  }
0xa6: {  	s5 =	sshll.u32 s26, $0x1;
	_ =	strace $0x80000052;
	[dreg:$0x1] =	wrdreg $0xFFFFFFFF  }
0xa7: {  	s28 =	simm.s32 $_size_execute0_lowered;
	s3 =	sadd.s32 s3, s5;
	[dreg:$0x0] =	wrdreg $0x0  }
0xa8: {  	s5 =	sshll.u32 s28, $0x1;
	[dreg:$0x2] =	wrdreg s3  }
0xa9: {  	[dreg:$0x3] =	wrdreg s5  }
0xaa: {  	[dreg:$0x4] =	wrdreg $0xC0  }
0xab: {  	_ =	task [dreg:s7], $0x5FFFF  }
0xac: {  	[dreg:$0x1] =	wrdreg $0xFFFFFFFF  }
0xad: {  	[dreg:$0x0] =	wrdreg $0x60  }
0xae: {  	[dreg:$0x2] =	wrdreg s24  }
0xaf: {  	[dreg:$0x3] =	wrdreg s2  }
0xb0: {  	[dreg:$0x4] =	wrdreg $0x9  }
0xb1: {  	_ =	task.clear_ibuf [dreg:s7], $0x5FFFF;
	_ =	strace $0x90000052  }
0xb2: {  	s29 =	simm.s32 $0x9;
	_ =	strace $0x80000054  }
0xb3: {  	_ =	swait.ge [sflag:s29], $0x1  }
0xb4: {  	[sflag:s29] =	ssyncadd.s32 $0xFFFFFFFF  }
0xb5: {  	_ =	strace $0x90000054  }
0xb6: {  	_ =	sfence  }
0xb7: {  	s30 =	sld [smem:$0x0];
	_ =	sdelay $0x2  }
0xb8: {  	s31 =	sshll.u32 s1, $0xD;
	s1 =	sshrl.u32 s1, $0x2  }
0xb9: {  	s3 =	sand.u32 $0x4000, s31;
	s1 =	sadd.s32 s1, s30  }
0xba: {  	s0 =	sor.u32 s3, s0;
	s1 =	sshll.u32 s1, $0x11  }
0xbb: {  	s0 =	sor.u32 s1, s0  }
0xbc: {  	s0 =	sadd.s32 $0x8F2B, s0  }
0xbd: {  	[sflag:s0] =	ssyncadd.remote.s32 $0x1  }
0xbe: {  	_ =	sfence.sel $0xFFFF  }
0xbf: {  	[dreg:$0x0] =	wrdreg $0xFFFFFFFF;
	(pc) =	sbr.abs _section_cstart, $3  }
0xc0: {  	[dreg:$0x1] =	wrdreg $0xFFFFFFFF  }
0xc1: {  	_ =	task.clear_ibuf [dreg:s7], $0x2FFFF;
	_ =	strace $0x9FFFFFFF  }
0xc2: {  	(tm) =	ssettm $0x7FFFFFFF  }
0xc3: {  	_ =	shalt  }
tec
execute0_lowered:
.L_overlay_start_1:
0x0: {  	(tag) =	ssettag $0x1  }
0x1: {  	s1 =	srdreg.scid  }
0x2: {  	s0 =	stileid.u32;
	s6 =	rddreg [dreg:$0x0]  }
0x3: {  	s2 =	rddreg [dreg:$0x1];
	s3 =	simm.s32 $0x0;
	s13 =	simm.s32 $0x1B190  }
0x4: {  	s14 =	simm.s32 $0x2;
	s15 =	simm.s32 $0x1;
	s16 =	simm.s32 $0x1B080  }
0x5: {  	s17 =	simm.s32 $0x1B100;
	s18 =	simm.s32 $0x80;
	s19 =	simm.s32 $0x18880  }
0x6: {  	s20 =	simm.s32 $0x6220;
	s21 =	simm.s32 $0xC440;
	s22 =	simm.s32 $0x12660  }
0x7: {  	s23 =	simm.s32 $0x0;
	s7 =	sand.u32 $0x1, s1;
	s30 =	sshll.u32 s0, $0x1  }
0x8: {  	[smem:$0x7FF] =	sst s3;
	s4 =	sadd.s32 $0x2B4C00, s6;
	s8 =	sor.u32 s7, s30  }
0x9: {  	s1 =	rddreg [dreg:$0x2];
	_ =	strace $0x80000053;
	s5 =	smul.u32 $0x6220, s8  }
.Ltmp0:
0xa: {  	s12 =	ssub.s32 $0x2, s7;
	s10 =	sadd.s32 s8, s6;
	(pc) =	sbr.rel .LBB2_1-.Ltmp0, $4  }
0xb: {  	s7 =	smul.u32 $0xA0000, s8;
	s31 =	sshrl.u32 s12, $0x1;
	s9 =	sshrl.u32 s5, $0x3  }
0xc: {  	s5 =	sadd.s32 $0x34A00, s6;
	s11 =	sadd.s32 s9, s6;
	s6 =	sadd.s32 $0x2B4A00, s10  }
0xd: {  	v1 =	vimm.f32 $3.000000010e+38;
	s12 =	ssub.s32 s12, s31;
	s8 =	sadd.s32 $0x2CD400, s11;
	s9 =	sadd.s32 $0x2E5C80, s11  }
0xe: {  	v0 =	vimm.f32 $0.0e+00;
	v2 =	vimm.f32 $-3.000000010e+38;
	s12 =	smax.u32 s12, $0x1;
	s10 =	sadd.s32 $0x2FE500, s11;
	s11 =	sadd.s32 $0x316D80, s11  }
.LBB2_7:
0xf: {  	[hbm4b:s8+s3] =	stream.linear.scatter [tilespmem:s3], [sflag:$0x2], $0x6220, $0x38;
	[tilespmem:$0x1B1A0] =	vst v63  }
0x10: {  	_ =	swait.ge [sflag:s14], $0x6220  }
0x11: {  	[sflag:s14] =	ssyncset.done $0x0  }
0x12: {  	[sflag:s14] =	ssyncadd.s32 $0xFFFF9DE0  }
0x13: {  	[hbm4b:s9+s3] =	stream.linear.scatter [tilespmem:s20], [sflag:$0x2], $0x6220, $0x38;
	[tilespmem:$0x1B1A0] =	vst v63  }
0x14: {  	_ =	swait.ge [sflag:s14], $0x6220  }
0x15: {  	[sflag:s14] =	ssyncset.done $0x0  }
0x16: {  	[sflag:s14] =	ssyncadd.s32 $0xFFFF9DE0  }
0x17: {  	[hbm4b:s10+s3] =	stream.linear.scatter [tilespmem:s21], [sflag:$0x2], $0x6220, $0x38;
	[tilespmem:$0x1B1A0] =	vst v63  }
0x18: {  	s23 =	sadd.s32 $0x1, s23;
	_ =	swait.ge [sflag:s14], $0x6220  }
0x19: {  	p0 =	sne.s32 s23, s12;
	[sflag:s14] =	ssyncset.done $0x0  }
.Ltmp1:
0x1a: {  	[sflag:s14] =	ssyncadd.s32 $0xFFFF9DE0;
	(pc) =	sbr.rel @!p0 .LBB2_8-.Ltmp1, $4  }
0x1b: {  	[hbm4b:s11+s3] =	stream.linear.scatter [tilespmem:s22], [sflag:$0x2], $0x6220, $0x38;
	[tilespmem:$0x1B1A0] =	vst v63  }
0x1c: {  	_ =	swait.ge [sflag:s14], $0x6220  }
0x1d: {  	[sflag:s14] =	ssyncset.done $0x0  }
0x1e: {  	[sflag:s14] =	ssyncadd.s32 $0xFFFF9DE0  }
.LBB2_1:
0x1f: {  	[tilespmem:s13], [sflag:$0x2] =	stream.linear.gather [hbm4b:s6+s3], $0x8, $0x38;
	[tilespmem:$0x1B1A0] =	vst v63  }
0x20: {  	_ =	swait.ge [sflag:s14], $0x8  }
0x21: {  	[sflag:s14] =	ssyncset.done $0x0  }
0x22: {  	[sflag:s14] =	ssyncadd.s32 $0xFFFFFFF8  }
0x23: {  	s24 =	simm.s32 $0x0;
	s25 =	simm.s32 $0x140;
	v3 =	vld [tilespmem:$0x1B190]  }
.LBB2_2:
0x24: {  	p0 =	seq.s32 s25, $0x18740;
	[tilespmem:s24+$0x126A0] =	vst v2  }
0x25: {  	[tilespmem:s24+$0x0] =	vst v0  }
0x26: {  	[tilespmem:s24+$0x6220] =	vst v0  }
0x27: {  	[tilespmem:s24+$0xC440] =	vst v1  }
0x28: {  	[tilespmem:s24+$0x12660] =	vst v2  }
0x29: {  	[tilespmem:s24+$0x10] =	vst v0  }
0x2a: {  	[tilespmem:s24+$0x6230] =	vst v0  }
0x2b: {  	[tilespmem:s24+$0xC450] =	vst v1  }
0x2c: {  	[tilespmem:s24+$0x12670] =	vst v2  }
0x2d: {  	[tilespmem:s24+$0x20] =	vst v0  }
0x2e: {  	[tilespmem:s24+$0x6240] =	vst v0  }
0x2f: {  	[tilespmem:s24+$0xC460] =	vst v1  }
0x30: {  	[tilespmem:s24+$0x12680] =	vst v2  }
0x31: {  	[tilespmem:s24+$0x30] =	vst v0  }
0x32: {  	[tilespmem:s24+$0x6250] =	vst v0  }
.Ltmp2:
0x33: {  	[tilespmem:s24+$0xC470] =	vst v1;
	(pc) =	sbr.rel @!p0 .LBB2_2-.Ltmp2, $4  }
0x34: {  	[tilespmem:s24+$0x12690] =	vst v2  }
0x35: {  	[tilespmem:s24+$0x40] =	vst v0  }
0x36: {  	[tilespmem:s24+$0x6260] =	vst v0  }
0x37: {  	[tilespmem:s24+$0xC480] =	vst v1;
	s24 =	sshra.s32 s25, $0x2;
	s25 =	sadd.s32 $0x140, s25  }
0x38: {  	[tilespmem:s24+$0x126A0] =	vst v2  }
0x39: {  	[tilespmem:s24+$0x0] =	vst v0  }
0x3a: {  	[tilespmem:s24+$0x6220] =	vst v0  }
0x3b: {  	[tilespmem:s24+$0xC440] =	vst v1;
	(v2sf) =	vpush v3, $0x0  }
0x3c: {  	[tilespmem:s24+$0x12660] =	vst v2  }
0x3d: {  	[tilespmem:s24+$0x10] =	vst v0  }
0x3e: {  	[tilespmem:s24+$0x6230] =	vst v0  }
0x3f: {  	[tilespmem:s24+$0xC450] =	vst v1  }
0x40: {  	[tilespmem:s24+$0x12670] =	vst v2  }
0x41: {  	[tilespmem:s24+$0x20] =	vst v0  }
0x42: {  	[tilespmem:s24+$0x6240] =	vst v0  }
0x43: {  	[tilespmem:s24+$0xC460] =	vst v1  }
0x44: {  	[tilespmem:s24+$0x12680] =	vst v2  }
0x45: {  	[tilespmem:s24+$0x30] =	vst v0  }
0x46: {  	[tilespmem:s24+$0x6250] =	vst v0  }
0x47: {  	[tilespmem:s24+$0xC470] =	vst v1  }
0x48: {  	[tilespmem:s24+$0x12690] =	vst v2  }
0x49: {  	[tilespmem:s24+$0x40] =	vst v0  }
0x4a: {  	[tilespmem:s24+$0x6260] =	vst v0;
	s30 =	spop (v2sf)  }
0x4b: {  	[tilespmem:s24+$0xC480] =	vst v1;
	s24 =	sadd.s32 $0x7F, s30  }
0x4c: {  	s25 =	sand.u32 $0x7F, s24  }
0x4d: {  	s26 =	sshra.s32 s24, $0x1F;
	p0 =	slt.s32 s24, $0x1;
	p1 =	sne.s32 s25, $0x0  }
0x4e: {  	s31 =	sshrl.u32 s26, $0x19;
	p0 =	por !p0, !p1  }
0x4f: {  	s25 =	simm.s32 $0x1;
	s24 =	sadd.s32 s31, s24;
	p0 =	por !p0, !p0  }
0x50: {  	s24 =	sshra.s32 s24, $0x7;
	s25 =	simm.s32 @!p0 $0x0  }
0x51: {  	s24 =	ssub.s32 s24, s25  }
0x52: {  	p0 =	sgt.s32 s24, $0x0  }
.Ltmp3:
0x53: {  	_ = 	snop;
	(pc) =	sbr.rel @!p0 .LBB2_7-.Ltmp3, $2  }
0x54: {  	_ =	sdelay $0x2  }
0x55: {  	s26 =	simm.s32 $0x0;
	s25 =	simm.s32 $0x0  }
.LBB2_4:
0x56: {  	s28 =	sshll.u32 s26, $0x7  }
0x57: {  	s28 =	sadd.s32 s7, s28  }
0x58: {  	s28 =	sshrl.u32 s28, $0x3  }
0x59: {  	s29 =	sadd.s32 s2, s28  }
0x5a: {  	[tilespmem:s16], [sflag:$0x2] =	stream.linear.gather [hbm4b:s29+s25], $0x80, $0x38;
	[tilespmem:$0x1B1A0] =	vst v63  }
0x5b: {  	_ =	swait.ge [sflag:s14], $0x80  }
0x5c: {  	[sflag:s14] =	ssyncset.done $0x0  }
0x5d: {  	s28 =	sadd.s32 s5, s28;
	[sflag:s14] =	ssyncadd.s32 $0xFFFFFF80  }
0x5e: {  	[tilespmem:s17], [sflag:$0x2] =	stream.linear.gather [hbm4b:s28+s25], $0x80, $0x38;
	[tilespmem:$0x1B1A0] =	vst v63  }
0x5f: {  	_ =	swait.ge [sflag:s14], $0x80  }
0x60: {  	[sflag:s14] =	ssyncset.done $0x0  }
0x61: {  	[sflag:s14] =	ssyncadd.s32 $0xFFFFFF80  }
0x62: {  	[tilespmem:s19], [sflag:$0x1] =	stream.indirect.gather [hbm4b:s4+s18], $0x50, s16, s18, $0xb8;
	[tilespmem:$0x1B1A0] =	vst v63  }
0x63: {  	_ =	swait.ge [sflag:s15], $0x2800  }
0x64: {  	[sflag:s15] =	ssyncset.done $0x0  }
0x65: {  	s28 =	simm.s32 $0x0;
	[sflag:s15] =	ssyncadd.s32 $0xFFFFD800  }
0x66: {  	v3 =	vld [tilespmem:s28+$0x1B100];
	_ =	sdelay $0x4  }
0x67: {  	(v2sf) =	vpush v3, $0x0;
	_ =	sdelay $0xe  }
0x68: {  	s29 =	spop (v2sf)  }
0x69: {  	s28 =	simm.s32 $0x188A0;
	s29 =	smul.u32 $0x50, s29  }
0x6a: {  	v3 =	vld [tilespmem:s28+$0xFFFFFFE0]  }
0x6b: {  	v4 =	vld [tilespmem:s29+$0x12660]  }
0x6c: {  	v5 =	vld [tilespmem:s29+$0xC440]  }
0x6d: {  	v6 =	vld [tilespmem:s29+$0x0]  }
0x6e: {  	v7 =	vld [tilespmem:s29+$0x6220];
	_ =	sdelay $0x2  }
0x6f: {  	v8 =	vmul.f32 v3, v3;
	v4 =	vmax.f32 v4, v3  }
0x70: {  	v5 =	vmin.f32 v5, v3;
	v3 =	vadd.f32 v6, v3;
	[tilespmem:s29+$0x12660] =	vst v4  }
0x71: {  	[tilespmem:s29+$0xC440] =	vst v5;
	v4 =	vadd.f32 v7, v8  }
0x72: {  	[tilespmem:s29+$0x0] =	vst v3;
	v3 =	vld [tilespmem:s29+$0xC450]  }
0x73: {  	[tilespmem:s29+$0x6220] =	vst v4;
	v4 =	vld [tilespmem:s29+$0x10]  }
0x74: {  	v5 =	vld [tilespmem:s28+$0xFFFFFFF0]  }
0x75: {  	v6 =	vld [tilespmem:s29+$0x12670]  }
0x76: {  	v7 =	vld [tilespmem:s29+$0x6230];
	_ =	sdelay $0x2  }
0x77: {  	v4 =	vadd.f32 v4, v5;
	v3 =	vmin.f32 v3, v5;
	v8 =	vmul.f32 v5, v5  }
0x78: {  	[tilespmem:s29+$0xC450] =	vst v3  }
0x79: {  	v3 =	vmax.f32 v6, v5;
	[tilespmem:s29+$0x10] =	vst v4;
	v4 =	vadd.f32 v7, v8  }
0x7a: {  	[tilespmem:s29+$0x12670] =	vst v3;
	v3 =	vld [tilespmem:s29+$0xC460]  }
0x7b: {  	[tilespmem:s29+$0x6230] =	vst v4;
	v4 =	vld [tilespmem:s29+$0x20]  }
0x7c: {  	v5 =	vld [tilespmem:s28+$0x0]  }
0x7d: {  	v6 =	vld [tilespmem:s29+$0x12680]  }
0x7e: {  	v7 =	vld [tilespmem:s29+$0x6240];
	_ =	sdelay $0x2  }
0x7f: {  	v4 =	vadd.f32 v4, v5;
	v3 =	vmin.f32 v3, v5;
	v8 =	vmul.f32 v5, v5  }
0x80: {  	[tilespmem:s29+$0xC460] =	vst v3  }
0x81: {  	v3 =	vmax.f32 v6, v5;
	[tilespmem:s29+$0x20] =	vst v4;
	v4 =	vadd.f32 v7, v8  }
0x82: {  	[tilespmem:s29+$0x12680] =	vst v3;
	v3 =	vld [tilespmem:s29+$0xC470]  }
0x83: {  	[tilespmem:s29+$0x6240] =	vst v4;
	v4 =	vld [tilespmem:s29+$0x30]  }
0x84: {  	v5 =	vld [tilespmem:s28+$0x10]  }
0x85: {  	v6 =	vld [tilespmem:s29+$0x12690]  }
0x86: {  	v7 =	vld [tilespmem:s29+$0x6250];
	_ =	sdelay $0x2  }
0x87: {  	v4 =	vadd.f32 v4, v5;
	v3 =	vmin.f32 v3, v5;
	v8 =	vmul.f32 v5, v5  }
0x88: {  	[tilespmem:s29+$0xC470] =	vst v3  }
0x89: {  	v3 =	vmax.f32 v6, v5;
	[tilespmem:s29+$0x30] =	vst v4;
	v4 =	vadd.f32 v7, v8  }
0x8a: {  	[tilespmem:s29+$0x12690] =	vst v3;
	v8 =	vld [tilespmem:s29+$0xC480]  }
0x8b: {  	[tilespmem:s29+$0x6250] =	vst v4;
	v4 =	vld [tilespmem:s29+$0x40]  }
0x8c: {  	v3 =	vld [tilespmem:s28+$0x20];
	_ =	sdelay $0x1  }
0x8d: {  	v6 =	vld [tilespmem:s29+$0x126A0]  }
0x8e: {  	v5 =	vld [tilespmem:s29+$0x6260];
	_ =	sdelay $0x1  }
0x8f: {  	s30 =	simm.s32 $0x4;
	v4 =	vadd.f32 v4, v3;
	v7 =	vmul.f32 v3, v3;
	v8 =	vmin.f32 v8, v3  }
.LBB2_5:
0x90: {  	p0 =	sne.s32 s30, $0x1FC  }
0x91: {  	[tilespmem:s29+$0xC480] =	vst v8;
	v3 =	vmax.f32 v6, v3;
	s28 =	sadd.s32 $0x50, s28;
	s31 =	smov.u32 s30;
	s30 =	sadd.s32 $0x4, s30  }
0x92: {  	v5 =	vadd.f32 v5, v7;
	[tilespmem:s29+$0x126A0] =	vst v3  }
0x93: {  	[tilespmem:s29+$0x40] =	vst v4  }
0x94: {  	s31 =	sshra.s32 s31, $0x2;
	[tilespmem:s29+$0x6260] =	vst v5  }
0x95: {  	v3 =	vld [tilespmem:s31+$0x1B100];
	_ =	sdelay $0x4  }
0x96: {  	(v2sf) =	vpush v3, $0x0;
	_ =	sdelay $0xe  }
0x97: {  	s29 =	spop (v2sf)  }
0x98: {  	s29 =	smul.u32 $0x50, s29  }
0x99: {  	v3 =	vld [tilespmem:s28+$0xFFFFFFE0]  }
0x9a: {  	v4 =	vld [tilespmem:s29+$0x12660]  }
0x9b: {  	v5 =	vld [tilespmem:s29+$0xC440]  }
0x9c: {  	v6 =	vld [tilespmem:s29+$0x0]  }
0x9d: {  	v7 =	vld [tilespmem:s29+$0x6220];
	_ =	sdelay $0x1  }
0x9e: {  	v4 =	vmax.f32 v4, v3  }
0x9f: {  	v8 =	vmul.f32 v3, v3;
	v5 =	vmin.f32 v5, v3  }
0xa0: {  	v3 =	vadd.f32 v6, v3;
	[tilespmem:s29+$0x12660] =	vst v4  }
0xa1: {  	v4 =	vadd.f32 v7, v8;
	[tilespmem:s29+$0xC440] =	vst v5  }
0xa2: {  	[tilespmem:s29+$0x0] =	vst v3;
	v3 =	vld [tilespmem:s29+$0xC450]  }
0xa3: {  	[tilespmem:s29+$0x6220] =	vst v4;
	v4 =	vld [tilespmem:s29+$0x10]  }
0xa4: {  	v5 =	vld [tilespmem:s28+$0xFFFFFFF0]  }
0xa5: {  	v6 =	vld [tilespmem:s29+$0x12670]  }
0xa6: {  	v7 =	vld [tilespmem:s29+$0x6230];
	_ =	sdelay $0x2  }
0xa7: {  	v4 =	vadd.f32 v4, v5;
	v8 =	vmul.f32 v5, v5;
	v3 =	vmin.f32 v3, v5  }
0xa8: {  	[tilespmem:s29+$0xC450] =	vst v3;
	v3 =	vmax.f32 v6, v5  }
0xa9: {  	[tilespmem:s29+$0x10] =	vst v4;
	v4 =	vadd.f32 v7, v8  }
0xaa: {  	[tilespmem:s29+$0x12670] =	vst v3;
	v3 =	vld [tilespmem:s29+$0xC460]  }
0xab: {  	[tilespmem:s29+$0x6230] =	vst v4;
	v4 =	vld [tilespmem:s29+$0x20]  }
0xac: {  	v5 =	vld [tilespmem:s28+$0x0]  }
0xad: {  	v6 =	vld [tilespmem:s29+$0x12680]  }
0xae: {  	v7 =	vld [tilespmem:s29+$0x6240];
	_ =	sdelay $0x2  }
0xaf: {  	v4 =	vadd.f32 v4, v5;
	v8 =	vmul.f32 v5, v5;
	v3 =	vmin.f32 v3, v5  }
0xb0: {  	[tilespmem:s29+$0xC460] =	vst v3;
	v3 =	vmax.f32 v6, v5  }
0xb1: {  	[tilespmem:s29+$0x20] =	vst v4;
	v4 =	vadd.f32 v7, v8  }
0xb2: {  	[tilespmem:s29+$0x12680] =	vst v3;
	v3 =	vld [tilespmem:s29+$0xC470]  }
0xb3: {  	[tilespmem:s29+$0x6240] =	vst v4;
	v4 =	vld [tilespmem:s29+$0x30]  }
0xb4: {  	v5 =	vld [tilespmem:s28+$0x10]  }
0xb5: {  	v6 =	vld [tilespmem:s29+$0x12690]  }
0xb6: {  	v7 =	vld [tilespmem:s29+$0x6250];
	_ =	sdelay $0x2  }
0xb7: {  	v4 =	vadd.f32 v4, v5;
	v8 =	vmul.f32 v5, v5;
	v3 =	vmin.f32 v3, v5  }
0xb8: {  	[tilespmem:s29+$0xC470] =	vst v3;
	v3 =	vmax.f32 v6, v5  }
0xb9: {  	[tilespmem:s29+$0x30] =	vst v4;
	v4 =	vadd.f32 v7, v8  }
0xba: {  	[tilespmem:s29+$0x12690] =	vst v3;
	v8 =	vld [tilespmem:s29+$0xC480]  }
0xbb: {  	[tilespmem:s29+$0x6250] =	vst v4;
	v4 =	vld [tilespmem:s29+$0x40]  }
0xbc: {  	v3 =	vld [tilespmem:s28+$0x20]  }
.Ltmp4:
0xbd: {  	v6 =	vld [tilespmem:s29+$0x126A0];
	(pc) =	sbr.rel @p0 .LBB2_5-.Ltmp4, $2  }
0xbe: {  	v5 =	vld [tilespmem:s29+$0x6260];
	_ =	sdelay $0x2  }
0xbf: {  	v4 =	vadd.f32 v4, v3;
	v7 =	vmul.f32 v3, v3;
	v8 =	vmin.f32 v8, v3  }
0xc0: {  	s26 =	sadd.s32 $0x1, s26  }
0xc1: {  	p0 =	sne.s32 s26, s24  }
.Ltmp5:
0xc2: {  	_ = 	snop;
	(pc) =	sbr.rel @p0 .LBB2_4-.Ltmp5, $4  }
.Ltmp6:
0xc3: {  	[tilespmem:s29+$0xC480] =	vst v8;
	v3 =	vmax.f32 v6, v3;
	(pc) =	sbr.rel @!p0 .LBB2_7-.Ltmp6, $4  }
0xc4: {  	v5 =	vadd.f32 v5, v7;
	[tilespmem:s29+$0x126A0] =	vst v3  }
0xc5: {  	[tilespmem:s29+$0x40] =	vst v4  }
0xc6: {  	[tilespmem:s29+$0x6260] =	vst v5  }
0xc7: {  	_ = 	snop  }
.LBB2_8:
0xc8: {  	_ =	sfence.sel $0x180000  }
0xc9: {  	[bflag:$0x0] =	sbarrier.arrive $0xFFFF  }
0xca: {  	p0 =	sne.s32 s0, $0x0;
	_ =	strace $0x90000053  }
0xcb: {  	s0 =	sadd.s32 @!p0 $0x100000, s1;
	[bflag:$0x2] =	sbarrier.arrive $0xFFFF  }
0xcc: {  	[sflag:s0] =	ssyncadd.tile.s32 @!p0 $0x1;
	_ =	shalt  }
.Lfunc_end2:
_tile_overlayer_lowered:
.L_overlay_start_2:
0xcd: {  	(tag) =	ssettag $0x2  }
0xce: {  	s0 =	rddreg [dreg:$0x0];
	s2 =	stileid.u32  }
0xcf: {  	s1 =	rddreg [dreg:$0x1];
	p0 =	sne.s32 s2, $0x0  }
0xd0: {  	s3 =	rddreg [dreg:$0x2];
	[bflag:$0x3] =	sbarrier.arrive $0xFFFF;
	s2 =	simm.s32 @!p0 $0x1C02  }
0xd1: {  	[timem:s3], [sflag:s2] =	dma.local @!p0 [hbm:s0], s1  }
0xd2: {  	s0 =	simm.s32 @!p0 $0x2  }
0xd3: {  	_ =	swait.ge @!p0 [sflag:s0], s1  }
0xd4: {  	s1 =	ssub.s32 @!p0 $0x0, s1;
	[sflag:s0] =	ssyncset.done @!p0 $0x0  }
0xd5: {  	[sflag:s0] =	ssyncadd.s32 @!p0 s1  }
0xd6: {  	[bflag:$0x3] =	sbarrier.arrive $0xFFFF  }
0xd7: {  	_ =	shalt  }

// kernel: kernel.8.cloned.1.call-start
scs
__scs_entry_jumppad:
0x0: {  	(pc) =	sbr.rel $0x88, $3  }
0x1: {  	(tag) =	ssettag $0x0;
	lr =	simm.s32 $0x1  }
0x2: {  	[smem:$0x3F93] =	sst lr;
	_ =	strace $0xD0000000  }
0x3: {  	_ = 	snop  }
0x4: {  	_ = 	snop  }
0x5: {  	_ = 	snop  }
0x6: {  	_ = 	snop  }
0x7: {  	_ = 	snop  }
__scs_overlays_trampoline_lowered:
0x8: {  	[smem:$0x3FA2] =	sst s0  }
0x9: {  	[smem:$0x3FA3] =	sst s1  }
0xa: {  	[smem:$0x3FA4] =	sst s2  }
0xb: {  	[smem:$0x3FA5] =	sst s3  }
0xc: {  	[smem:$0x3FA6] =	sst s4  }
0xd: {  	[smem:$0x3FA7] =	sst s5  }
0xe: {  	[smem:$0x3FA8] =	sst s6  }
0xf: {  	[smem:$0x3FA9] =	sst s7  }
0x10: {  	[smem:$0x3FAA] =	sst s8  }
0x11: {  	[smem:$0x3FAB] =	sst s9;
	s0 =	simm.s32 @!p0 $0x0  }
0x12: {  	s1 =	sld [smem:$0x3F91];
	s0 =	simm.s32 @p0 $0x1  }
0x13: {  	[smem:$0x3FAC] =	sst s0;
	s0 =	simm.s32 @!p1 $0x0  }
0x14: {  	s2 =	sld [smem:$0x3F90];
	s0 =	simm.s32 @p1 $0x1  }
0x15: {  	[smem:$0x3FAD] =	sst s0;
	s0 =	simm.s32 @!p2 $0x0  }
0x16: {  	s3 =	sld [smem:$0x3FDB];
	s0 =	simm.s32 @p2 $0x1  }
0x17: {  	s4 =	simm.s32 $0x1BF5;
	[smem:$0x3FAF] =	sst s0  }
0x18: {  	s0 =	sld [smem:$0x3F92];
	_ =	swait.ge [sflag:s4], $0x0  }
0x19: {  	s7 =	sld [smem:$0x3F93]  }
0x1a: {  	s8 =	sadd.s32 $0xFFFFE003, lr  }
0x1b: {  	s9 =	sadd.s32 $0xFFFFFEF7, lr;
	s5 =	simm.s32 $0xFFFFFFFF;
	p2 =	slt.u32 s8, $0xFFFFF086  }
0x1c: {  	p1 =	slt.u32 s9, $0xF7A;
	s5 =	simm.s32 @!p2 $0x0  }
0x1d: {  	s5 =	simm.s32 @p1 $0x1;
	p0 =	seq.s32 s7, s2  }
0x1e: {  	s7 =	smul.u32 @!p0 $0xF7A, s2;
	p2 =	seq.s32 @!p0 s5, $0x0  }
0x1f: {  	s9 =	smul.u32 $0xF7A, s1;
	s8 =	simm.s32 @!p0 $0x1BF5;
	p2 =	por !p2, p0  }
0x20: {  	[sflag:s8] =	ssyncset.s32 @!p0 $0xFFFFF086;
	s6 =	sadd.s32 @!p0 s3, s7;
	s7 =	simm.s32 @!p0 $0x108  }
0x21: {  	s3 =	sadd.s32 s3, s9;
	s6 =	sadd.s32 @!p0 $0x88, s6;
	s7 =	simm.s32 @p2 $0x1082  }
0x22: {  	[simem:s7], [sflag:s8] =	dma.local @!p0 [hbm:s6], $0xF7A  }
0x23: {  	s9 =	sor.u32 $0xD0000000, s2;
	s6 =	simm.s32 $0x108;
	_ =	swait.ge @!p0 [sflag:s8], $0x0  }
0x24: {  	s3 =	sadd.s32 $0x88, s3;
	s6 =	simm.s32 @!p1 $0x1082;
	[sflag:s4] =	ssyncset.s32 $0xFFFFF086  }
0x25: {  	[simem:s6], [sflag:s4] =	dma.local [hbm:s3], $0xF7A  }
0x26: {  	[smem:$0x3F93] =	sst s1;
	(tag) =	ssettag s2;
	_ =	strace s9  }
0x27: {  	s1 =	sld [smem:$0x3FA3]  }
0x28: {  	s2 =	sld [smem:$0x3FA4]  }
0x29: {  	s4 =	sld [smem:$0x3FA6]  }
0x2a: {  	p0 =	seq.s32 s5, $0x0;
	s5 =	sld [smem:$0x3FA7]  }
0x2b: {  	s6 =	sld [smem:$0x3FA8]  }
0x2c: {  	s7 =	sld [smem:$0x3FA9]  }
0x2d: {  	s3 =	simm.s32 $0x108;
	s8 =	sld [smem:$0x3FAA]  }
0x2e: {  	s3 =	simm.s32 @!p0 $0x1082;
	s9 =	sld [smem:$0x3FAB]  }
0x2f: {  	lr =	sadd.s32 s0, s3;
	s0 =	sld [smem:$0x3FA2]  }
0x30: {  	s3 =	sld [smem:$0x3FA5]  }
0x31: {  	[smem:$0x3FAE] =	sst s10  }
0x32: {  	s10 =	sld [smem:$0x3FAC];
	_ =	sdelay $0x3  }
0x33: {  	p0 =	seq.s32 s10, $0x1;
	s10 =	sld [smem:$0x3FAE];
	_ =	sdelay $0x3  }
0x34: {  	[smem:$0x3FAE] =	sst s10  }
0x35: {  	s10 =	sld [smem:$0x3FAD];
	_ =	sdelay $0x3  }
0x36: {  	p1 =	seq.s32 s10, $0x1;
	s10 =	sld [smem:$0x3FAE];
	_ =	sdelay $0x3  }
0x37: {  	[smem:$0x3FAE] =	sst s10  }
0x38: {  	s10 =	sld [smem:$0x3FAF]  }
0x39: {  	_ = 	snop;
	(pc) =	sbr.ind lr, $3  }
0x3a: {  	_ = 	snop  }
0x3b: {  	_ = 	snop  }
0x3c: {  	p2 =	seq.s32 s10, $0x1;
	s10 =	sld [smem:$0x3FAE]  }
0x3d: {  	_ =	shalt  }
0x3e: {  	_ =	shalt  }
0x3f: {  	_ =	shalt  }
0x40: {  	_ =	shalt  }
0x41: {  	_ =	shalt  }
0x42: {  	_ =	shalt  }
0x43: {  	_ =	shalt  }
0x44: {  	_ =	shalt  }
0x45: {  	_ =	shalt  }
0x46: {  	_ =	shalt  }
0x47: {  	_ =	shalt  }
0x48: {  	_ =	shalt  }
0x49: {  	_ =	shalt  }
0x4a: {  	_ =	shalt  }
0x4b: {  	_ =	shalt  }
0x4c: {  	_ =	shalt  }
0x4d: {  	_ =	shalt  }
0x4e: {  	_ =	shalt  }
0x4f: {  	_ =	shalt  }
0x50: {  	_ =	shalt  }
0x51: {  	_ =	shalt  }
0x52: {  	_ =	shalt  }
0x53: {  	_ =	shalt  }
0x54: {  	_ =	shalt  }
0x55: {  	_ =	shalt  }
0x56: {  	_ =	shalt  }
0x57: {  	_ =	shalt  }
0x58: {  	_ =	shalt  }
0x59: {  	_ =	shalt  }
0x5a: {  	_ =	shalt  }
0x5b: {  	_ =	shalt  }
0x5c: {  	_ =	shalt  }
0x5d: {  	_ =	shalt  }
0x5e: {  	_ =	shalt  }
0x5f: {  	_ =	shalt  }
0x60: {  	_ =	shalt  }
0x61: {  	_ =	shalt  }
0x62: {  	_ =	shalt  }
0x63: {  	_ =	shalt  }
0x64: {  	_ =	shalt  }
0x65: {  	_ =	shalt  }
0x66: {  	_ =	shalt  }
0x67: {  	_ =	shalt  }
0x68: {  	_ =	shalt  }
0x69: {  	_ =	shalt  }
0x6a: {  	_ =	shalt  }
0x6b: {  	_ =	shalt  }
0x6c: {  	_ =	shalt  }
0x6d: {  	_ =	shalt  }
0x6e: {  	_ =	shalt  }
0x6f: {  	_ =	shalt  }
0x70: {  	_ =	shalt  }
0x71: {  	_ =	shalt  }
0x72: {  	_ =	shalt  }
0x73: {  	_ =	shalt  }
0x74: {  	_ =	shalt  }
0x75: {  	_ =	shalt  }
0x76: {  	_ =	shalt  }
0x77: {  	_ =	shalt  }
0x78: {  	_ =	shalt  }
0x79: {  	_ =	shalt  }
0x7a: {  	_ =	shalt  }
0x7b: {  	_ =	shalt  }
0x7c: {  	_ =	shalt  }
0x7d: {  	_ =	shalt  }
0x7e: {  	_ =	shalt  }
0x7f: {  	_ =	shalt  }
0x80: {  	_ =	shalt  }
0x81: {  	_ =	shalt  }
0x82: {  	_ =	shalt  }
0x83: {  	_ =	shalt  }
0x84: {  	_ =	shalt  }
0x85: {  	_ =	shalt  }
0x86: {  	_ =	shalt  }
0x87: {  	_ =	shalt  }
.Lfunc_end0:
.L_simem_size_0:
called_computation_lowered:
.L_overlay_start_0:
0x88: {  	s2 =	sld [smem:$0x3FD9]  }
0x89: {  	s3 =	sld [smem:$0x3FFE];
	_ =	sdelay $0x1  }
0x8a: {  	s1 =	srdreg.scid  }
0x8b: {  	s0 =	sand.u32 $0x1, s1  }
0x8c: {  	s17 =	sshll.u32 s0, $0xA;
	s2 =	sadd.s32 s3, s2  }
0x8d: {  	s2 =	sadd.s32 s2, s17  }
0x8e: {  	[smem:$0x3FBA] =	sst s2  }
0x8f: {  	_ = 	snop  }
0x90: {  	s2 =	sld [smem:$0x3FD0];
	(tm) =	ssettm $0x1  }
0x91: {  	s18 =	sld [smem:$0x3FFB];
	_ =	sdelay $0x3  }
0x92: {  	_ =	strace s18  }
0x93: {  	s3 =	sld [smem:$0x3FFC];
	_ =	sdelay $0x3  }
0x94: {  	_ =	strace s3  }
0x95: {  	s3 =	sld [smem:$0x3FFD];
	_ =	sdelay $0x3  }
0x96: {  	_ =	strace s3  }
0x97: {  	_ =	strace $0x8FFFFFFF  }
0x98: {  	s19 =	sld [smem:$0x3FDB];
	_ =	sdelay $0x1  }
0x99: {  	s4 =	simm.s32 $_scs_section_size  }
0x9a: {  	s5 =	simm.s32 $_size__tile_overlayer_lowered;
	s6 =	simm.s32 $_tile_overlayer_lowered  }
0x9b: {  	s22 =	simm.s32 $0x1BFF;
	s21 =	sshll.u32 s6, $0x1;
	s3 =	sadd.s32 s4, s19  }
0x9c: {  	s7 =	simm.s32 $0x0;
	s20 =	sshll.u32 s5, $0x1;
	s5 =	sadd.s32 s21, s3  }
0x9d: {  	[timem:s7], [sflag:s22] =	dma.local [hbm:s5], s20  }
0x9e: {  	_ =	swait.ge [sflag:s22], s20  }
0x9f: {  	s4 =	ssub.s32 $0x0, s20;
	[sflag:s22] =	ssyncset.done $0x0  }
0xa0: {  	[sflag:s22] =	ssyncadd.s32 s4;
	_ =	sdelay $0x1  }
0xa1: {  	s23 =	simm.s32 $0x1B8B  }
0xa2: {  	_ =	swait.ge [sflag:s23], $0x1  }
0xa3: {  	[sflag:s23] =	ssyncset.done $0x0  }
0xa4: {  	s25 =	simm.s32 $0x1B8E;
	s24 =	sld [smem:$0x3FFE];
	[sflag:s23] =	ssyncadd.s32 $0xFFFFFFFF  }
0xa5: {  	s26 =	simm.s32 $execute0_lowered;
	[smem:$0x3FD2] =	sst s25  }
0xa6: {  	s5 =	sshll.u32 s26, $0x1;
	_ =	strace $0x80000046;
	[dreg:$0x1] =	wrdreg $0xFFFFFFFF  }
0xa7: {  	s28 =	simm.s32 $_size_execute0_lowered;
	s3 =	sadd.s32 s3, s5;
	[dreg:$0x0] =	wrdreg $0x0  }
0xa8: {  	s5 =	sshll.u32 s28, $0x1;
	[dreg:$0x2] =	wrdreg s3  }
0xa9: {  	[dreg:$0x3] =	wrdreg s5  }
0xaa: {  	[dreg:$0x4] =	wrdreg $0xC0  }
0xab: {  	_ =	task [dreg:s7], $0x5FFFF  }
0xac: {  	[dreg:$0x1] =	wrdreg $0xFFFFFFFF  }
0xad: {  	[dreg:$0x0] =	wrdreg $0x60  }
0xae: {  	[dreg:$0x2] =	wrdreg s24  }
0xaf: {  	[dreg:$0x3] =	wrdreg s2  }
0xb0: {  	[dreg:$0x4] =	wrdreg $0x9  }
0xb1: {  	_ =	task.clear_ibuf [dreg:s7], $0x5FFFF;
	_ =	strace $0x90000046  }
0xb2: {  	s29 =	simm.s32 $0x9;
	_ =	strace $0x80000048  }
0xb3: {  	_ =	swait.ge [sflag:s29], $0x1  }
0xb4: {  	[sflag:s29] =	ssyncadd.s32 $0xFFFFFFFF  }
0xb5: {  	_ =	strace $0x90000048  }
0xb6: {  	_ =	sfence  }
0xb7: {  	s30 =	sld [smem:$0x0];
	_ =	sdelay $0x2  }
0xb8: {  	s31 =	sshll.u32 s1, $0xD;
	s1 =	sshrl.u32 s1, $0x2  }
0xb9: {  	s3 =	sand.u32 $0x4000, s31;
	s1 =	sadd.s32 s1, s30  }
0xba: {  	s0 =	sor.u32 s3, s0;
	s1 =	sshll.u32 s1, $0x11  }
0xbb: {  	s0 =	sor.u32 s1, s0  }
0xbc: {  	s0 =	sadd.s32 $0x8F2B, s0  }
0xbd: {  	[sflag:s0] =	ssyncadd.remote.s32 $0x1  }
0xbe: {  	_ =	sfence.sel $0xFFFF  }
0xbf: {  	[dreg:$0x0] =	wrdreg $0xFFFFFFFF;
	(pc) =	sbr.abs _section_cstart, $3  }
0xc0: {  	[dreg:$0x1] =	wrdreg $0xFFFFFFFF  }
0xc1: {  	_ =	task.clear_ibuf [dreg:s7], $0x2FFFF;
	_ =	strace $0x9FFFFFFF  }
0xc2: {  	(tm) =	ssettm $0x7FFFFFFF  }
0xc3: {  	_ =	shalt  }
tec
execute0_lowered:
.L_overlay_start_1:
0x0: {  	(tag) =	ssettag $0x1  }
0x1: {  	s8 =	rddreg [dreg:$0x0]  }
0x2: {  	s2 =	rddreg [dreg:$0x1]  }
0x3: {  	s0 =	rddreg [dreg:$0x2]  }
0x4: {  	s3 =	simm.s32 $0x0;
	s4 =	srdreg.scid;
	s1 =	stileid.u32  }
0x5: {  	s14 =	simm.s32 $0xFA0;
	s15 =	simm.s32 $0x2FA0;
	s16 =	simm.s32 $0x1FA0  }
0x6: {  	s17 =	simm.s32 $0x3FA0;
	s18 =	simm.s32 $0x6340;
	s19 =	simm.s32 $0x4FA0  }
0x7: {  	s20 =	simm.s32 $0x0;
	s7 =	sand.u32 $0x1, s4;
	s30 =	sshll.u32 s1, $0x1  }
0x8: {  	[smem:$0x7FF] =	sst s3;
	s4 =	sadd.s32 $0x1C000, s8;
	s9 =	sor.u32 s7, s30  }
0x9: {  	s5 =	sadd.s32 $0x8600, s8;
	s6 =	sadd.s32 $0x34A00, s8;
	s10 =	smul.u32 $0x274, s9  }
.Ltmp0:
0xa: {  	_ =	strace $0x80000047;
	s11 =	ssub.s32 $0x2, s7;
	(pc) =	sbr.rel .LBB2_1-.Ltmp0, $4  }
0xb: {  	s7 =	smul.u32 $0xA0000, s9;
	s12 =	sadd.s32 s9, s8;
	s31 =	sshrl.u32 s11, $0x1  }
0xc: {  	v1 =	vimm.f32 $0.0e+00;
	s13 =	smul.u32 $0xFFFFFEC7, s9;
	s11 =	ssub.s32 s11, s31;
	s9 =	sadd.s32 $0x2B4A00, s12  }
0xd: {  	v2 =	vimm.s32 $0x0;
	vm0 =	vcmask $0x300;
	v3 =	vlaneseq.u32;
	s12 =	simm.s32 $0x1;
	s10 =	sadd.s32 s10, s8;
	s8 =	sor.u32 $0x1000, s7  }
0xe: {  	v4 =	vimm.s32 $0x139;
	v5 =	vsel vm0, $0x3F800000, v1;
	s11 =	smax.u32 s11, $0x1;
	v0 =	vmov s13;
	s13 =	simm.s32 $0x7D0;
	s10 =	sadd.s32 $0x2FA00, s10  }
.LBB2_17:
0xf: {  	s20 =	sadd.s32 $0x1, s20  }
0x10: {  	p0 =	sne.s32 s20, s11  }
.Ltmp1:
0x11: {  	_ = 	snop;
	(pc) =	sbr.rel @!p0 .LBB2_18-.Ltmp1, $4  }
0x12: {  	[hbm4b:s10+s3] =	stream.linear.scatter [tilespmem:s19], [sflag:$0x1], $0x13A0, $0x38;
	[tilespmem:$0x6350] =	vst v63  }
0x13: {  	_ =	swait.ge [sflag:s12], $0x13A0  }
0x14: {  	[sflag:s12] =	ssyncset.done $0x0  }
0x15: {  	[sflag:s12] =	ssyncadd.s32 $0xFFFFEC60  }
.LBB2_1:
0x16: {  	s21 =	simm.s32 $0x40;
	s22 =	simm.s32 $0x0  }
.LBB2_2:
0x17: {  	p0 =	sne.s32 s21, $0x4E40;
	[tilespmem:s22+$0x4FA0] =	vst v1;
	s22 =	smov.u32 s21;
	s21 =	sadd.s32 $0x40, s21  }
.Ltmp2:
0x18: {  	(pc) =	sbr.rel @p0 .LBB2_2-.Ltmp2, $2  }
0x19: {  	_ =	sdelay $0x2  }
0x1a: {  	s22 =	sshra.s32 s22, $0x2  }
.Ltmp3:
0x1b: {  	(pc) =	sbr.rel .LBB2_4-.Ltmp3, $3  }
0x1c: {  	_ =	sdelay $0x1  }
0x1d: {  	s23 =	simm.s32 $0x0  }
0x1e: {  	[tilespmem:s22+$0x4FA0] =	vst v1;
	s21 =	simm.s32 $0x0;
	s22 =	simm.s32 $0x0;
	s24 =	simm.s32 $0x0  }
.LBB2_10:
0x1f: {  	s24 =	sadd.s32 $0x1, s24  }
0x20: {  	p0 =	sne.s32 s24, $0x140  }
.Ltmp4:
0x21: {  	_ = 	snop;
	(pc) =	sbr.rel @!p0 .LBB2_11-.Ltmp4, $1  }
0x22: {  	_ =	sdelay $0x3  }
.LBB2_4:
0x23: {  	s25 =	smul.u32 $0xFA, s24;
	_ =	sdelay $0x1  }
0x24: {  	s26 =	sadd.s32 s4, s25  }
0x25: {  	[tilespmem:s23], [sflag:$0x1] =	stream.linear.gather [hbm4b:s26+s23], $0x7D0, $0x38;
	[tilespmem:$0x6350] =	vst v63  }
0x26: {  	_ =	swait.ge [sflag:s12], $0x7D0  }
0x27: {  	[sflag:s12] =	ssyncset.done $0x0  }
0x28: {  	s25 =	sadd.s32 s5, s25;
	[sflag:s12] =	ssyncadd.s32 $0xFFFFF830  }
0x29: {  	[tilespmem:s13], [sflag:$0x1] =	stream.linear.gather [hbm4b:s25+s23], $0x7D0, $0x38;
	[tilespmem:$0x6350] =	vst v63  }
0x2a: {  	_ =	swait.ge [sflag:s12], $0x7D0  }
0x2b: {  	[sflag:s12] =	ssyncset.done $0x0  }
0x2c: {  	s31 =	simm.s32 $0x0;
	[sflag:s12] =	ssyncadd.s32 $0xFFFFF830  }
0x2d: {  	v6 =	vld [tilespmem:s31+$0x7D0];
	_ =	sdelay $0x4  }
0x2e: {  	v6 =	vadd.s32 v0, v6  }
0x2f: {  	vm0 =	vlt.u32 v6, $0x139  }
0x30: {  	v7 =	vsel vm0, $0x1, v2  }
0x31: {  	(xrf0) =	vadd.scan.msk.s32 $0xffff, v7;
	_ =	sdelay $0x2  }
0x32: {  	v7 =	vld [tilespmem:s31+$0x0];
	_ =	sdelay $0x2  }
0x33: {  	v8, _, _ =	vpop (xrf0)  }
0x34: {  	[tilespmem:s22+$0x2FA0] =	vst.msk vm0, v6;
	(v2sf) =	vpush v8, $0xF  }
0x35: {  	s26 =	simm.s32 $0x10;
	s25 =	simm.s32 $0x80;
	[tilespmem:s22+$0xFA0] =	vst.msk vm0, v7  }
.LBB2_5:
0x36: {  	p0 =	sne.s32 s25, $0x1F00;
	v6 =	vld [tilespmem:s26+$0x7D0];
	_ =	sdelay $0x4  }
0x37: {  	v6 =	vadd.s32 v0, v6  }
0x38: {  	vm0 =	vlt.u32 v6, $0x139  }
0x39: {  	v7 =	vsel vm0, $0x1, v2  }
0x3a: {  	(xrf0) =	vadd.scan.msk.s32 $0xffff, v7;
	_ =	sdelay $0x2  }
0x3b: {  	v7 =	vld [tilespmem:s26+$0x0]  }
.Ltmp5:
0x3c: {  	(pc) =	sbr.rel @p0 .LBB2_5-.Ltmp5, $4  }
0x3d: {  	s26 =	spop (v2sf)  }
0x3e: {  	v8, _, _ =	vpop (xrf0);
	s22 =	sadd.s32 s22, s26  }
0x3f: {  	[tilespmem:s22+$0x2FA0] =	vst.msk vm0, v6;
	(v2sf) =	vpush v8, $0xF  }
0x40: {  	s26 =	sshra.s32 s25, $0x2;
	s25 =	sadd.s32 $0x40, s25;
	[tilespmem:s22+$0xFA0] =	vst.msk vm0, v7  }
0x41: {  	v6 =	vld [tilespmem:s26+$0x7D0];
	_ =	sdelay $0x4  }
0x42: {  	v6 =	vadd.s32 v0, v6  }
0x43: {  	vm0 =	vlt.u32 v6, $0x139  }
0x44: {  	v7 =	vsel vm0, $0x1, v2  }
0x45: {  	(xrf0) =	vadd.scan.msk.s32 $0xffff, v7;
	_ =	sdelay $0x5  }
0x46: {  	v7, _, _ =	vpop (xrf0)  }
0x47: {  	(v2sf) =	vpush v7, $0xF;
	_ =	sdelay $0xd  }
0x48: {  	s25 =	spop (v2sf)  }
0x49: {  	s25 =	sadd.s32 s22, s25;
	s31 =	spop (v2sf)  }
0x4a: {  	s22 =	sadd.s32 s25, s31  }
0x4b: {  	v7 =	vld [tilespmem:s26+$0x0];
	p0 =	slt.s32 s22, $0x1000  }
.Ltmp6:
0x4c: {  	_ = 	snop;
	(pc) =	sbr.rel @p0 .LBB2_10-.Ltmp6, $3  }
0x4d: {  	_ =	sdelay $0x1  }
0x4e: {  	[tilespmem:s25+$0x2FA0] =	vst.msk vm0, v6  }
0x4f: {  	[tilespmem:s25+$0xFA0] =	vst.msk vm0, v7  }
0x50: {  	s25 =	sadd.s32 s7, s21  }
0x51: {  	s25 =	sshrl.u32 s25, $0x3  }
0x52: {  	s28 =	simm.s32 $0x0;
	s26 =	sadd.s32 s2, s25  }
0x53: {  	[hbm4b:s26+s28] =	stream.linear.scatter [tilespmem:s14], [sflag:$0x1], $0x1000, $0x38;
	[tilespmem:$0x6350] =	vst v63  }
0x54: {  	_ =	swait.ge [sflag:s12], $0x1000  }
0x55: {  	[sflag:s12] =	ssyncset.done $0x0  }
0x56: {  	s25 =	sadd.s32 s6, s25;
	[sflag:s12] =	ssyncadd.s32 $0xFFFFF000  }
0x57: {  	[hbm4b:s25+s28] =	stream.linear.scatter [tilespmem:s15], [sflag:$0x1], $0x1000, $0x38;
	[tilespmem:$0x6350] =	vst v63  }
0x58: {  	_ =	swait.ge [sflag:s12], $0x1000  }
0x59: {  	[sflag:s12] =	ssyncset.done $0x0  }
0x5a: {  	s25 =	simm.s32 $0x0;
	[sflag:s12] =	ssyncadd.s32 $0xFFFFF000  }
0x5b: {  	v6 =	vld [tilespmem:s25+$0x3FA0]  }
0x5c: {  	s26 =	simm.s32 $0x40;
	v7 =	vld [tilespmem:s25+$0x1FA0]  }
.LBB2_8:
0x5d: {  	p0 =	sne.s32 s26, $0x1F80  }
.Ltmp7:
0x5e: {  	_ = 	snop;
	(pc) =	sbr.rel @p0 .LBB2_8-.Ltmp7, $4  }
0x5f: {  	_ = 	snop  }
0x60: {  	s28 =	sshra.s32 s26, $0x2;
	s26 =	sadd.s32 $0x40, s26;
	[tilespmem:s25+$0x2FA0] =	vst v6  }
0x61: {  	v6 =	vld [tilespmem:s28+$0x3FA0];
	[tilespmem:s25+$0xFA0] =	vst v7;
	s25 =	smov.u32 s28  }
0x62: {  	v7 =	vld [tilespmem:s25+$0x1FA0]  }
.Ltmp8:
0x63: {  	_ = 	snop;
	(pc) =	sbr.rel .LBB2_10-.Ltmp8, $3  }
0x64: {  	_ =	sdelay $0x1  }
0x65: {  	[tilespmem:s25+$0x2FA0] =	vst v6  }
0x66: {  	s22 =	sadd.s32 $0xFFFFF000, s22;
	s21 =	sadd.s32 $0x1000, s21;
	[tilespmem:s25+$0xFA0] =	vst v7  }
.LBB2_11:
0x67: {  	s23 =	sadd.s32 $0x0, s22  }
0x68: {  	v6 =	vadd.s32 s23, v3;
	s23 =	simm.s32 $0x10  }
.LBB2_12:
0x69: {  	p0 =	sne.s32 s23, $0x90  }
.Ltmp9:
0x6a: {  	_ = 	snop;
	(pc) =	sbr.rel @p0 .LBB2_12-.Ltmp9, $3  }
0x6b: {  	_ =	sdelay $0x1  }
0x6c: {  	s24 =	sadd.s32 s23, s22;
	[tilespmem:v6+s15+$0x0] =	vst.idx.msk $0xffff, v4  }
0x6d: {  	s23 =	sadd.s32 $0x10, s23;
	[tilespmem:v6+s14+$0x0] =	vst.idx.msk $0xffff, v2;
	v6 =	vadd.s32 s24, v3  }
0x6e: {  	_ =	sdelay $0x2  }
0x6f: {  	s23 =	sadd.s32 s7, s21  }
0x70: {  	[tilespmem:v6+s15+$0x0] =	vst.idx.msk $0xffff, v4;
	s24 =	sshrl.u32 s23, $0x3  }
0x71: {  	[tilespmem:v6+s14+$0x0] =	vst.idx.msk $0xffff, v2;
	s23 =	simm.s32 $0x0;
	s25 =	sadd.s32 s2, s24  }
0x72: {  	[hbm4b:s25+s23] =	stream.linear.scatter [tilespmem:s14], [sflag:$0x1], $0x1000, $0x38;
	[tilespmem:$0x6350] =	vst v63  }
0x73: {  	_ =	swait.ge [sflag:s12], $0x1000  }
0x74: {  	s28 =	sadd.s32 s22, s21;
	s24 =	sadd.s32 s6, s24;
	[sflag:s12] =	ssyncset.done $0x0  }
0x75: {  	s25 =	sadd.s32 s8, s21;
	s21 =	sadd.s32 $0x7F, s28;
	[sflag:s12] =	ssyncadd.s32 $0xFFFFF000  }
0x76: {  	[hbm4b:s24+s23] =	stream.linear.scatter [tilespmem:s15], [sflag:$0x1], $0x1000, $0x38;
	[tilespmem:$0x6350] =	vst v63  }
0x77: {  	s22 =	simm.s32 $0x1;
	s29 =	sand.u32 $0x7F, s21;
	_ =	swait.ge [sflag:s12], $0x1000  }
0x78: {  	s30 =	sshra.s32 s21, $0x1F;
	s24 =	sshrl.u32 s25, $0x3;
	[sflag:s12] =	ssyncset.done $0x0  }
0x79: {  	p0 =	slt.s32 s21, $0x1;
	s26 =	sadd.s32 s2, s24;
	[sflag:s12] =	ssyncadd.s32 $0xFFFFF000  }
0x7a: {  	[hbm4b:s26+s23] =	stream.linear.scatter [tilespmem:s16], [sflag:$0x1], $0x1000, $0x38;
	[tilespmem:$0x6350] =	vst v63  }
0x7b: {  	p1 =	sne.s32 s29, $0x0;
	s31 =	sshrl.u32 s30, $0x19;
	_ =	swait.ge [sflag:s12], $0x1000  }
0x7c: {  	p0 =	por !p0, !p1;
	s21 =	sadd.s32 s31, s21;
	[sflag:s12] =	ssyncset.done $0x0  }
0x7d: {  	p0 =	por !p0, !p0;
	s24 =	sadd.s32 s6, s24;
	[sflag:s12] =	ssyncadd.s32 $0xFFFFF000  }
0x7e: {  	[hbm4b:s24+s23] =	stream.linear.scatter [tilespmem:s17], [sflag:$0x1], $0x1000, $0x38;
	[tilespmem:$0x6350] =	vst v63  }
0x7f: {  	s21 =	sshra.s32 s21, $0x7;
	s22 =	simm.s32 @!p0 $0x0;
	_ =	swait.ge [sflag:s12], $0x1000  }
0x80: {  	s21 =	ssub.s32 s21, s22;
	[sflag:s12] =	ssyncset.done $0x0  }
0x81: {  	v6 =	vmov s28;
	p0 =	slt.s32 s21, $0x1;
	[sflag:s12] =	ssyncadd.s32 $0xFFFFF000  }
.Ltmp10:
0x82: {  	[tilespmem:$0x6340] =	vst v6;
	(pc) =	sbr.rel @p0 .LBB2_17-.Ltmp10, $4  }
0x83: {  	[hbm4b:s9+s23] =	stream.linear.scatter [tilespmem:s18], [sflag:$0x1], $0x8, $0x38;
	[tilespmem:$0x6350] =	vst v63  }
0x84: {  	_ =	swait.ge [sflag:s12], $0x8  }
0x85: {  	[sflag:s12] =	ssyncset.done $0x0  }
0x86: {  	s22 =	simm.s32 $0x0;
	[sflag:s12] =	ssyncadd.s32 $0xFFFFFFF8  }
.LBB2_14:
0x87: {  	s24 =	sshll.u32 s22, $0x7  }
0x88: {  	s24 =	sadd.s32 s7, s24  }
0x89: {  	s24 =	sshrl.u32 s24, $0x3  }
0x8a: {  	s24 =	sadd.s32 s6, s24  }
0x8b: {  	[tilespmem:s23], [sflag:$0x1] =	stream.linear.gather [hbm4b:s24+s23], $0x80, $0x38;
	[tilespmem:$0x6350] =	vst v63  }
0x8c: {  	_ =	swait.ge [sflag:s12], $0x80  }
0x8d: {  	[sflag:s12] =	ssyncset.done $0x0  }
0x8e: {  	s25 =	simm.s32 $0x0;
	s24 =	simm.s32 $0x4;
	[sflag:s12] =	ssyncadd.s32 $0xFFFFFF80  }
.LBB2_15:
0x8f: {  	p0 =	sne.s32 s24, $0x1FC;
	v6 =	vld [tilespmem:s25+$0x0];
	_ =	sdelay $0x4  }
0x90: {  	(v2sf) =	vpush v6, $0x0;
	_ =	sdelay $0xe  }
0x91: {  	s25 =	spop (v2sf)  }
0x92: {  	s25 =	sshll.u32 s25, $0x6  }
0x93: {  	s26 =	sshra.s32 s25, $0x2  }
0x94: {  	v6 =	vld [tilespmem:s26+$0x4FA0];
	_ =	sdelay $0x2  }
.Ltmp11:
0x95: {  	(pc) =	sbr.rel @p0 .LBB2_15-.Ltmp11, $3  }
0x96: {  	_ = 	snop  }
0x97: {  	v6 =	vadd.f32 v5, v6;
	_ =	sdelay $0x1  }
0x98: {  	s25 =	sshra.s32 s24, $0x2;
	s24 =	sadd.s32 $0x4, s24;
	[tilespmem:s26+$0x4FA0] =	vst v6  }
0x99: {  	v6 =	vld [tilespmem:s25+$0x0];
	_ =	sdelay $0x4  }
0x9a: {  	(v2sf) =	vpush v6, $0x0;
	_ =	sdelay $0xe  }
0x9b: {  	s24 =	spop (v2sf)  }
0x9c: {  	s24 =	sshll.u32 s24, $0x6  }
0x9d: {  	s24 =	sshra.s32 s24, $0x2  }
0x9e: {  	v6 =	vld [tilespmem:s24+$0x4FA0]  }
0x9f: {  	s22 =	sadd.s32 $0x1, s22  }
0xa0: {  	p0 =	sne.s32 s22, s21  }
.Ltmp12:
0xa1: {  	_ = 	snop;
	(pc) =	sbr.rel @p0 .LBB2_14-.Ltmp12, $4  }
.Ltmp13:
0xa2: {  	_ = 	snop;
	(pc) =	sbr.rel @!p0 .LBB2_17-.Ltmp13, $4  }
0xa3: {  	v6 =	vadd.f32 v5, v6  }
0xa4: {  	_ = 	snop  }
0xa5: {  	[tilespmem:s24+$0x4FA0] =	vst v6  }
0xa6: {  	_ = 	snop  }
.LBB2_18:
0xa7: {  	_ =	sfence.sel $0x180000  }
0xa8: {  	[bflag:$0x0] =	sbarrier.arrive $0xFFFF  }
0xa9: {  	p0 =	sne.s32 s1, $0x0;
	_ =	strace $0x90000047  }
0xaa: {  	s0 =	sadd.s32 @!p0 $0x100000, s0;
	[bflag:$0x2] =	sbarrier.arrive $0xFFFF  }
0xab: {  	[sflag:s0] =	ssyncadd.tile.s32 @!p0 $0x1;
	_ =	shalt  }
.Lfunc_end2:
_tile_overlayer_lowered:
.L_overlay_start_2:
0xac: {  	(tag) =	ssettag $0x2  }
0xad: {  	s0 =	rddreg [dreg:$0x0];
	s2 =	stileid.u32  }
0xae: {  	s1 =	rddreg [dreg:$0x1];
	p0 =	sne.s32 s2, $0x0  }
0xaf: {  	s3 =	rddreg [dreg:$0x2];
	[bflag:$0x3] =	sbarrier.arrive $0xFFFF;
	s2 =	simm.s32 @!p0 $0x1C01  }
0xb0: {  	[timem:s3], [sflag:s2] =	dma.local @!p0 [hbm:s0], s1  }
0xb1: {  	s0 =	simm.s32 @!p0 $0x1  }
0xb2: {  	_ =	swait.ge @!p0 [sflag:s0], s1  }
0xb3: {  	s1 =	ssub.s32 @!p0 $0x0, s1;
	[sflag:s0] =	ssyncset.done @!p0 $0x0  }
0xb4: {  	[sflag:s0] =	ssyncadd.s32 @!p0 s1  }
0xb5: {  	[bflag:$0x3] =	sbarrier.arrive $0xFFFF  }
0xb6: {  	_ =	shalt  }

</sc_bundles>
